<compile_context>
chip_gen: v7x
topology: tpu7x:2x2x1
jax: 0.10.2.dev20260603
libtpu: 0.0.44.dev20260713+nightly
codegen_flags: <defaults>
</compile_context>

<pallas_src>
import functools

import jax
import jax.numpy as jnp
from jax import lax
from jax.experimental import pallas as pl
from jax.experimental.pallas import tpu as pltpu
from jax.experimental.pallas import tpu_sc as plsc

G = 128
K = 2
NB = 4

T_SB = 128
NBT = 4
T_TAIL = 64


def _transpose_table(table_t, V, D):
    info = plsc.get_sparse_core_info()
    NC = info.num_cores
    NW = NC * info.num_subcores
    n_full = V // T_SB
    per_w = -(-n_full // NW)
    per_w = -(-per_w // NBT) * NBT
    blk_words = T_SB * D

    mesh = plsc.VectorSubcoreMesh(core_axis_name="c", subcore_axis_name="s")

    @functools.partial(
        pl.kernel,
        mesh=mesh,
        out_type=jax.ShapeDtypeStruct((V * D,), jnp.float32),
        scratch_types=[
            [pltpu.VMEM((D, T_SB), jnp.float32)] * NBT,
            [pltpu.VMEM((blk_words,), jnp.float32)] * NBT,
            pltpu.VMEM((D, 128), jnp.float32),
            [pltpu.SemaphoreType.DMA] * NBT,
            [pltpu.SemaphoreType.DMA] * NBT,
        ],
        compiler_params=pltpu.CompilerParams(
            use_tc_tiling_on_sc=True, needs_layout_passes=False
        ),
    )
    def tr(tblt_hbm, tail_hbm, out_hbm, in_bufs, out_bufs, tail_v, isems, osems):
        w = lax.axis_index("s") * NC + lax.axis_index("c")
        iota = lax.iota(jnp.int32, 16)
        rots = [lax.rem(iota + r, 16) for r in range(16)]
        obase = [rots[r] * D + iota for r in range(16)]

        def blk(k):
            return w + NW * k

        def start_in(k, b):
            @pl.when(blk(k) < n_full)
            def _():
                pltpu.async_copy(
                    tblt_hbm.at[:, pl.ds(blk(k) * T_SB, T_SB)],
                    in_bufs[b], isems[b],
                )

        def wait_in(k, b):
            @pl.when(blk(k) < n_full)
            def _():
                pltpu.make_async_copy(
                    tblt_hbm.at[:, pl.ds(blk(k) * T_SB, T_SB)],
                    in_bufs[b], isems[b],
                ).wait()

        def start_out(k, b):
            @pl.when(blk(k) < n_full)
            def _():
                pltpu.async_copy(
                    out_bufs[b],
                    out_hbm.at[pl.ds(blk(k) * blk_words, blk_words)],
                    osems[b],
                )

        def wait_out(k, b):
            @pl.when((k >= 0) & (blk(k) < n_full))
            def _():
                pltpu.make_async_copy(
                    out_bufs[b],
                    out_hbm.at[pl.ds(blk(k) * blk_words, blk_words)],
                    osems[b],
                ).wait()

        def compute(in_ref, out_ref, width):
            def s_body(si, carry):
                s0 = si * 16
                cols = [rots[r] + s0 for r in range(16)]
                obs = [obase[r] + s0 * D for r in range(16)]

                def d_body(di, c2):
                    d0 = di * 16
                    rows = iota + d0
                    vecs = [
                        plsc.load_gather(in_ref, [rows, cols[r]])
                        for r in range(16)
                    ]
                    for r in range(16):
                        plsc.store_scatter(out_ref, [obs[r] + d0], vecs[r])
                    return c2

                lax.fori_loop(0, D // 16, d_body, 0)
                return carry

            lax.fori_loop(0, width // 16, s_body, 0)

        for b in range(NBT):
            start_in(b, b)

        def body(i, carry):
            for b in range(NBT):
                k = i * NBT + b
                wait_in(k, b)
                wait_out(k - NBT, b)
                compute(in_bufs[b], out_bufs[b], T_SB)
                start_out(k, b)
                start_in(k + NBT, b)
            return carry

        lax.fori_loop(0, per_w // NBT, body, 0)
        for b in range(NBT):
            wait_out(per_w - NBT + b, b)

        @pl.when(w == 0)
        def _():
            pltpu.sync_copy(tail_hbm, tail_v)
            compute(tail_v, out_bufs[0], 128)
            pltpu.sync_copy(
                out_bufs[0].at[pl.ds(0, 128 * D)],
                out_hbm.at[pl.ds((V - 128) * D, 128 * D)],
            )

    return tr(table_t, table_t[:, V - 128:])


def kernel(x, table):
    B0, B1 = x.shape
    V, D = table.shape
    B = B0 * B1

    info = plsc.get_sparse_core_info()
    NC = info.num_cores
    NW = NC * info.num_subcores
    groups_total = B // G
    g_per_w = groups_total // NW
    n_chunks = g_per_w // K
    assert groups_total % NW == 0 and g_per_w % K == 0 and n_chunks % NB == 0

    idx2d = x.reshape(groups_total, G).astype(jnp.int32)
    tbl_dense = _transpose_table(table.T, V, D).reshape(V, D)

    mesh = plsc.VectorSubcoreMesh(core_axis_name="c", subcore_axis_name="s")

    @functools.partial(
        pl.kernel,
        mesh=mesh,
        out_type=jax.ShapeDtypeStruct((groups_total, G, 2 * D), jnp.float32),
        scratch_types=[
            pltpu.VMEM((NB, K, G), jnp.int32),
            pltpu.VMEM((NB, K, G, D), jnp.float32),
            [pltpu.SemaphoreType.DMA] * NB,
            [pltpu.SemaphoreType.DMA] * NB,
        ],
        compiler_params=pltpu.CompilerParams(use_tc_tiling_on_sc=False),
    )
    def emb(idx_hbm, table_hbm, out_hbm, idx_v, rows_v, gsems, osems):
        wid = lax.axis_index("s") * NC + lax.axis_index("c")
        g0 = wid * g_per_w

        def fire(c, b):
            pltpu.sync_copy(idx_hbm.at[pl.ds(g0 + c * K, K)], idx_v.at[b])
            for j in range(K):
                pltpu.async_copy(
                    table_hbm.at[idx_v.at[b, j]], rows_v.at[b, j], gsems[b]
                )

        def wait_gathers(b):
            for j in range(K):
                pltpu.make_async_copy(
                    table_hbm.at[idx_v.at[b, j]], rows_v.at[b, j], gsems[b]
                ).wait()

        def put_out(c, b):
            pltpu.async_copy(
                rows_v.at[b],
                out_hbm.at[pl.ds(g0 + c * K, K), slice(None), pl.ds(0, D)],
                osems[b],
            )

        def wait_out(c, b):
            pltpu.make_async_copy(
                rows_v.at[b],
                out_hbm.at[pl.ds(g0 + c * K, K), slice(None), pl.ds(0, D)],
                osems[b],
            ).wait()

        for b in range(NB):
            fire(b, b)

        def body(cc, carry):
            for b in range(NB):
                c = cc + b
                wait_gathers(b)
                put_out(c, b)
                wait_out(c, b)
                fire(c + NB, b)
            return carry

        lax.fori_loop(0, n_chunks // NB - 1, lambda i, car: body(i * NB, car), 0)

        for b in range(NB):
            c = n_chunks - NB + b
            wait_gathers(b)
            put_out(c, b)
            wait_out(c, b)

    out = emb(idx2d, tbl_dense)
    return out.reshape(B0, B1, 2 * D)[:, :, :D]

# --- scband reference (transcript-rebuilt; emitter-appended) ---
"""Pipeline reference for scband-embedding-23742579212391 (READ-ONLY COPY).

The authoritative reference and input builder live on the scoring server;
editing this copy changes nothing except your own understanding.
"""

import jax, jax.numpy as jnp
import numpy as np

EMB_LEN = 1000000
DIM_MODEL = 64

def setup_inputs(seed: int = 0) -> dict:
    key = jax.random.key(seed)
    k1, k2 = jax.random.split(key)
    x = jax.random.randint(k1, (4096, 200), 0, EMB_LEN, dtype=jnp.int64 if jax.config.jax_enable_x64 else jnp.int32)
    # nn.Embedding default init: N(0, 1)
    table = jax.random.normal(k2, (EMB_LEN, DIM_MODEL), dtype=jnp.float32)
    return {"x": x, "table": table}

def reference(x, table):
    # Embedding lookup: gather rows of table by index
    return jnp.take(table, x, axis=0)

if __name__ == "__main__":
    import jax
    _d = setup_inputs()
    print(jax.jit(kernel)(*tuple(_d.values())))

</pallas_src>

<mosaic_0001>
#map = affine_map<(d0, d1) -> (0, 0)>
#map1 = affine_map<(d0, d1) -> (0)>
module attributes {stable_mosaic.version = 14 : i64} {
  func.func @tr(%arg0: i32, %arg1: i32, %arg2: memref<64x1000000xf32, #tpu.memory_space<hbm>>, %arg3: memref<64x128xf32, #tpu.memory_space<hbm>>, %arg4: memref<64000000xf32, #tpu.memory_space<hbm>>, %arg5: memref<64x128xf32, #tpu.memory_space<vmem>>, %arg6: memref<64x128xf32, #tpu.memory_space<vmem>>, %arg7: memref<64x128xf32, #tpu.memory_space<vmem>>, %arg8: memref<64x128xf32, #tpu.memory_space<vmem>>, %arg9: memref<8192xf32, #tpu.memory_space<vmem>>, %arg10: memref<8192xf32, #tpu.memory_space<vmem>>, %arg11: memref<8192xf32, #tpu.memory_space<vmem>>, %arg12: memref<8192xf32, #tpu.memory_space<vmem>>, %arg13: memref<64x128xf32, #tpu.memory_space<vmem>>, %arg14: memref<!tpu.dma_semaphore, #tpu.memory_space<semaphore_mem>>, %arg15: memref<!tpu.dma_semaphore, #tpu.memory_space<semaphore_mem>>, %arg16: memref<!tpu.dma_semaphore, #tpu.memory_space<semaphore_mem>>, %arg17: memref<!tpu.dma_semaphore, #tpu.memory_space<semaphore_mem>>, %arg18: memref<!tpu.dma_semaphore, #tpu.memory_space<semaphore_mem>>, %arg19: memref<!tpu.dma_semaphore, #tpu.memory_space<semaphore_mem>>, %arg20: memref<!tpu.dma_semaphore, #tpu.memory_space<semaphore_mem>>, %arg21: memref<!tpu.dma_semaphore, #tpu.memory_space<semaphore_mem>>) attributes {dimension_semantics = [#tpu.dimension_semantics<core_parallel>, #tpu.dimension_semantics<subcore_parallel>], iteration_bounds = array<i64: 2, 16>, scalar_prefetch = 0 : i64, scratch_operands = 17 : i64, tpu.core_type = #tpu.core_type<sc_vector_subcore>, window_params = [{transform_indices = #map}, {transform_indices = #map}, {transform_indices = #map1}]} {
    %mul3A = arith.constant 2 : i32
    %mul3A_0 = arith.muli %arg1, %mul3A : i32
    %add3A = arith.addi %mul3A_0, %arg0 : i32
    %iota3A = tpu.iota {dimensions = array<i32: 0>} : vector<16xi32>
    %add3A_1 = arith.constant 0 : i32
    %add3A_2 = vector.broadcast %add3A_1 : i32 to vector<16xi32>
    %add3A_3 = arith.addi %iota3A, %add3A_2 : vector<16xi32>
    %rem3A = arith.constant 16 : i32
    %rem3A_4 = vector.broadcast %rem3A : i32 to vector<16xi32>
    %rem3A_5 = arith.remsi %add3A_3, %rem3A_4 : vector<16xi32>
    %add3A_6 = arith.constant 1 : i32
    %add3A_7 = vector.broadcast %add3A_6 : i32 to vector<16xi32>
    %add3A_8 = arith.addi %iota3A, %add3A_7 : vector<16xi32>
    %rem3A_9 = arith.constant 16 : i32
    %rem3A_10 = vector.broadcast %rem3A_9 : i32 to vector<16xi32>
    %rem3A_11 = arith.remsi %add3A_8, %rem3A_10 : vector<16xi32>
    %add3A_12 = arith.constant 2 : i32
    %add3A_13 = vector.broadcast %add3A_12 : i32 to vector<16xi32>
    %add3A_14 = arith.addi %iota3A, %add3A_13 : vector<16xi32>
    %rem3A_15 = arith.constant 16 : i32
    %rem3A_16 = vector.broadcast %rem3A_15 : i32 to vector<16xi32>
    %rem3A_17 = arith.remsi %add3A_14, %rem3A_16 : vector<16xi32>
    %add3A_18 = arith.constant 3 : i32
    %add3A_19 = vector.broadcast %add3A_18 : i32 to vector<16xi32>
    %add3A_20 = arith.addi %iota3A, %add3A_19 : vector<16xi32>
    %rem3A_21 = arith.constant 16 : i32
    %rem3A_22 = vector.broadcast %rem3A_21 : i32 to vector<16xi32>
    %rem3A_23 = arith.remsi %add3A_20, %rem3A_22 : vector<16xi32>
    %add3A_24 = arith.constant 4 : i32
    %add3A_25 = vector.broadcast %add3A_24 : i32 to vector<16xi32>
    %add3A_26 = arith.addi %iota3A, %add3A_25 : vector<16xi32>
    %rem3A_27 = arith.constant 16 : i32
    %rem3A_28 = vector.broadcast %rem3A_27 : i32 to vector<16xi32>
    %rem3A_29 = arith.remsi %add3A_26, %rem3A_28 : vector<16xi32>
    %add3A_30 = arith.constant 5 : i32
    %add3A_31 = vector.broadcast %add3A_30 : i32 to vector<16xi32>
    %add3A_32 = arith.addi %iota3A, %add3A_31 : vector<16xi32>
    %rem3A_33 = arith.constant 16 : i32
    %rem3A_34 = vector.broadcast %rem3A_33 : i32 to vector<16xi32>
    %rem3A_35 = arith.remsi %add3A_32, %rem3A_34 : vector<16xi32>
    %add3A_36 = arith.constant 6 : i32
    %add3A_37 = vector.broadcast %add3A_36 : i32 to vector<16xi32>
    %add3A_38 = arith.addi %iota3A, %add3A_37 : vector<16xi32>
    %rem3A_39 = arith.constant 16 : i32
    %rem3A_40 = vector.broadcast %rem3A_39 : i32 to vector<16xi32>
    %rem3A_41 = arith.remsi %add3A_38, %rem3A_40 : vector<16xi32>
    %add3A_42 = arith.constant 7 : i32
    %add3A_43 = vector.broadcast %add3A_42 : i32 to vector<16xi32>
    %add3A_44 = arith.addi %iota3A, %add3A_43 : vector<16xi32>
    %rem3A_45 = arith.constant 16 : i32
    %rem3A_46 = vector.broadcast %rem3A_45 : i32 to vector<16xi32>
    %rem3A_47 = arith.remsi %add3A_44, %rem3A_46 : vector<16xi32>
    %add3A_48 = arith.constant 8 : i32
    %add3A_49 = vector.broadcast %add3A_48 : i32 to vector<16xi32>
    %add3A_50 = arith.addi %iota3A, %add3A_49 : vector<16xi32>
    %rem3A_51 = arith.constant 16 : i32
    %rem3A_52 = vector.broadcast %rem3A_51 : i32 to vector<16xi32>
    %rem3A_53 = arith.remsi %add3A_50, %rem3A_52 : vector<16xi32>
    %add3A_54 = arith.constant 9 : i32
    %add3A_55 = vector.broadcast %add3A_54 : i32 to vector<16xi32>
    %add3A_56 = arith.addi %iota3A, %add3A_55 : vector<16xi32>
    %rem3A_57 = arith.constant 16 : i32
    %rem3A_58 = vector.broadcast %rem3A_57 : i32 to vector<16xi32>
    %rem3A_59 = arith.remsi %add3A_56, %rem3A_58 : vector<16xi32>
    %add3A_60 = arith.constant 10 : i32
    %add3A_61 = vector.broadcast %add3A_60 : i32 to vector<16xi32>
    %add3A_62 = arith.addi %iota3A, %add3A_61 : vector<16xi32>
    %rem3A_63 = arith.constant 16 : i32
    %rem3A_64 = vector.broadcast %rem3A_63 : i32 to vector<16xi32>
    %rem3A_65 = arith.remsi %add3A_62, %rem3A_64 : vector<16xi32>
    %add3A_66 = arith.constant 11 : i32
    %add3A_67 = vector.broadcast %add3A_66 : i32 to vector<16xi32>
    %add3A_68 = arith.addi %iota3A, %add3A_67 : vector<16xi32>
    %rem3A_69 = arith.constant 16 : i32
    %rem3A_70 = vector.broadcast %rem3A_69 : i32 to vector<16xi32>
    %rem3A_71 = arith.remsi %add3A_68, %rem3A_70 : vector<16xi32>
    %add3A_72 = arith.constant 12 : i32
    %add3A_73 = vector.broadcast %add3A_72 : i32 to vector<16xi32>
    %add3A_74 = arith.addi %iota3A, %add3A_73 : vector<16xi32>
    %rem3A_75 = arith.constant 16 : i32
    %rem3A_76 = vector.broadcast %rem3A_75 : i32 to vector<16xi32>
    %rem3A_77 = arith.remsi %add3A_74, %rem3A_76 : vector<16xi32>
    %add3A_78 = arith.constant 13 : i32
    %add3A_79 = vector.broadcast %add3A_78 : i32 to vector<16xi32>
    %add3A_80 = arith.addi %iota3A, %add3A_79 : vector<16xi32>
    %rem3A_81 = arith.constant 16 : i32
    %rem3A_82 = vector.broadcast %rem3A_81 : i32 to vector<16xi32>
    %rem3A_83 = arith.remsi %add3A_80, %rem3A_82 : vector<16xi32>
    %add3A_84 = arith.constant 14 : i32
    %add3A_85 = vector.broadcast %add3A_84 : i32 to vector<16xi32>
    %add3A_86 = arith.addi %iota3A, %add3A_85 : vector<16xi32>
    %rem3A_87 = arith.constant 16 : i32
    %rem3A_88 = vector.broadcast %rem3A_87 : i32 to vector<16xi32>
    %rem3A_89 = arith.remsi %add3A_86, %rem3A_88 : vector<16xi32>
    %add3A_90 = arith.constant 15 : i32
    %add3A_91 = vector.broadcast %add3A_90 : i32 to vector<16xi32>
    %add3A_92 = arith.addi %iota3A, %add3A_91 : vector<16xi32>
    %rem3A_93 = arith.constant 16 : i32
    %rem3A_94 = vector.broadcast %rem3A_93 : i32 to vector<16xi32>
    %rem3A_95 = arith.remsi %add3A_92, %rem3A_94 : vector<16xi32>
    %mul3A_96 = arith.constant 64 : i32
    %mul3A_97 = vector.broadcast %mul3A_96 : i32 to vector<16xi32>
    %mul3A_98 = arith.muli %rem3A_5, %mul3A_97 : vector<16xi32>
    %add3A_99 = arith.addi %mul3A_98, %iota3A : vector<16xi32>
    %mul3A_100 = arith.constant 64 : i32
    %mul3A_101 = vector.broadcast %mul3A_100 : i32 to vector<16xi32>
    %mul3A_102 = arith.muli %rem3A_11, %mul3A_101 : vector<16xi32>
    %add3A_103 = arith.addi %mul3A_102, %iota3A : vector<16xi32>
    %mul3A_104 = arith.constant 64 : i32
    %mul3A_105 = vector.broadcast %mul3A_104 : i32 to vector<16xi32>
    %mul3A_106 = arith.muli %rem3A_17, %mul3A_105 : vector<16xi32>
    %add3A_107 = arith.addi %mul3A_106, %iota3A : vector<16xi32>
    %mul3A_108 = arith.constant 64 : i32
    %mul3A_109 = vector.broadcast %mul3A_108 : i32 to vector<16xi32>
    %mul3A_110 = arith.muli %rem3A_23, %mul3A_109 : vector<16xi32>
    %add3A_111 = arith.addi %mul3A_110, %iota3A : vector<16xi32>
    %mul3A_112 = arith.constant 64 : i32
    %mul3A_113 = vector.broadcast %mul3A_112 : i32 to vector<16xi32>
    %mul3A_114 = arith.muli %rem3A_29, %mul3A_113 : vector<16xi32>
    %add3A_115 = arith.addi %mul3A_114, %iota3A : vector<16xi32>
    %mul3A_116 = arith.constant 64 : i32
    %mul3A_117 = vector.broadcast %mul3A_116 : i32 to vector<16xi32>
    %mul3A_118 = arith.muli %rem3A_35, %mul3A_117 : vector<16xi32>
    %add3A_119 = arith.addi %mul3A_118, %iota3A : vector<16xi32>
    %mul3A_120 = arith.constant 64 : i32
    %mul3A_121 = vector.broadcast %mul3A_120 : i32 to vector<16xi32>
    %mul3A_122 = arith.muli %rem3A_41, %mul3A_121 : vector<16xi32>
    %add3A_123 = arith.addi %mul3A_122, %iota3A : vector<16xi32>
    %mul3A_124 = arith.constant 64 : i32
    %mul3A_125 = vector.broadcast %mul3A_124 : i32 to vector<16xi32>
    %mul3A_126 = arith.muli %rem3A_47, %mul3A_125 : vector<16xi32>
    %add3A_127 = arith.addi %mul3A_126, %iota3A : vector<16xi32>
    %mul3A_128 = arith.constant 64 : i32
    %mul3A_129 = vector.broadcast %mul3A_128 : i32 to vector<16xi32>
    %mul3A_130 = arith.muli %rem3A_53, %mul3A_129 : vector<16xi32>
    %add3A_131 = arith.addi %mul3A_130, %iota3A : vector<16xi32>
    %mul3A_132 = arith.constant 64 : i32
    %mul3A_133 = vector.broadcast %mul3A_132 : i32 to vector<16xi32>
    %mul3A_134 = arith.muli %rem3A_59, %mul3A_133 : vector<16xi32>
    %add3A_135 = arith.addi %mul3A_134, %iota3A : vector<16xi32>
    %mul3A_136 = arith.constant 64 : i32
    %mul3A_137 = vector.broadcast %mul3A_136 : i32 to vector<16xi32>
    %mul3A_138 = arith.muli %rem3A_65, %mul3A_137 : vector<16xi32>
    %add3A_139 = arith.addi %mul3A_138, %iota3A : vector<16xi32>
    %mul3A_140 = arith.constant 64 : i32
    %mul3A_141 = vector.broadcast %mul3A_140 : i32 to vector<16xi32>
    %mul3A_142 = arith.muli %rem3A_71, %mul3A_141 : vector<16xi32>
    %add3A_143 = arith.addi %mul3A_142, %iota3A : vector<16xi32>
    %mul3A_144 = arith.constant 64 : i32
    %mul3A_145 = vector.broadcast %mul3A_144 : i32 to vector<16xi32>
    %mul3A_146 = arith.muli %rem3A_77, %mul3A_145 : vector<16xi32>
    %add3A_147 = arith.addi %mul3A_146, %iota3A : vector<16xi32>
    %mul3A_148 = arith.constant 64 : i32
    %mul3A_149 = vector.broadcast %mul3A_148 : i32 to vector<16xi32>
    %mul3A_150 = arith.muli %rem3A_83, %mul3A_149 : vector<16xi32>
    %add3A_151 = arith.addi %mul3A_150, %iota3A : vector<16xi32>
    %mul3A_152 = arith.constant 64 : i32
    %mul3A_153 = vector.broadcast %mul3A_152 : i32 to vector<16xi32>
    %mul3A_154 = arith.muli %rem3A_89, %mul3A_153 : vector<16xi32>
    %add3A_155 = arith.addi %mul3A_154, %iota3A : vector<16xi32>
    %mul3A_156 = arith.constant 64 : i32
    %mul3A_157 = vector.broadcast %mul3A_156 : i32 to vector<16xi32>
    %mul3A_158 = arith.muli %rem3A_95, %mul3A_157 : vector<16xi32>
    %add3A_159 = arith.addi %mul3A_158, %iota3A : vector<16xi32>
    %add3A_160 = arith.constant 0 : i32
    %add3A_161 = arith.addi %add3A, %add3A_160 : i32
    %lt3A = arith.constant 7812 : i32
    %lt3A_162 = arith.cmpi slt, %add3A_161, %lt3A : i32
    %convert_element_type3A = arith.extui %lt3A_162 : i1 to i32
    %cond3A = arith.constant 0 : i32
    %cond3A_163 = arith.cmpi ne, %convert_element_type3A, %cond3A : i32
    scf.if %cond3A_163 {
      %add3A_229 = arith.constant 0 : i32
      %add3A_230 = arith.addi %add3A, %add3A_229 : i32
      %mul3A_231 = arith.constant 128 : i32
      %mul3A_232 = arith.muli %add3A_230, %mul3A_231 : i32
      %dma_start3A = arith.constant 0 : i32
      %dma_start3A_233 = tpu.memref_slice %arg2[%dma_start3A, %mul3A_232] : memref<64x1000000xf32, #tpu.memory_space<hbm>> -> memref<64x128xf32, #tpu.memory_space<hbm>>
      %dma_start3A_234 = arith.constant 0 : i32
      %dma_start3A_235 = tpu.memref_slice %arg2[%dma_start3A_234, %mul3A_232] : memref<64x1000000xf32, #tpu.memory_space<hbm>> -> memref<64x128xf32, #tpu.memory_space<hbm>>
      tpu.enqueue_dma source(%dma_start3A_235 : memref<64x128xf32, #tpu.memory_space<hbm>>) target(%arg5 : memref<64x128xf32, #tpu.memory_space<vmem>>) target_semaphore(%arg14 : memref<!tpu.dma_semaphore, #tpu.memory_space<semaphore_mem>>)
    } else {
    }
    %add3A_164 = arith.constant 32 : i32
    %add3A_165 = arith.addi %add3A, %add3A_164 : i32
    %lt3A_166 = arith.constant 7812 : i32
    %lt3A_167 = arith.cmpi slt, %add3A_165, %lt3A_166 : i32
    %convert_element_type3A_168 = arith.extui %lt3A_167 : i1 to i32
    %cond3A_169 = arith.constant 0 : i32
    %cond3A_170 = arith.cmpi ne, %convert_element_type3A_168, %cond3A_169 : i32
    scf.if %cond3A_170 {
      %add3A_229 = arith.constant 32 : i32
      %add3A_230 = arith.addi %add3A, %add3A_229 : i32
      %mul3A_231 = arith.constant 128 : i32
      %mul3A_232 = arith.muli %add3A_230, %mul3A_231 : i32
      %dma_start3A = arith.constant 0 : i32
      %dma_start3A_233 = tpu.memref_slice %arg2[%dma_start3A, %mul3A_232] : memref<64x1000000xf32, #tpu.memory_space<hbm>> -> memref<64x128xf32, #tpu.memory_space<hbm>>
      %dma_start3A_234 = arith.constant 0 : i32
      %dma_start3A_235 = tpu.memref_slice %arg2[%dma_start3A_234, %mul3A_232] : memref<64x1000000xf32, #tpu.memory_space<hbm>> -> memref<64x128xf32, #tpu.memory_space<hbm>>
      tpu.enqueue_dma source(%dma_start3A_235 : memref<64x128xf32, #tpu.memory_space<hbm>>) target(%arg6 : memref<64x128xf32, #tpu.memory_space<vmem>>) target_semaphore(%arg15 : memref<!tpu.dma_semaphore, #tpu.memory_space<semaphore_mem>>)
    } else {
    }
    %add3A_171 = arith.constant 64 : i32
    %add3A_172 = arith.addi %add3A, %add3A_171 : i32
    %lt3A_173 = arith.constant 7812 : i32
    %lt3A_174 = arith.cmpi slt, %add3A_172, %lt3A_173 : i32
    %convert_element_type3A_175 = arith.extui %lt3A_174 : i1 to i32
    %cond3A_176 = arith.constant 0 : i32
    %cond3A_177 = arith.cmpi ne, %convert_element_type3A_175, %cond3A_176 : i32
    scf.if %cond3A_177 {
      %add3A_229 = arith.constant 64 : i32
      %add3A_230 = arith.addi %add3A, %add3A_229 : i32
      %mul3A_231 = arith.constant 128 : i32
      %mul3A_232 = arith.muli %add3A_230, %mul3A_231 : i32
      %dma_start3A = arith.constant 0 : i32
      %dma_start3A_233 = tpu.memref_slice %arg2[%dma_start3A, %mul3A_232] : memref<64x1000000xf32, #tpu.memory_space<hbm>> -> memref<64x128xf32, #tpu.memory_space<hbm>>
      %dma_start3A_234 = arith.constant 0 : i32
      %dma_start3A_235 = tpu.memref_slice %arg2[%dma_start3A_234, %mul3A_232] : memref<64x1000000xf32, #tpu.memory_space<hbm>> -> memref<64x128xf32, #tpu.memory_space<hbm>>
      tpu.enqueue_dma source(%dma_start3A_235 : memref<64x128xf32, #tpu.memory_space<hbm>>) target(%arg7 : memref<64x128xf32, #tpu.memory_space<vmem>>) target_semaphore(%arg16 : memref<!tpu.dma_semaphore, #tpu.memory_space<semaphore_mem>>)
    } else {
    }
    %add3A_178 = arith.constant 96 : i32
    %add3A_179 = arith.addi %add3A, %add3A_178 : i32
    %lt3A_180 = arith.constant 7812 : i32
    %lt3A_181 = arith.cmpi slt, %add3A_179, %lt3A_180 : i32
    %convert_element_type3A_182 = arith.extui %lt3A_181 : i1 to i32
    %cond3A_183 = arith.constant 0 : i32
    %cond3A_184 = arith.cmpi ne, %convert_element_type3A_182, %cond3A_183 : i32
    scf.if %cond3A_184 {
      %add3A_229 = arith.constant 96 : i32
      %add3A_230 = arith.addi %add3A, %add3A_229 : i32
      %mul3A_231 = arith.constant 128 : i32
      %mul3A_232 = arith.muli %add3A_230, %mul3A_231 : i32
      %dma_start3A = arith.constant 0 : i32
      %dma_start3A_233 = tpu.memref_slice %arg2[%dma_start3A, %mul3A_232] : memref<64x1000000xf32, #tpu.memory_space<hbm>> -> memref<64x128xf32, #tpu.memory_space<hbm>>
      %dma_start3A_234 = arith.constant 0 : i32
      %dma_start3A_235 = tpu.memref_slice %arg2[%dma_start3A_234, %mul3A_232] : memref<64x1000000xf32, #tpu.memory_space<hbm>> -> memref<64x128xf32, #tpu.memory_space<hbm>>
      tpu.enqueue_dma source(%dma_start3A_235 : memref<64x128xf32, #tpu.memory_space<hbm>>) target(%arg8 : memref<64x128xf32, #tpu.memory_space<vmem>>) target_semaphore(%arg17 : memref<!tpu.dma_semaphore, #tpu.memory_space<semaphore_mem>>)
    } else {
    }
    %scan3A = arith.constant 0 : i32
    %scan3A_185 = arith.constant 0 : i32
    %scan3A_186 = arith.constant 62 : i32
    %scan3A_187 = arith.addi %scan3A_185, %scan3A_186 : i32
    %scan3A_188 = arith.constant 1 : i32
    scf.for %scan3A_229 = %scan3A_185 to %scan3A_187 step %scan3A_188  : i32 {
      %mul3A_230 = arith.constant 4 : i32
      %mul3A_231 = arith.muli %scan3A_229, %mul3A_230 : i32
      %add3A_232 = arith.constant 0 : i32
      %add3A_233 = arith.addi %mul3A_231, %add3A_232 : i32
      %mul3A_234 = arith.constant 32 : i32
      %mul3A_235 = arith.muli %mul3A_234, %add3A_233 : i32
      %add3A_236 = arith.addi %add3A, %mul3A_235 : i32
      %lt3A_237 = arith.constant 7812 : i32
      %lt3A_238 = arith.cmpi slt, %add3A_236, %lt3A_237 : i32
      %convert_element_type3A_239 = arith.extui %lt3A_238 : i1 to i32
      %cond3A_240 = arith.constant 0 : i32
      %cond3A_241 = arith.cmpi ne, %convert_element_type3A_239, %cond3A_240 : i32
      scf.if %cond3A_241 {
        %mul3A_424 = arith.constant 32 : i32
        %mul3A_425 = arith.muli %mul3A_424, %add3A_233 : i32
        %add3A_426 = arith.addi %add3A, %mul3A_425 : i32
        %mul3A_427 = arith.constant 128 : i32
        %mul3A_428 = arith.muli %add3A_426, %mul3A_427 : i32
        %dma_wait3A = arith.constant 0 : i32
        %dma_wait3A_429 = tpu.memref_slice %arg2[%dma_wait3A, %mul3A_428] : memref<64x1000000xf32, #tpu.memory_space<hbm>> -> memref<64x128xf32, #tpu.memory_space<hbm>>
        %dma_wait3A_430 = arith.constant 0 : i32
        %dma_wait3A_431 = tpu.memref_slice %arg2[%dma_wait3A_430, %mul3A_428] : memref<64x1000000xf32, #tpu.memory_space<hbm>> -> memref<64x128xf32, #tpu.memory_space<hbm>>
        tpu.wait_dma2 semaphore(%arg14 : memref<!tpu.dma_semaphore, #tpu.memory_space<semaphore_mem>>) src(%dma_wait3A_431 : memref<64x128xf32, #tpu.memory_space<hbm>>) dst(%arg5 : memref<64x128xf32, #tpu.memory_space<vmem>>)
      } else {
      }
      %sub3A = arith.constant 4 : i32
      %sub3A_242 = arith.subi %add3A_233, %sub3A : i32
      %ge3A = arith.constant 0 : i32
      %ge3A_243 = arith.cmpi sge, %sub3A_242, %ge3A : i32
      %mul3A_244 = arith.constant 32 : i32
      %mul3A_245 = arith.muli %mul3A_244, %sub3A_242 : i32
      %add3A_246 = arith.addi %add3A, %mul3A_245 : i32
      %lt3A_247 = arith.constant 7812 : i32
      %lt3A_248 = arith.cmpi slt, %add3A_246, %lt3A_247 : i32
      %and3A_249 = arith.andi %ge3A_243, %lt3A_248 : i1
      %convert_element_type3A_250 = arith.extui %and3A_249 : i1 to i32
      %cond3A_251 = arith.constant 0 : i32
      %cond3A_252 = arith.cmpi ne, %convert_element_type3A_250, %cond3A_251 : i32
      scf.if %cond3A_252 {
        %mul3A_424 = arith.constant 32 : i32
        %mul3A_425 = arith.muli %mul3A_424, %sub3A_242 : i32
        %add3A_426 = arith.addi %add3A, %mul3A_425 : i32
        %mul3A_427 = arith.constant 8192 : i32
        %mul3A_428 = arith.muli %add3A_426, %mul3A_427 : i32
        %dma_wait3A = tpu.memref_slice %arg4[%mul3A_428] : memref<64000000xf32, #tpu.memory_space<hbm>> -> memref<8192xf32, #tpu.memory_space<hbm>>
        %dma_wait3A_429 = tpu.memref_slice %arg4[%mul3A_428] : memref<64000000xf32, #tpu.memory_space<hbm>> -> memref<8192xf32, #tpu.memory_space<hbm>>
        tpu.wait_dma2 semaphore(%arg18 : memref<!tpu.dma_semaphore, #tpu.memory_space<semaphore_mem>>) src(%arg9 : memref<8192xf32, #tpu.memory_space<vmem>>) dst(%dma_wait3A_429 : memref<8192xf32, #tpu.memory_space<hbm>>)
      } else {
      }
      %scan3A_253 = arith.constant 0 : i32
      %scan3A_254 = arith.constant 0 : i32
      %scan3A_255 = arith.constant 8 : i32
      %scan3A_256 = arith.addi %scan3A_254, %scan3A_255 : i32
      %scan3A_257 = arith.constant 1 : i32
      scf.for %scan3A_424 = %scan3A_254 to %scan3A_256 step %scan3A_257  : i32 {
        %mul3A_425 = arith.constant 16 : i32
        %mul3A_426 = arith.muli %scan3A_424, %mul3A_425 : i32
        %add3A_427 = vector.broadcast %mul3A_426 : i32 to vector<16xi32>
        %add3A_428 = arith.addi %rem3A_5, %add3A_427 : vector<16xi32>
        %add3A_429 = vector.broadcast %mul3A_426 : i32 to vector<16xi32>
        %add3A_430 = arith.addi %rem3A_11, %add3A_429 : vector<16xi32>
        %add3A_431 = vector.broadcast %mul3A_426 : i32 to vector<16xi32>
        %add3A_432 = arith.addi %rem3A_17, %add3A_431 : vector<16xi32>
        %add3A_433 = vector.broadcast %mul3A_426 : i32 to vector<16xi32>
        %add3A_434 = arith.addi %rem3A_23, %add3A_433 : vector<16xi32>
        %add3A_435 = vector.broadcast %mul3A_426 : i32 to vector<16xi32>
        %add3A_436 = arith.addi %rem3A_29, %add3A_435 : vector<16xi32>
        %add3A_437 = vector.broadcast %mul3A_426 : i32 to vector<16xi32>
        %add3A_438 = arith.addi %rem3A_35, %add3A_437 : vector<16xi32>
        %add3A_439 = vector.broadcast %mul3A_426 : i32 to vector<16xi32>
        %add3A_440 = arith.addi %rem3A_41, %add3A_439 : vector<16xi32>
        %add3A_441 = vector.broadcast %mul3A_426 : i32 to vector<16xi32>
        %add3A_442 = arith.addi %rem3A_47, %add3A_441 : vector<16xi32>
        %add3A_443 = vector.broadcast %mul3A_426 : i32 to vector<16xi32>
        %add3A_444 = arith.addi %rem3A_53, %add3A_443 : vector<16xi32>
        %add3A_445 = vector.broadcast %mul3A_426 : i32 to vector<16xi32>
        %add3A_446 = arith.addi %rem3A_59, %add3A_445 : vector<16xi32>
        %add3A_447 = vector.broadcast %mul3A_426 : i32 to vector<16xi32>
        %add3A_448 = arith.addi %rem3A_65, %add3A_447 : vector<16xi32>
        %add3A_449 = vector.broadcast %mul3A_426 : i32 to vector<16xi32>
        %add3A_450 = arith.addi %rem3A_71, %add3A_449 : vector<16xi32>
        %add3A_451 = vector.broadcast %mul3A_426 : i32 to vector<16xi32>
        %add3A_452 = arith.addi %rem3A_77, %add3A_451 : vector<16xi32>
        %add3A_453 = vector.broadcast %mul3A_426 : i32 to vector<16xi32>
        %add3A_454 = arith.addi %rem3A_83, %add3A_453 : vector<16xi32>
        %add3A_455 = vector.broadcast %mul3A_426 : i32 to vector<16xi32>
        %add3A_456 = arith.addi %rem3A_89, %add3A_455 : vector<16xi32>
        %add3A_457 = vector.broadcast %mul3A_426 : i32 to vector<16xi32>
        %add3A_458 = arith.addi %rem3A_95, %add3A_457 : vector<16xi32>
        %mul3A_459 = arith.constant 64 : i32
        %mul3A_460 = arith.muli %mul3A_426, %mul3A_459 : i32
        %add3A_461 = vector.broadcast %mul3A_460 : i32 to vector<16xi32>
        %add3A_462 = arith.addi %add3A_99, %add3A_461 : vector<16xi32>
        %mul3A_463 = arith.constant 64 : i32
        %mul3A_464 = arith.muli %mul3A_426, %mul3A_463 : i32
        %add3A_465 = vector.broadcast %mul3A_464 : i32 to vector<16xi32>
        %add3A_466 = arith.addi %add3A_103, %add3A_465 : vector<16xi32>
        %mul3A_467 = arith.constant 64 : i32
        %mul3A_468 = arith.muli %mul3A_426, %mul3A_467 : i32
        %add3A_469 = vector.broadcast %mul3A_468 : i32 to vector<16xi32>
        %add3A_470 = arith.addi %add3A_107, %add3A_469 : vector<16xi32>
        %mul3A_471 = arith.constant 64 : i32
        %mul3A_472 = arith.muli %mul3A_426, %mul3A_471 : i32
        %add3A_473 = vector.broadcast %mul3A_472 : i32 to vector<16xi32>
        %add3A_474 = arith.addi %add3A_111, %add3A_473 : vector<16xi32>
        %mul3A_475 = arith.constant 64 : i32
        %mul3A_476 = arith.muli %mul3A_426, %mul3A_475 : i32
        %add3A_477 = vector.broadcast %mul3A_476 : i32 to vector<16xi32>
        %add3A_478 = arith.addi %add3A_115, %add3A_477 : vector<16xi32>
        %mul3A_479 = arith.constant 64 : i32
        %mul3A_480 = arith.muli %mul3A_426, %mul3A_479 : i32
        %add3A_481 = vector.broadcast %mul3A_480 : i32 to vector<16xi32>
        %add3A_482 = arith.addi %add3A_119, %add3A_481 : vector<16xi32>
        %mul3A_483 = arith.constant 64 : i32
        %mul3A_484 = arith.muli %mul3A_426, %mul3A_483 : i32
        %add3A_485 = vector.broadcast %mul3A_484 : i32 to vector<16xi32>
        %add3A_486 = arith.addi %add3A_123, %add3A_485 : vector<16xi32>
        %mul3A_487 = arith.constant 64 : i32
        %mul3A_488 = arith.muli %mul3A_426, %mul3A_487 : i32
        %add3A_489 = vector.broadcast %mul3A_488 : i32 to vector<16xi32>
        %add3A_490 = arith.addi %add3A_127, %add3A_489 : vector<16xi32>
        %mul3A_491 = arith.constant 64 : i32
        %mul3A_492 = arith.muli %mul3A_426, %mul3A_491 : i32
        %add3A_493 = vector.broadcast %mul3A_492 : i32 to vector<16xi32>
        %add3A_494 = arith.addi %add3A_131, %add3A_493 : vector<16xi32>
        %mul3A_495 = arith.constant 64 : i32
        %mul3A_496 = arith.muli %mul3A_426, %mul3A_495 : i32
        %add3A_497 = vector.broadcast %mul3A_496 : i32 to vector<16xi32>
        %add3A_498 = arith.addi %add3A_135, %add3A_497 : vector<16xi32>
        %mul3A_499 = arith.constant 64 : i32
        %mul3A_500 = arith.muli %mul3A_426, %mul3A_499 : i32
        %add3A_501 = vector.broadcast %mul3A_500 : i32 to vector<16xi32>
        %add3A_502 = arith.addi %add3A_139, %add3A_501 : vector<16xi32>
        %mul3A_503 = arith.constant 64 : i32
        %mul3A_504 = arith.muli %mul3A_426, %mul3A_503 : i32
        %add3A_505 = vector.broadcast %mul3A_504 : i32 to vector<16xi32>
        %add3A_506 = arith.addi %add3A_143, %add3A_505 : vector<16xi32>
        %mul3A_507 = arith.constant 64 : i32
        %mul3A_508 = arith.muli %mul3A_426, %mul3A_507 : i32
        %add3A_509 = vector.broadcast %mul3A_508 : i32 to vector<16xi32>
        %add3A_510 = arith.addi %add3A_147, %add3A_509 : vector<16xi32>
        %mul3A_511 = arith.constant 64 : i32
        %mul3A_512 = arith.muli %mul3A_426, %mul3A_511 : i32
        %add3A_513 = vector.broadcast %mul3A_512 : i32 to vector<16xi32>
        %add3A_514 = arith.addi %add3A_151, %add3A_513 : vector<16xi32>
        %mul3A_515 = arith.constant 64 : i32
        %mul3A_516 = arith.muli %mul3A_426, %mul3A_515 : i32
        %add3A_517 = vector.broadcast %mul3A_516 : i32 to vector<16xi32>
        %add3A_518 = arith.addi %add3A_155, %add3A_517 : vector<16xi32>
        %mul3A_519 = arith.constant 64 : i32
        %mul3A_520 = arith.muli %mul3A_426, %mul3A_519 : i32
        %add3A_521 = vector.broadcast %mul3A_520 : i32 to vector<16xi32>
        %add3A_522 = arith.addi %add3A_159, %add3A_521 : vector<16xi32>
        %scan3A_523 = arith.constant 0 : i32
        %scan3A_524 = arith.constant 0 : i32
        %scan3A_525 = arith.constant 4 : i32
        %scan3A_526 = arith.addi %scan3A_524, %scan3A_525 : i32
        %scan3A_527 = arith.constant 1 : i32
        scf.for %scan3A_529 = %scan3A_524 to %scan3A_526 step %scan3A_527  : i32 {
          %mul3A_530 = arith.constant 16 : i32
          %mul3A_531 = arith.muli %scan3A_529, %mul3A_530 : i32
          %add3A_532 = vector.broadcast %mul3A_531 : i32 to vector<16xi32>
          %add3A_533 = arith.addi %iota3A, %add3A_532 : vector<16xi32>
          %gather3A = tpu.vector_load_idx %arg5[%add3A_533, %add3A_428] : memref<64x128xf32, #tpu.memory_space<vmem>>[vector<16xi32>, vector<16xi32>], vector<16xf32>,
          %gather3A_534 = tpu.vector_load_idx %arg5[%add3A_533, %add3A_430] : memref<64x128xf32, #tpu.memory_space<vmem>>[vector<16xi32>, vector<16xi32>], vector<16xf32>,
          %gather3A_535 = tpu.vector_load_idx %arg5[%add3A_533, %add3A_432] : memref<64x128xf32, #tpu.memory_space<vmem>>[vector<16xi32>, vector<16xi32>], vector<16xf32>,
          %gather3A_536 = tpu.vector_load_idx %arg5[%add3A_533, %add3A_434] : memref<64x128xf32, #tpu.memory_space<vmem>>[vector<16xi32>, vector<16xi32>], vector<16xf32>,
          %gather3A_537 = tpu.vector_load_idx %arg5[%add3A_533, %add3A_436] : memref<64x128xf32, #tpu.memory_space<vmem>>[vector<16xi32>, vector<16xi32>], vector<16xf32>,
          %gather3A_538 = tpu.vector_load_idx %arg5[%add3A_533, %add3A_438] : memref<64x128xf32, #tpu.memory_space<vmem>>[vector<16xi32>, vector<16xi32>], vector<16xf32>,
          %gather3A_539 = tpu.vector_load_idx %arg5[%add3A_533, %add3A_440] : memref<64x128xf32, #tpu.memory_space<vmem>>[vector<16xi32>, vector<16xi32>], vector<16xf32>,
          %gather3A_540 = tpu.vector_load_idx %arg5[%add3A_533, %add3A_442] : memref<64x128xf32, #tpu.memory_space<vmem>>[vector<16xi32>, vector<16xi32>], vector<16xf32>,
          %gather3A_541 = tpu.vector_load_idx %arg5[%add3A_533, %add3A_444] : memref<64x128xf32, #tpu.memory_space<vmem>>[vector<16xi32>, vector<16xi32>], vector<16xf32>,
          %gather3A_542 = tpu.vector_load_idx %arg5[%add3A_533, %add3A_446] : memref<64x128xf32, #tpu.memory_space<vmem>>[vector<16xi32>, vector<16xi32>], vector<16xf32>,
          %gather3A_543 = tpu.vector_load_idx %arg5[%add3A_533, %add3A_448] : memref<64x128xf32, #tpu.memory_space<vmem>>[vector<16xi32>, vector<16xi32>], vector<16xf32>,
          %gather3A_544 = tpu.vector_load_idx %arg5[%add3A_533, %add3A_450] : memref<64x128xf32, #tpu.memory_space<vmem>>[vector<16xi32>, vector<16xi32>], vector<16xf32>,
          %gather3A_545 = tpu.vector_load_idx %arg5[%add3A_533, %add3A_452] : memref<64x128xf32, #tpu.memory_space<vmem>>[vector<16xi32>, vector<16xi32>], vector<16xf32>,
          %gather3A_546 = tpu.vector_load_idx %arg5[%add3A_533, %add3A_454] : memref<64x128xf32, #tpu.memory_space<vmem>>[vector<16xi32>, vector<16xi32>], vector<16xf32>,
          %gather3A_547 = tpu.vector_load_idx %arg5[%add3A_533, %add3A_456] : memref<64x128xf32, #tpu.memory_space<vmem>>[vector<16xi32>, vector<16xi32>], vector<16xf32>,
          %gather3A_548 = tpu.vector_load_idx %arg5[%add3A_533, %add3A_458] : memref<64x128xf32, #tpu.memory_space<vmem>>[vector<16xi32>, vector<16xi32>], vector<16xf32>,
          %add3A_549 = vector.broadcast %mul3A_531 : i32 to vector<16xi32>
          %add3A_550 = arith.addi %add3A_462, %add3A_549 : vector<16xi32>
          tpu.vector_store_idx %arg9[%add3A_550], %gather3A : memref<8192xf32, #tpu.memory_space<vmem>>[vector<16xi32>], vector<16xf32>,
          %add3A_551 = vector.broadcast %mul3A_531 : i32 to vector<16xi32>
          %add3A_552 = arith.addi %add3A_466, %add3A_551 : vector<16xi32>
          tpu.vector_store_idx %arg9[%add3A_552], %gather3A_534 : memref<8192xf32, #tpu.memory_space<vmem>>[vector<16xi32>], vector<16xf32>,
          %add3A_553 = vector.broadcast %mul3A_531 : i32 to vector<16xi32>
          %add3A_554 = arith.addi %add3A_470, %add3A_553 : vector<16xi32>
          tpu.vector_store_idx %arg9[%add3A_554], %gather3A_535 : memref<8192xf32, #tpu.memory_space<vmem>>[vector<16xi32>], vector<16xf32>,
          %add3A_555 = vector.broadcast %mul3A_531 : i32 to vector<16xi32>
          %add3A_556 = arith.addi %add3A_474, %add3A_555 : vector<16xi32>
          tpu.vector_store_idx %arg9[%add3A_556], %gather3A_536 : memref<8192xf32, #tpu.memory_space<vmem>>[vector<16xi32>], vector<16xf32>,
          %add3A_557 = vector.broadcast %mul3A_531 : i32 to vector<16xi32>
          %add3A_558 = arith.addi %add3A_478, %add3A_557 : vector<16xi32>
          tpu.vector_store_idx %arg9[%add3A_558], %gather3A_537 : memref<8192xf32, #tpu.memory_space<vmem>>[vector<16xi32>], vector<16xf32>,
          %add3A_559 = vector.broadcast %mul3A_531 : i32 to vector<16xi32>
          %add3A_560 = arith.addi %add3A_482, %add3A_559 : vector<16xi32>
          tpu.vector_store_idx %arg9[%add3A_560], %gather3A_538 : memref<8192xf32, #tpu.memory_space<vmem>>[vector<16xi32>], vector<16xf32>,
          %add3A_561 = vector.broadcast %mul3A_531 : i32 to vector<16xi32>
          %add3A_562 = arith.addi %add3A_486, %add3A_561 : vector<16xi32>
          tpu.vector_store_idx %arg9[%add3A_562], %gather3A_539 : memref<8192xf32, #tpu.memory_space<vmem>>[vector<16xi32>], vector<16xf32>,
          %add3A_563 = vector.broadcast %mul3A_531 : i32 to vector<16xi32>
          %add3A_564 = arith.addi %add3A_490, %add3A_563 : vector<16xi32>
          tpu.vector_store_idx %arg9[%add3A_564], %gather3A_540 : memref<8192xf32, #tpu.memory_space<vmem>>[vector<16xi32>], vector<16xf32>,
          %add3A_565 = vector.broadcast %mul3A_531 : i32 to vector<16xi32>
          %add3A_566 = arith.addi %add3A_494, %add3A_565 : vector<16xi32>
          tpu.vector_store_idx %arg9[%add3A_566], %gather3A_541 : memref<8192xf32, #tpu.memory_space<vmem>>[vector<16xi32>], vector<16xf32>,
          %add3A_567 = vector.broadcast %mul3A_531 : i32 to vector<16xi32>
          %add3A_568 = arith.addi %add3A_498, %add3A_567 : vector<16xi32>
          tpu.vector_store_idx %arg9[%add3A_568], %gather3A_542 : memref<8192xf32, #tpu.memory_space<vmem>>[vector<16xi32>], vector<16xf32>,
          %add3A_569 = vector.broadcast %mul3A_531 : i32 to vector<16xi32>
          %add3A_570 = arith.addi %add3A_502, %add3A_569 : vector<16xi32>
          tpu.vector_store_idx %arg9[%add3A_570], %gather3A_543 : memref<8192xf32, #tpu.memory_space<vmem>>[vector<16xi32>], vector<16xf32>,
          %add3A_571 = vector.broadcast %mul3A_531 : i32 to vector<16xi32>
          %add3A_572 = arith.addi %add3A_506, %add3A_571 : vector<16xi32>
          tpu.vector_store_idx %arg9[%add3A_572], %gather3A_544 : memref<8192xf32, #tpu.memory_space<vmem>>[vector<16xi32>], vector<16xf32>,
          %add3A_573 = vector.broadcast %mul3A_531 : i32 to vector<16xi32>
          %add3A_574 = arith.addi %add3A_510, %add3A_573 : vector<16xi32>
          tpu.vector_store_idx %arg9[%add3A_574], %gather3A_545 : memref<8192xf32, #tpu.memory_space<vmem>>[vector<16xi32>], vector<16xf32>,
          %add3A_575 = vector.broadcast %mul3A_531 : i32 to vector<16xi32>
          %add3A_576 = arith.addi %add3A_514, %add3A_575 : vector<16xi32>
          tpu.vector_store_idx %arg9[%add3A_576], %gather3A_546 : memref<8192xf32, #tpu.memory_space<vmem>>[vector<16xi32>], vector<16xf32>,
          %add3A_577 = vector.broadcast %mul3A_531 : i32 to vector<16xi32>
          %add3A_578 = arith.addi %add3A_518, %add3A_577 : vector<16xi32>
          tpu.vector_store_idx %arg9[%add3A_578], %gather3A_547 : memref<8192xf32, #tpu.memory_space<vmem>>[vector<16xi32>], vector<16xf32>,
          %add3A_579 = vector.broadcast %mul3A_531 : i32 to vector<16xi32>
          %add3A_580 = arith.addi %add3A_522, %add3A_579 : vector<16xi32>
          tpu.vector_store_idx %arg9[%add3A_580], %gather3A_548 : memref<8192xf32, #tpu.memory_space<vmem>>[vector<16xi32>], vector<16xf32>,
        }
        %scan3A_528 = arith.constant 4 : i32
      }
      %scan3A_258 = arith.constant 8 : i32
      %mul3A_259 = arith.constant 32 : i32
      %mul3A_260 = arith.muli %mul3A_259, %add3A_233 : i32
      %add3A_261 = arith.addi %add3A, %mul3A_260 : i32
      %lt3A_262 = arith.constant 7812 : i32
      %lt3A_263 = arith.cmpi slt, %add3A_261, %lt3A_262 : i32
      %convert_element_type3A_264 = arith.extui %lt3A_263 : i1 to i32
      %cond3A_265 = arith.constant 0 : i32
      %cond3A_266 = arith.cmpi ne, %convert_element_type3A_264, %cond3A_265 : i32
      scf.if %cond3A_266 {
        %mul3A_424 = arith.constant 32 : i32
        %mul3A_425 = arith.muli %mul3A_424, %add3A_233 : i32
        %add3A_426 = arith.addi %add3A, %mul3A_425 : i32
        %mul3A_427 = arith.constant 8192 : i32
        %mul3A_428 = arith.muli %add3A_426, %mul3A_427 : i32
        %dma_start3A = tpu.memref_slice %arg4[%mul3A_428] : memref<64000000xf32, #tpu.memory_space<hbm>> -> memref<8192xf32, #tpu.memory_space<hbm>>
        %dma_start3A_429 = tpu.memref_slice %arg4[%mul3A_428] : memref<64000000xf32, #tpu.memory_space<hbm>> -> memref<8192xf32, #tpu.memory_space<hbm>>
        tpu.enqueue_dma source(%arg9 : memref<8192xf32, #tpu.memory_space<vmem>>) target(%dma_start3A_429 : memref<8192xf32, #tpu.memory_space<hbm>>) target_semaphore(%arg18 : memref<!tpu.dma_semaphore, #tpu.memory_space<semaphore_mem>>)
      } else {
      }
      %add3A_267 = arith.constant 4 : i32
      %add3A_268 = arith.addi %add3A_233, %add3A_267 : i32
      %mul3A_269 = arith.constant 32 : i32
      %mul3A_270 = arith.muli %mul3A_269, %add3A_268 : i32
      %add3A_271 = arith.addi %add3A, %mul3A_270 : i32
      %lt3A_272 = arith.constant 7812 : i32
      %lt3A_273 = arith.cmpi slt, %add3A_271, %lt3A_272 : i32
      %convert_element_type3A_274 = arith.extui %lt3A_273 : i1 to i32
      %cond3A_275 = arith.constant 0 : i32
      %cond3A_276 = arith.cmpi ne, %convert_element_type3A_274, %cond3A_275 : i32
      scf.if %cond3A_276 {
        %mul3A_424 = arith.constant 32 : i32
        %mul3A_425 = arith.muli %mul3A_424, %add3A_268 : i32
        %add3A_426 = arith.addi %add3A, %mul3A_425 : i32
        %mul3A_427 = arith.constant 128 : i32
        %mul3A_428 = arith.muli %add3A_426, %mul3A_427 : i32
        %dma_start3A = arith.constant 0 : i32
        %dma_start3A_429 = tpu.memref_slice %arg2[%dma_start3A, %mul3A_428] : memref<64x1000000xf32, #tpu.memory_space<hbm>> -> memref<64x128xf32, #tpu.memory_space<hbm>>
        %dma_start3A_430 = arith.constant 0 : i32
        %dma_start3A_431 = tpu.memref_slice %arg2[%dma_start3A_430, %mul3A_428] : memref<64x1000000xf32, #tpu.memory_space<hbm>> -> memref<64x128xf32, #tpu.memory_space<hbm>>
        tpu.enqueue_dma source(%dma_start3A_431 : memref<64x128xf32, #tpu.memory_space<hbm>>) target(%arg5 : memref<64x128xf32, #tpu.memory_space<vmem>>) target_semaphore(%arg14 : memref<!tpu.dma_semaphore, #tpu.memory_space<semaphore_mem>>)
      } else {
      }
      %mul3A_277 = arith.constant 4 : i32
      %mul3A_278 = arith.muli %scan3A_229, %mul3A_277 : i32
      %add3A_279 = arith.constant 1 : i32
      %add3A_280 = arith.addi %mul3A_278, %add3A_279 : i32
      %mul3A_281 = arith.constant 32 : i32
      %mul3A_282 = arith.muli %mul3A_281, %add3A_280 : i32
      %add3A_283 = arith.addi %add3A, %mul3A_282 : i32
      %lt3A_284 = arith.constant 7812 : i32
      %lt3A_285 = arith.cmpi slt, %add3A_283, %lt3A_284 : i32
      %convert_element_type3A_286 = arith.extui %lt3A_285 : i1 to i32
      %cond3A_287 = arith.constant 0 : i32
      %cond3A_288 = arith.cmpi ne, %convert_element_type3A_286, %cond3A_287 : i32
      scf.if %cond3A_288 {
        %mul3A_424 = arith.constant 32 : i32
        %mul3A_425 = arith.muli %mul3A_424, %add3A_280 : i32
        %add3A_426 = arith.addi %add3A, %mul3A_425 : i32
        %mul3A_427 = arith.constant 128 : i32
        %mul3A_428 = arith.muli %add3A_426, %mul3A_427 : i32
        %dma_wait3A = arith.constant 0 : i32
        %dma_wait3A_429 = tpu.memref_slice %arg2[%dma_wait3A, %mul3A_428] : memref<64x1000000xf32, #tpu.memory_space<hbm>> -> memref<64x128xf32, #tpu.memory_space<hbm>>
        %dma_wait3A_430 = arith.constant 0 : i32
        %dma_wait3A_431 = tpu.memref_slice %arg2[%dma_wait3A_430, %mul3A_428] : memref<64x1000000xf32, #tpu.memory_space<hbm>> -> memref<64x128xf32, #tpu.memory_space<hbm>>
        tpu.wait_dma2 semaphore(%arg15 : memref<!tpu.dma_semaphore, #tpu.memory_space<semaphore_mem>>) src(%dma_wait3A_431 : memref<64x128xf32, #tpu.memory_space<hbm>>) dst(%arg6 : memref<64x128xf32, #tpu.memory_space<vmem>>)
      } else {
      }
      %sub3A_289 = arith.constant 4 : i32
      %sub3A_290 = arith.subi %add3A_280, %sub3A_289 : i32
      %ge3A_291 = arith.constant 0 : i32
      %ge3A_292 = arith.cmpi sge, %sub3A_290, %ge3A_291 : i32
      %mul3A_293 = arith.constant 32 : i32
      %mul3A_294 = arith.muli %mul3A_293, %sub3A_290 : i32
      %add3A_295 = arith.addi %add3A, %mul3A_294 : i32
      %lt3A_296 = arith.constant 7812 : i32
      %lt3A_297 = arith.cmpi slt, %add3A_295, %lt3A_296 : i32
      %and3A_298 = arith.andi %ge3A_292, %lt3A_297 : i1
      %convert_element_type3A_299 = arith.extui %and3A_298 : i1 to i32
      %cond3A_300 = arith.constant 0 : i32
      %cond3A_301 = arith.cmpi ne, %convert_element_type3A_299, %cond3A_300 : i32
      scf.if %cond3A_301 {
        %mul3A_424 = arith.constant 32 : i32
        %mul3A_425 = arith.muli %mul3A_424, %sub3A_290 : i32
        %add3A_426 = arith.addi %add3A, %mul3A_425 : i32
        %mul3A_427 = arith.constant 8192 : i32
        %mul3A_428 = arith.muli %add3A_426, %mul3A_427 : i32
        %dma_wait3A = tpu.memref_slice %arg4[%mul3A_428] : memref<64000000xf32, #tpu.memory_space<hbm>> -> memref<8192xf32, #tpu.memory_space<hbm>>
        %dma_wait3A_429 = tpu.memref_slice %arg4[%mul3A_428] : memref<64000000xf32, #tpu.memory_space<hbm>> -> memref<8192xf32, #tpu.memory_space<hbm>>
        tpu.wait_dma2 semaphore(%arg19 : memref<!tpu.dma_semaphore, #tpu.memory_space<semaphore_mem>>) src(%arg10 : memref<8192xf32, #tpu.memory_space<vmem>>) dst(%dma_wait3A_429 : memref<8192xf32, #tpu.memory_space<hbm>>)
      } else {
      }
      %scan3A_302 = arith.constant 0 : i32
      %scan3A_303 = arith.constant 0 : i32
      %scan3A_304 = arith.constant 8 : i32
      %scan3A_305 = arith.addi %scan3A_303, %scan3A_304 : i32
      %scan3A_306 = arith.constant 1 : i32
      scf.for %scan3A_424 = %scan3A_303 to %scan3A_305 step %scan3A_306  : i32 {
        %mul3A_425 = arith.constant 16 : i32
        %mul3A_426 = arith.muli %scan3A_424, %mul3A_425 : i32
        %add3A_427 = vector.broadcast %mul3A_426 : i32 to vector<16xi32>
        %add3A_428 = arith.addi %rem3A_5, %add3A_427 : vector<16xi32>
        %add3A_429 = vector.broadcast %mul3A_426 : i32 to vector<16xi32>
        %add3A_430 = arith.addi %rem3A_11, %add3A_429 : vector<16xi32>
        %add3A_431 = vector.broadcast %mul3A_426 : i32 to vector<16xi32>
        %add3A_432 = arith.addi %rem3A_17, %add3A_431 : vector<16xi32>
        %add3A_433 = vector.broadcast %mul3A_426 : i32 to vector<16xi32>
        %add3A_434 = arith.addi %rem3A_23, %add3A_433 : vector<16xi32>
        %add3A_435 = vector.broadcast %mul3A_426 : i32 to vector<16xi32>
        %add3A_436 = arith.addi %rem3A_29, %add3A_435 : vector<16xi32>
        %add3A_437 = vector.broadcast %mul3A_426 : i32 to vector<16xi32>
        %add3A_438 = arith.addi %rem3A_35, %add3A_437 : vector<16xi32>
        %add3A_439 = vector.broadcast %mul3A_426 : i32 to vector<16xi32>
        %add3A_440 = arith.addi %rem3A_41, %add3A_439 : vector<16xi32>
        %add3A_441 = vector.broadcast %mul3A_426 : i32 to vector<16xi32>
        %add3A_442 = arith.addi %rem3A_47, %add3A_441 : vector<16xi32>
        %add3A_443 = vector.broadcast %mul3A_426 : i32 to vector<16xi32>
        %add3A_444 = arith.addi %rem3A_53, %add3A_443 : vector<16xi32>
        %add3A_445 = vector.broadcast %mul3A_426 : i32 to vector<16xi32>
        %add3A_446 = arith.addi %rem3A_59, %add3A_445 : vector<16xi32>
        %add3A_447 = vector.broadcast %mul3A_426 : i32 to vector<16xi32>
        %add3A_448 = arith.addi %rem3A_65, %add3A_447 : vector<16xi32>
        %add3A_449 = vector.broadcast %mul3A_426 : i32 to vector<16xi32>
        %add3A_450 = arith.addi %rem3A_71, %add3A_449 : vector<16xi32>
        %add3A_451 = vector.broadcast %mul3A_426 : i32 to vector<16xi32>
        %add3A_452 = arith.addi %rem3A_77, %add3A_451 : vector<16xi32>
        %add3A_453 = vector.broadcast %mul3A_426 : i32 to vector<16xi32>
        %add3A_454 = arith.addi %rem3A_83, %add3A_453 : vector<16xi32>
        %add3A_455 = vector.broadcast %mul3A_426 : i32 to vector<16xi32>
        %add3A_456 = arith.addi %rem3A_89, %add3A_455 : vector<16xi32>
        %add3A_457 = vector.broadcast %mul3A_426 : i32 to vector<16xi32>
        %add3A_458 = arith.addi %rem3A_95, %add3A_457 : vector<16xi32>
        %mul3A_459 = arith.constant 64 : i32
        %mul3A_460 = arith.muli %mul3A_426, %mul3A_459 : i32
        %add3A_461 = vector.broadcast %mul3A_460 : i32 to vector<16xi32>
        %add3A_462 = arith.addi %add3A_99, %add3A_461 : vector<16xi32>
        %mul3A_463 = arith.constant 64 : i32
        %mul3A_464 = arith.muli %mul3A_426, %mul3A_463 : i32
        %add3A_465 = vector.broadcast %mul3A_464 : i32 to vector<16xi32>
        %add3A_466 = arith.addi %add3A_103, %add3A_465 : vector<16xi32>
        %mul3A_467 = arith.constant 64 : i32
        %mul3A_468 = arith.muli %mul3A_426, %mul3A_467 : i32
        %add3A_469 = vector.broadcast %mul3A_468 : i32 to vector<16xi32>
        %add3A_470 = arith.addi %add3A_107, %add3A_469 : vector<16xi32>
        %mul3A_471 = arith.constant 64 : i32
        %mul3A_472 = arith.muli %mul3A_426, %mul3A_471 : i32
        %add3A_473 = vector.broadcast %mul3A_472 : i32 to vector<16xi32>
        %add3A_474 = arith.addi %add3A_111, %add3A_473 : vector<16xi32>
        %mul3A_475 = arith.constant 64 : i32
        %mul3A_476 = arith.muli %mul3A_426, %mul3A_475 : i32
        %add3A_477 = vector.broadcast %mul3A_476 : i32 to vector<16xi32>
        %add3A_478 = arith.addi %add3A_115, %add3A_477 : vector<16xi32>
        %mul3A_479 = arith.constant 64 : i32
        %mul3A_480 = arith.muli %mul3A_426, %mul3A_479 : i32
        %add3A_481 = vector.broadcast %mul3A_480 : i32 to vector<16xi32>
        %add3A_482 = arith.addi %add3A_119, %add3A_481 : vector<16xi32>
        %mul3A_483 = arith.constant 64 : i32
        %mul3A_484 = arith.muli %mul3A_426, %mul3A_483 : i32
        %add3A_485 = vector.broadcast %mul3A_484 : i32 to vector<16xi32>
        %add3A_486 = arith.addi %add3A_123, %add3A_485 : vector<16xi32>
        %mul3A_487 = arith.constant 64 : i32
        %mul3A_488 = arith.muli %mul3A_426, %mul3A_487 : i32
        %add3A_489 = vector.broadcast %mul3A_488 : i32 to vector<16xi32>
        %add3A_490 = arith.addi %add3A_127, %add3A_489 : vector<16xi32>
        %mul3A_491 = arith.constant 64 : i32
        %mul3A_492 = arith.muli %mul3A_426, %mul3A_491 : i32
        %add3A_493 = vector.broadcast %mul3A_492 : i32 to vector<16xi32>
        %add3A_494 = arith.addi %add3A_131, %add3A_493 : vector<16xi32>
        %mul3A_495 = arith.constant 64 : i32
        %mul3A_496 = arith.muli %mul3A_426, %mul3A_495 : i32
        %add3A_497 = vector.broadcast %mul3A_496 : i32 to vector<16xi32>
        %add3A_498 = arith.addi %add3A_135, %add3A_497 : vector<16xi32>
        %mul3A_499 = arith.constant 64 : i32
        %mul3A_500 = arith.muli %mul3A_426, %mul3A_499 : i32
        %add3A_501 = vector.broadcast %mul3A_500 : i32 to vector<16xi32>
        %add3A_502 = arith.addi %add3A_139, %add3A_501 : vector<16xi32>
        %mul3A_503 = arith.constant 64 : i32
        %mul3A_504 = arith.muli %mul3A_426, %mul3A_503 : i32
        %add3A_505 = vector.broadcast %mul3A_504 : i32 to vector<16xi32>
        %add3A_506 = arith.addi %add3A_143, %add3A_505 : vector<16xi32>
        %mul3A_507 = arith.constant 64 : i32
        %mul3A_508 = arith.muli %mul3A_426, %mul3A_507 : i32
        %add3A_509 = vector.broadcast %mul3A_508 : i32 to vector<16xi32>
        %add3A_510 = arith.addi %add3A_147, %add3A_509 : vector<16xi32>
        %mul3A_511 = arith.constant 64 : i32
        %mul3A_512 = arith.muli %mul3A_426, %mul3A_511 : i32
        %add3A_513 = vector.broadcast %mul3A_512 : i32 to vector<16xi32>
        %add3A_514 = arith.addi %add3A_151, %add3A_513 : vector<16xi32>
        %mul3A_515 = arith.constant 64 : i32
        %mul3A_516 = arith.muli %mul3A_426, %mul3A_515 : i32
        %add3A_517 = vector.broadcast %mul3A_516 : i32 to vector<16xi32>
        %add3A_518 = arith.addi %add3A_155, %add3A_517 : vector<16xi32>
        %mul3A_519 = arith.constant 64 : i32
        %mul3A_520 = arith.muli %mul3A_426, %mul3A_519 : i32
        %add3A_521 = vector.broadcast %mul3A_520 : i32 to vector<16xi32>
        %add3A_522 = arith.addi %add3A_159, %add3A_521 : vector<16xi32>
        %scan3A_523 = arith.constant 0 : i32
        %scan3A_524 = arith.constant 0 : i32
        %scan3A_525 = arith.constant 4 : i32
        %scan3A_526 = arith.addi %scan3A_524, %scan3A_525 : i32
        %scan3A_527 = arith.constant 1 : i32
        scf.for %scan3A_529 = %scan3A_524 to %scan3A_526 step %scan3A_527  : i32 {
          %mul3A_530 = arith.constant 16 : i32
          %mul3A_531 = arith.muli %scan3A_529, %mul3A_530 : i32
          %add3A_532 = vector.broadcast %mul3A_531 : i32 to vector<16xi32>
          %add3A_533 = arith.addi %iota3A, %add3A_532 : vector<16xi32>
          %gather3A = tpu.vector_load_idx %arg6[%add3A_533, %add3A_428] : memref<64x128xf32, #tpu.memory_space<vmem>>[vector<16xi32>, vector<16xi32>], vector<16xf32>,
          %gather3A_534 = tpu.vector_load_idx %arg6[%add3A_533, %add3A_430] : memref<64x128xf32, #tpu.memory_space<vmem>>[vector<16xi32>, vector<16xi32>], vector<16xf32>,
          %gather3A_535 = tpu.vector_load_idx %arg6[%add3A_533, %add3A_432] : memref<64x128xf32, #tpu.memory_space<vmem>>[vector<16xi32>, vector<16xi32>], vector<16xf32>,
          %gather3A_536 = tpu.vector_load_idx %arg6[%add3A_533, %add3A_434] : memref<64x128xf32, #tpu.memory_space<vmem>>[vector<16xi32>, vector<16xi32>], vector<16xf32>,
          %gather3A_537 = tpu.vector_load_idx %arg6[%add3A_533, %add3A_436] : memref<64x128xf32, #tpu.memory_space<vmem>>[vector<16xi32>, vector<16xi32>], vector<16xf32>,
          %gather3A_538 = tpu.vector_load_idx %arg6[%add3A_533, %add3A_438] : memref<64x128xf32, #tpu.memory_space<vmem>>[vector<16xi32>, vector<16xi32>], vector<16xf32>,
          %gather3A_539 = tpu.vector_load_idx %arg6[%add3A_533, %add3A_440] : memref<64x128xf32, #tpu.memory_space<vmem>>[vector<16xi32>, vector<16xi32>], vector<16xf32>,
          %gather3A_540 = tpu.vector_load_idx %arg6[%add3A_533, %add3A_442] : memref<64x128xf32, #tpu.memory_space<vmem>>[vector<16xi32>, vector<16xi32>], vector<16xf32>,
          %gather3A_541 = tpu.vector_load_idx %arg6[%add3A_533, %add3A_444] : memref<64x128xf32, #tpu.memory_space<vmem>>[vector<16xi32>, vector<16xi32>], vector<16xf32>,
          %gather3A_542 = tpu.vector_load_idx %arg6[%add3A_533, %add3A_446] : memref<64x128xf32, #tpu.memory_space<vmem>>[vector<16xi32>, vector<16xi32>], vector<16xf32>,
          %gather3A_543 = tpu.vector_load_idx %arg6[%add3A_533, %add3A_448] : memref<64x128xf32, #tpu.memory_space<vmem>>[vector<16xi32>, vector<16xi32>], vector<16xf32>,
          %gather3A_544 = tpu.vector_load_idx %arg6[%add3A_533, %add3A_450] : memref<64x128xf32, #tpu.memory_space<vmem>>[vector<16xi32>, vector<16xi32>], vector<16xf32>,
          %gather3A_545 = tpu.vector_load_idx %arg6[%add3A_533, %add3A_452] : memref<64x128xf32, #tpu.memory_space<vmem>>[vector<16xi32>, vector<16xi32>], vector<16xf32>,
          %gather3A_546 = tpu.vector_load_idx %arg6[%add3A_533, %add3A_454] : memref<64x128xf32, #tpu.memory_space<vmem>>[vector<16xi32>, vector<16xi32>], vector<16xf32>,
          %gather3A_547 = tpu.vector_load_idx %arg6[%add3A_533, %add3A_456] : memref<64x128xf32, #tpu.memory_space<vmem>>[vector<16xi32>, vector<16xi32>], vector<16xf32>,
          %gather3A_548 = tpu.vector_load_idx %arg6[%add3A_533, %add3A_458] : memref<64x128xf32, #tpu.memory_space<vmem>>[vector<16xi32>, vector<16xi32>], vector<16xf32>,
          %add3A_549 = vector.broadcast %mul3A_531 : i32 to vector<16xi32>
          %add3A_550 = arith.addi %add3A_462, %add3A_549 : vector<16xi32>
          tpu.vector_store_idx %arg10[%add3A_550], %gather3A : memref<8192xf32, #tpu.memory_space<vmem>>[vector<16xi32>], vector<16xf32>,
          %add3A_551 = vector.broadcast %mul3A_531 : i32 to vector<16xi32>
          %add3A_552 = arith.addi %add3A_466, %add3A_551 : vector<16xi32>
          tpu.vector_store_idx %arg10[%add3A_552], %gather3A_534 : memref<8192xf32, #tpu.memory_space<vmem>>[vector<16xi32>], vector<16xf32>,
          %add3A_553 = vector.broadcast %mul3A_531 : i32 to vector<16xi32>
          %add3A_554 = arith.addi %add3A_470, %add3A_553 : vector<16xi32>
          tpu.vector_store_idx %arg10[%add3A_554], %gather3A_535 : memref<8192xf32, #tpu.memory_space<vmem>>[vector<16xi32>], vector<16xf32>,
          %add3A_555 = vector.broadcast %mul3A_531 : i32 to vector<16xi32>
          %add3A_556 = arith.addi %add3A_474, %add3A_555 : vector<16xi32>
          tpu.vector_store_idx %arg10[%add3A_556], %gather3A_536 : memref<8192xf32, #tpu.memory_space<vmem>>[vector<16xi32>], vector<16xf32>,
          %add3A_557 = vector.broadcast %mul3A_531 : i32 to vector<16xi32>
          %add3A_558 = arith.addi %add3A_478, %add3A_557 : vector<16xi32>
          tpu.vector_store_idx %arg10[%add3A_558], %gather3A_537 : memref<8192xf32, #tpu.memory_space<vmem>>[vector<16xi32>], vector<16xf32>,
          %add3A_559 = vector.broadcast %mul3A_531 : i32 to vector<16xi32>
          %add3A_560 = arith.addi %add3A_482, %add3A_559 : vector<16xi32>
          tpu.vector_store_idx %arg10[%add3A_560], %gather3A_538 : memref<8192xf32, #tpu.memory_space<vmem>>[vector<16xi32>], vector<16xf32>,
          %add3A_561 = vector.broadcast %mul3A_531 : i32 to vector<16xi32>
          %add3A_562 = arith.addi %add3A_486, %add3A_561 : vector<16xi32>
          tpu.vector_store_idx %arg10[%add3A_562], %gather3A_539 : memref<8192xf32, #tpu.memory_space<vmem>>[vector<16xi32>], vector<16xf32>,
          %add3A_563 = vector.broadcast %mul3A_531 : i32 to vector<16xi32>
          %add3A_564 = arith.addi %add3A_490, %add3A_563 : vector<16xi32>
          tpu.vector_store_idx %arg10[%add3A_564], %gather3A_540 : memref<8192xf32, #tpu.memory_space<vmem>>[vector<16xi32>], vector<16xf32>,
          %add3A_565 = vector.broadcast %mul3A_531 : i32 to vector<16xi32>
          %add3A_566 = arith.addi %add3A_494, %add3A_565 : vector<16xi32>
          tpu.vector_store_idx %arg10[%add3A_566], %gather3A_541 : memref<8192xf32, #tpu.memory_space<vmem>>[vector<16xi32>], vector<16xf32>,
          %add3A_567 = vector.broadcast %mul3A_531 : i32 to vector<16xi32>
          %add3A_568 = arith.addi %add3A_498, %add3A_567 : vector<16xi32>
          tpu.vector_store_idx %arg10[%add3A_568], %gather3A_542 : memref<8192xf32, #tpu.memory_space<vmem>>[vector<16xi32>], vector<16xf32>,
          %add3A_569 = vector.broadcast %mul3A_531 : i32 to vector<16xi32>
          %add3A_570 = arith.addi %add3A_502, %add3A_569 : vector<16xi32>
          tpu.vector_store_idx %arg10[%add3A_570], %gather3A_543 : memref<8192xf32, #tpu.memory_space<vmem>>[vector<16xi32>], vector<16xf32>,
          %add3A_571 = vector.broadcast %mul3A_531 : i32 to vector<16xi32>
          %add3A_572 = arith.addi %add3A_506, %add3A_571 : vector<16xi32>
          tpu.vector_store_idx %arg10[%add3A_572], %gather3A_544 : memref<8192xf32, #tpu.memory_space<vmem>>[vector<16xi32>], vector<16xf32>,
          %add3A_573 = vector.broadcast %mul3A_531 : i32 to vector<16xi32>
          %add3A_574 = arith.addi %add3A_510, %add3A_573 : vector<16xi32>
          tpu.vector_store_idx %arg10[%add3A_574], %gather3A_545 : memref<8192xf32, #tpu.memory_space<vmem>>[vector<16xi32>], vector<16xf32>,
          %add3A_575 = vector.broadcast %mul3A_531 : i32 to vector<16xi32>
          %add3A_576 = arith.addi %add3A_514, %add3A_575 : vector<16xi32>
          tpu.vector_store_idx %arg10[%add3A_576], %gather3A_546 : memref<8192xf32, #tpu.memory_space<vmem>>[vector<16xi32>], vector<16xf32>,
          %add3A_577 = vector.broadcast %mul3A_531 : i32 to vector<16xi32>
          %add3A_578 = arith.addi %add3A_518, %add3A_577 : vector<16xi32>
          tpu.vector_store_idx %arg10[%add3A_578], %gather3A_547 : memref<8192xf32, #tpu.memory_space<vmem>>[vector<16xi32>], vector<16xf32>,
          %add3A_579 = vector.broadcast %mul3A_531 : i32 to vector<16xi32>
          %add3A_580 = arith.addi %add3A_522, %add3A_579 : vector<16xi32>
          tpu.vector_store_idx %arg10[%add3A_580], %gather3A_548 : memref<8192xf32, #tpu.memory_space<vmem>>[vector<16xi32>], vector<16xf32>,
        }
        %scan3A_528 = arith.constant 4 : i32
      }
      %scan3A_307 = arith.constant 8 : i32
      %mul3A_308 = arith.constant 32 : i32
      %mul3A_309 = arith.muli %mul3A_308, %add3A_280 : i32
      %add3A_310 = arith.addi %add3A, %mul3A_309 : i32
      %lt3A_311 = arith.constant 7812 : i32
      %lt3A_312 = arith.cmpi slt, %add3A_310, %lt3A_311 : i32
      %convert_element_type3A_313 = arith.extui %lt3A_312 : i1 to i32
      %cond3A_314 = arith.constant 0 : i32
      %cond3A_315 = arith.cmpi ne, %convert_element_type3A_313, %cond3A_314 : i32
      scf.if %cond3A_315 {
        %mul3A_424 = arith.constant 32 : i32
        %mul3A_425 = arith.muli %mul3A_424, %add3A_280 : i32
        %add3A_426 = arith.addi %add3A, %mul3A_425 : i32
        %mul3A_427 = arith.constant 8192 : i32
        %mul3A_428 = arith.muli %add3A_426, %mul3A_427 : i32
        %dma_start3A = tpu.memref_slice %arg4[%mul3A_428] : memref<64000000xf32, #tpu.memory_space<hbm>> -> memref<8192xf32, #tpu.memory_space<hbm>>
        %dma_start3A_429 = tpu.memref_slice %arg4[%mul3A_428] : memref<64000000xf32, #tpu.memory_space<hbm>> -> memref<8192xf32, #tpu.memory_space<hbm>>
        tpu.enqueue_dma source(%arg10 : memref<8192xf32, #tpu.memory_space<vmem>>) target(%dma_start3A_429 : memref<8192xf32, #tpu.memory_space<hbm>>) target_semaphore(%arg19 : memref<!tpu.dma_semaphore, #tpu.memory_space<semaphore_mem>>)
      } else {
      }
      %add3A_316 = arith.constant 4 : i32
      %add3A_317 = arith.addi %add3A_280, %add3A_316 : i32
      %mul3A_318 = arith.constant 32 : i32
      %mul3A_319 = arith.muli %mul3A_318, %add3A_317 : i32
      %add3A_320 = arith.addi %add3A, %mul3A_319 : i32
      %lt3A_321 = arith.constant 7812 : i32
      %lt3A_322 = arith.cmpi slt, %add3A_320, %lt3A_321 : i32
      %convert_element_type3A_323 = arith.extui %lt3A_322 : i1 to i32
      %cond3A_324 = arith.constant 0 : i32
      %cond3A_325 = arith.cmpi ne, %convert_element_type3A_323, %cond3A_324 : i32
      scf.if %cond3A_325 {
        %mul3A_424 = arith.constant 32 : i32
        %mul3A_425 = arith.muli %mul3A_424, %add3A_317 : i32
        %add3A_426 = arith.addi %add3A, %mul3A_425 : i32
        %mul3A_427 = arith.constant 128 : i32
        %mul3A_428 = arith.muli %add3A_426, %mul3A_427 : i32
        %dma_start3A = arith.constant 0 : i32
        %dma_start3A_429 = tpu.memref_slice %arg2[%dma_start3A, %mul3A_428] : memref<64x1000000xf32, #tpu.memory_space<hbm>> -> memref<64x128xf32, #tpu.memory_space<hbm>>
        %dma_start3A_430 = arith.constant 0 : i32
        %dma_start3A_431 = tpu.memref_slice %arg2[%dma_start3A_430, %mul3A_428] : memref<64x1000000xf32, #tpu.memory_space<hbm>> -> memref<64x128xf32, #tpu.memory_space<hbm>>
        tpu.enqueue_dma source(%dma_start3A_431 : memref<64x128xf32, #tpu.memory_space<hbm>>) target(%arg6 : memref<64x128xf32, #tpu.memory_space<vmem>>) target_semaphore(%arg15 : memref<!tpu.dma_semaphore, #tpu.memory_space<semaphore_mem>>)
      } else {
      }
      %mul3A_326 = arith.constant 4 : i32
      %mul3A_327 = arith.muli %scan3A_229, %mul3A_326 : i32
      %add3A_328 = arith.constant 2 : i32
      %add3A_329 = arith.addi %mul3A_327, %add3A_328 : i32
      %mul3A_330 = arith.constant 32 : i32
      %mul3A_331 = arith.muli %mul3A_330, %add3A_329 : i32
      %add3A_332 = arith.addi %add3A, %mul3A_331 : i32
      %lt3A_333 = arith.constant 7812 : i32
      %lt3A_334 = arith.cmpi slt, %add3A_332, %lt3A_333 : i32
      %convert_element_type3A_335 = arith.extui %lt3A_334 : i1 to i32
      %cond3A_336 = arith.constant 0 : i32
      %cond3A_337 = arith.cmpi ne, %convert_element_type3A_335, %cond3A_336 : i32
      scf.if %cond3A_337 {
        %mul3A_424 = arith.constant 32 : i32
        %mul3A_425 = arith.muli %mul3A_424, %add3A_329 : i32
        %add3A_426 = arith.addi %add3A, %mul3A_425 : i32
        %mul3A_427 = arith.constant 128 : i32
        %mul3A_428 = arith.muli %add3A_426, %mul3A_427 : i32
        %dma_wait3A = arith.constant 0 : i32
        %dma_wait3A_429 = tpu.memref_slice %arg2[%dma_wait3A, %mul3A_428] : memref<64x1000000xf32, #tpu.memory_space<hbm>> -> memref<64x128xf32, #tpu.memory_space<hbm>>
        %dma_wait3A_430 = arith.constant 0 : i32
        %dma_wait3A_431 = tpu.memref_slice %arg2[%dma_wait3A_430, %mul3A_428] : memref<64x1000000xf32, #tpu.memory_space<hbm>> -> memref<64x128xf32, #tpu.memory_space<hbm>>
        tpu.wait_dma2 semaphore(%arg16 : memref<!tpu.dma_semaphore, #tpu.memory_space<semaphore_mem>>) src(%dma_wait3A_431 : memref<64x128xf32, #tpu.memory_space<hbm>>) dst(%arg7 : memref<64x128xf32, #tpu.memory_space<vmem>>)
      } else {
      }
      %sub3A_338 = arith.constant 4 : i32
      %sub3A_339 = arith.subi %add3A_329, %sub3A_338 : i32
      %ge3A_340 = arith.constant 0 : i32
      %ge3A_341 = arith.cmpi sge, %sub3A_339, %ge3A_340 : i32
      %mul3A_342 = arith.constant 32 : i32
      %mul3A_343 = arith.muli %mul3A_342, %sub3A_339 : i32
      %add3A_344 = arith.addi %add3A, %mul3A_343 : i32
      %lt3A_345 = arith.constant 7812 : i32
      %lt3A_346 = arith.cmpi slt, %add3A_344, %lt3A_345 : i32
      %and3A_347 = arith.andi %ge3A_341, %lt3A_346 : i1
      %convert_element_type3A_348 = arith.extui %and3A_347 : i1 to i32
      %cond3A_349 = arith.constant 0 : i32
      %cond3A_350 = arith.cmpi ne, %convert_element_type3A_348, %cond3A_349 : i32
      scf.if %cond3A_350 {
        %mul3A_424 = arith.constant 32 : i32
        %mul3A_425 = arith.muli %mul3A_424, %sub3A_339 : i32
        %add3A_426 = arith.addi %add3A, %mul3A_425 : i32
        %mul3A_427 = arith.constant 8192 : i32
        %mul3A_428 = arith.muli %add3A_426, %mul3A_427 : i32
        %dma_wait3A = tpu.memref_slice %arg4[%mul3A_428] : memref<64000000xf32, #tpu.memory_space<hbm>> -> memref<8192xf32, #tpu.memory_space<hbm>>
        %dma_wait3A_429 = tpu.memref_slice %arg4[%mul3A_428] : memref<64000000xf32, #tpu.memory_space<hbm>> -> memref<8192xf32, #tpu.memory_space<hbm>>
        tpu.wait_dma2 semaphore(%arg20 : memref<!tpu.dma_semaphore, #tpu.memory_space<semaphore_mem>>) src(%arg11 : memref<8192xf32, #tpu.memory_space<vmem>>) dst(%dma_wait3A_429 : memref<8192xf32, #tpu.memory_space<hbm>>)
      } else {
      }
      %scan3A_351 = arith.constant 0 : i32
      %scan3A_352 = arith.constant 0 : i32
      %scan3A_353 = arith.constant 8 : i32
      %scan3A_354 = arith.addi %scan3A_352, %scan3A_353 : i32
      %scan3A_355 = arith.constant 1 : i32
      scf.for %scan3A_424 = %scan3A_352 to %scan3A_354 step %scan3A_355  : i32 {
        %mul3A_425 = arith.constant 16 : i32
        %mul3A_426 = arith.muli %scan3A_424, %mul3A_425 : i32
        %add3A_427 = vector.broadcast %mul3A_426 : i32 to vector<16xi32>
        %add3A_428 = arith.addi %rem3A_5, %add3A_427 : vector<16xi32>
        %add3A_429 = vector.broadcast %mul3A_426 : i32 to vector<16xi32>
        %add3A_430 = arith.addi %rem3A_11, %add3A_429 : vector<16xi32>
        %add3A_431 = vector.broadcast %mul3A_426 : i32 to vector<16xi32>
        %add3A_432 = arith.addi %rem3A_17, %add3A_431 : vector<16xi32>
        %add3A_433 = vector.broadcast %mul3A_426 : i32 to vector<16xi32>
        %add3A_434 = arith.addi %rem3A_23, %add3A_433 : vector<16xi32>
        %add3A_435 = vector.broadcast %mul3A_426 : i32 to vector<16xi32>
        %add3A_436 = arith.addi %rem3A_29, %add3A_435 : vector<16xi32>
        %add3A_437 = vector.broadcast %mul3A_426 : i32 to vector<16xi32>
        %add3A_438 = arith.addi %rem3A_35, %add3A_437 : vector<16xi32>
        %add3A_439 = vector.broadcast %mul3A_426 : i32 to vector<16xi32>
        %add3A_440 = arith.addi %rem3A_41, %add3A_439 : vector<16xi32>
        %add3A_441 = vector.broadcast %mul3A_426 : i32 to vector<16xi32>
        %add3A_442 = arith.addi %rem3A_47, %add3A_441 : vector<16xi32>
        %add3A_443 = vector.broadcast %mul3A_426 : i32 to vector<16xi32>
        %add3A_444 = arith.addi %rem3A_53, %add3A_443 : vector<16xi32>
        %add3A_445 = vector.broadcast %mul3A_426 : i32 to vector<16xi32>
        %add3A_446 = arith.addi %rem3A_59, %add3A_445 : vector<16xi32>
        %add3A_447 = vector.broadcast %mul3A_426 : i32 to vector<16xi32>
        %add3A_448 = arith.addi %rem3A_65, %add3A_447 : vector<16xi32>
        %add3A_449 = vector.broadcast %mul3A_426 : i32 to vector<16xi32>
        %add3A_450 = arith.addi %rem3A_71, %add3A_449 : vector<16xi32>
        %add3A_451 = vector.broadcast %mul3A_426 : i32 to vector<16xi32>
        %add3A_452 = arith.addi %rem3A_77, %add3A_451 : vector<16xi32>
        %add3A_453 = vector.broadcast %mul3A_426 : i32 to vector<16xi32>
        %add3A_454 = arith.addi %rem3A_83, %add3A_453 : vector<16xi32>
        %add3A_455 = vector.broadcast %mul3A_426 : i32 to vector<16xi32>
        %add3A_456 = arith.addi %rem3A_89, %add3A_455 : vector<16xi32>
        %add3A_457 = vector.broadcast %mul3A_426 : i32 to vector<16xi32>
        %add3A_458 = arith.addi %rem3A_95, %add3A_457 : vector<16xi32>
        %mul3A_459 = arith.constant 64 : i32
        %mul3A_460 = arith.muli %mul3A_426, %mul3A_459 : i32
        %add3A_461 = vector.broadcast %mul3A_460 : i32 to vector<16xi32>
        %add3A_462 = arith.addi %add3A_99, %add3A_461 : vector<16xi32>
        %mul3A_463 = arith.constant 64 : i32
        %mul3A_464 = arith.muli %mul3A_426, %mul3A_463 : i32
        %add3A_465 = vector.broadcast %mul3A_464 : i32 to vector<16xi32>
        %add3A_466 = arith.addi %add3A_103, %add3A_465 : vector<16xi32>
        %mul3A_467 = arith.constant 64 : i32
        %mul3A_468 = arith.muli %mul3A_426, %mul3A_467 : i32
        %add3A_469 = vector.broadcast %mul3A_468 : i32 to vector<16xi32>
        %add3A_470 = arith.addi %add3A_107, %add3A_469 : vector<16xi32>
        %mul3A_471 = arith.constant 64 : i32
        %mul3A_472 = arith.muli %mul3A_426, %mul3A_471 : i32
        %add3A_473 = vector.broadcast %mul3A_472 : i32 to vector<16xi32>
        %add3A_474 = arith.addi %add3A_111, %add3A_473 : vector<16xi32>
        %mul3A_475 = arith.constant 64 : i32
        %mul3A_476 = arith.muli %mul3A_426, %mul3A_475 : i32
        %add3A_477 = vector.broadcast %mul3A_476 : i32 to vector<16xi32>
        %add3A_478 = arith.addi %add3A_115, %add3A_477 : vector<16xi32>
        %mul3A_479 = arith.constant 64 : i32
        %mul3A_480 = arith.muli %mul3A_426, %mul3A_479 : i32
        %add3A_481 = vector.broadcast %mul3A_480 : i32 to vector<16xi32>
        %add3A_482 = arith.addi %add3A_119, %add3A_481 : vector<16xi32>
        %mul3A_483 = arith.constant 64 : i32
        %mul3A_484 = arith.muli %mul3A_426, %mul3A_483 : i32
        %add3A_485 = vector.broadcast %mul3A_484 : i32 to vector<16xi32>
        %add3A_486 = arith.addi %add3A_123, %add3A_485 : vector<16xi32>
        %mul3A_487 = arith.constant 64 : i32
        %mul3A_488 = arith.muli %mul3A_426, %mul3A_487 : i32
        %add3A_489 = vector.broadcast %mul3A_488 : i32 to vector<16xi32>
        %add3A_490 = arith.addi %add3A_127, %add3A_489 : vector<16xi32>
        %mul3A_491 = arith.constant 64 : i32
        %mul3A_492 = arith.muli %mul3A_426, %mul3A_491 : i32
        %add3A_493 = vector.broadcast %mul3A_492 : i32 to vector<16xi32>
        %add3A_494 = arith.addi %add3A_131, %add3A_493 : vector<16xi32>
        %mul3A_495 = arith.constant 64 : i32
        %mul3A_496 = arith.muli %mul3A_426, %mul3A_495 : i32
        %add3A_497 = vector.broadcast %mul3A_496 : i32 to vector<16xi32>
        %add3A_498 = arith.addi %add3A_135, %add3A_497 : vector<16xi32>
        %mul3A_499 = arith.constant 64 : i32
        %mul3A_500 = arith.muli %mul3A_426, %mul3A_499 : i32
        %add3A_501 = vector.broadcast %mul3A_500 : i32 to vector<16xi32>
        %add3A_502 = arith.addi %add3A_139, %add3A_501 : vector<16xi32>
        %mul3A_503 = arith.constant 64 : i32
        %mul3A_504 = arith.muli %mul3A_426, %mul3A_503 : i32
        %add3A_505 = vector.broadcast %mul3A_504 : i32 to vector<16xi32>
        %add3A_506 = arith.addi %add3A_143, %add3A_505 : vector<16xi32>
        %mul3A_507 = arith.constant 64 : i32
        %mul3A_508 = arith.muli %mul3A_426, %mul3A_507 : i32
        %add3A_509 = vector.broadcast %mul3A_508 : i32 to vector<16xi32>
        %add3A_510 = arith.addi %add3A_147, %add3A_509 : vector<16xi32>
        %mul3A_511 = arith.constant 64 : i32
        %mul3A_512 = arith.muli %mul3A_426, %mul3A_511 : i32
        %add3A_513 = vector.broadcast %mul3A_512 : i32 to vector<16xi32>
        %add3A_514 = arith.addi %add3A_151, %add3A_513 : vector<16xi32>
        %mul3A_515 = arith.constant 64 : i32
        %mul3A_516 = arith.muli %mul3A_426, %mul3A_515 : i32
        %add3A_517 = vector.broadcast %mul3A_516 : i32 to vector<16xi32>
        %add3A_518 = arith.addi %add3A_155, %add3A_517 : vector<16xi32>
        %mul3A_519 = arith.constant 64 : i32
        %mul3A_520 = arith.muli %mul3A_426, %mul3A_519 : i32
        %add3A_521 = vector.broadcast %mul3A_520 : i32 to vector<16xi32>
        %add3A_522 = arith.addi %add3A_159, %add3A_521 : vector<16xi32>
        %scan3A_523 = arith.constant 0 : i32
        %scan3A_524 = arith.constant 0 : i32
        %scan3A_525 = arith.constant 4 : i32
        %scan3A_526 = arith.addi %scan3A_524, %scan3A_525 : i32
        %scan3A_527 = arith.constant 1 : i32
        scf.for %scan3A_529 = %scan3A_524 to %scan3A_526 step %scan3A_527  : i32 {
          %mul3A_530 = arith.constant 16 : i32
          %mul3A_531 = arith.muli %scan3A_529, %mul3A_530 : i32
          %add3A_532 = vector.broadcast %mul3A_531 : i32 to vector<16xi32>
          %add3A_533 = arith.addi %iota3A, %add3A_532 : vector<16xi32>
          %gather3A = tpu.vector_load_idx %arg7[%add3A_533, %add3A_428] : memref<64x128xf32, #tpu.memory_space<vmem>>[vector<16xi32>, vector<16xi32>], vector<16xf32>,
          %gather3A_534 = tpu.vector_load_idx %arg7[%add3A_533, %add3A_430] : memref<64x128xf32, #tpu.memory_space<vmem>>[vector<16xi32>, vector<16xi32>], vector<16xf32>,
          %gather3A_535 = tpu.vector_load_idx %arg7[%add3A_533, %add3A_432] : memref<64x128xf32, #tpu.memory_space<vmem>>[vector<16xi32>, vector<16xi32>], vector<16xf32>,
          %gather3A_536 = tpu.vector_load_idx %arg7[%add3A_533, %add3A_434] : memref<64x128xf32, #tpu.memory_space<vmem>>[vector<16xi32>, vector<16xi32>], vector<16xf32>,
          %gather3A_537 = tpu.vector_load_idx %arg7[%add3A_533, %add3A_436] : memref<64x128xf32, #tpu.memory_space<vmem>>[vector<16xi32>, vector<16xi32>], vector<16xf32>,
          %gather3A_538 = tpu.vector_load_idx %arg7[%add3A_533, %add3A_438] : memref<64x128xf32, #tpu.memory_space<vmem>>[vector<16xi32>, vector<16xi32>], vector<16xf32>,
          %gather3A_539 = tpu.vector_load_idx %arg7[%add3A_533, %add3A_440] : memref<64x128xf32, #tpu.memory_space<vmem>>[vector<16xi32>, vector<16xi32>], vector<16xf32>,
          %gather3A_540 = tpu.vector_load_idx %arg7[%add3A_533, %add3A_442] : memref<64x128xf32, #tpu.memory_space<vmem>>[vector<16xi32>, vector<16xi32>], vector<16xf32>,
          %gather3A_541 = tpu.vector_load_idx %arg7[%add3A_533, %add3A_444] : memref<64x128xf32, #tpu.memory_space<vmem>>[vector<16xi32>, vector<16xi32>], vector<16xf32>,
          %gather3A_542 = tpu.vector_load_idx %arg7[%add3A_533, %add3A_446] : memref<64x128xf32, #tpu.memory_space<vmem>>[vector<16xi32>, vector<16xi32>], vector<16xf32>,
          %gather3A_543 = tpu.vector_load_idx %arg7[%add3A_533, %add3A_448] : memref<64x128xf32, #tpu.memory_space<vmem>>[vector<16xi32>, vector<16xi32>], vector<16xf32>,
          %gather3A_544 = tpu.vector_load_idx %arg7[%add3A_533, %add3A_450] : memref<64x128xf32, #tpu.memory_space<vmem>>[vector<16xi32>, vector<16xi32>], vector<16xf32>,
          %gather3A_545 = tpu.vector_load_idx %arg7[%add3A_533, %add3A_452] : memref<64x128xf32, #tpu.memory_space<vmem>>[vector<16xi32>, vector<16xi32>], vector<16xf32>,
          %gather3A_546 = tpu.vector_load_idx %arg7[%add3A_533, %add3A_454] : memref<64x128xf32, #tpu.memory_space<vmem>>[vector<16xi32>, vector<16xi32>], vector<16xf32>,
          %gather3A_547 = tpu.vector_load_idx %arg7[%add3A_533, %add3A_456] : memref<64x128xf32, #tpu.memory_space<vmem>>[vector<16xi32>, vector<16xi32>], vector<16xf32>,
          %gather3A_548 = tpu.vector_load_idx %arg7[%add3A_533, %add3A_458] : memref<64x128xf32, #tpu.memory_space<vmem>>[vector<16xi32>, vector<16xi32>], vector<16xf32>,
          %add3A_549 = vector.broadcast %mul3A_531 : i32 to vector<16xi32>
          %add3A_550 = arith.addi %add3A_462, %add3A_549 : vector<16xi32>
          tpu.vector_store_idx %arg11[%add3A_550], %gather3A : memref<8192xf32, #tpu.memory_space<vmem>>[vector<16xi32>], vector<16xf32>,
          %add3A_551 = vector.broadcast %mul3A_531 : i32 to vector<16xi32>
          %add3A_552 = arith.addi %add3A_466, %add3A_551 : vector<16xi32>
          tpu.vector_store_idx %arg11[%add3A_552], %gather3A_534 : memref<8192xf32, #tpu.memory_space<vmem>>[vector<16xi32>], vector<16xf32>,
          %add3A_553 = vector.broadcast %mul3A_531 : i32 to vector<16xi32>
          %add3A_554 = arith.addi %add3A_470, %add3A_553 : vector<16xi32>
          tpu.vector_store_idx %arg11[%add3A_554], %gather3A_535 : memref<8192xf32, #tpu.memory_space<vmem>>[vector<16xi32>], vector<16xf32>,
          %add3A_555 = vector.broadcast %mul3A_531 : i32 to vector<16xi32>
          %add3A_556 = arith.addi %add3A_474, %add3A_555 : vector<16xi32>
          tpu.vector_store_idx %arg11[%add3A_556], %gather3A_536 : memref<8192xf32, #tpu.memory_space<vmem>>[vector<16xi32>], vector<16xf32>,
          %add3A_557 = vector.broadcast %mul3A_531 : i32 to vector<16xi32>
          %add3A_558 = arith.addi %add3A_478, %add3A_557 : vector<16xi32>
          tpu.vector_store_idx %arg11[%add3A_558], %gather3A_537 : memref<8192xf32, #tpu.memory_space<vmem>>[vector<16xi32>], vector<16xf32>,
          %add3A_559 = vector.broadcast %mul3A_531 : i32 to vector<16xi32>
          %add3A_560 = arith.addi %add3A_482, %add3A_559 : vector<16xi32>
          tpu.vector_store_idx %arg11[%add3A_560], %gather3A_538 : memref<8192xf32, #tpu.memory_space<vmem>>[vector<16xi32>], vector<16xf32>,
          %add3A_561 = vector.broadcast %mul3A_531 : i32 to vector<16xi32>
          %add3A_562 = arith.addi %add3A_486, %add3A_561 : vector<16xi32>
          tpu.vector_store_idx %arg11[%add3A_562], %gather3A_539 : memref<8192xf32, #tpu.memory_space<vmem>>[vector<16xi32>], vector<16xf32>,
          %add3A_563 = vector.broadcast %mul3A_531 : i32 to vector<16xi32>
          %add3A_564 = arith.addi %add3A_490, %add3A_563 : vector<16xi32>
          tpu.vector_store_idx %arg11[%add3A_564], %gather3A_540 : memref<8192xf32, #tpu.memory_space<vmem>>[vector<16xi32>], vector<16xf32>,
          %add3A_565 = vector.broadcast %mul3A_531 : i32 to vector<16xi32>
          %add3A_566 = arith.addi %add3A_494, %add3A_565 : vector<16xi32>
          tpu.vector_store_idx %arg11[%add3A_566], %gather3A_541 : memref<8192xf32, #tpu.memory_space<vmem>>[vector<16xi32>], vector<16xf32>,
          %add3A_567 = vector.broadcast %mul3A_531 : i32 to vector<16xi32>
          %add3A_568 = arith.addi %add3A_498, %add3A_567 : vector<16xi32>
          tpu.vector_store_idx %arg11[%add3A_568], %gather3A_542 : memref<8192xf32, #tpu.memory_space<vmem>>[vector<16xi32>], vector<16xf32>,
          %add3A_569 = vector.broadcast %mul3A_531 : i32 to vector<16xi32>
          %add3A_570 = arith.addi %add3A_502, %add3A_569 : vector<16xi32>
          tpu.vector_store_idx %arg11[%add3A_570], %gather3A_543 : memref<8192xf32, #tpu.memory_space<vmem>>[vector<16xi32>], vector<16xf32>,
          %add3A_571 = vector.broadcast %mul3A_531 : i32 to vector<16xi32>
          %add3A_572 = arith.addi %add3A_506, %add3A_571 : vector<16xi32>
          tpu.vector_store_idx %arg11[%add3A_572], %gather3A_544 : memref<8192xf32, #tpu.memory_space<vmem>>[vector<16xi32>], vector<16xf32>,
          %add3A_573 = vector.broadcast %mul3A_531 : i32 to vector<16xi32>
          %add3A_574 = arith.addi %add3A_510, %add3A_573 : vector<16xi32>
          tpu.vector_store_idx %arg11[%add3A_574], %gather3A_545 : memref<8192xf32, #tpu.memory_space<vmem>>[vector<16xi32>], vector<16xf32>,
          %add3A_575 = vector.broadcast %mul3A_531 : i32 to vector<16xi32>
          %add3A_576 = arith.addi %add3A_514, %add3A_575 : vector<16xi32>
          tpu.vector_store_idx %arg11[%add3A_576], %gather3A_546 : memref<8192xf32, #tpu.memory_space<vmem>>[vector<16xi32>], vector<16xf32>,
          %add3A_577 = vector.broadcast %mul3A_531 : i32 to vector<16xi32>
          %add3A_578 = arith.addi %add3A_518, %add3A_577 : vector<16xi32>
          tpu.vector_store_idx %arg11[%add3A_578], %gather3A_547 : memref<8192xf32, #tpu.memory_space<vmem>>[vector<16xi32>], vector<16xf32>,
          %add3A_579 = vector.broadcast %mul3A_531 : i32 to vector<16xi32>
          %add3A_580 = arith.addi %add3A_522, %add3A_579 : vector<16xi32>
          tpu.vector_store_idx %arg11[%add3A_580], %gather3A_548 : memref<8192xf32, #tpu.memory_space<vmem>>[vector<16xi32>], vector<16xf32>,
        }
        %scan3A_528 = arith.constant 4 : i32
      }
      %scan3A_356 = arith.constant 8 : i32
      %mul3A_357 = arith.constant 32 : i32
      %mul3A_358 = arith.muli %mul3A_357, %add3A_329 : i32
      %add3A_359 = arith.addi %add3A, %mul3A_358 : i32
      %lt3A_360 = arith.constant 7812 : i32
      %lt3A_361 = arith.cmpi slt, %add3A_359, %lt3A_360 : i32
      %convert_element_type3A_362 = arith.extui %lt3A_361 : i1 to i32
      %cond3A_363 = arith.constant 0 : i32
      %cond3A_364 = arith.cmpi ne, %convert_element_type3A_362, %cond3A_363 : i32
      scf.if %cond3A_364 {
        %mul3A_424 = arith.constant 32 : i32
        %mul3A_425 = arith.muli %mul3A_424, %add3A_329 : i32
        %add3A_426 = arith.addi %add3A, %mul3A_425 : i32
        %mul3A_427 = arith.constant 8192 : i32
        %mul3A_428 = arith.muli %add3A_426, %mul3A_427 : i32
        %dma_start3A = tpu.memref_slice %arg4[%mul3A_428] : memref<64000000xf32, #tpu.memory_space<hbm>> -> memref<8192xf32, #tpu.memory_space<hbm>>
        %dma_start3A_429 = tpu.memref_slice %arg4[%mul3A_428] : memref<64000000xf32, #tpu.memory_space<hbm>> -> memref<8192xf32, #tpu.memory_space<hbm>>
        tpu.enqueue_dma source(%arg11 : memref<8192xf32, #tpu.memory_space<vmem>>) target(%dma_start3A_429 : memref<8192xf32, #tpu.memory_space<hbm>>) target_semaphore(%arg20 : memref<!tpu.dma_semaphore, #tpu.memory_space<semaphore_mem>>)
      } else {
      }
      %add3A_365 = arith.constant 4 : i32
      %add3A_366 = arith.addi %add3A_329, %add3A_365 : i32
      %mul3A_367 = arith.constant 32 : i32
      %mul3A_368 = arith.muli %mul3A_367, %add3A_366 : i32
      %add3A_369 = arith.addi %add3A, %mul3A_368 : i32
      %lt3A_370 = arith.constant 7812 : i32
      %lt3A_371 = arith.cmpi slt, %add3A_369, %lt3A_370 : i32
      %convert_element_type3A_372 = arith.extui %lt3A_371 : i1 to i32
      %cond3A_373 = arith.constant 0 : i32
      %cond3A_374 = arith.cmpi ne, %convert_element_type3A_372, %cond3A_373 : i32
      scf.if %cond3A_374 {
        %mul3A_424 = arith.constant 32 : i32
        %mul3A_425 = arith.muli %mul3A_424, %add3A_366 : i32
        %add3A_426 = arith.addi %add3A, %mul3A_425 : i32
        %mul3A_427 = arith.constant 128 : i32
        %mul3A_428 = arith.muli %add3A_426, %mul3A_427 : i32
        %dma_start3A = arith.constant 0 : i32
        %dma_start3A_429 = tpu.memref_slice %arg2[%dma_start3A, %mul3A_428] : memref<64x1000000xf32, #tpu.memory_space<hbm>> -> memref<64x128xf32, #tpu.memory_space<hbm>>
        %dma_start3A_430 = arith.constant 0 : i32
        %dma_start3A_431 = tpu.memref_slice %arg2[%dma_start3A_430, %mul3A_428] : memref<64x1000000xf32, #tpu.memory_space<hbm>> -> memref<64x128xf32, #tpu.memory_space<hbm>>
        tpu.enqueue_dma source(%dma_start3A_431 : memref<64x128xf32, #tpu.memory_space<hbm>>) target(%arg7 : memref<64x128xf32, #tpu.memory_space<vmem>>) target_semaphore(%arg16 : memref<!tpu.dma_semaphore, #tpu.memory_space<semaphore_mem>>)
      } else {
      }
      %mul3A_375 = arith.constant 4 : i32
      %mul3A_376 = arith.muli %scan3A_229, %mul3A_375 : i32
      %add3A_377 = arith.constant 3 : i32
      %add3A_378 = arith.addi %mul3A_376, %add3A_377 : i32
      %mul3A_379 = arith.constant 32 : i32
      %mul3A_380 = arith.muli %mul3A_379, %add3A_378 : i32
      %add3A_381 = arith.addi %add3A, %mul3A_380 : i32
      %lt3A_382 = arith.constant 7812 : i32
      %lt3A_383 = arith.cmpi slt, %add3A_381, %lt3A_382 : i32
      %convert_element_type3A_384 = arith.extui %lt3A_383 : i1 to i32
      %cond3A_385 = arith.constant 0 : i32
      %cond3A_386 = arith.cmpi ne, %convert_element_type3A_384, %cond3A_385 : i32
      scf.if %cond3A_386 {
        %mul3A_424 = arith.constant 32 : i32
        %mul3A_425 = arith.muli %mul3A_424, %add3A_378 : i32
        %add3A_426 = arith.addi %add3A, %mul3A_425 : i32
        %mul3A_427 = arith.constant 128 : i32
        %mul3A_428 = arith.muli %add3A_426, %mul3A_427 : i32
        %dma_wait3A = arith.constant 0 : i32
        %dma_wait3A_429 = tpu.memref_slice %arg2[%dma_wait3A, %mul3A_428] : memref<64x1000000xf32, #tpu.memory_space<hbm>> -> memref<64x128xf32, #tpu.memory_space<hbm>>
        %dma_wait3A_430 = arith.constant 0 : i32
        %dma_wait3A_431 = tpu.memref_slice %arg2[%dma_wait3A_430, %mul3A_428] : memref<64x1000000xf32, #tpu.memory_space<hbm>> -> memref<64x128xf32, #tpu.memory_space<hbm>>
        tpu.wait_dma2 semaphore(%arg17 : memref<!tpu.dma_semaphore, #tpu.memory_space<semaphore_mem>>) src(%dma_wait3A_431 : memref<64x128xf32, #tpu.memory_space<hbm>>) dst(%arg8 : memref<64x128xf32, #tpu.memory_space<vmem>>)
      } else {
      }
      %sub3A_387 = arith.constant 4 : i32
      %sub3A_388 = arith.subi %add3A_378, %sub3A_387 : i32
      %ge3A_389 = arith.constant 0 : i32
      %ge3A_390 = arith.cmpi sge, %sub3A_388, %ge3A_389 : i32
      %mul3A_391 = arith.constant 32 : i32
      %mul3A_392 = arith.muli %mul3A_391, %sub3A_388 : i32
      %add3A_393 = arith.addi %add3A, %mul3A_392 : i32
      %lt3A_394 = arith.constant 7812 : i32
      %lt3A_395 = arith.cmpi slt, %add3A_393, %lt3A_394 : i32
      %and3A_396 = arith.andi %ge3A_390, %lt3A_395 : i1
      %convert_element_type3A_397 = arith.extui %and3A_396 : i1 to i32
      %cond3A_398 = arith.constant 0 : i32
      %cond3A_399 = arith.cmpi ne, %convert_element_type3A_397, %cond3A_398 : i32
      scf.if %cond3A_399 {
        %mul3A_424 = arith.constant 32 : i32
        %mul3A_425 = arith.muli %mul3A_424, %sub3A_388 : i32
        %add3A_426 = arith.addi %add3A, %mul3A_425 : i32
        %mul3A_427 = arith.constant 8192 : i32
        %mul3A_428 = arith.muli %add3A_426, %mul3A_427 : i32
        %dma_wait3A = tpu.memref_slice %arg4[%mul3A_428] : memref<64000000xf32, #tpu.memory_space<hbm>> -> memref<8192xf32, #tpu.memory_space<hbm>>
        %dma_wait3A_429 = tpu.memref_slice %arg4[%mul3A_428] : memref<64000000xf32, #tpu.memory_space<hbm>> -> memref<8192xf32, #tpu.memory_space<hbm>>
        tpu.wait_dma2 semaphore(%arg21 : memref<!tpu.dma_semaphore, #tpu.memory_space<semaphore_mem>>) src(%arg12 : memref<8192xf32, #tpu.memory_space<vmem>>) dst(%dma_wait3A_429 : memref<8192xf32, #tpu.memory_space<hbm>>)
      } else {
      }
      %scan3A_400 = arith.constant 0 : i32
      %scan3A_401 = arith.constant 0 : i32
      %scan3A_402 = arith.constant 8 : i32
      %scan3A_403 = arith.addi %scan3A_401, %scan3A_402 : i32
      %scan3A_404 = arith.constant 1 : i32
      scf.for %scan3A_424 = %scan3A_401 to %scan3A_403 step %scan3A_404  : i32 {
        %mul3A_425 = arith.constant 16 : i32
        %mul3A_426 = arith.muli %scan3A_424, %mul3A_425 : i32
        %add3A_427 = vector.broadcast %mul3A_426 : i32 to vector<16xi32>
        %add3A_428 = arith.addi %rem3A_5, %add3A_427 : vector<16xi32>
        %add3A_429 = vector.broadcast %mul3A_426 : i32 to vector<16xi32>
        %add3A_430 = arith.addi %rem3A_11, %add3A_429 : vector<16xi32>
        %add3A_431 = vector.broadcast %mul3A_426 : i32 to vector<16xi32>
        %add3A_432 = arith.addi %rem3A_17, %add3A_431 : vector<16xi32>
        %add3A_433 = vector.broadcast %mul3A_426 : i32 to vector<16xi32>
        %add3A_434 = arith.addi %rem3A_23, %add3A_433 : vector<16xi32>
        %add3A_435 = vector.broadcast %mul3A_426 : i32 to vector<16xi32>
        %add3A_436 = arith.addi %rem3A_29, %add3A_435 : vector<16xi32>
        %add3A_437 = vector.broadcast %mul3A_426 : i32 to vector<16xi32>
        %add3A_438 = arith.addi %rem3A_35, %add3A_437 : vector<16xi32>
        %add3A_439 = vector.broadcast %mul3A_426 : i32 to vector<16xi32>
        %add3A_440 = arith.addi %rem3A_41, %add3A_439 : vector<16xi32>
        %add3A_441 = vector.broadcast %mul3A_426 : i32 to vector<16xi32>
        %add3A_442 = arith.addi %rem3A_47, %add3A_441 : vector<16xi32>
        %add3A_443 = vector.broadcast %mul3A_426 : i32 to vector<16xi32>
        %add3A_444 = arith.addi %rem3A_53, %add3A_443 : vector<16xi32>
        %add3A_445 = vector.broadcast %mul3A_426 : i32 to vector<16xi32>
        %add3A_446 = arith.addi %rem3A_59, %add3A_445 : vector<16xi32>
        %add3A_447 = vector.broadcast %mul3A_426 : i32 to vector<16xi32>
        %add3A_448 = arith.addi %rem3A_65, %add3A_447 : vector<16xi32>
        %add3A_449 = vector.broadcast %mul3A_426 : i32 to vector<16xi32>
        %add3A_450 = arith.addi %rem3A_71, %add3A_449 : vector<16xi32>
        %add3A_451 = vector.broadcast %mul3A_426 : i32 to vector<16xi32>
        %add3A_452 = arith.addi %rem3A_77, %add3A_451 : vector<16xi32>
        %add3A_453 = vector.broadcast %mul3A_426 : i32 to vector<16xi32>
        %add3A_454 = arith.addi %rem3A_83, %add3A_453 : vector<16xi32>
        %add3A_455 = vector.broadcast %mul3A_426 : i32 to vector<16xi32>
        %add3A_456 = arith.addi %rem3A_89, %add3A_455 : vector<16xi32>
        %add3A_457 = vector.broadcast %mul3A_426 : i32 to vector<16xi32>
        %add3A_458 = arith.addi %rem3A_95, %add3A_457 : vector<16xi32>
        %mul3A_459 = arith.constant 64 : i32
        %mul3A_460 = arith.muli %mul3A_426, %mul3A_459 : i32
        %add3A_461 = vector.broadcast %mul3A_460 : i32 to vector<16xi32>
        %add3A_462 = arith.addi %add3A_99, %add3A_461 : vector<16xi32>
        %mul3A_463 = arith.constant 64 : i32
        %mul3A_464 = arith.muli %mul3A_426, %mul3A_463 : i32
        %add3A_465 = vector.broadcast %mul3A_464 : i32 to vector<16xi32>
        %add3A_466 = arith.addi %add3A_103, %add3A_465 : vector<16xi32>
        %mul3A_467 = arith.constant 64 : i32
        %mul3A_468 = arith.muli %mul3A_426, %mul3A_467 : i32
        %add3A_469 = vector.broadcast %mul3A_468 : i32 to vector<16xi32>
        %add3A_470 = arith.addi %add3A_107, %add3A_469 : vector<16xi32>
        %mul3A_471 = arith.constant 64 : i32
        %mul3A_472 = arith.muli %mul3A_426, %mul3A_471 : i32
        %add3A_473 = vector.broadcast %mul3A_472 : i32 to vector<16xi32>
        %add3A_474 = arith.addi %add3A_111, %add3A_473 : vector<16xi32>
        %mul3A_475 = arith.constant 64 : i32
        %mul3A_476 = arith.muli %mul3A_426, %mul3A_475 : i32
        %add3A_477 = vector.broadcast %mul3A_476 : i32 to vector<16xi32>
        %add3A_478 = arith.addi %add3A_115, %add3A_477 : vector<16xi32>
        %mul3A_479 = arith.constant 64 : i32
        %mul3A_480 = arith.muli %mul3A_426, %mul3A_479 : i32
        %add3A_481 = vector.broadcast %mul3A_480 : i32 to vector<16xi32>
        %add3A_482 = arith.addi %add3A_119, %add3A_481 : vector<16xi32>
        %mul3A_483 = arith.constant 64 : i32
        %mul3A_484 = arith.muli %mul3A_426, %mul3A_483 : i32
        %add3A_485 = vector.broadcast %mul3A_484 : i32 to vector<16xi32>
        %add3A_486 = arith.addi %add3A_123, %add3A_485 : vector<16xi32>
        %mul3A_487 = arith.constant 64 : i32
        %mul3A_488 = arith.muli %mul3A_426, %mul3A_487 : i32
        %add3A_489 = vector.broadcast %mul3A_488 : i32 to vector<16xi32>
        %add3A_490 = arith.addi %add3A_127, %add3A_489 : vector<16xi32>
        %mul3A_491 = arith.constant 64 : i32
        %mul3A_492 = arith.muli %mul3A_426, %mul3A_491 : i32
        %add3A_493 = vector.broadcast %mul3A_492 : i32 to vector<16xi32>
        %add3A_494 = arith.addi %add3A_131, %add3A_493 : vector<16xi32>
        %mul3A_495 = arith.constant 64 : i32
        %mul3A_496 = arith.muli %mul3A_426, %mul3A_495 : i32
        %add3A_497 = vector.broadcast %mul3A_496 : i32 to vector<16xi32>
        %add3A_498 = arith.addi %add3A_135, %add3A_497 : vector<16xi32>
        %mul3A_499 = arith.constant 64 : i32
        %mul3A_500 = arith.muli %mul3A_426, %mul3A_499 : i32
        %add3A_501 = vector.broadcast %mul3A_500 : i32 to vector<16xi32>
        %add3A_502 = arith.addi %add3A_139, %add3A_501 : vector<16xi32>
        %mul3A_503 = arith.constant 64 : i32
        %mul3A_504 = arith.muli %mul3A_426, %mul3A_503 : i32
        %add3A_505 = vector.broadcast %mul3A_504 : i32 to vector<16xi32>
        %add3A_506 = arith.addi %add3A_143, %add3A_505 : vector<16xi32>
        %mul3A_507 = arith.constant 64 : i32
        %mul3A_508 = arith.muli %mul3A_426, %mul3A_507 : i32
        %add3A_509 = vector.broadcast %mul3A_508 : i32 to vector<16xi32>
        %add3A_510 = arith.addi %add3A_147, %add3A_509 : vector<16xi32>
        %mul3A_511 = arith.constant 64 : i32
        %mul3A_512 = arith.muli %mul3A_426, %mul3A_511 : i32
        %add3A_513 = vector.broadcast %mul3A_512 : i32 to vector<16xi32>
        %add3A_514 = arith.addi %add3A_151, %add3A_513 : vector<16xi32>
        %mul3A_515 = arith.constant 64 : i32
        %mul3A_516 = arith.muli %mul3A_426, %mul3A_515 : i32
        %add3A_517 = vector.broadcast %mul3A_516 : i32 to vector<16xi32>
        %add3A_518 = arith.addi %add3A_155, %add3A_517 : vector<16xi32>
        %mul3A_519 = arith.constant 64 : i32
        %mul3A_520 = arith.muli %mul3A_426, %mul3A_519 : i32
        %add3A_521 = vector.broadcast %mul3A_520 : i32 to vector<16xi32>
        %add3A_522 = arith.addi %add3A_159, %add3A_521 : vector<16xi32>
        %scan3A_523 = arith.constant 0 : i32
        %scan3A_524 = arith.constant 0 : i32
        %scan3A_525 = arith.constant 4 : i32
        %scan3A_526 = arith.addi %scan3A_524, %scan3A_525 : i32
        %scan3A_527 = arith.constant 1 : i32
        scf.for %scan3A_529 = %scan3A_524 to %scan3A_526 step %scan3A_527  : i32 {
          %mul3A_530 = arith.constant 16 : i32
          %mul3A_531 = arith.muli %scan3A_529, %mul3A_530 : i32
          %add3A_532 = vector.broadcast %mul3A_531 : i32 to vector<16xi32>
          %add3A_533 = arith.addi %iota3A, %add3A_532 : vector<16xi32>
          %gather3A = tpu.vector_load_idx %arg8[%add3A_533, %add3A_428] : memref<64x128xf32, #tpu.memory_space<vmem>>[vector<16xi32>, vector<16xi32>], vector<16xf32>,
          %gather3A_534 = tpu.vector_load_idx %arg8[%add3A_533, %add3A_430] : memref<64x128xf32, #tpu.memory_space<vmem>>[vector<16xi32>, vector<16xi32>], vector<16xf32>,
          %gather3A_535 = tpu.vector_load_idx %arg8[%add3A_533, %add3A_432] : memref<64x128xf32, #tpu.memory_space<vmem>>[vector<16xi32>, vector<16xi32>], vector<16xf32>,
          %gather3A_536 = tpu.vector_load_idx %arg8[%add3A_533, %add3A_434] : memref<64x128xf32, #tpu.memory_space<vmem>>[vector<16xi32>, vector<16xi32>], vector<16xf32>,
          %gather3A_537 = tpu.vector_load_idx %arg8[%add3A_533, %add3A_436] : memref<64x128xf32, #tpu.memory_space<vmem>>[vector<16xi32>, vector<16xi32>], vector<16xf32>,
          %gather3A_538 = tpu.vector_load_idx %arg8[%add3A_533, %add3A_438] : memref<64x128xf32, #tpu.memory_space<vmem>>[vector<16xi32>, vector<16xi32>], vector<16xf32>,
          %gather3A_539 = tpu.vector_load_idx %arg8[%add3A_533, %add3A_440] : memref<64x128xf32, #tpu.memory_space<vmem>>[vector<16xi32>, vector<16xi32>], vector<16xf32>,
          %gather3A_540 = tpu.vector_load_idx %arg8[%add3A_533, %add3A_442] : memref<64x128xf32, #tpu.memory_space<vmem>>[vector<16xi32>, vector<16xi32>], vector<16xf32>,
          %gather3A_541 = tpu.vector_load_idx %arg8[%add3A_533, %add3A_444] : memref<64x128xf32, #tpu.memory_space<vmem>>[vector<16xi32>, vector<16xi32>], vector<16xf32>,
          %gather3A_542 = tpu.vector_load_idx %arg8[%add3A_533, %add3A_446] : memref<64x128xf32, #tpu.memory_space<vmem>>[vector<16xi32>, vector<16xi32>], vector<16xf32>,
          %gather3A_543 = tpu.vector_load_idx %arg8[%add3A_533, %add3A_448] : memref<64x128xf32, #tpu.memory_space<vmem>>[vector<16xi32>, vector<16xi32>], vector<16xf32>,
          %gather3A_544 = tpu.vector_load_idx %arg8[%add3A_533, %add3A_450] : memref<64x128xf32, #tpu.memory_space<vmem>>[vector<16xi32>, vector<16xi32>], vector<16xf32>,
          %gather3A_545 = tpu.vector_load_idx %arg8[%add3A_533, %add3A_452] : memref<64x128xf32, #tpu.memory_space<vmem>>[vector<16xi32>, vector<16xi32>], vector<16xf32>,
          %gather3A_546 = tpu.vector_load_idx %arg8[%add3A_533, %add3A_454] : memref<64x128xf32, #tpu.memory_space<vmem>>[vector<16xi32>, vector<16xi32>], vector<16xf32>,
          %gather3A_547 = tpu.vector_load_idx %arg8[%add3A_533, %add3A_456] : memref<64x128xf32, #tpu.memory_space<vmem>>[vector<16xi32>, vector<16xi32>], vector<16xf32>,
          %gather3A_548 = tpu.vector_load_idx %arg8[%add3A_533, %add3A_458] : memref<64x128xf32, #tpu.memory_space<vmem>>[vector<16xi32>, vector<16xi32>], vector<16xf32>,
          %add3A_549 = vector.broadcast %mul3A_531 : i32 to vector<16xi32>
          %add3A_550 = arith.addi %add3A_462, %add3A_549 : vector<16xi32>
          tpu.vector_store_idx %arg12[%add3A_550], %gather3A : memref<8192xf32, #tpu.memory_space<vmem>>[vector<16xi32>], vector<16xf32>,
          %add3A_551 = vector.broadcast %mul3A_531 : i32 to vector<16xi32>
          %add3A_552 = arith.addi %add3A_466, %add3A_551 : vector<16xi32>
          tpu.vector_store_idx %arg12[%add3A_552], %gather3A_534 : memref<8192xf32, #tpu.memory_space<vmem>>[vector<16xi32>], vector<16xf32>,
          %add3A_553 = vector.broadcast %mul3A_531 : i32 to vector<16xi32>
          %add3A_554 = arith.addi %add3A_470, %add3A_553 : vector<16xi32>
          tpu.vector_store_idx %arg12[%add3A_554], %gather3A_535 : memref<8192xf32, #tpu.memory_space<vmem>>[vector<16xi32>], vector<16xf32>,
          %add3A_555 = vector.broadcast %mul3A_531 : i32 to vector<16xi32>
          %add3A_556 = arith.addi %add3A_474, %add3A_555 : vector<16xi32>
          tpu.vector_store_idx %arg12[%add3A_556], %gather3A_536 : memref<8192xf32, #tpu.memory_space<vmem>>[vector<16xi32>], vector<16xf32>,
          %add3A_557 = vector.broadcast %mul3A_531 : i32 to vector<16xi32>
          %add3A_558 = arith.addi %add3A_478, %add3A_557 : vector<16xi32>
          tpu.vector_store_idx %arg12[%add3A_558], %gather3A_537 : memref<8192xf32, #tpu.memory_space<vmem>>[vector<16xi32>], vector<16xf32>,
          %add3A_559 = vector.broadcast %mul3A_531 : i32 to vector<16xi32>
          %add3A_560 = arith.addi %add3A_482, %add3A_559 : vector<16xi32>
          tpu.vector_store_idx %arg12[%add3A_560], %gather3A_538 : memref<8192xf32, #tpu.memory_space<vmem>>[vector<16xi32>], vector<16xf32>,
          %add3A_561 = vector.broadcast %mul3A_531 : i32 to vector<16xi32>
          %add3A_562 = arith.addi %add3A_486, %add3A_561 : vector<16xi32>
          tpu.vector_store_idx %arg12[%add3A_562], %gather3A_539 : memref<8192xf32, #tpu.memory_space<vmem>>[vector<16xi32>], vector<16xf32>,
          %add3A_563 = vector.broadcast %mul3A_531 : i32 to vector<16xi32>
          %add3A_564 = arith.addi %add3A_490, %add3A_563 : vector<16xi32>
          tpu.vector_store_idx %arg12[%add3A_564], %gather3A_540 : memref<8192xf32, #tpu.memory_space<vmem>>[vector<16xi32>], vector<16xf32>,
          %add3A_565 = vector.broadcast %mul3A_531 : i32 to vector<16xi32>
          %add3A_566 = arith.addi %add3A_494, %add3A_565 : vector<16xi32>
          tpu.vector_store_idx %arg12[%add3A_566], %gather3A_541 : memref<8192xf32, #tpu.memory_space<vmem>>[vector<16xi32>], vector<16xf32>,
          %add3A_567 = vector.broadcast %mul3A_531 : i32 to vector<16xi32>
          %add3A_568 = arith.addi %add3A_498, %add3A_567 : vector<16xi32>
          tpu.vector_store_idx %arg12[%add3A_568], %gather3A_542 : memref<8192xf32, #tpu.memory_space<vmem>>[vector<16xi32>], vector<16xf32>,
          %add3A_569 = vector.broadcast %mul3A_531 : i32 to vector<16xi32>
          %add3A_570 = arith.addi %add3A_502, %add3A_569 : vector<16xi32>
          tpu.vector_store_idx %arg12[%add3A_570], %gather3A_543 : memref<8192xf32, #tpu.memory_space<vmem>>[vector<16xi32>], vector<16xf32>,
          %add3A_571 = vector.broadcast %mul3A_531 : i32 to vector<16xi32>
          %add3A_572 = arith.addi %add3A_506, %add3A_571 : vector<16xi32>
          tpu.vector_store_idx %arg12[%add3A_572], %gather3A_544 : memref<8192xf32, #tpu.memory_space<vmem>>[vector<16xi32>], vector<16xf32>,
          %add3A_573 = vector.broadcast %mul3A_531 : i32 to vector<16xi32>
          %add3A_574 = arith.addi %add3A_510, %add3A_573 : vector<16xi32>
          tpu.vector_store_idx %arg12[%add3A_574], %gather3A_545 : memref<8192xf32, #tpu.memory_space<vmem>>[vector<16xi32>], vector<16xf32>,
          %add3A_575 = vector.broadcast %mul3A_531 : i32 to vector<16xi32>
          %add3A_576 = arith.addi %add3A_514, %add3A_575 : vector<16xi32>
          tpu.vector_store_idx %arg12[%add3A_576], %gather3A_546 : memref<8192xf32, #tpu.memory_space<vmem>>[vector<16xi32>], vector<16xf32>,
          %add3A_577 = vector.broadcast %mul3A_531 : i32 to vector<16xi32>
          %add3A_578 = arith.addi %add3A_518, %add3A_577 : vector<16xi32>
          tpu.vector_store_idx %arg12[%add3A_578], %gather3A_547 : memref<8192xf32, #tpu.memory_space<vmem>>[vector<16xi32>], vector<16xf32>,
          %add3A_579 = vector.broadcast %mul3A_531 : i32 to vector<16xi32>
          %add3A_580 = arith.addi %add3A_522, %add3A_579 : vector<16xi32>
          tpu.vector_store_idx %arg12[%add3A_580], %gather3A_548 : memref<8192xf32, #tpu.memory_space<vmem>>[vector<16xi32>], vector<16xf32>,
        }
        %scan3A_528 = arith.constant 4 : i32
      }
      %scan3A_405 = arith.constant 8 : i32
      %mul3A_406 = arith.constant 32 : i32
      %mul3A_407 = arith.muli %mul3A_406, %add3A_378 : i32
      %add3A_408 = arith.addi %add3A, %mul3A_407 : i32
      %lt3A_409 = arith.constant 7812 : i32
      %lt3A_410 = arith.cmpi slt, %add3A_408, %lt3A_409 : i32
      %convert_element_type3A_411 = arith.extui %lt3A_410 : i1 to i32
      %cond3A_412 = arith.constant 0 : i32
      %cond3A_413 = arith.cmpi ne, %convert_element_type3A_411, %cond3A_412 : i32
      scf.if %cond3A_413 {
        %mul3A_424 = arith.constant 32 : i32
        %mul3A_425 = arith.muli %mul3A_424, %add3A_378 : i32
        %add3A_426 = arith.addi %add3A, %mul3A_425 : i32
        %mul3A_427 = arith.constant 8192 : i32
        %mul3A_428 = arith.muli %add3A_426, %mul3A_427 : i32
        %dma_start3A = tpu.memref_slice %arg4[%mul3A_428] : memref<64000000xf32, #tpu.memory_space<hbm>> -> memref<8192xf32, #tpu.memory_space<hbm>>
        %dma_start3A_429 = tpu.memref_slice %arg4[%mul3A_428] : memref<64000000xf32, #tpu.memory_space<hbm>> -> memref<8192xf32, #tpu.memory_space<hbm>>
        tpu.enqueue_dma source(%arg12 : memref<8192xf32, #tpu.memory_space<vmem>>) target(%dma_start3A_429 : memref<8192xf32, #tpu.memory_space<hbm>>) target_semaphore(%arg21 : memref<!tpu.dma_semaphore, #tpu.memory_space<semaphore_mem>>)
      } else {
      }
      %add3A_414 = arith.constant 4 : i32
      %add3A_415 = arith.addi %add3A_378, %add3A_414 : i32
      %mul3A_416 = arith.constant 32 : i32
      %mul3A_417 = arith.muli %mul3A_416, %add3A_415 : i32
      %add3A_418 = arith.addi %add3A, %mul3A_417 : i32
      %lt3A_419 = arith.constant 7812 : i32
      %lt3A_420 = arith.cmpi slt, %add3A_418, %lt3A_419 : i32
      %convert_element_type3A_421 = arith.extui %lt3A_420 : i1 to i32
      %cond3A_422 = arith.constant 0 : i32
      %cond3A_423 = arith.cmpi ne, %convert_element_type3A_421, %cond3A_422 : i32
      scf.if %cond3A_423 {
        %mul3A_424 = arith.constant 32 : i32
        %mul3A_425 = arith.muli %mul3A_424, %add3A_415 : i32
        %add3A_426 = arith.addi %add3A, %mul3A_425 : i32
        %mul3A_427 = arith.constant 128 : i32
        %mul3A_428 = arith.muli %add3A_426, %mul3A_427 : i32
        %dma_start3A = arith.constant 0 : i32
        %dma_start3A_429 = tpu.memref_slice %arg2[%dma_start3A, %mul3A_428] : memref<64x1000000xf32, #tpu.memory_space<hbm>> -> memref<64x128xf32, #tpu.memory_space<hbm>>
        %dma_start3A_430 = arith.constant 0 : i32
        %dma_start3A_431 = tpu.memref_slice %arg2[%dma_start3A_430, %mul3A_428] : memref<64x1000000xf32, #tpu.memory_space<hbm>> -> memref<64x128xf32, #tpu.memory_space<hbm>>
        tpu.enqueue_dma source(%dma_start3A_431 : memref<64x128xf32, #tpu.memory_space<hbm>>) target(%arg8 : memref<64x128xf32, #tpu.memory_space<vmem>>) target_semaphore(%arg17 : memref<!tpu.dma_semaphore, #tpu.memory_space<semaphore_mem>>)
      } else {
      }
    }
    %scan3A_189 = arith.constant 62 : i32
    %add3A_190 = arith.constant 7808 : i32
    %add3A_191 = arith.addi %add3A, %add3A_190 : i32
    %lt3A_192 = arith.constant 7812 : i32
    %lt3A_193 = arith.cmpi slt, %add3A_191, %lt3A_192 : i32
    %and3A = arith.constant true
    %and3A_194 = arith.andi %and3A, %lt3A_193 : i1
    %convert_element_type3A_195 = arith.extui %and3A_194 : i1 to i32
    %cond3A_196 = arith.constant 0 : i32
    %cond3A_197 = arith.cmpi ne, %convert_element_type3A_195, %cond3A_196 : i32
    scf.if %cond3A_197 {
      %add3A_229 = arith.constant 7808 : i32
      %add3A_230 = arith.addi %add3A, %add3A_229 : i32
      %mul3A_231 = arith.constant 8192 : i32
      %mul3A_232 = arith.muli %add3A_230, %mul3A_231 : i32
      %dma_wait3A = tpu.memref_slice %arg4[%mul3A_232] : memref<64000000xf32, #tpu.memory_space<hbm>> -> memref<8192xf32, #tpu.memory_space<hbm>>
      %dma_wait3A_233 = tpu.memref_slice %arg4[%mul3A_232] : memref<64000000xf32, #tpu.memory_space<hbm>> -> memref<8192xf32, #tpu.memory_space<hbm>>
      tpu.wait_dma2 semaphore(%arg18 : memref<!tpu.dma_semaphore, #tpu.memory_space<semaphore_mem>>) src(%arg9 : memref<8192xf32, #tpu.memory_space<vmem>>) dst(%dma_wait3A_233 : memref<8192xf32, #tpu.memory_space<hbm>>)
    } else {
    }
    %add3A_198 = arith.constant 7840 : i32
    %add3A_199 = arith.addi %add3A, %add3A_198 : i32
    %lt3A_200 = arith.constant 7812 : i32
    %lt3A_201 = arith.cmpi slt, %add3A_199, %lt3A_200 : i32
    %and3A_202 = arith.constant true
    %and3A_203 = arith.andi %and3A_202, %lt3A_201 : i1
    %convert_element_type3A_204 = arith.extui %and3A_203 : i1 to i32
    %cond3A_205 = arith.constant 0 : i32
    %cond3A_206 = arith.cmpi ne, %convert_element_type3A_204, %cond3A_205 : i32
    scf.if %cond3A_206 {
      %add3A_229 = arith.constant 7840 : i32
      %add3A_230 = arith.addi %add3A, %add3A_229 : i32
      %mul3A_231 = arith.constant 8192 : i32
      %mul3A_232 = arith.muli %add3A_230, %mul3A_231 : i32
      %dma_wait3A = tpu.memref_slice %arg4[%mul3A_232] : memref<64000000xf32, #tpu.memory_space<hbm>> -> memref<8192xf32, #tpu.memory_space<hbm>>
      %dma_wait3A_233 = tpu.memref_slice %arg4[%mul3A_232] : memref<64000000xf32, #tpu.memory_space<hbm>> -> memref<8192xf32, #tpu.memory_space<hbm>>
      tpu.wait_dma2 semaphore(%arg19 : memref<!tpu.dma_semaphore, #tpu.memory_space<semaphore_mem>>) src(%arg10 : memref<8192xf32, #tpu.memory_space<vmem>>) dst(%dma_wait3A_233 : memref<8192xf32, #tpu.memory_space<hbm>>)
    } else {
    }
    %add3A_207 = arith.constant 7872 : i32
    %add3A_208 = arith.addi %add3A, %add3A_207 : i32
    %lt3A_209 = arith.constant 7812 : i32
    %lt3A_210 = arith.cmpi slt, %add3A_208, %lt3A_209 : i32
    %and3A_211 = arith.constant true
    %and3A_212 = arith.andi %and3A_211, %lt3A_210 : i1
    %convert_element_type3A_213 = arith.extui %and3A_212 : i1 to i32
    %cond3A_214 = arith.constant 0 : i32
    %cond3A_215 = arith.cmpi ne, %convert_element_type3A_213, %cond3A_214 : i32
    scf.if %cond3A_215 {
      %add3A_229 = arith.constant 7872 : i32
      %add3A_230 = arith.addi %add3A, %add3A_229 : i32
      %mul3A_231 = arith.constant 8192 : i32
      %mul3A_232 = arith.muli %add3A_230, %mul3A_231 : i32
      %dma_wait3A = tpu.memref_slice %arg4[%mul3A_232] : memref<64000000xf32, #tpu.memory_space<hbm>> -> memref<8192xf32, #tpu.memory_space<hbm>>
      %dma_wait3A_233 = tpu.memref_slice %arg4[%mul3A_232] : memref<64000000xf32, #tpu.memory_space<hbm>> -> memref<8192xf32, #tpu.memory_space<hbm>>
      tpu.wait_dma2 semaphore(%arg20 : memref<!tpu.dma_semaphore, #tpu.memory_space<semaphore_mem>>) src(%arg11 : memref<8192xf32, #tpu.memory_space<vmem>>) dst(%dma_wait3A_233 : memref<8192xf32, #tpu.memory_space<hbm>>)
    } else {
    }
    %add3A_216 = arith.constant 7904 : i32
    %add3A_217 = arith.addi %add3A, %add3A_216 : i32
    %lt3A_218 = arith.constant 7812 : i32
    %lt3A_219 = arith.cmpi slt, %add3A_217, %lt3A_218 : i32
    %and3A_220 = arith.constant true
    %and3A_221 = arith.andi %and3A_220, %lt3A_219 : i1
    %convert_element_type3A_222 = arith.extui %and3A_221 : i1 to i32
    %cond3A_223 = arith.constant 0 : i32
    %cond3A_224 = arith.cmpi ne, %convert_element_type3A_222, %cond3A_223 : i32
    scf.if %cond3A_224 {
      %add3A_229 = arith.constant 7904 : i32
      %add3A_230 = arith.addi %add3A, %add3A_229 : i32
      %mul3A_231 = arith.constant 8192 : i32
      %mul3A_232 = arith.muli %add3A_230, %mul3A_231 : i32
      %dma_wait3A = tpu.memref_slice %arg4[%mul3A_232] : memref<64000000xf32, #tpu.memory_space<hbm>> -> memref<8192xf32, #tpu.memory_space<hbm>>
      %dma_wait3A_233 = tpu.memref_slice %arg4[%mul3A_232] : memref<64000000xf32, #tpu.memory_space<hbm>> -> memref<8192xf32, #tpu.memory_space<hbm>>
      tpu.wait_dma2 semaphore(%arg21 : memref<!tpu.dma_semaphore, #tpu.memory_space<semaphore_mem>>) src(%arg12 : memref<8192xf32, #tpu.memory_space<vmem>>) dst(%dma_wait3A_233 : memref<8192xf32, #tpu.memory_space<hbm>>)
    } else {
    }
    %eq3A = arith.constant 0 : i32
    %eq3A_225 = arith.cmpi eq, %add3A, %eq3A : i32
    %convert_element_type3A_226 = arith.extui %eq3A_225 : i1 to i32
    %cond3A_227 = arith.constant 0 : i32
    %cond3A_228 = arith.cmpi ne, %convert_element_type3A_226, %cond3A_227 : i32
    scf.if %cond3A_228 {
      "tpu.region"() ({
        %run_scoped3A = tpu.sem_alloc : memref<!tpu.dma_semaphore, #tpu.memory_space<semaphore_mem>>
        tpu.enqueue_dma source(%arg3 : memref<64x128xf32, #tpu.memory_space<hbm>>) target(%arg13 : memref<64x128xf32, #tpu.memory_space<vmem>>) target_semaphore(%run_scoped3A : memref<!tpu.dma_semaphore, #tpu.memory_space<semaphore_mem>>)
        tpu.wait_dma2 semaphore(%run_scoped3A : memref<!tpu.dma_semaphore, #tpu.memory_space<semaphore_mem>>) src(%arg3 : memref<64x128xf32, #tpu.memory_space<hbm>>) dst(%arg13 : memref<64x128xf32, #tpu.memory_space<vmem>>)
        tpu.yield
      }) : () -> ()
      %scan3A_229 = arith.constant 0 : i32
      %scan3A_230 = arith.constant 0 : i32
      %scan3A_231 = arith.constant 8 : i32
      %scan3A_232 = arith.addi %scan3A_230, %scan3A_231 : i32
      %scan3A_233 = arith.constant 1 : i32
      scf.for %scan3A_235 = %scan3A_230 to %scan3A_232 step %scan3A_233  : i32 {
        %mul3A_236 = arith.constant 16 : i32
        %mul3A_237 = arith.muli %scan3A_235, %mul3A_236 : i32
        %add3A_238 = vector.broadcast %mul3A_237 : i32 to vector<16xi32>
        %add3A_239 = arith.addi %rem3A_5, %add3A_238 : vector<16xi32>
        %add3A_240 = vector.broadcast %mul3A_237 : i32 to vector<16xi32>
        %add3A_241 = arith.addi %rem3A_11, %add3A_240 : vector<16xi32>
        %add3A_242 = vector.broadcast %mul3A_237 : i32 to vector<16xi32>
        %add3A_243 = arith.addi %rem3A_17, %add3A_242 : vector<16xi32>
        %add3A_244 = vector.broadcast %mul3A_237 : i32 to vector<16xi32>
        %add3A_245 = arith.addi %rem3A_23, %add3A_244 : vector<16xi32>
        %add3A_246 = vector.broadcast %mul3A_237 : i32 to vector<16xi32>
        %add3A_247 = arith.addi %rem3A_29, %add3A_246 : vector<16xi32>
        %add3A_248 = vector.broadcast %mul3A_237 : i32 to vector<16xi32>
        %add3A_249 = arith.addi %rem3A_35, %add3A_248 : vector<16xi32>
        %add3A_250 = vector.broadcast %mul3A_237 : i32 to vector<16xi32>
        %add3A_251 = arith.addi %rem3A_41, %add3A_250 : vector<16xi32>
        %add3A_252 = vector.broadcast %mul3A_237 : i32 to vector<16xi32>
        %add3A_253 = arith.addi %rem3A_47, %add3A_252 : vector<16xi32>
        %add3A_254 = vector.broadcast %mul3A_237 : i32 to vector<16xi32>
        %add3A_255 = arith.addi %rem3A_53, %add3A_254 : vector<16xi32>
        %add3A_256 = vector.broadcast %mul3A_237 : i32 to vector<16xi32>
        %add3A_257 = arith.addi %rem3A_59, %add3A_256 : vector<16xi32>
        %add3A_258 = vector.broadcast %mul3A_237 : i32 to vector<16xi32>
        %add3A_259 = arith.addi %rem3A_65, %add3A_258 : vector<16xi32>
        %add3A_260 = vector.broadcast %mul3A_237 : i32 to vector<16xi32>
        %add3A_261 = arith.addi %rem3A_71, %add3A_260 : vector<16xi32>
        %add3A_262 = vector.broadcast %mul3A_237 : i32 to vector<16xi32>
        %add3A_263 = arith.addi %rem3A_77, %add3A_262 : vector<16xi32>
        %add3A_264 = vector.broadcast %mul3A_237 : i32 to vector<16xi32>
        %add3A_265 = arith.addi %rem3A_83, %add3A_264 : vector<16xi32>
        %add3A_266 = vector.broadcast %mul3A_237 : i32 to vector<16xi32>
        %add3A_267 = arith.addi %rem3A_89, %add3A_266 : vector<16xi32>
        %add3A_268 = vector.broadcast %mul3A_237 : i32 to vector<16xi32>
        %add3A_269 = arith.addi %rem3A_95, %add3A_268 : vector<16xi32>
        %mul3A_270 = arith.constant 64 : i32
        %mul3A_271 = arith.muli %mul3A_237, %mul3A_270 : i32
        %add3A_272 = vector.broadcast %mul3A_271 : i32 to vector<16xi32>
        %add3A_273 = arith.addi %add3A_99, %add3A_272 : vector<16xi32>
        %mul3A_274 = arith.constant 64 : i32
        %mul3A_275 = arith.muli %mul3A_237, %mul3A_274 : i32
        %add3A_276 = vector.broadcast %mul3A_275 : i32 to vector<16xi32>
        %add3A_277 = arith.addi %add3A_103, %add3A_276 : vector<16xi32>
        %mul3A_278 = arith.constant 64 : i32
        %mul3A_279 = arith.muli %mul3A_237, %mul3A_278 : i32
        %add3A_280 = vector.broadcast %mul3A_279 : i32 to vector<16xi32>
        %add3A_281 = arith.addi %add3A_107, %add3A_280 : vector<16xi32>
        %mul3A_282 = arith.constant 64 : i32
        %mul3A_283 = arith.muli %mul3A_237, %mul3A_282 : i32
        %add3A_284 = vector.broadcast %mul3A_283 : i32 to vector<16xi32>
        %add3A_285 = arith.addi %add3A_111, %add3A_284 : vector<16xi32>
        %mul3A_286 = arith.constant 64 : i32
        %mul3A_287 = arith.muli %mul3A_237, %mul3A_286 : i32
        %add3A_288 = vector.broadcast %mul3A_287 : i32 to vector<16xi32>
        %add3A_289 = arith.addi %add3A_115, %add3A_288 : vector<16xi32>
        %mul3A_290 = arith.constant 64 : i32
        %mul3A_291 = arith.muli %mul3A_237, %mul3A_290 : i32
        %add3A_292 = vector.broadcast %mul3A_291 : i32 to vector<16xi32>
        %add3A_293 = arith.addi %add3A_119, %add3A_292 : vector<16xi32>
        %mul3A_294 = arith.constant 64 : i32
        %mul3A_295 = arith.muli %mul3A_237, %mul3A_294 : i32
        %add3A_296 = vector.broadcast %mul3A_295 : i32 to vector<16xi32>
        %add3A_297 = arith.addi %add3A_123, %add3A_296 : vector<16xi32>
        %mul3A_298 = arith.constant 64 : i32
        %mul3A_299 = arith.muli %mul3A_237, %mul3A_298 : i32
        %add3A_300 = vector.broadcast %mul3A_299 : i32 to vector<16xi32>
        %add3A_301 = arith.addi %add3A_127, %add3A_300 : vector<16xi32>
        %mul3A_302 = arith.constant 64 : i32
        %mul3A_303 = arith.muli %mul3A_237, %mul3A_302 : i32
        %add3A_304 = vector.broadcast %mul3A_303 : i32 to vector<16xi32>
        %add3A_305 = arith.addi %add3A_131, %add3A_304 : vector<16xi32>
        %mul3A_306 = arith.constant 64 : i32
        %mul3A_307 = arith.muli %mul3A_237, %mul3A_306 : i32
        %add3A_308 = vector.broadcast %mul3A_307 : i32 to vector<16xi32>
        %add3A_309 = arith.addi %add3A_135, %add3A_308 : vector<16xi32>
        %mul3A_310 = arith.constant 64 : i32
        %mul3A_311 = arith.muli %mul3A_237, %mul3A_310 : i32
        %add3A_312 = vector.broadcast %mul3A_311 : i32 to vector<16xi32>
        %add3A_313 = arith.addi %add3A_139, %add3A_312 : vector<16xi32>
        %mul3A_314 = arith.constant 64 : i32
        %mul3A_315 = arith.muli %mul3A_237, %mul3A_314 : i32
        %add3A_316 = vector.broadcast %mul3A_315 : i32 to vector<16xi32>
        %add3A_317 = arith.addi %add3A_143, %add3A_316 : vector<16xi32>
        %mul3A_318 = arith.constant 64 : i32
        %mul3A_319 = arith.muli %mul3A_237, %mul3A_318 : i32
        %add3A_320 = vector.broadcast %mul3A_319 : i32 to vector<16xi32>
        %add3A_321 = arith.addi %add3A_147, %add3A_320 : vector<16xi32>
        %mul3A_322 = arith.constant 64 : i32
        %mul3A_323 = arith.muli %mul3A_237, %mul3A_322 : i32
        %add3A_324 = vector.broadcast %mul3A_323 : i32 to vector<16xi32>
        %add3A_325 = arith.addi %add3A_151, %add3A_324 : vector<16xi32>
        %mul3A_326 = arith.constant 64 : i32
        %mul3A_327 = arith.muli %mul3A_237, %mul3A_326 : i32
        %add3A_328 = vector.broadcast %mul3A_327 : i32 to vector<16xi32>
        %add3A_329 = arith.addi %add3A_155, %add3A_328 : vector<16xi32>
        %mul3A_330 = arith.constant 64 : i32
        %mul3A_331 = arith.muli %mul3A_237, %mul3A_330 : i32
        %add3A_332 = vector.broadcast %mul3A_331 : i32 to vector<16xi32>
        %add3A_333 = arith.addi %add3A_159, %add3A_332 : vector<16xi32>
        %scan3A_334 = arith.constant 0 : i32
        %scan3A_335 = arith.constant 0 : i32
        %scan3A_336 = arith.constant 4 : i32
        %scan3A_337 = arith.addi %scan3A_335, %scan3A_336 : i32
        %scan3A_338 = arith.constant 1 : i32
        scf.for %scan3A_340 = %scan3A_335 to %scan3A_337 step %scan3A_338  : i32 {
          %mul3A_341 = arith.constant 16 : i32
          %mul3A_342 = arith.muli %scan3A_340, %mul3A_341 : i32
          %add3A_343 = vector.broadcast %mul3A_342 : i32 to vector<16xi32>
          %add3A_344 = arith.addi %iota3A, %add3A_343 : vector<16xi32>
          %gather3A = tpu.vector_load_idx %arg13[%add3A_344, %add3A_239] : memref<64x128xf32, #tpu.memory_space<vmem>>[vector<16xi32>, vector<16xi32>], vector<16xf32>,
          %gather3A_345 = tpu.vector_load_idx %arg13[%add3A_344, %add3A_241] : memref<64x128xf32, #tpu.memory_space<vmem>>[vector<16xi32>, vector<16xi32>], vector<16xf32>,
          %gather3A_346 = tpu.vector_load_idx %arg13[%add3A_344, %add3A_243] : memref<64x128xf32, #tpu.memory_space<vmem>>[vector<16xi32>, vector<16xi32>], vector<16xf32>,
          %gather3A_347 = tpu.vector_load_idx %arg13[%add3A_344, %add3A_245] : memref<64x128xf32, #tpu.memory_space<vmem>>[vector<16xi32>, vector<16xi32>], vector<16xf32>,
          %gather3A_348 = tpu.vector_load_idx %arg13[%add3A_344, %add3A_247] : memref<64x128xf32, #tpu.memory_space<vmem>>[vector<16xi32>, vector<16xi32>], vector<16xf32>,
          %gather3A_349 = tpu.vector_load_idx %arg13[%add3A_344, %add3A_249] : memref<64x128xf32, #tpu.memory_space<vmem>>[vector<16xi32>, vector<16xi32>], vector<16xf32>,
          %gather3A_350 = tpu.vector_load_idx %arg13[%add3A_344, %add3A_251] : memref<64x128xf32, #tpu.memory_space<vmem>>[vector<16xi32>, vector<16xi32>], vector<16xf32>,
          %gather3A_351 = tpu.vector_load_idx %arg13[%add3A_344, %add3A_253] : memref<64x128xf32, #tpu.memory_space<vmem>>[vector<16xi32>, vector<16xi32>], vector<16xf32>,
          %gather3A_352 = tpu.vector_load_idx %arg13[%add3A_344, %add3A_255] : memref<64x128xf32, #tpu.memory_space<vmem>>[vector<16xi32>, vector<16xi32>], vector<16xf32>,
          %gather3A_353 = tpu.vector_load_idx %arg13[%add3A_344, %add3A_257] : memref<64x128xf32, #tpu.memory_space<vmem>>[vector<16xi32>, vector<16xi32>], vector<16xf32>,
          %gather3A_354 = tpu.vector_load_idx %arg13[%add3A_344, %add3A_259] : memref<64x128xf32, #tpu.memory_space<vmem>>[vector<16xi32>, vector<16xi32>], vector<16xf32>,
          %gather3A_355 = tpu.vector_load_idx %arg13[%add3A_344, %add3A_261] : memref<64x128xf32, #tpu.memory_space<vmem>>[vector<16xi32>, vector<16xi32>], vector<16xf32>,
          %gather3A_356 = tpu.vector_load_idx %arg13[%add3A_344, %add3A_263] : memref<64x128xf32, #tpu.memory_space<vmem>>[vector<16xi32>, vector<16xi32>], vector<16xf32>,
          %gather3A_357 = tpu.vector_load_idx %arg13[%add3A_344, %add3A_265] : memref<64x128xf32, #tpu.memory_space<vmem>>[vector<16xi32>, vector<16xi32>], vector<16xf32>,
          %gather3A_358 = tpu.vector_load_idx %arg13[%add3A_344, %add3A_267] : memref<64x128xf32, #tpu.memory_space<vmem>>[vector<16xi32>, vector<16xi32>], vector<16xf32>,
          %gather3A_359 = tpu.vector_load_idx %arg13[%add3A_344, %add3A_269] : memref<64x128xf32, #tpu.memory_space<vmem>>[vector<16xi32>, vector<16xi32>], vector<16xf32>,
          %add3A_360 = vector.broadcast %mul3A_342 : i32 to vector<16xi32>
          %add3A_361 = arith.addi %add3A_273, %add3A_360 : vector<16xi32>
          tpu.vector_store_idx %arg9[%add3A_361], %gather3A : memref<8192xf32, #tpu.memory_space<vmem>>[vector<16xi32>], vector<16xf32>,
          %add3A_362 = vector.broadcast %mul3A_342 : i32 to vector<16xi32>
          %add3A_363 = arith.addi %add3A_277, %add3A_362 : vector<16xi32>
          tpu.vector_store_idx %arg9[%add3A_363], %gather3A_345 : memref<8192xf32, #tpu.memory_space<vmem>>[vector<16xi32>], vector<16xf32>,
          %add3A_364 = vector.broadcast %mul3A_342 : i32 to vector<16xi32>
          %add3A_365 = arith.addi %add3A_281, %add3A_364 : vector<16xi32>
          tpu.vector_store_idx %arg9[%add3A_365], %gather3A_346 : memref<8192xf32, #tpu.memory_space<vmem>>[vector<16xi32>], vector<16xf32>,
          %add3A_366 = vector.broadcast %mul3A_342 : i32 to vector<16xi32>
          %add3A_367 = arith.addi %add3A_285, %add3A_366 : vector<16xi32>
          tpu.vector_store_idx %arg9[%add3A_367], %gather3A_347 : memref<8192xf32, #tpu.memory_space<vmem>>[vector<16xi32>], vector<16xf32>,
          %add3A_368 = vector.broadcast %mul3A_342 : i32 to vector<16xi32>
          %add3A_369 = arith.addi %add3A_289, %add3A_368 : vector<16xi32>
          tpu.vector_store_idx %arg9[%add3A_369], %gather3A_348 : memref<8192xf32, #tpu.memory_space<vmem>>[vector<16xi32>], vector<16xf32>,
          %add3A_370 = vector.broadcast %mul3A_342 : i32 to vector<16xi32>
          %add3A_371 = arith.addi %add3A_293, %add3A_370 : vector<16xi32>
          tpu.vector_store_idx %arg9[%add3A_371], %gather3A_349 : memref<8192xf32, #tpu.memory_space<vmem>>[vector<16xi32>], vector<16xf32>,
          %add3A_372 = vector.broadcast %mul3A_342 : i32 to vector<16xi32>
          %add3A_373 = arith.addi %add3A_297, %add3A_372 : vector<16xi32>
          tpu.vector_store_idx %arg9[%add3A_373], %gather3A_350 : memref<8192xf32, #tpu.memory_space<vmem>>[vector<16xi32>], vector<16xf32>,
          %add3A_374 = vector.broadcast %mul3A_342 : i32 to vector<16xi32>
          %add3A_375 = arith.addi %add3A_301, %add3A_374 : vector<16xi32>
          tpu.vector_store_idx %arg9[%add3A_375], %gather3A_351 : memref<8192xf32, #tpu.memory_space<vmem>>[vector<16xi32>], vector<16xf32>,
          %add3A_376 = vector.broadcast %mul3A_342 : i32 to vector<16xi32>
          %add3A_377 = arith.addi %add3A_305, %add3A_376 : vector<16xi32>
          tpu.vector_store_idx %arg9[%add3A_377], %gather3A_352 : memref<8192xf32, #tpu.memory_space<vmem>>[vector<16xi32>], vector<16xf32>,
          %add3A_378 = vector.broadcast %mul3A_342 : i32 to vector<16xi32>
          %add3A_379 = arith.addi %add3A_309, %add3A_378 : vector<16xi32>
          tpu.vector_store_idx %arg9[%add3A_379], %gather3A_353 : memref<8192xf32, #tpu.memory_space<vmem>>[vector<16xi32>], vector<16xf32>,
          %add3A_380 = vector.broadcast %mul3A_342 : i32 to vector<16xi32>
          %add3A_381 = arith.addi %add3A_313, %add3A_380 : vector<16xi32>
          tpu.vector_store_idx %arg9[%add3A_381], %gather3A_354 : memref<8192xf32, #tpu.memory_space<vmem>>[vector<16xi32>], vector<16xf32>,
          %add3A_382 = vector.broadcast %mul3A_342 : i32 to vector<16xi32>
          %add3A_383 = arith.addi %add3A_317, %add3A_382 : vector<16xi32>
          tpu.vector_store_idx %arg9[%add3A_383], %gather3A_355 : memref<8192xf32, #tpu.memory_space<vmem>>[vector<16xi32>], vector<16xf32>,
          %add3A_384 = vector.broadcast %mul3A_342 : i32 to vector<16xi32>
          %add3A_385 = arith.addi %add3A_321, %add3A_384 : vector<16xi32>
          tpu.vector_store_idx %arg9[%add3A_385], %gather3A_356 : memref<8192xf32, #tpu.memory_space<vmem>>[vector<16xi32>], vector<16xf32>,
          %add3A_386 = vector.broadcast %mul3A_342 : i32 to vector<16xi32>
          %add3A_387 = arith.addi %add3A_325, %add3A_386 : vector<16xi32>
          tpu.vector_store_idx %arg9[%add3A_387], %gather3A_357 : memref<8192xf32, #tpu.memory_space<vmem>>[vector<16xi32>], vector<16xf32>,
          %add3A_388 = vector.broadcast %mul3A_342 : i32 to vector<16xi32>
          %add3A_389 = arith.addi %add3A_329, %add3A_388 : vector<16xi32>
          tpu.vector_store_idx %arg9[%add3A_389], %gather3A_358 : memref<8192xf32, #tpu.memory_space<vmem>>[vector<16xi32>], vector<16xf32>,
          %add3A_390 = vector.broadcast %mul3A_342 : i32 to vector<16xi32>
          %add3A_391 = arith.addi %add3A_333, %add3A_390 : vector<16xi32>
          tpu.vector_store_idx %arg9[%add3A_391], %gather3A_359 : memref<8192xf32, #tpu.memory_space<vmem>>[vector<16xi32>], vector<16xf32>,
        }
        %scan3A_339 = arith.constant 4 : i32
      }
      %scan3A_234 = arith.constant 8 : i32
      "tpu.region"() ({
        %run_scoped3A = tpu.sem_alloc : memref<!tpu.dma_semaphore, #tpu.memory_space<semaphore_mem>>
        %dma_start3A = arith.constant 0 : i32
        %dma_start3A_235 = tpu.memref_slice %arg9[%dma_start3A] : memref<8192xf32, #tpu.memory_space<vmem>> -> memref<8192xf32, #tpu.memory_space<vmem>>
        %dma_start3A_236 = arith.constant 63991808 : i32
        %dma_start3A_237 = tpu.memref_slice %arg4[%dma_start3A_236] : memref<64000000xf32, #tpu.memory_space<hbm>> -> memref<8192xf32, #tpu.memory_space<hbm>>
        %dma_start3A_238 = arith.constant 63991808 : i32
        %dma_start3A_239 = tpu.memref_slice %arg4[%dma_start3A_238] : memref<64000000xf32, #tpu.memory_space<hbm>> -> memref<8192xf32, #tpu.memory_space<hbm>>
        %dma_start3A_240 = arith.constant 0 : i32
        %dma_start3A_241 = tpu.memref_slice %arg9[%dma_start3A_240] : memref<8192xf32, #tpu.memory_space<vmem>> -> memref<8192xf32, #tpu.memory_space<vmem>>
        tpu.enqueue_dma source(%dma_start3A_241 : memref<8192xf32, #tpu.memory_space<vmem>>) target(%dma_start3A_239 : memref<8192xf32, #tpu.memory_space<hbm>>) target_semaphore(%run_scoped3A : memref<!tpu.dma_semaphore, #tpu.memory_space<semaphore_mem>>)
        %dma_wait3A = arith.constant 0 : i32
        %dma_wait3A_242 = tpu.memref_slice %arg9[%dma_wait3A] : memref<8192xf32, #tpu.memory_space<vmem>> -> memref<8192xf32, #tpu.memory_space<vmem>>
        %dma_wait3A_243 = arith.constant 63991808 : i32
        %dma_wait3A_244 = tpu.memref_slice %arg4[%dma_wait3A_243] : memref<64000000xf32, #tpu.memory_space<hbm>> -> memref<8192xf32, #tpu.memory_space<hbm>>
        %dma_wait3A_245 = arith.constant 63991808 : i32
        %dma_wait3A_246 = tpu.memref_slice %arg4[%dma_wait3A_245] : memref<64000000xf32, #tpu.memory_space<hbm>> -> memref<8192xf32, #tpu.memory_space<hbm>>
        %dma_wait3A_247 = arith.constant 0 : i32
        %dma_wait3A_248 = tpu.memref_slice %arg9[%dma_wait3A_247] : memref<8192xf32, #tpu.memory_space<vmem>> -> memref<8192xf32, #tpu.memory_space<vmem>>
        tpu.wait_dma2 semaphore(%run_scoped3A : memref<!tpu.dma_semaphore, #tpu.memory_space<semaphore_mem>>) src(%dma_wait3A_248 : memref<8192xf32, #tpu.memory_space<vmem>>) dst(%dma_wait3A_246 : memref<8192xf32, #tpu.memory_space<hbm>>)
        tpu.yield
      }) : () -> ()
    } else {
    }
    return
  }
}

#map = affine_map<(d0, d1) -> (0, 0)>
#map1 = affine_map<(d0, d1) -> (0, 0, 0)>
module attributes {stable_mosaic.version = 14 : i64} {
  func.func @emb(%arg0: i32, %arg1: i32, %arg2: memref<6400x128xi32, #tpu.memory_space<hbm>>, %arg3: memref<1000000x64xf32, #tpu.memory_space<hbm>>, %arg4: memref<6400x128x128xf32, #tpu.memory_space<hbm>>, %arg5: memref<4x2x128xi32, #tpu.memory_space<vmem>>, %arg6: memref<4x2x128x64xf32, #tpu.memory_space<vmem>>, %arg7: memref<!tpu.dma_semaphore, #tpu.memory_space<semaphore_mem>>, %arg8: memref<!tpu.dma_semaphore, #tpu.memory_space<semaphore_mem>>, %arg9: memref<!tpu.dma_semaphore, #tpu.memory_space<semaphore_mem>>, %arg10: memref<!tpu.dma_semaphore, #tpu.memory_space<semaphore_mem>>, %arg11: memref<!tpu.dma_semaphore, #tpu.memory_space<semaphore_mem>>, %arg12: memref<!tpu.dma_semaphore, #tpu.memory_space<semaphore_mem>>, %arg13: memref<!tpu.dma_semaphore, #tpu.memory_space<semaphore_mem>>, %arg14: memref<!tpu.dma_semaphore, #tpu.memory_space<semaphore_mem>>) attributes {dimension_semantics = [#tpu.dimension_semantics<core_parallel>, #tpu.dimension_semantics<subcore_parallel>], iteration_bounds = array<i64: 2, 16>, scalar_prefetch = 0 : i64, scratch_operands = 10 : i64, tpu.core_type = #tpu.core_type<sc_vector_subcore>, window_params = [{transform_indices = #map}, {transform_indices = #map}, {transform_indices = #map1}]} {
    %mul3A = arith.constant 2 : i32
    %mul3A_0 = arith.muli %arg1, %mul3A : i32
    %add3A = arith.addi %mul3A_0, %arg0 : i32
    %mul3A_1 = arith.constant 200 : i32
    %mul3A_2 = arith.muli %add3A, %mul3A_1 : i32
    %add3A_3 = arith.constant 0 : i32
    %add3A_4 = arith.addi %mul3A_2, %add3A_3 : i32
    %run_scoped3A = arith.constant 0 : i32
    "tpu.region"() ({
      %run_scoped3A_393 = tpu.sem_alloc : memref<!tpu.dma_semaphore, #tpu.memory_space<semaphore_mem>>
      %dma_start3A_394 = arith.constant 0 : i32
      %dma_start3A_395 = arith.constant 0 : i32
      %dma_start3A_396 = tpu.memref_slice %arg5[%run_scoped3A, %dma_start3A_394, %dma_start3A_395] : memref<4x2x128xi32, #tpu.memory_space<vmem>> -> memref<1x2x128xi32, #tpu.memory_space<vmem>>
      %dma_start3A_397 = tpu.memref_squeeze %dma_start3A_396 : memref<1x2x128xi32, #tpu.memory_space<vmem>> -> memref<2x128xi32, #tpu.memory_space<vmem>>
      %dma_start3A_398 = arith.constant 0 : i32
      %dma_start3A_399 = tpu.memref_slice %arg2[%add3A_4, %dma_start3A_398] : memref<6400x128xi32, #tpu.memory_space<hbm>> -> memref<2x128xi32, #tpu.memory_space<hbm>>
      %dma_start3A_400 = arith.constant 0 : i32
      %dma_start3A_401 = arith.constant 0 : i32
      %dma_start3A_402 = tpu.memref_slice %arg5[%run_scoped3A, %dma_start3A_400, %dma_start3A_401] : memref<4x2x128xi32, #tpu.memory_space<vmem>> -> memref<1x2x128xi32, #tpu.memory_space<vmem>>
      %dma_start3A_403 = tpu.memref_squeeze %dma_start3A_402 : memref<1x2x128xi32, #tpu.memory_space<vmem>> -> memref<2x128xi32, #tpu.memory_space<vmem>>
      %dma_start3A_404 = arith.constant 0 : i32
      %dma_start3A_405 = tpu.memref_slice %arg2[%add3A_4, %dma_start3A_404] : memref<6400x128xi32, #tpu.memory_space<hbm>> -> memref<2x128xi32, #tpu.memory_space<hbm>>
      tpu.enqueue_dma source(%dma_start3A_405 : memref<2x128xi32, #tpu.memory_space<hbm>>) target(%dma_start3A_403 : memref<2x128xi32, #tpu.memory_space<vmem>>) target_semaphore(%run_scoped3A_393 : memref<!tpu.dma_semaphore, #tpu.memory_space<semaphore_mem>>)
      %dma_wait3A_406 = arith.constant 0 : i32
      %dma_wait3A_407 = arith.constant 0 : i32
      %dma_wait3A_408 = tpu.memref_slice %arg5[%run_scoped3A, %dma_wait3A_406, %dma_wait3A_407] : memref<4x2x128xi32, #tpu.memory_space<vmem>> -> memref<1x2x128xi32, #tpu.memory_space<vmem>>
      %dma_wait3A_409 = tpu.memref_squeeze %dma_wait3A_408 : memref<1x2x128xi32, #tpu.memory_space<vmem>> -> memref<2x128xi32, #tpu.memory_space<vmem>>
      %dma_wait3A_410 = arith.constant 0 : i32
      %dma_wait3A_411 = tpu.memref_slice %arg2[%add3A_4, %dma_wait3A_410] : memref<6400x128xi32, #tpu.memory_space<hbm>> -> memref<2x128xi32, #tpu.memory_space<hbm>>
      %dma_wait3A_412 = arith.constant 0 : i32
      %dma_wait3A_413 = arith.constant 0 : i32
      %dma_wait3A_414 = tpu.memref_slice %arg5[%run_scoped3A, %dma_wait3A_412, %dma_wait3A_413] : memref<4x2x128xi32, #tpu.memory_space<vmem>> -> memref<1x2x128xi32, #tpu.memory_space<vmem>>
      %dma_wait3A_415 = tpu.memref_squeeze %dma_wait3A_414 : memref<1x2x128xi32, #tpu.memory_space<vmem>> -> memref<2x128xi32, #tpu.memory_space<vmem>>
      %dma_wait3A_416 = arith.constant 0 : i32
      %dma_wait3A_417 = tpu.memref_slice %arg2[%add3A_4, %dma_wait3A_416] : memref<6400x128xi32, #tpu.memory_space<hbm>> -> memref<2x128xi32, #tpu.memory_space<hbm>>
      tpu.wait_dma2 semaphore(%run_scoped3A_393 : memref<!tpu.dma_semaphore, #tpu.memory_space<semaphore_mem>>) src(%dma_wait3A_417 : memref<2x128xi32, #tpu.memory_space<hbm>>) dst(%dma_wait3A_415 : memref<2x128xi32, #tpu.memory_space<vmem>>)
      tpu.yield
    }) : () -> ()
    %dma_start3A = arith.constant 0 : i32
    %dma_start3A_5 = arith.constant 0 : i32
    %dma_start3A_6 = arith.constant 0 : i32
    %dma_start3A_7 = arith.constant 0 : i32
    %dma_start3A_8 = arith.constant 0 : i32
    %dma_start3A_9 = arith.constant 0 : i32
    %dma_start3A_10 = tpu.memref_slice %arg6[%dma_start3A_6, %dma_start3A_7, %dma_start3A_8, %dma_start3A_9] : memref<4x2x128x64xf32, #tpu.memory_space<vmem>> -> memref<1x1x128x64xf32, #tpu.memory_space<vmem>>
    %dma_start3A_11 = tpu.memref_squeeze %dma_start3A_10 : memref<1x1x128x64xf32, #tpu.memory_space<vmem>> -> memref<128x64xf32, #tpu.memory_space<vmem>>
    %dma_start3A_12 = arith.constant 0 : i32
    %dma_start3A_13 = tpu.memref_slice %arg5[%dma_start3A, %dma_start3A_5, %dma_start3A_12] : memref<4x2x128xi32, #tpu.memory_space<vmem>> -> memref<1x1x128xi32, #tpu.memory_space<vmem>>
    %dma_start3A_14 = tpu.memref_squeeze %dma_start3A_13 : memref<1x1x128xi32, #tpu.memory_space<vmem>> -> memref<128xi32, #tpu.memory_space<vmem>>
    %dma_start3A_15 = arith.constant 0 : i32
    %dma_start3A_16 = arith.constant 0 : i32
    %dma_start3A_17 = tpu.memref_slice %arg3[%dma_start3A_15, %dma_start3A_16] : memref<1000000x64xf32, #tpu.memory_space<hbm>> -> memref<1000000x64xf32, #tpu.memory_space<hbm>>
    tpu.enqueue_indirect_dma source(%dma_start3A_17 : memref<1000000x64xf32, #tpu.memory_space<hbm>>) target(%dma_start3A_11 : memref<128x64xf32, #tpu.memory_space<vmem>>) offsets(%dma_start3A_14 : memref<128xi32, #tpu.memory_space<vmem>>) semaphore(%arg7 : memref<!tpu.dma_semaphore, #tpu.memory_space<semaphore_mem>>)
    %dma_start3A_18 = arith.constant 0 : i32
    %dma_start3A_19 = arith.constant 1 : i32
    %dma_start3A_20 = arith.constant 0 : i32
    %dma_start3A_21 = arith.constant 1 : i32
    %dma_start3A_22 = arith.constant 0 : i32
    %dma_start3A_23 = arith.constant 0 : i32
    %dma_start3A_24 = tpu.memref_slice %arg6[%dma_start3A_20, %dma_start3A_21, %dma_start3A_22, %dma_start3A_23] : memref<4x2x128x64xf32, #tpu.memory_space<vmem>> -> memref<1x1x128x64xf32, #tpu.memory_space<vmem>>
    %dma_start3A_25 = tpu.memref_squeeze %dma_start3A_24 : memref<1x1x128x64xf32, #tpu.memory_space<vmem>> -> memref<128x64xf32, #tpu.memory_space<vmem>>
    %dma_start3A_26 = arith.constant 0 : i32
    %dma_start3A_27 = tpu.memref_slice %arg5[%dma_start3A_18, %dma_start3A_19, %dma_start3A_26] : memref<4x2x128xi32, #tpu.memory_space<vmem>> -> memref<1x1x128xi32, #tpu.memory_space<vmem>>
    %dma_start3A_28 = tpu.memref_squeeze %dma_start3A_27 : memref<1x1x128xi32, #tpu.memory_space<vmem>> -> memref<128xi32, #tpu.memory_space<vmem>>
    %dma_start3A_29 = arith.constant 0 : i32
    %dma_start3A_30 = arith.constant 0 : i32
    %dma_start3A_31 = tpu.memref_slice %arg3[%dma_start3A_29, %dma_start3A_30] : memref<1000000x64xf32, #tpu.memory_space<hbm>> -> memref<1000000x64xf32, #tpu.memory_space<hbm>>
    tpu.enqueue_indirect_dma source(%dma_start3A_31 : memref<1000000x64xf32, #tpu.memory_space<hbm>>) target(%dma_start3A_25 : memref<128x64xf32, #tpu.memory_space<vmem>>) offsets(%dma_start3A_28 : memref<128xi32, #tpu.memory_space<vmem>>) semaphore(%arg7 : memref<!tpu.dma_semaphore, #tpu.memory_space<semaphore_mem>>)
    %add3A_32 = arith.constant 2 : i32
    %add3A_33 = arith.addi %mul3A_2, %add3A_32 : i32
    %run_scoped3A_34 = arith.constant 1 : i32
    "tpu.region"() ({
      %run_scoped3A_393 = tpu.sem_alloc : memref<!tpu.dma_semaphore, #tpu.memory_space<semaphore_mem>>
      %dma_start3A_394 = arith.constant 0 : i32
      %dma_start3A_395 = arith.constant 0 : i32
      %dma_start3A_396 = tpu.memref_slice %arg5[%run_scoped3A_34, %dma_start3A_394, %dma_start3A_395] : memref<4x2x128xi32, #tpu.memory_space<vmem>> -> memref<1x2x128xi32, #tpu.memory_space<vmem>>
      %dma_start3A_397 = tpu.memref_squeeze %dma_start3A_396 : memref<1x2x128xi32, #tpu.memory_space<vmem>> -> memref<2x128xi32, #tpu.memory_space<vmem>>
      %dma_start3A_398 = arith.constant 0 : i32
      %dma_start3A_399 = tpu.memref_slice %arg2[%add3A_33, %dma_start3A_398] : memref<6400x128xi32, #tpu.memory_space<hbm>> -> memref<2x128xi32, #tpu.memory_space<hbm>>
      %dma_start3A_400 = arith.constant 0 : i32
      %dma_start3A_401 = arith.constant 0 : i32
      %dma_start3A_402 = tpu.memref_slice %arg5[%run_scoped3A_34, %dma_start3A_400, %dma_start3A_401] : memref<4x2x128xi32, #tpu.memory_space<vmem>> -> memref<1x2x128xi32, #tpu.memory_space<vmem>>
      %dma_start3A_403 = tpu.memref_squeeze %dma_start3A_402 : memref<1x2x128xi32, #tpu.memory_space<vmem>> -> memref<2x128xi32, #tpu.memory_space<vmem>>
      %dma_start3A_404 = arith.constant 0 : i32
      %dma_start3A_405 = tpu.memref_slice %arg2[%add3A_33, %dma_start3A_404] : memref<6400x128xi32, #tpu.memory_space<hbm>> -> memref<2x128xi32, #tpu.memory_space<hbm>>
      tpu.enqueue_dma source(%dma_start3A_405 : memref<2x128xi32, #tpu.memory_space<hbm>>) target(%dma_start3A_403 : memref<2x128xi32, #tpu.memory_space<vmem>>) target_semaphore(%run_scoped3A_393 : memref<!tpu.dma_semaphore, #tpu.memory_space<semaphore_mem>>)
      %dma_wait3A_406 = arith.constant 0 : i32
      %dma_wait3A_407 = arith.constant 0 : i32
      %dma_wait3A_408 = tpu.memref_slice %arg5[%run_scoped3A_34, %dma_wait3A_406, %dma_wait3A_407] : memref<4x2x128xi32, #tpu.memory_space<vmem>> -> memref<1x2x128xi32, #tpu.memory_space<vmem>>
      %dma_wait3A_409 = tpu.memref_squeeze %dma_wait3A_408 : memref<1x2x128xi32, #tpu.memory_space<vmem>> -> memref<2x128xi32, #tpu.memory_space<vmem>>
      %dma_wait3A_410 = arith.constant 0 : i32
      %dma_wait3A_411 = tpu.memref_slice %arg2[%add3A_33, %dma_wait3A_410] : memref<6400x128xi32, #tpu.memory_space<hbm>> -> memref<2x128xi32, #tpu.memory_space<hbm>>
      %dma_wait3A_412 = arith.constant 0 : i32
      %dma_wait3A_413 = arith.constant 0 : i32
      %dma_wait3A_414 = tpu.memref_slice %arg5[%run_scoped3A_34, %dma_wait3A_412, %dma_wait3A_413] : memref<4x2x128xi32, #tpu.memory_space<vmem>> -> memref<1x2x128xi32, #tpu.memory_space<vmem>>
      %dma_wait3A_415 = tpu.memref_squeeze %dma_wait3A_414 : memref<1x2x128xi32, #tpu.memory_space<vmem>> -> memref<2x128xi32, #tpu.memory_space<vmem>>
      %dma_wait3A_416 = arith.constant 0 : i32
      %dma_wait3A_417 = tpu.memref_slice %arg2[%add3A_33, %dma_wait3A_416] : memref<6400x128xi32, #tpu.memory_space<hbm>> -> memref<2x128xi32, #tpu.memory_space<hbm>>
      tpu.wait_dma2 semaphore(%run_scoped3A_393 : memref<!tpu.dma_semaphore, #tpu.memory_space<semaphore_mem>>) src(%dma_wait3A_417 : memref<2x128xi32, #tpu.memory_space<hbm>>) dst(%dma_wait3A_415 : memref<2x128xi32, #tpu.memory_space<vmem>>)
      tpu.yield
    }) : () -> ()
    %dma_start3A_35 = arith.constant 1 : i32
    %dma_start3A_36 = arith.constant 0 : i32
    %dma_start3A_37 = arith.constant 1 : i32
    %dma_start3A_38 = arith.constant 0 : i32
    %dma_start3A_39 = arith.constant 0 : i32
    %dma_start3A_40 = arith.constant 0 : i32
    %dma_start3A_41 = tpu.memref_slice %arg6[%dma_start3A_37, %dma_start3A_38, %dma_start3A_39, %dma_start3A_40] : memref<4x2x128x64xf32, #tpu.memory_space<vmem>> -> memref<1x1x128x64xf32, #tpu.memory_space<vmem>>
    %dma_start3A_42 = tpu.memref_squeeze %dma_start3A_41 : memref<1x1x128x64xf32, #tpu.memory_space<vmem>> -> memref<128x64xf32, #tpu.memory_space<vmem>>
    %dma_start3A_43 = arith.constant 0 : i32
    %dma_start3A_44 = tpu.memref_slice %arg5[%dma_start3A_35, %dma_start3A_36, %dma_start3A_43] : memref<4x2x128xi32, #tpu.memory_space<vmem>> -> memref<1x1x128xi32, #tpu.memory_space<vmem>>
    %dma_start3A_45 = tpu.memref_squeeze %dma_start3A_44 : memref<1x1x128xi32, #tpu.memory_space<vmem>> -> memref<128xi32, #tpu.memory_space<vmem>>
    %dma_start3A_46 = arith.constant 0 : i32
    %dma_start3A_47 = arith.constant 0 : i32
    %dma_start3A_48 = tpu.memref_slice %arg3[%dma_start3A_46, %dma_start3A_47] : memref<1000000x64xf32, #tpu.memory_space<hbm>> -> memref<1000000x64xf32, #tpu.memory_space<hbm>>
    tpu.enqueue_indirect_dma source(%dma_start3A_48 : memref<1000000x64xf32, #tpu.memory_space<hbm>>) target(%dma_start3A_42 : memref<128x64xf32, #tpu.memory_space<vmem>>) offsets(%dma_start3A_45 : memref<128xi32, #tpu.memory_space<vmem>>) semaphore(%arg8 : memref<!tpu.dma_semaphore, #tpu.memory_space<semaphore_mem>>)
    %dma_start3A_49 = arith.constant 1 : i32
    %dma_start3A_50 = arith.constant 1 : i32
    %dma_start3A_51 = arith.constant 1 : i32
    %dma_start3A_52 = arith.constant 1 : i32
    %dma_start3A_53 = arith.constant 0 : i32
    %dma_start3A_54 = arith.constant 0 : i32
    %dma_start3A_55 = tpu.memref_slice %arg6[%dma_start3A_51, %dma_start3A_52, %dma_start3A_53, %dma_start3A_54] : memref<4x2x128x64xf32, #tpu.memory_space<vmem>> -> memref<1x1x128x64xf32, #tpu.memory_space<vmem>>
    %dma_start3A_56 = tpu.memref_squeeze %dma_start3A_55 : memref<1x1x128x64xf32, #tpu.memory_space<vmem>> -> memref<128x64xf32, #tpu.memory_space<vmem>>
    %dma_start3A_57 = arith.constant 0 : i32
    %dma_start3A_58 = tpu.memref_slice %arg5[%dma_start3A_49, %dma_start3A_50, %dma_start3A_57] : memref<4x2x128xi32, #tpu.memory_space<vmem>> -> memref<1x1x128xi32, #tpu.memory_space<vmem>>
    %dma_start3A_59 = tpu.memref_squeeze %dma_start3A_58 : memref<1x1x128xi32, #tpu.memory_space<vmem>> -> memref<128xi32, #tpu.memory_space<vmem>>
    %dma_start3A_60 = arith.constant 0 : i32
    %dma_start3A_61 = arith.constant 0 : i32
    %dma_start3A_62 = tpu.memref_slice %arg3[%dma_start3A_60, %dma_start3A_61] : memref<1000000x64xf32, #tpu.memory_space<hbm>> -> memref<1000000x64xf32, #tpu.memory_space<hbm>>
    tpu.enqueue_indirect_dma source(%dma_start3A_62 : memref<1000000x64xf32, #tpu.memory_space<hbm>>) target(%dma_start3A_56 : memref<128x64xf32, #tpu.memory_space<vmem>>) offsets(%dma_start3A_59 : memref<128xi32, #tpu.memory_space<vmem>>) semaphore(%arg8 : memref<!tpu.dma_semaphore, #tpu.memory_space<semaphore_mem>>)
    %add3A_63 = arith.constant 4 : i32
    %add3A_64 = arith.addi %mul3A_2, %add3A_63 : i32
    %run_scoped3A_65 = arith.constant 2 : i32
    "tpu.region"() ({
      %run_scoped3A_393 = tpu.sem_alloc : memref<!tpu.dma_semaphore, #tpu.memory_space<semaphore_mem>>
      %dma_start3A_394 = arith.constant 0 : i32
      %dma_start3A_395 = arith.constant 0 : i32
      %dma_start3A_396 = tpu.memref_slice %arg5[%run_scoped3A_65, %dma_start3A_394, %dma_start3A_395] : memref<4x2x128xi32, #tpu.memory_space<vmem>> -> memref<1x2x128xi32, #tpu.memory_space<vmem>>
      %dma_start3A_397 = tpu.memref_squeeze %dma_start3A_396 : memref<1x2x128xi32, #tpu.memory_space<vmem>> -> memref<2x128xi32, #tpu.memory_space<vmem>>
      %dma_start3A_398 = arith.constant 0 : i32
      %dma_start3A_399 = tpu.memref_slice %arg2[%add3A_64, %dma_start3A_398] : memref<6400x128xi32, #tpu.memory_space<hbm>> -> memref<2x128xi32, #tpu.memory_space<hbm>>
      %dma_start3A_400 = arith.constant 0 : i32
      %dma_start3A_401 = arith.constant 0 : i32
      %dma_start3A_402 = tpu.memref_slice %arg5[%run_scoped3A_65, %dma_start3A_400, %dma_start3A_401] : memref<4x2x128xi32, #tpu.memory_space<vmem>> -> memref<1x2x128xi32, #tpu.memory_space<vmem>>
      %dma_start3A_403 = tpu.memref_squeeze %dma_start3A_402 : memref<1x2x128xi32, #tpu.memory_space<vmem>> -> memref<2x128xi32, #tpu.memory_space<vmem>>
      %dma_start3A_404 = arith.constant 0 : i32
      %dma_start3A_405 = tpu.memref_slice %arg2[%add3A_64, %dma_start3A_404] : memref<6400x128xi32, #tpu.memory_space<hbm>> -> memref<2x128xi32, #tpu.memory_space<hbm>>
      tpu.enqueue_dma source(%dma_start3A_405 : memref<2x128xi32, #tpu.memory_space<hbm>>) target(%dma_start3A_403 : memref<2x128xi32, #tpu.memory_space<vmem>>) target_semaphore(%run_scoped3A_393 : memref<!tpu.dma_semaphore, #tpu.memory_space<semaphore_mem>>)
      %dma_wait3A_406 = arith.constant 0 : i32
      %dma_wait3A_407 = arith.constant 0 : i32
      %dma_wait3A_408 = tpu.memref_slice %arg5[%run_scoped3A_65, %dma_wait3A_406, %dma_wait3A_407] : memref<4x2x128xi32, #tpu.memory_space<vmem>> -> memref<1x2x128xi32, #tpu.memory_space<vmem>>
      %dma_wait3A_409 = tpu.memref_squeeze %dma_wait3A_408 : memref<1x2x128xi32, #tpu.memory_space<vmem>> -> memref<2x128xi32, #tpu.memory_space<vmem>>
      %dma_wait3A_410 = arith.constant 0 : i32
      %dma_wait3A_411 = tpu.memref_slice %arg2[%add3A_64, %dma_wait3A_410] : memref<6400x128xi32, #tpu.memory_space<hbm>> -> memref<2x128xi32, #tpu.memory_space<hbm>>
      %dma_wait3A_412 = arith.constant 0 : i32
      %dma_wait3A_413 = arith.constant 0 : i32
      %dma_wait3A_414 = tpu.memref_slice %arg5[%run_scoped3A_65, %dma_wait3A_412, %dma_wait3A_413] : memref<4x2x128xi32, #tpu.memory_space<vmem>> -> memref<1x2x128xi32, #tpu.memory_space<vmem>>
      %dma_wait3A_415 = tpu.memref_squeeze %dma_wait3A_414 : memref<1x2x128xi32, #tpu.memory_space<vmem>> -> memref<2x128xi32, #tpu.memory_space<vmem>>
      %dma_wait3A_416 = arith.constant 0 : i32
      %dma_wait3A_417 = tpu.memref_slice %arg2[%add3A_64, %dma_wait3A_416] : memref<6400x128xi32, #tpu.memory_space<hbm>> -> memref<2x128xi32, #tpu.memory_space<hbm>>
      tpu.wait_dma2 semaphore(%run_scoped3A_393 : memref<!tpu.dma_semaphore, #tpu.memory_space<semaphore_mem>>) src(%dma_wait3A_417 : memref<2x128xi32, #tpu.memory_space<hbm>>) dst(%dma_wait3A_415 : memref<2x128xi32, #tpu.memory_space<vmem>>)
      tpu.yield
    }) : () -> ()
    %dma_start3A_66 = arith.constant 2 : i32
    %dma_start3A_67 = arith.constant 0 : i32
    %dma_start3A_68 = arith.constant 2 : i32
    %dma_start3A_69 = arith.constant 0 : i32
    %dma_start3A_70 = arith.constant 0 : i32
    %dma_start3A_71 = arith.constant 0 : i32
    %dma_start3A_72 = tpu.memref_slice %arg6[%dma_start3A_68, %dma_start3A_69, %dma_start3A_70, %dma_start3A_71] : memref<4x2x128x64xf32, #tpu.memory_space<vmem>> -> memref<1x1x128x64xf32, #tpu.memory_space<vmem>>
    %dma_start3A_73 = tpu.memref_squeeze %dma_start3A_72 : memref<1x1x128x64xf32, #tpu.memory_space<vmem>> -> memref<128x64xf32, #tpu.memory_space<vmem>>
    %dma_start3A_74 = arith.constant 0 : i32
    %dma_start3A_75 = tpu.memref_slice %arg5[%dma_start3A_66, %dma_start3A_67, %dma_start3A_74] : memref<4x2x128xi32, #tpu.memory_space<vmem>> -> memref<1x1x128xi32, #tpu.memory_space<vmem>>
    %dma_start3A_76 = tpu.memref_squeeze %dma_start3A_75 : memref<1x1x128xi32, #tpu.memory_space<vmem>> -> memref<128xi32, #tpu.memory_space<vmem>>
    %dma_start3A_77 = arith.constant 0 : i32
    %dma_start3A_78 = arith.constant 0 : i32
    %dma_start3A_79 = tpu.memref_slice %arg3[%dma_start3A_77, %dma_start3A_78] : memref<1000000x64xf32, #tpu.memory_space<hbm>> -> memref<1000000x64xf32, #tpu.memory_space<hbm>>
    tpu.enqueue_indirect_dma source(%dma_start3A_79 : memref<1000000x64xf32, #tpu.memory_space<hbm>>) target(%dma_start3A_73 : memref<128x64xf32, #tpu.memory_space<vmem>>) offsets(%dma_start3A_76 : memref<128xi32, #tpu.memory_space<vmem>>) semaphore(%arg9 : memref<!tpu.dma_semaphore, #tpu.memory_space<semaphore_mem>>)
    %dma_start3A_80 = arith.constant 2 : i32
    %dma_start3A_81 = arith.constant 1 : i32
    %dma_start3A_82 = arith.constant 2 : i32
    %dma_start3A_83 = arith.constant 1 : i32
    %dma_start3A_84 = arith.constant 0 : i32
    %dma_start3A_85 = arith.constant 0 : i32
    %dma_start3A_86 = tpu.memref_slice %arg6[%dma_start3A_82, %dma_start3A_83, %dma_start3A_84, %dma_start3A_85] : memref<4x2x128x64xf32, #tpu.memory_space<vmem>> -> memref<1x1x128x64xf32, #tpu.memory_space<vmem>>
    %dma_start3A_87 = tpu.memref_squeeze %dma_start3A_86 : memref<1x1x128x64xf32, #tpu.memory_space<vmem>> -> memref<128x64xf32, #tpu.memory_space<vmem>>
    %dma_start3A_88 = arith.constant 0 : i32
    %dma_start3A_89 = tpu.memref_slice %arg5[%dma_start3A_80, %dma_start3A_81, %dma_start3A_88] : memref<4x2x128xi32, #tpu.memory_space<vmem>> -> memref<1x1x128xi32, #tpu.memory_space<vmem>>
    %dma_start3A_90 = tpu.memref_squeeze %dma_start3A_89 : memref<1x1x128xi32, #tpu.memory_space<vmem>> -> memref<128xi32, #tpu.memory_space<vmem>>
    %dma_start3A_91 = arith.constant 0 : i32
    %dma_start3A_92 = arith.constant 0 : i32
    %dma_start3A_93 = tpu.memref_slice %arg3[%dma_start3A_91, %dma_start3A_92] : memref<1000000x64xf32, #tpu.memory_space<hbm>> -> memref<1000000x64xf32, #tpu.memory_space<hbm>>
    tpu.enqueue_indirect_dma source(%dma_start3A_93 : memref<1000000x64xf32, #tpu.memory_space<hbm>>) target(%dma_start3A_87 : memref<128x64xf32, #tpu.memory_space<vmem>>) offsets(%dma_start3A_90 : memref<128xi32, #tpu.memory_space<vmem>>) semaphore(%arg9 : memref<!tpu.dma_semaphore, #tpu.memory_space<semaphore_mem>>)
    %add3A_94 = arith.constant 6 : i32
    %add3A_95 = arith.addi %mul3A_2, %add3A_94 : i32
    %run_scoped3A_96 = arith.constant 3 : i32
    "tpu.region"() ({
      %run_scoped3A_393 = tpu.sem_alloc : memref<!tpu.dma_semaphore, #tpu.memory_space<semaphore_mem>>
      %dma_start3A_394 = arith.constant 0 : i32
      %dma_start3A_395 = arith.constant 0 : i32
      %dma_start3A_396 = tpu.memref_slice %arg5[%run_scoped3A_96, %dma_start3A_394, %dma_start3A_395] : memref<4x2x128xi32, #tpu.memory_space<vmem>> -> memref<1x2x128xi32, #tpu.memory_space<vmem>>
      %dma_start3A_397 = tpu.memref_squeeze %dma_start3A_396 : memref<1x2x128xi32, #tpu.memory_space<vmem>> -> memref<2x128xi32, #tpu.memory_space<vmem>>
      %dma_start3A_398 = arith.constant 0 : i32
      %dma_start3A_399 = tpu.memref_slice %arg2[%add3A_95, %dma_start3A_398] : memref<6400x128xi32, #tpu.memory_space<hbm>> -> memref<2x128xi32, #tpu.memory_space<hbm>>
      %dma_start3A_400 = arith.constant 0 : i32
      %dma_start3A_401 = arith.constant 0 : i32
      %dma_start3A_402 = tpu.memref_slice %arg5[%run_scoped3A_96, %dma_start3A_400, %dma_start3A_401] : memref<4x2x128xi32, #tpu.memory_space<vmem>> -> memref<1x2x128xi32, #tpu.memory_space<vmem>>
      %dma_start3A_403 = tpu.memref_squeeze %dma_start3A_402 : memref<1x2x128xi32, #tpu.memory_space<vmem>> -> memref<2x128xi32, #tpu.memory_space<vmem>>
      %dma_start3A_404 = arith.constant 0 : i32
      %dma_start3A_405 = tpu.memref_slice %arg2[%add3A_95, %dma_start3A_404] : memref<6400x128xi32, #tpu.memory_space<hbm>> -> memref<2x128xi32, #tpu.memory_space<hbm>>
      tpu.enqueue_dma source(%dma_start3A_405 : memref<2x128xi32, #tpu.memory_space<hbm>>) target(%dma_start3A_403 : memref<2x128xi32, #tpu.memory_space<vmem>>) target_semaphore(%run_scoped3A_393 : memref<!tpu.dma_semaphore, #tpu.memory_space<semaphore_mem>>)
      %dma_wait3A_406 = arith.constant 0 : i32
      %dma_wait3A_407 = arith.constant 0 : i32
      %dma_wait3A_408 = tpu.memref_slice %arg5[%run_scoped3A_96, %dma_wait3A_406, %dma_wait3A_407] : memref<4x2x128xi32, #tpu.memory_space<vmem>> -> memref<1x2x128xi32, #tpu.memory_space<vmem>>
      %dma_wait3A_409 = tpu.memref_squeeze %dma_wait3A_408 : memref<1x2x128xi32, #tpu.memory_space<vmem>> -> memref<2x128xi32, #tpu.memory_space<vmem>>
      %dma_wait3A_410 = arith.constant 0 : i32
      %dma_wait3A_411 = tpu.memref_slice %arg2[%add3A_95, %dma_wait3A_410] : memref<6400x128xi32, #tpu.memory_space<hbm>> -> memref<2x128xi32, #tpu.memory_space<hbm>>
      %dma_wait3A_412 = arith.constant 0 : i32
      %dma_wait3A_413 = arith.constant 0 : i32
      %dma_wait3A_414 = tpu.memref_slice %arg5[%run_scoped3A_96, %dma_wait3A_412, %dma_wait3A_413] : memref<4x2x128xi32, #tpu.memory_space<vmem>> -> memref<1x2x128xi32, #tpu.memory_space<vmem>>
      %dma_wait3A_415 = tpu.memref_squeeze %dma_wait3A_414 : memref<1x2x128xi32, #tpu.memory_space<vmem>> -> memref<2x128xi32, #tpu.memory_space<vmem>>
      %dma_wait3A_416 = arith.constant 0 : i32
      %dma_wait3A_417 = tpu.memref_slice %arg2[%add3A_95, %dma_wait3A_416] : memref<6400x128xi32, #tpu.memory_space<hbm>> -> memref<2x128xi32, #tpu.memory_space<hbm>>
      tpu.wait_dma2 semaphore(%run_scoped3A_393 : memref<!tpu.dma_semaphore, #tpu.memory_space<semaphore_mem>>) src(%dma_wait3A_417 : memref<2x128xi32, #tpu.memory_space<hbm>>) dst(%dma_wait3A_415 : memref<2x128xi32, #tpu.memory_space<vmem>>)
      tpu.yield
    }) : () -> ()
    %dma_start3A_97 = arith.constant 3 : i32
    %dma_start3A_98 = arith.constant 0 : i32
    %dma_start3A_99 = arith.constant 3 : i32
    %dma_start3A_100 = arith.constant 0 : i32
    %dma_start3A_101 = arith.constant 0 : i32
    %dma_start3A_102 = arith.constant 0 : i32
    %dma_start3A_103 = tpu.memref_slice %arg6[%dma_start3A_99, %dma_start3A_100, %dma_start3A_101, %dma_start3A_102] : memref<4x2x128x64xf32, #tpu.memory_space<vmem>> -> memref<1x1x128x64xf32, #tpu.memory_space<vmem>>
    %dma_start3A_104 = tpu.memref_squeeze %dma_start3A_103 : memref<1x1x128x64xf32, #tpu.memory_space<vmem>> -> memref<128x64xf32, #tpu.memory_space<vmem>>
    %dma_start3A_105 = arith.constant 0 : i32
    %dma_start3A_106 = tpu.memref_slice %arg5[%dma_start3A_97, %dma_start3A_98, %dma_start3A_105] : memref<4x2x128xi32, #tpu.memory_space<vmem>> -> memref<1x1x128xi32, #tpu.memory_space<vmem>>
    %dma_start3A_107 = tpu.memref_squeeze %dma_start3A_106 : memref<1x1x128xi32, #tpu.memory_space<vmem>> -> memref<128xi32, #tpu.memory_space<vmem>>
    %dma_start3A_108 = arith.constant 0 : i32
    %dma_start3A_109 = arith.constant 0 : i32
    %dma_start3A_110 = tpu.memref_slice %arg3[%dma_start3A_108, %dma_start3A_109] : memref<1000000x64xf32, #tpu.memory_space<hbm>> -> memref<1000000x64xf32, #tpu.memory_space<hbm>>
    tpu.enqueue_indirect_dma source(%dma_start3A_110 : memref<1000000x64xf32, #tpu.memory_space<hbm>>) target(%dma_start3A_104 : memref<128x64xf32, #tpu.memory_space<vmem>>) offsets(%dma_start3A_107 : memref<128xi32, #tpu.memory_space<vmem>>) semaphore(%arg10 : memref<!tpu.dma_semaphore, #tpu.memory_space<semaphore_mem>>)
    %dma_start3A_111 = arith.constant 3 : i32
    %dma_start3A_112 = arith.constant 1 : i32
    %dma_start3A_113 = arith.constant 3 : i32
    %dma_start3A_114 = arith.constant 1 : i32
    %dma_start3A_115 = arith.constant 0 : i32
    %dma_start3A_116 = arith.constant 0 : i32
    %dma_start3A_117 = tpu.memref_slice %arg6[%dma_start3A_113, %dma_start3A_114, %dma_start3A_115, %dma_start3A_116] : memref<4x2x128x64xf32, #tpu.memory_space<vmem>> -> memref<1x1x128x64xf32, #tpu.memory_space<vmem>>
    %dma_start3A_118 = tpu.memref_squeeze %dma_start3A_117 : memref<1x1x128x64xf32, #tpu.memory_space<vmem>> -> memref<128x64xf32, #tpu.memory_space<vmem>>
    %dma_start3A_119 = arith.constant 0 : i32
    %dma_start3A_120 = tpu.memref_slice %arg5[%dma_start3A_111, %dma_start3A_112, %dma_start3A_119] : memref<4x2x128xi32, #tpu.memory_space<vmem>> -> memref<1x1x128xi32, #tpu.memory_space<vmem>>
    %dma_start3A_121 = tpu.memref_squeeze %dma_start3A_120 : memref<1x1x128xi32, #tpu.memory_space<vmem>> -> memref<128xi32, #tpu.memory_space<vmem>>
    %dma_start3A_122 = arith.constant 0 : i32
    %dma_start3A_123 = arith.constant 0 : i32
    %dma_start3A_124 = tpu.memref_slice %arg3[%dma_start3A_122, %dma_start3A_123] : memref<1000000x64xf32, #tpu.memory_space<hbm>> -> memref<1000000x64xf32, #tpu.memory_space<hbm>>
    tpu.enqueue_indirect_dma source(%dma_start3A_124 : memref<1000000x64xf32, #tpu.memory_space<hbm>>) target(%dma_start3A_118 : memref<128x64xf32, #tpu.memory_space<vmem>>) offsets(%dma_start3A_121 : memref<128xi32, #tpu.memory_space<vmem>>) semaphore(%arg10 : memref<!tpu.dma_semaphore, #tpu.memory_space<semaphore_mem>>)
    %scan3A = arith.constant 0 : i32
    %scan3A_125 = arith.constant 0 : i32
    %scan3A_126 = arith.constant 24 : i32
    %scan3A_127 = arith.addi %scan3A_125, %scan3A_126 : i32
    %scan3A_128 = arith.constant 1 : i32
    scf.for %scan3A_393 = %scan3A_125 to %scan3A_127 step %scan3A_128  : i32 {
      %mul3A_394 = arith.constant 4 : i32
      %mul3A_395 = arith.muli %scan3A_393, %mul3A_394 : i32
      %add3A_396 = arith.constant 0 : i32
      %add3A_397 = arith.addi %mul3A_395, %add3A_396 : i32
      %dma_wait3A_398 = arith.constant 0 : i32
      %dma_wait3A_399 = arith.constant 0 : i32
      %dma_wait3A_400 = arith.constant 0 : i32
      %dma_wait3A_401 = arith.constant 0 : i32
      %dma_wait3A_402 = arith.constant 0 : i32
      %dma_wait3A_403 = arith.constant 0 : i32
      %dma_wait3A_404 = tpu.memref_slice %arg6[%dma_wait3A_400, %dma_wait3A_401, %dma_wait3A_402, %dma_wait3A_403] : memref<4x2x128x64xf32, #tpu.memory_space<vmem>> -> memref<1x1x128x64xf32, #tpu.memory_space<vmem>>
      %dma_wait3A_405 = tpu.memref_squeeze %dma_wait3A_404 : memref<1x1x128x64xf32, #tpu.memory_space<vmem>> -> memref<128x64xf32, #tpu.memory_space<vmem>>
      %dma_wait3A_406 = arith.constant 0 : i32
      %dma_wait3A_407 = tpu.memref_slice %arg5[%dma_wait3A_398, %dma_wait3A_399, %dma_wait3A_406] : memref<4x2x128xi32, #tpu.memory_space<vmem>> -> memref<1x1x128xi32, #tpu.memory_space<vmem>>
      %dma_wait3A_408 = tpu.memref_squeeze %dma_wait3A_407 : memref<1x1x128xi32, #tpu.memory_space<vmem>> -> memref<128xi32, #tpu.memory_space<vmem>>
      %dma_wait3A_409 = arith.constant 0 : i32
      %dma_wait3A_410 = arith.constant 0 : i32
      %dma_wait3A_411 = tpu.memref_slice %arg3[%dma_wait3A_409, %dma_wait3A_410] : memref<1000000x64xf32, #tpu.memory_space<hbm>> -> memref<1000000x64xf32, #tpu.memory_space<hbm>>
      tpu.wait_indirect_dma semaphore(%arg7 : memref<!tpu.dma_semaphore, #tpu.memory_space<semaphore_mem>>) src(%dma_wait3A_411 : memref<1000000x64xf32, #tpu.memory_space<hbm>>) dst(%dma_wait3A_405 : memref<128x64xf32, #tpu.memory_space<vmem>>)
      %dma_wait3A_412 = arith.constant 0 : i32
      %dma_wait3A_413 = arith.constant 1 : i32
      %dma_wait3A_414 = arith.constant 0 : i32
      %dma_wait3A_415 = arith.constant 1 : i32
      %dma_wait3A_416 = arith.constant 0 : i32
      %dma_wait3A_417 = arith.constant 0 : i32
      %dma_wait3A_418 = tpu.memref_slice %arg6[%dma_wait3A_414, %dma_wait3A_415, %dma_wait3A_416, %dma_wait3A_417] : memref<4x2x128x64xf32, #tpu.memory_space<vmem>> -> memref<1x1x128x64xf32, #tpu.memory_space<vmem>>
      %dma_wait3A_419 = tpu.memref_squeeze %dma_wait3A_418 : memref<1x1x128x64xf32, #tpu.memory_space<vmem>> -> memref<128x64xf32, #tpu.memory_space<vmem>>
      %dma_wait3A_420 = arith.constant 0 : i32
      %dma_wait3A_421 = tpu.memref_slice %arg5[%dma_wait3A_412, %dma_wait3A_413, %dma_wait3A_420] : memref<4x2x128xi32, #tpu.memory_space<vmem>> -> memref<1x1x128xi32, #tpu.memory_space<vmem>>
      %dma_wait3A_422 = tpu.memref_squeeze %dma_wait3A_421 : memref<1x1x128xi32, #tpu.memory_space<vmem>> -> memref<128xi32, #tpu.memory_space<vmem>>
      %dma_wait3A_423 = arith.constant 0 : i32
      %dma_wait3A_424 = arith.constant 0 : i32
      %dma_wait3A_425 = tpu.memref_slice %arg3[%dma_wait3A_423, %dma_wait3A_424] : memref<1000000x64xf32, #tpu.memory_space<hbm>> -> memref<1000000x64xf32, #tpu.memory_space<hbm>>
      tpu.wait_indirect_dma semaphore(%arg7 : memref<!tpu.dma_semaphore, #tpu.memory_space<semaphore_mem>>) src(%dma_wait3A_425 : memref<1000000x64xf32, #tpu.memory_space<hbm>>) dst(%dma_wait3A_419 : memref<128x64xf32, #tpu.memory_space<vmem>>)
      %mul3A_426 = arith.constant 2 : i32
      %mul3A_427 = arith.muli %add3A_397, %mul3A_426 : i32
      %add3A_428 = arith.addi %mul3A_2, %mul3A_427 : i32
      %dma_start3A_429 = arith.constant 0 : i32
      %dma_start3A_430 = arith.constant 0 : i32
      %dma_start3A_431 = arith.constant 0 : i32
      %dma_start3A_432 = arith.constant 0 : i32
      %dma_start3A_433 = tpu.memref_slice %arg6[%dma_start3A_429, %dma_start3A_430, %dma_start3A_431, %dma_start3A_432] : memref<4x2x128x64xf32, #tpu.memory_space<vmem>> -> memref<1x2x128x64xf32, #tpu.memory_space<vmem>>
      %dma_start3A_434 = tpu.memref_squeeze %dma_start3A_433 : memref<1x2x128x64xf32, #tpu.memory_space<vmem>> -> memref<2x128x64xf32, #tpu.memory_space<vmem>>
      %dma_start3A_435 = arith.constant 0 : i32
      %dma_start3A_436 = arith.constant 0 : i32
      %dma_start3A_437 = tpu.memref_slice %arg4[%add3A_428, %dma_start3A_435, %dma_start3A_436] : memref<6400x128x128xf32, #tpu.memory_space<hbm>> -> memref<2x128x64xf32, #tpu.memory_space<hbm>>
      %dma_start3A_438 = arith.constant 0 : i32
      %dma_start3A_439 = arith.constant 0 : i32
      %dma_start3A_440 = tpu.memref_slice %arg4[%add3A_428, %dma_start3A_438, %dma_start3A_439] : memref<6400x128x128xf32, #tpu.memory_space<hbm>> -> memref<2x128x64xf32, #tpu.memory_space<hbm>>
      %dma_start3A_441 = arith.constant 0 : i32
      %dma_start3A_442 = arith.constant 0 : i32
      %dma_start3A_443 = arith.constant 0 : i32
      %dma_start3A_444 = tpu.memref_slice %arg6[%dma_start3A_429, %dma_start3A_441, %dma_start3A_442, %dma_start3A_443] : memref<4x2x128x64xf32, #tpu.memory_space<vmem>> -> memref<1x2x128x64xf32, #tpu.memory_space<vmem>>
      %dma_start3A_445 = tpu.memref_squeeze %dma_start3A_444 : memref<1x2x128x64xf32, #tpu.memory_space<vmem>> -> memref<2x128x64xf32, #tpu.memory_space<vmem>>
      tpu.enqueue_dma source(%dma_start3A_445 : memref<2x128x64xf32, #tpu.memory_space<vmem>>) target(%dma_start3A_440 : memref<2x128x64xf32, #tpu.memory_space<hbm>>) target_semaphore(%arg11 : memref<!tpu.dma_semaphore, #tpu.memory_space<semaphore_mem>>)
      %mul3A_446 = arith.constant 2 : i32
      %mul3A_447 = arith.muli %add3A_397, %mul3A_446 : i32
      %add3A_448 = arith.addi %mul3A_2, %mul3A_447 : i32
      %dma_wait3A_449 = arith.constant 0 : i32
      %dma_wait3A_450 = arith.constant 0 : i32
      %dma_wait3A_451 = arith.constant 0 : i32
      %dma_wait3A_452 = arith.constant 0 : i32
      %dma_wait3A_453 = tpu.memref_slice %arg6[%dma_wait3A_449, %dma_wait3A_450, %dma_wait3A_451, %dma_wait3A_452] : memref<4x2x128x64xf32, #tpu.memory_space<vmem>> -> memref<1x2x128x64xf32, #tpu.memory_space<vmem>>
      %dma_wait3A_454 = tpu.memref_squeeze %dma_wait3A_453 : memref<1x2x128x64xf32, #tpu.memory_space<vmem>> -> memref<2x128x64xf32, #tpu.memory_space<vmem>>
      %dma_wait3A_455 = arith.constant 0 : i32
      %dma_wait3A_456 = arith.constant 0 : i32
      %dma_wait3A_457 = tpu.memref_slice %arg4[%add3A_448, %dma_wait3A_455, %dma_wait3A_456] : memref<6400x128x128xf32, #tpu.memory_space<hbm>> -> memref<2x128x64xf32, #tpu.memory_space<hbm>>
      %dma_wait3A_458 = arith.constant 0 : i32
      %dma_wait3A_459 = arith.constant 0 : i32
      %dma_wait3A_460 = tpu.memref_slice %arg4[%add3A_448, %dma_wait3A_458, %dma_wait3A_459] : memref<6400x128x128xf32, #tpu.memory_space<hbm>> -> memref<2x128x64xf32, #tpu.memory_space<hbm>>
      %dma_wait3A_461 = arith.constant 0 : i32
      %dma_wait3A_462 = arith.constant 0 : i32
      %dma_wait3A_463 = arith.constant 0 : i32
      %dma_wait3A_464 = tpu.memref_slice %arg6[%dma_wait3A_449, %dma_wait3A_461, %dma_wait3A_462, %dma_wait3A_463] : memref<4x2x128x64xf32, #tpu.memory_space<vmem>> -> memref<1x2x128x64xf32, #tpu.memory_space<vmem>>
      %dma_wait3A_465 = tpu.memref_squeeze %dma_wait3A_464 : memref<1x2x128x64xf32, #tpu.memory_space<vmem>> -> memref<2x128x64xf32, #tpu.memory_space<vmem>>
      tpu.wait_dma2 semaphore(%arg11 : memref<!tpu.dma_semaphore, #tpu.memory_space<semaphore_mem>>) src(%dma_wait3A_465 : memref<2x128x64xf32, #tpu.memory_space<vmem>>) dst(%dma_wait3A_460 : memref<2x128x64xf32, #tpu.memory_space<hbm>>)
      %add3A_466 = arith.constant 4 : i32
      %add3A_467 = arith.addi %add3A_397, %add3A_466 : i32
      %mul3A_468 = arith.constant 2 : i32
      %mul3A_469 = arith.muli %add3A_467, %mul3A_468 : i32
      %add3A_470 = arith.addi %mul3A_2, %mul3A_469 : i32
      %run_scoped3A_471 = arith.constant 0 : i32
      "tpu.region"() ({
        %run_scoped3A_812 = tpu.sem_alloc : memref<!tpu.dma_semaphore, #tpu.memory_space<semaphore_mem>>
        %dma_start3A_813 = arith.constant 0 : i32
        %dma_start3A_814 = arith.constant 0 : i32
        %dma_start3A_815 = tpu.memref_slice %arg5[%run_scoped3A_471, %dma_start3A_813, %dma_start3A_814] : memref<4x2x128xi32, #tpu.memory_space<vmem>> -> memref<1x2x128xi32, #tpu.memory_space<vmem>>
        %dma_start3A_816 = tpu.memref_squeeze %dma_start3A_815 : memref<1x2x128xi32, #tpu.memory_space<vmem>> -> memref<2x128xi32, #tpu.memory_space<vmem>>
        %dma_start3A_817 = arith.constant 0 : i32
        %dma_start3A_818 = tpu.memref_slice %arg2[%add3A_470, %dma_start3A_817] : memref<6400x128xi32, #tpu.memory_space<hbm>> -> memref<2x128xi32, #tpu.memory_space<hbm>>
        %dma_start3A_819 = arith.constant 0 : i32
        %dma_start3A_820 = arith.constant 0 : i32
        %dma_start3A_821 = tpu.memref_slice %arg5[%run_scoped3A_471, %dma_start3A_819, %dma_start3A_820] : memref<4x2x128xi32, #tpu.memory_space<vmem>> -> memref<1x2x128xi32, #tpu.memory_space<vmem>>
        %dma_start3A_822 = tpu.memref_squeeze %dma_start3A_821 : memref<1x2x128xi32, #tpu.memory_space<vmem>> -> memref<2x128xi32, #tpu.memory_space<vmem>>
        %dma_start3A_823 = arith.constant 0 : i32
        %dma_start3A_824 = tpu.memref_slice %arg2[%add3A_470, %dma_start3A_823] : memref<6400x128xi32, #tpu.memory_space<hbm>> -> memref<2x128xi32, #tpu.memory_space<hbm>>
        tpu.enqueue_dma source(%dma_start3A_824 : memref<2x128xi32, #tpu.memory_space<hbm>>) target(%dma_start3A_822 : memref<2x128xi32, #tpu.memory_space<vmem>>) target_semaphore(%run_scoped3A_812 : memref<!tpu.dma_semaphore, #tpu.memory_space<semaphore_mem>>)
        %dma_wait3A_825 = arith.constant 0 : i32
        %dma_wait3A_826 = arith.constant 0 : i32
        %dma_wait3A_827 = tpu.memref_slice %arg5[%run_scoped3A_471, %dma_wait3A_825, %dma_wait3A_826] : memref<4x2x128xi32, #tpu.memory_space<vmem>> -> memref<1x2x128xi32, #tpu.memory_space<vmem>>
        %dma_wait3A_828 = tpu.memref_squeeze %dma_wait3A_827 : memref<1x2x128xi32, #tpu.memory_space<vmem>> -> memref<2x128xi32, #tpu.memory_space<vmem>>
        %dma_wait3A_829 = arith.constant 0 : i32
        %dma_wait3A_830 = tpu.memref_slice %arg2[%add3A_470, %dma_wait3A_829] : memref<6400x128xi32, #tpu.memory_space<hbm>> -> memref<2x128xi32, #tpu.memory_space<hbm>>
        %dma_wait3A_831 = arith.constant 0 : i32
        %dma_wait3A_832 = arith.constant 0 : i32
        %dma_wait3A_833 = tpu.memref_slice %arg5[%run_scoped3A_471, %dma_wait3A_831, %dma_wait3A_832] : memref<4x2x128xi32, #tpu.memory_space<vmem>> -> memref<1x2x128xi32, #tpu.memory_space<vmem>>
        %dma_wait3A_834 = tpu.memref_squeeze %dma_wait3A_833 : memref<1x2x128xi32, #tpu.memory_space<vmem>> -> memref<2x128xi32, #tpu.memory_space<vmem>>
        %dma_wait3A_835 = arith.constant 0 : i32
        %dma_wait3A_836 = tpu.memref_slice %arg2[%add3A_470, %dma_wait3A_835] : memref<6400x128xi32, #tpu.memory_space<hbm>> -> memref<2x128xi32, #tpu.memory_space<hbm>>
        tpu.wait_dma2 semaphore(%run_scoped3A_812 : memref<!tpu.dma_semaphore, #tpu.memory_space<semaphore_mem>>) src(%dma_wait3A_836 : memref<2x128xi32, #tpu.memory_space<hbm>>) dst(%dma_wait3A_834 : memref<2x128xi32, #tpu.memory_space<vmem>>)
        tpu.yield
      }) : () -> ()
      %dma_start3A_472 = arith.constant 0 : i32
      %dma_start3A_473 = arith.constant 0 : i32
      %dma_start3A_474 = arith.constant 0 : i32
      %dma_start3A_475 = arith.constant 0 : i32
      %dma_start3A_476 = arith.constant 0 : i32
      %dma_start3A_477 = arith.constant 0 : i32
      %dma_start3A_478 = tpu.memref_slice %arg6[%dma_start3A_474, %dma_start3A_475, %dma_start3A_476, %dma_start3A_477] : memref<4x2x128x64xf32, #tpu.memory_space<vmem>> -> memref<1x1x128x64xf32, #tpu.memory_space<vmem>>
      %dma_start3A_479 = tpu.memref_squeeze %dma_start3A_478 : memref<1x1x128x64xf32, #tpu.memory_space<vmem>> -> memref<128x64xf32, #tpu.memory_space<vmem>>
      %dma_start3A_480 = arith.constant 0 : i32
      %dma_start3A_481 = tpu.memref_slice %arg5[%dma_start3A_472, %dma_start3A_473, %dma_start3A_480] : memref<4x2x128xi32, #tpu.memory_space<vmem>> -> memref<1x1x128xi32, #tpu.memory_space<vmem>>
      %dma_start3A_482 = tpu.memref_squeeze %dma_start3A_481 : memref<1x1x128xi32, #tpu.memory_space<vmem>> -> memref<128xi32, #tpu.memory_space<vmem>>
      %dma_start3A_483 = arith.constant 0 : i32
      %dma_start3A_484 = arith.constant 0 : i32
      %dma_start3A_485 = tpu.memref_slice %arg3[%dma_start3A_483, %dma_start3A_484] : memref<1000000x64xf32, #tpu.memory_space<hbm>> -> memref<1000000x64xf32, #tpu.memory_space<hbm>>
      tpu.enqueue_indirect_dma source(%dma_start3A_485 : memref<1000000x64xf32, #tpu.memory_space<hbm>>) target(%dma_start3A_479 : memref<128x64xf32, #tpu.memory_space<vmem>>) offsets(%dma_start3A_482 : memref<128xi32, #tpu.memory_space<vmem>>) semaphore(%arg7 : memref<!tpu.dma_semaphore, #tpu.memory_space<semaphore_mem>>)
      %dma_start3A_486 = arith.constant 0 : i32
      %dma_start3A_487 = arith.constant 1 : i32
      %dma_start3A_488 = arith.constant 0 : i32
      %dma_start3A_489 = arith.constant 1 : i32
      %dma_start3A_490 = arith.constant 0 : i32
      %dma_start3A_491 = arith.constant 0 : i32
      %dma_start3A_492 = tpu.memref_slice %arg6[%dma_start3A_488, %dma_start3A_489, %dma_start3A_490, %dma_start3A_491] : memref<4x2x128x64xf32, #tpu.memory_space<vmem>> -> memref<1x1x128x64xf32, #tpu.memory_space<vmem>>
      %dma_start3A_493 = tpu.memref_squeeze %dma_start3A_492 : memref<1x1x128x64xf32, #tpu.memory_space<vmem>> -> memref<128x64xf32, #tpu.memory_space<vmem>>
      %dma_start3A_494 = arith.constant 0 : i32
      %dma_start3A_495 = tpu.memref_slice %arg5[%dma_start3A_486, %dma_start3A_487, %dma_start3A_494] : memref<4x2x128xi32, #tpu.memory_space<vmem>> -> memref<1x1x128xi32, #tpu.memory_space<vmem>>
      %dma_start3A_496 = tpu.memref_squeeze %dma_start3A_495 : memref<1x1x128xi32, #tpu.memory_space<vmem>> -> memref<128xi32, #tpu.memory_space<vmem>>
      %dma_start3A_497 = arith.constant 0 : i32
      %dma_start3A_498 = arith.constant 0 : i32
      %dma_start3A_499 = tpu.memref_slice %arg3[%dma_start3A_497, %dma_start3A_498] : memref<1000000x64xf32, #tpu.memory_space<hbm>> -> memref<1000000x64xf32, #tpu.memory_space<hbm>>
      tpu.enqueue_indirect_dma source(%dma_start3A_499 : memref<1000000x64xf32, #tpu.memory_space<hbm>>) target(%dma_start3A_493 : memref<128x64xf32, #tpu.memory_space<vmem>>) offsets(%dma_start3A_496 : memref<128xi32, #tpu.memory_space<vmem>>) semaphore(%arg7 : memref<!tpu.dma_semaphore, #tpu.memory_space<semaphore_mem>>)
      %add3A_500 = arith.constant 1 : i32
      %add3A_501 = arith.addi %mul3A_395, %add3A_500 : i32
      %dma_wait3A_502 = arith.constant 1 : i32
      %dma_wait3A_503 = arith.constant 0 : i32
      %dma_wait3A_504 = arith.constant 1 : i32
      %dma_wait3A_505 = arith.constant 0 : i32
      %dma_wait3A_506 = arith.constant 0 : i32
      %dma_wait3A_507 = arith.constant 0 : i32
      %dma_wait3A_508 = tpu.memref_slice %arg6[%dma_wait3A_504, %dma_wait3A_505, %dma_wait3A_506, %dma_wait3A_507] : memref<4x2x128x64xf32, #tpu.memory_space<vmem>> -> memref<1x1x128x64xf32, #tpu.memory_space<vmem>>
      %dma_wait3A_509 = tpu.memref_squeeze %dma_wait3A_508 : memref<1x1x128x64xf32, #tpu.memory_space<vmem>> -> memref<128x64xf32, #tpu.memory_space<vmem>>
      %dma_wait3A_510 = arith.constant 0 : i32
      %dma_wait3A_511 = tpu.memref_slice %arg5[%dma_wait3A_502, %dma_wait3A_503, %dma_wait3A_510] : memref<4x2x128xi32, #tpu.memory_space<vmem>> -> memref<1x1x128xi32, #tpu.memory_space<vmem>>
      %dma_wait3A_512 = tpu.memref_squeeze %dma_wait3A_511 : memref<1x1x128xi32, #tpu.memory_space<vmem>> -> memref<128xi32, #tpu.memory_space<vmem>>
      %dma_wait3A_513 = arith.constant 0 : i32
      %dma_wait3A_514 = arith.constant 0 : i32
      %dma_wait3A_515 = tpu.memref_slice %arg3[%dma_wait3A_513, %dma_wait3A_514] : memref<1000000x64xf32, #tpu.memory_space<hbm>> -> memref<1000000x64xf32, #tpu.memory_space<hbm>>
      tpu.wait_indirect_dma semaphore(%arg8 : memref<!tpu.dma_semaphore, #tpu.memory_space<semaphore_mem>>) src(%dma_wait3A_515 : memref<1000000x64xf32, #tpu.memory_space<hbm>>) dst(%dma_wait3A_509 : memref<128x64xf32, #tpu.memory_space<vmem>>)
      %dma_wait3A_516 = arith.constant 1 : i32
      %dma_wait3A_517 = arith.constant 1 : i32
      %dma_wait3A_518 = arith.constant 1 : i32
      %dma_wait3A_519 = arith.constant 1 : i32
      %dma_wait3A_520 = arith.constant 0 : i32
      %dma_wait3A_521 = arith.constant 0 : i32
      %dma_wait3A_522 = tpu.memref_slice %arg6[%dma_wait3A_518, %dma_wait3A_519, %dma_wait3A_520, %dma_wait3A_521] : memref<4x2x128x64xf32, #tpu.memory_space<vmem>> -> memref<1x1x128x64xf32, #tpu.memory_space<vmem>>
      %dma_wait3A_523 = tpu.memref_squeeze %dma_wait3A_522 : memref<1x1x128x64xf32, #tpu.memory_space<vmem>> -> memref<128x64xf32, #tpu.memory_space<vmem>>
      %dma_wait3A_524 = arith.constant 0 : i32
      %dma_wait3A_525 = tpu.memref_slice %arg5[%dma_wait3A_516, %dma_wait3A_517, %dma_wait3A_524] : memref<4x2x128xi32, #tpu.memory_space<vmem>> -> memref<1x1x128xi32, #tpu.memory_space<vmem>>
      %dma_wait3A_526 = tpu.memref_squeeze %dma_wait3A_525 : memref<1x1x128xi32, #tpu.memory_space<vmem>> -> memref<128xi32, #tpu.memory_space<vmem>>
      %dma_wait3A_527 = arith.constant 0 : i32
      %dma_wait3A_528 = arith.constant 0 : i32
      %dma_wait3A_529 = tpu.memref_slice %arg3[%dma_wait3A_527, %dma_wait3A_528] : memref<1000000x64xf32, #tpu.memory_space<hbm>> -> memref<1000000x64xf32, #tpu.memory_space<hbm>>
      tpu.wait_indirect_dma semaphore(%arg8 : memref<!tpu.dma_semaphore, #tpu.memory_space<semaphore_mem>>) src(%dma_wait3A_529 : memref<1000000x64xf32, #tpu.memory_space<hbm>>) dst(%dma_wait3A_523 : memref<128x64xf32, #tpu.memory_space<vmem>>)
      %mul3A_530 = arith.constant 2 : i32
      %mul3A_531 = arith.muli %add3A_501, %mul3A_530 : i32
      %add3A_532 = arith.addi %mul3A_2, %mul3A_531 : i32
      %dma_start3A_533 = arith.constant 1 : i32
      %dma_start3A_534 = arith.constant 0 : i32
      %dma_start3A_535 = arith.constant 0 : i32
      %dma_start3A_536 = arith.constant 0 : i32
      %dma_start3A_537 = tpu.memref_slice %arg6[%dma_start3A_533, %dma_start3A_534, %dma_start3A_535, %dma_start3A_536] : memref<4x2x128x64xf32, #tpu.memory_space<vmem>> -> memref<1x2x128x64xf32, #tpu.memory_space<vmem>>
      %dma_start3A_538 = tpu.memref_squeeze %dma_start3A_537 : memref<1x2x128x64xf32, #tpu.memory_space<vmem>> -> memref<2x128x64xf32, #tpu.memory_space<vmem>>
      %dma_start3A_539 = arith.constant 0 : i32
      %dma_start3A_540 = arith.constant 0 : i32
      %dma_start3A_541 = tpu.memref_slice %arg4[%add3A_532, %dma_start3A_539, %dma_start3A_540] : memref<6400x128x128xf32, #tpu.memory_space<hbm>> -> memref<2x128x64xf32, #tpu.memory_space<hbm>>
      %dma_start3A_542 = arith.constant 0 : i32
      %dma_start3A_543 = arith.constant 0 : i32
      %dma_start3A_544 = tpu.memref_slice %arg4[%add3A_532, %dma_start3A_542, %dma_start3A_543] : memref<6400x128x128xf32, #tpu.memory_space<hbm>> -> memref<2x128x64xf32, #tpu.memory_space<hbm>>
      %dma_start3A_545 = arith.constant 0 : i32
      %dma_start3A_546 = arith.constant 0 : i32
      %dma_start3A_547 = arith.constant 0 : i32
      %dma_start3A_548 = tpu.memref_slice %arg6[%dma_start3A_533, %dma_start3A_545, %dma_start3A_546, %dma_start3A_547] : memref<4x2x128x64xf32, #tpu.memory_space<vmem>> -> memref<1x2x128x64xf32, #tpu.memory_space<vmem>>
      %dma_start3A_549 = tpu.memref_squeeze %dma_start3A_548 : memref<1x2x128x64xf32, #tpu.memory_space<vmem>> -> memref<2x128x64xf32, #tpu.memory_space<vmem>>
      tpu.enqueue_dma source(%dma_start3A_549 : memref<2x128x64xf32, #tpu.memory_space<vmem>>) target(%dma_start3A_544 : memref<2x128x64xf32, #tpu.memory_space<hbm>>) target_semaphore(%arg12 : memref<!tpu.dma_semaphore, #tpu.memory_space<semaphore_mem>>)
      %mul3A_550 = arith.constant 2 : i32
      %mul3A_551 = arith.muli %add3A_501, %mul3A_550 : i32
      %add3A_552 = arith.addi %mul3A_2, %mul3A_551 : i32
      %dma_wait3A_553 = arith.constant 1 : i32
      %dma_wait3A_554 = arith.constant 0 : i32
      %dma_wait3A_555 = arith.constant 0 : i32
      %dma_wait3A_556 = arith.constant 0 : i32
      %dma_wait3A_557 = tpu.memref_slice %arg6[%dma_wait3A_553, %dma_wait3A_554, %dma_wait3A_555, %dma_wait3A_556] : memref<4x2x128x64xf32, #tpu.memory_space<vmem>> -> memref<1x2x128x64xf32, #tpu.memory_space<vmem>>
      %dma_wait3A_558 = tpu.memref_squeeze %dma_wait3A_557 : memref<1x2x128x64xf32, #tpu.memory_space<vmem>> -> memref<2x128x64xf32, #tpu.memory_space<vmem>>
      %dma_wait3A_559 = arith.constant 0 : i32
      %dma_wait3A_560 = arith.constant 0 : i32
      %dma_wait3A_561 = tpu.memref_slice %arg4[%add3A_552, %dma_wait3A_559, %dma_wait3A_560] : memref<6400x128x128xf32, #tpu.memory_space<hbm>> -> memref<2x128x64xf32, #tpu.memory_space<hbm>>
      %dma_wait3A_562 = arith.constant 0 : i32
      %dma_wait3A_563 = arith.constant 0 : i32
      %dma_wait3A_564 = tpu.memref_slice %arg4[%add3A_552, %dma_wait3A_562, %dma_wait3A_563] : memref<6400x128x128xf32, #tpu.memory_space<hbm>> -> memref<2x128x64xf32, #tpu.memory_space<hbm>>
      %dma_wait3A_565 = arith.constant 0 : i32
      %dma_wait3A_566 = arith.constant 0 : i32
      %dma_wait3A_567 = arith.constant 0 : i32
      %dma_wait3A_568 = tpu.memref_slice %arg6[%dma_wait3A_553, %dma_wait3A_565, %dma_wait3A_566, %dma_wait3A_567] : memref<4x2x128x64xf32, #tpu.memory_space<vmem>> -> memref<1x2x128x64xf32, #tpu.memory_space<vmem>>
      %dma_wait3A_569 = tpu.memref_squeeze %dma_wait3A_568 : memref<1x2x128x64xf32, #tpu.memory_space<vmem>> -> memref<2x128x64xf32, #tpu.memory_space<vmem>>
      tpu.wait_dma2 semaphore(%arg12 : memref<!tpu.dma_semaphore, #tpu.memory_space<semaphore_mem>>) src(%dma_wait3A_569 : memref<2x128x64xf32, #tpu.memory_space<vmem>>) dst(%dma_wait3A_564 : memref<2x128x64xf32, #tpu.memory_space<hbm>>)
      %add3A_570 = arith.constant 4 : i32
      %add3A_571 = arith.addi %add3A_501, %add3A_570 : i32
      %mul3A_572 = arith.constant 2 : i32
      %mul3A_573 = arith.muli %add3A_571, %mul3A_572 : i32
      %add3A_574 = arith.addi %mul3A_2, %mul3A_573 : i32
      %run_scoped3A_575 = arith.constant 1 : i32
      "tpu.region"() ({
        %run_scoped3A_812 = tpu.sem_alloc : memref<!tpu.dma_semaphore, #tpu.memory_space<semaphore_mem>>
        %dma_start3A_813 = arith.constant 0 : i32
        %dma_start3A_814 = arith.constant 0 : i32
        %dma_start3A_815 = tpu.memref_slice %arg5[%run_scoped3A_575, %dma_start3A_813, %dma_start3A_814] : memref<4x2x128xi32, #tpu.memory_space<vmem>> -> memref<1x2x128xi32, #tpu.memory_space<vmem>>
        %dma_start3A_816 = tpu.memref_squeeze %dma_start3A_815 : memref<1x2x128xi32, #tpu.memory_space<vmem>> -> memref<2x128xi32, #tpu.memory_space<vmem>>
        %dma_start3A_817 = arith.constant 0 : i32
        %dma_start3A_818 = tpu.memref_slice %arg2[%add3A_574, %dma_start3A_817] : memref<6400x128xi32, #tpu.memory_space<hbm>> -> memref<2x128xi32, #tpu.memory_space<hbm>>
        %dma_start3A_819 = arith.constant 0 : i32
        %dma_start3A_820 = arith.constant 0 : i32
        %dma_start3A_821 = tpu.memref_slice %arg5[%run_scoped3A_575, %dma_start3A_819, %dma_start3A_820] : memref<4x2x128xi32, #tpu.memory_space<vmem>> -> memref<1x2x128xi32, #tpu.memory_space<vmem>>
        %dma_start3A_822 = tpu.memref_squeeze %dma_start3A_821 : memref<1x2x128xi32, #tpu.memory_space<vmem>> -> memref<2x128xi32, #tpu.memory_space<vmem>>
        %dma_start3A_823 = arith.constant 0 : i32
        %dma_start3A_824 = tpu.memref_slice %arg2[%add3A_574, %dma_start3A_823] : memref<6400x128xi32, #tpu.memory_space<hbm>> -> memref<2x128xi32, #tpu.memory_space<hbm>>
        tpu.enqueue_dma source(%dma_start3A_824 : memref<2x128xi32, #tpu.memory_space<hbm>>) target(%dma_start3A_822 : memref<2x128xi32, #tpu.memory_space<vmem>>) target_semaphore(%run_scoped3A_812 : memref<!tpu.dma_semaphore, #tpu.memory_space<semaphore_mem>>)
        %dma_wait3A_825 = arith.constant 0 : i32
        %dma_wait3A_826 = arith.constant 0 : i32
        %dma_wait3A_827 = tpu.memref_slice %arg5[%run_scoped3A_575, %dma_wait3A_825, %dma_wait3A_826] : memref<4x2x128xi32, #tpu.memory_space<vmem>> -> memref<1x2x128xi32, #tpu.memory_space<vmem>>
        %dma_wait3A_828 = tpu.memref_squeeze %dma_wait3A_827 : memref<1x2x128xi32, #tpu.memory_space<vmem>> -> memref<2x128xi32, #tpu.memory_space<vmem>>
        %dma_wait3A_829 = arith.constant 0 : i32
        %dma_wait3A_830 = tpu.memref_slice %arg2[%add3A_574, %dma_wait3A_829] : memref<6400x128xi32, #tpu.memory_space<hbm>> -> memref<2x128xi32, #tpu.memory_space<hbm>>
        %dma_wait3A_831 = arith.constant 0 : i32
        %dma_wait3A_832 = arith.constant 0 : i32
        %dma_wait3A_833 = tpu.memref_slice %arg5[%run_scoped3A_575, %dma_wait3A_831, %dma_wait3A_832] : memref<4x2x128xi32, #tpu.memory_space<vmem>> -> memref<1x2x128xi32, #tpu.memory_space<vmem>>
        %dma_wait3A_834 = tpu.memref_squeeze %dma_wait3A_833 : memref<1x2x128xi32, #tpu.memory_space<vmem>> -> memref<2x128xi32, #tpu.memory_space<vmem>>
        %dma_wait3A_835 = arith.constant 0 : i32
        %dma_wait3A_836 = tpu.memref_slice %arg2[%add3A_574, %dma_wait3A_835] : memref<6400x128xi32, #tpu.memory_space<hbm>> -> memref<2x128xi32, #tpu.memory_space<hbm>>
        tpu.wait_dma2 semaphore(%run_scoped3A_812 : memref<!tpu.dma_semaphore, #tpu.memory_space<semaphore_mem>>) src(%dma_wait3A_836 : memref<2x128xi32, #tpu.memory_space<hbm>>) dst(%dma_wait3A_834 : memref<2x128xi32, #tpu.memory_space<vmem>>)
        tpu.yield
      }) : () -> ()
      %dma_start3A_576 = arith.constant 1 : i32
      %dma_start3A_577 = arith.constant 0 : i32
      %dma_start3A_578 = arith.constant 1 : i32
      %dma_start3A_579 = arith.constant 0 : i32
      %dma_start3A_580 = arith.constant 0 : i32
      %dma_start3A_581 = arith.constant 0 : i32
      %dma_start3A_582 = tpu.memref_slice %arg6[%dma_start3A_578, %dma_start3A_579, %dma_start3A_580, %dma_start3A_581] : memref<4x2x128x64xf32, #tpu.memory_space<vmem>> -> memref<1x1x128x64xf32, #tpu.memory_space<vmem>>
      %dma_start3A_583 = tpu.memref_squeeze %dma_start3A_582 : memref<1x1x128x64xf32, #tpu.memory_space<vmem>> -> memref<128x64xf32, #tpu.memory_space<vmem>>
      %dma_start3A_584 = arith.constant 0 : i32
      %dma_start3A_585 = tpu.memref_slice %arg5[%dma_start3A_576, %dma_start3A_577, %dma_start3A_584] : memref<4x2x128xi32, #tpu.memory_space<vmem>> -> memref<1x1x128xi32, #tpu.memory_space<vmem>>
      %dma_start3A_586 = tpu.memref_squeeze %dma_start3A_585 : memref<1x1x128xi32, #tpu.memory_space<vmem>> -> memref<128xi32, #tpu.memory_space<vmem>>
      %dma_start3A_587 = arith.constant 0 : i32
      %dma_start3A_588 = arith.constant 0 : i32
      %dma_start3A_589 = tpu.memref_slice %arg3[%dma_start3A_587, %dma_start3A_588] : memref<1000000x64xf32, #tpu.memory_space<hbm>> -> memref<1000000x64xf32, #tpu.memory_space<hbm>>
      tpu.enqueue_indirect_dma source(%dma_start3A_589 : memref<1000000x64xf32, #tpu.memory_space<hbm>>) target(%dma_start3A_583 : memref<128x64xf32, #tpu.memory_space<vmem>>) offsets(%dma_start3A_586 : memref<128xi32, #tpu.memory_space<vmem>>) semaphore(%arg8 : memref<!tpu.dma_semaphore, #tpu.memory_space<semaphore_mem>>)
      %dma_start3A_590 = arith.constant 1 : i32
      %dma_start3A_591 = arith.constant 1 : i32
      %dma_start3A_592 = arith.constant 1 : i32
      %dma_start3A_593 = arith.constant 1 : i32
      %dma_start3A_594 = arith.constant 0 : i32
      %dma_start3A_595 = arith.constant 0 : i32
      %dma_start3A_596 = tpu.memref_slice %arg6[%dma_start3A_592, %dma_start3A_593, %dma_start3A_594, %dma_start3A_595] : memref<4x2x128x64xf32, #tpu.memory_space<vmem>> -> memref<1x1x128x64xf32, #tpu.memory_space<vmem>>
      %dma_start3A_597 = tpu.memref_squeeze %dma_start3A_596 : memref<1x1x128x64xf32, #tpu.memory_space<vmem>> -> memref<128x64xf32, #tpu.memory_space<vmem>>
      %dma_start3A_598 = arith.constant 0 : i32
      %dma_start3A_599 = tpu.memref_slice %arg5[%dma_start3A_590, %dma_start3A_591, %dma_start3A_598] : memref<4x2x128xi32, #tpu.memory_space<vmem>> -> memref<1x1x128xi32, #tpu.memory_space<vmem>>
      %dma_start3A_600 = tpu.memref_squeeze %dma_start3A_599 : memref<1x1x128xi32, #tpu.memory_space<vmem>> -> memref<128xi32, #tpu.memory_space<vmem>>
      %dma_start3A_601 = arith.constant 0 : i32
      %dma_start3A_602 = arith.constant 0 : i32
      %dma_start3A_603 = tpu.memref_slice %arg3[%dma_start3A_601, %dma_start3A_602] : memref<1000000x64xf32, #tpu.memory_space<hbm>> -> memref<1000000x64xf32, #tpu.memory_space<hbm>>
      tpu.enqueue_indirect_dma source(%dma_start3A_603 : memref<1000000x64xf32, #tpu.memory_space<hbm>>) target(%dma_start3A_597 : memref<128x64xf32, #tpu.memory_space<vmem>>) offsets(%dma_start3A_600 : memref<128xi32, #tpu.memory_space<vmem>>) semaphore(%arg8 : memref<!tpu.dma_semaphore, #tpu.memory_space<semaphore_mem>>)
      %add3A_604 = arith.constant 2 : i32
      %add3A_605 = arith.addi %mul3A_395, %add3A_604 : i32
      %dma_wait3A_606 = arith.constant 2 : i32
      %dma_wait3A_607 = arith.constant 0 : i32
      %dma_wait3A_608 = arith.constant 2 : i32
      %dma_wait3A_609 = arith.constant 0 : i32
      %dma_wait3A_610 = arith.constant 0 : i32
      %dma_wait3A_611 = arith.constant 0 : i32
      %dma_wait3A_612 = tpu.memref_slice %arg6[%dma_wait3A_608, %dma_wait3A_609, %dma_wait3A_610, %dma_wait3A_611] : memref<4x2x128x64xf32, #tpu.memory_space<vmem>> -> memref<1x1x128x64xf32, #tpu.memory_space<vmem>>
      %dma_wait3A_613 = tpu.memref_squeeze %dma_wait3A_612 : memref<1x1x128x64xf32, #tpu.memory_space<vmem>> -> memref<128x64xf32, #tpu.memory_space<vmem>>
      %dma_wait3A_614 = arith.constant 0 : i32
      %dma_wait3A_615 = tpu.memref_slice %arg5[%dma_wait3A_606, %dma_wait3A_607, %dma_wait3A_614] : memref<4x2x128xi32, #tpu.memory_space<vmem>> -> memref<1x1x128xi32, #tpu.memory_space<vmem>>
      %dma_wait3A_616 = tpu.memref_squeeze %dma_wait3A_615 : memref<1x1x128xi32, #tpu.memory_space<vmem>> -> memref<128xi32, #tpu.memory_space<vmem>>
      %dma_wait3A_617 = arith.constant 0 : i32
      %dma_wait3A_618 = arith.constant 0 : i32
      %dma_wait3A_619 = tpu.memref_slice %arg3[%dma_wait3A_617, %dma_wait3A_618] : memref<1000000x64xf32, #tpu.memory_space<hbm>> -> memref<1000000x64xf32, #tpu.memory_space<hbm>>
      tpu.wait_indirect_dma semaphore(%arg9 : memref<!tpu.dma_semaphore, #tpu.memory_space<semaphore_mem>>) src(%dma_wait3A_619 : memref<1000000x64xf32, #tpu.memory_space<hbm>>) dst(%dma_wait3A_613 : memref<128x64xf32, #tpu.memory_space<vmem>>)
      %dma_wait3A_620 = arith.constant 2 : i32
      %dma_wait3A_621 = arith.constant 1 : i32
      %dma_wait3A_622 = arith.constant 2 : i32
      %dma_wait3A_623 = arith.constant 1 : i32
      %dma_wait3A_624 = arith.constant 0 : i32
      %dma_wait3A_625 = arith.constant 0 : i32
      %dma_wait3A_626 = tpu.memref_slice %arg6[%dma_wait3A_622, %dma_wait3A_623, %dma_wait3A_624, %dma_wait3A_625] : memref<4x2x128x64xf32, #tpu.memory_space<vmem>> -> memref<1x1x128x64xf32, #tpu.memory_space<vmem>>
      %dma_wait3A_627 = tpu.memref_squeeze %dma_wait3A_626 : memref<1x1x128x64xf32, #tpu.memory_space<vmem>> -> memref<128x64xf32, #tpu.memory_space<vmem>>
      %dma_wait3A_628 = arith.constant 0 : i32
      %dma_wait3A_629 = tpu.memref_slice %arg5[%dma_wait3A_620, %dma_wait3A_621, %dma_wait3A_628] : memref<4x2x128xi32, #tpu.memory_space<vmem>> -> memref<1x1x128xi32, #tpu.memory_space<vmem>>
      %dma_wait3A_630 = tpu.memref_squeeze %dma_wait3A_629 : memref<1x1x128xi32, #tpu.memory_space<vmem>> -> memref<128xi32, #tpu.memory_space<vmem>>
      %dma_wait3A_631 = arith.constant 0 : i32
      %dma_wait3A_632 = arith.constant 0 : i32
      %dma_wait3A_633 = tpu.memref_slice %arg3[%dma_wait3A_631, %dma_wait3A_632] : memref<1000000x64xf32, #tpu.memory_space<hbm>> -> memref<1000000x64xf32, #tpu.memory_space<hbm>>
      tpu.wait_indirect_dma semaphore(%arg9 : memref<!tpu.dma_semaphore, #tpu.memory_space<semaphore_mem>>) src(%dma_wait3A_633 : memref<1000000x64xf32, #tpu.memory_space<hbm>>) dst(%dma_wait3A_627 : memref<128x64xf32, #tpu.memory_space<vmem>>)
      %mul3A_634 = arith.constant 2 : i32
      %mul3A_635 = arith.muli %add3A_605, %mul3A_634 : i32
      %add3A_636 = arith.addi %mul3A_2, %mul3A_635 : i32
      %dma_start3A_637 = arith.constant 2 : i32
      %dma_start3A_638 = arith.constant 0 : i32
      %dma_start3A_639 = arith.constant 0 : i32
      %dma_start3A_640 = arith.constant 0 : i32
      %dma_start3A_641 = tpu.memref_slice %arg6[%dma_start3A_637, %dma_start3A_638, %dma_start3A_639, %dma_start3A_640] : memref<4x2x128x64xf32, #tpu.memory_space<vmem>> -> memref<1x2x128x64xf32, #tpu.memory_space<vmem>>
      %dma_start3A_642 = tpu.memref_squeeze %dma_start3A_641 : memref<1x2x128x64xf32, #tpu.memory_space<vmem>> -> memref<2x128x64xf32, #tpu.memory_space<vmem>>
      %dma_start3A_643 = arith.constant 0 : i32
      %dma_start3A_644 = arith.constant 0 : i32
      %dma_start3A_645 = tpu.memref_slice %arg4[%add3A_636, %dma_start3A_643, %dma_start3A_644] : memref<6400x128x128xf32, #tpu.memory_space<hbm>> -> memref<2x128x64xf32, #tpu.memory_space<hbm>>
      %dma_start3A_646 = arith.constant 0 : i32
      %dma_start3A_647 = arith.constant 0 : i32
      %dma_start3A_648 = tpu.memref_slice %arg4[%add3A_636, %dma_start3A_646, %dma_start3A_647] : memref<6400x128x128xf32, #tpu.memory_space<hbm>> -> memref<2x128x64xf32, #tpu.memory_space<hbm>>
      %dma_start3A_649 = arith.constant 0 : i32
      %dma_start3A_650 = arith.constant 0 : i32
      %dma_start3A_651 = arith.constant 0 : i32
      %dma_start3A_652 = tpu.memref_slice %arg6[%dma_start3A_637, %dma_start3A_649, %dma_start3A_650, %dma_start3A_651] : memref<4x2x128x64xf32, #tpu.memory_space<vmem>> -> memref<1x2x128x64xf32, #tpu.memory_space<vmem>>
      %dma_start3A_653 = tpu.memref_squeeze %dma_start3A_652 : memref<1x2x128x64xf32, #tpu.memory_space<vmem>> -> memref<2x128x64xf32, #tpu.memory_space<vmem>>
      tpu.enqueue_dma source(%dma_start3A_653 : memref<2x128x64xf32, #tpu.memory_space<vmem>>) target(%dma_start3A_648 : memref<2x128x64xf32, #tpu.memory_space<hbm>>) target_semaphore(%arg13 : memref<!tpu.dma_semaphore, #tpu.memory_space<semaphore_mem>>)
      %mul3A_654 = arith.constant 2 : i32
      %mul3A_655 = arith.muli %add3A_605, %mul3A_654 : i32
      %add3A_656 = arith.addi %mul3A_2, %mul3A_655 : i32
      %dma_wait3A_657 = arith.constant 2 : i32
      %dma_wait3A_658 = arith.constant 0 : i32
      %dma_wait3A_659 = arith.constant 0 : i32
      %dma_wait3A_660 = arith.constant 0 : i32
      %dma_wait3A_661 = tpu.memref_slice %arg6[%dma_wait3A_657, %dma_wait3A_658, %dma_wait3A_659, %dma_wait3A_660] : memref<4x2x128x64xf32, #tpu.memory_space<vmem>> -> memref<1x2x128x64xf32, #tpu.memory_space<vmem>>
      %dma_wait3A_662 = tpu.memref_squeeze %dma_wait3A_661 : memref<1x2x128x64xf32, #tpu.memory_space<vmem>> -> memref<2x128x64xf32, #tpu.memory_space<vmem>>
      %dma_wait3A_663 = arith.constant 0 : i32
      %dma_wait3A_664 = arith.constant 0 : i32
      %dma_wait3A_665 = tpu.memref_slice %arg4[%add3A_656, %dma_wait3A_663, %dma_wait3A_664] : memref<6400x128x128xf32, #tpu.memory_space<hbm>> -> memref<2x128x64xf32, #tpu.memory_space<hbm>>
      %dma_wait3A_666 = arith.constant 0 : i32
      %dma_wait3A_667 = arith.constant 0 : i32
      %dma_wait3A_668 = tpu.memref_slice %arg4[%add3A_656, %dma_wait3A_666, %dma_wait3A_667] : memref<6400x128x128xf32, #tpu.memory_space<hbm>> -> memref<2x128x64xf32, #tpu.memory_space<hbm>>
      %dma_wait3A_669 = arith.constant 0 : i32
      %dma_wait3A_670 = arith.constant 0 : i32
      %dma_wait3A_671 = arith.constant 0 : i32
      %dma_wait3A_672 = tpu.memref_slice %arg6[%dma_wait3A_657, %dma_wait3A_669, %dma_wait3A_670, %dma_wait3A_671] : memref<4x2x128x64xf32, #tpu.memory_space<vmem>> -> memref<1x2x128x64xf32, #tpu.memory_space<vmem>>
      %dma_wait3A_673 = tpu.memref_squeeze %dma_wait3A_672 : memref<1x2x128x64xf32, #tpu.memory_space<vmem>> -> memref<2x128x64xf32, #tpu.memory_space<vmem>>
      tpu.wait_dma2 semaphore(%arg13 : memref<!tpu.dma_semaphore, #tpu.memory_space<semaphore_mem>>) src(%dma_wait3A_673 : memref<2x128x64xf32, #tpu.memory_space<vmem>>) dst(%dma_wait3A_668 : memref<2x128x64xf32, #tpu.memory_space<hbm>>)
      %add3A_674 = arith.constant 4 : i32
      %add3A_675 = arith.addi %add3A_605, %add3A_674 : i32
      %mul3A_676 = arith.constant 2 : i32
      %mul3A_677 = arith.muli %add3A_675, %mul3A_676 : i32
      %add3A_678 = arith.addi %mul3A_2, %mul3A_677 : i32
      %run_scoped3A_679 = arith.constant 2 : i32
      "tpu.region"() ({
        %run_scoped3A_812 = tpu.sem_alloc : memref<!tpu.dma_semaphore, #tpu.memory_space<semaphore_mem>>
        %dma_start3A_813 = arith.constant 0 : i32
        %dma_start3A_814 = arith.constant 0 : i32
        %dma_start3A_815 = tpu.memref_slice %arg5[%run_scoped3A_679, %dma_start3A_813, %dma_start3A_814] : memref<4x2x128xi32, #tpu.memory_space<vmem>> -> memref<1x2x128xi32, #tpu.memory_space<vmem>>
        %dma_start3A_816 = tpu.memref_squeeze %dma_start3A_815 : memref<1x2x128xi32, #tpu.memory_space<vmem>> -> memref<2x128xi32, #tpu.memory_space<vmem>>
        %dma_start3A_817 = arith.constant 0 : i32
        %dma_start3A_818 = tpu.memref_slice %arg2[%add3A_678, %dma_start3A_817] : memref<6400x128xi32, #tpu.memory_space<hbm>> -> memref<2x128xi32, #tpu.memory_space<hbm>>
        %dma_start3A_819 = arith.constant 0 : i32
        %dma_start3A_820 = arith.constant 0 : i32
        %dma_start3A_821 = tpu.memref_slice %arg5[%run_scoped3A_679, %dma_start3A_819, %dma_start3A_820] : memref<4x2x128xi32, #tpu.memory_space<vmem>> -> memref<1x2x128xi32, #tpu.memory_space<vmem>>
        %dma_start3A_822 = tpu.memref_squeeze %dma_start3A_821 : memref<1x2x128xi32, #tpu.memory_space<vmem>> -> memref<2x128xi32, #tpu.memory_space<vmem>>
        %dma_start3A_823 = arith.constant 0 : i32
        %dma_start3A_824 = tpu.memref_slice %arg2[%add3A_678, %dma_start3A_823] : memref<6400x128xi32, #tpu.memory_space<hbm>> -> memref<2x128xi32, #tpu.memory_space<hbm>>
        tpu.enqueue_dma source(%dma_start3A_824 : memref<2x128xi32, #tpu.memory_space<hbm>>) target(%dma_start3A_822 : memref<2x128xi32, #tpu.memory_space<vmem>>) target_semaphore(%run_scoped3A_812 : memref<!tpu.dma_semaphore, #tpu.memory_space<semaphore_mem>>)
        %dma_wait3A_825 = arith.constant 0 : i32
        %dma_wait3A_826 = arith.constant 0 : i32
        %dma_wait3A_827 = tpu.memref_slice %arg5[%run_scoped3A_679, %dma_wait3A_825, %dma_wait3A_826] : memref<4x2x128xi32, #tpu.memory_space<vmem>> -> memref<1x2x128xi32, #tpu.memory_space<vmem>>
        %dma_wait3A_828 = tpu.memref_squeeze %dma_wait3A_827 : memref<1x2x128xi32, #tpu.memory_space<vmem>> -> memref<2x128xi32, #tpu.memory_space<vmem>>
        %dma_wait3A_829 = arith.constant 0 : i32
        %dma_wait3A_830 = tpu.memref_slice %arg2[%add3A_678, %dma_wait3A_829] : memref<6400x128xi32, #tpu.memory_space<hbm>> -> memref<2x128xi32, #tpu.memory_space<hbm>>
        %dma_wait3A_831 = arith.constant 0 : i32
        %dma_wait3A_832 = arith.constant 0 : i32
        %dma_wait3A_833 = tpu.memref_slice %arg5[%run_scoped3A_679, %dma_wait3A_831, %dma_wait3A_832] : memref<4x2x128xi32, #tpu.memory_space<vmem>> -> memref<1x2x128xi32, #tpu.memory_space<vmem>>
        %dma_wait3A_834 = tpu.memref_squeeze %dma_wait3A_833 : memref<1x2x128xi32, #tpu.memory_space<vmem>> -> memref<2x128xi32, #tpu.memory_space<vmem>>
        %dma_wait3A_835 = arith.constant 0 : i32
        %dma_wait3A_836 = tpu.memref_slice %arg2[%add3A_678, %dma_wait3A_835] : memref<6400x128xi32, #tpu.memory_space<hbm>> -> memref<2x128xi32, #tpu.memory_space<hbm>>
        tpu.wait_dma2 semaphore(%run_scoped3A_812 : memref<!tpu.dma_semaphore, #tpu.memory_space<semaphore_mem>>) src(%dma_wait3A_836 : memref<2x128xi32, #tpu.memory_space<hbm>>) dst(%dma_wait3A_834 : memref<2x128xi32, #tpu.memory_space<vmem>>)
        tpu.yield
      }) : () -> ()
      %dma_start3A_680 = arith.constant 2 : i32
      %dma_start3A_681 = arith.constant 0 : i32
      %dma_start3A_682 = arith.constant 2 : i32
      %dma_start3A_683 = arith.constant 0 : i32
      %dma_start3A_684 = arith.constant 0 : i32
      %dma_start3A_685 = arith.constant 0 : i32
      %dma_start3A_686 = tpu.memref_slice %arg6[%dma_start3A_682, %dma_start3A_683, %dma_start3A_684, %dma_start3A_685] : memref<4x2x128x64xf32, #tpu.memory_space<vmem>> -> memref<1x1x128x64xf32, #tpu.memory_space<vmem>>
      %dma_start3A_687 = tpu.memref_squeeze %dma_start3A_686 : memref<1x1x128x64xf32, #tpu.memory_space<vmem>> -> memref<128x64xf32, #tpu.memory_space<vmem>>
      %dma_start3A_688 = arith.constant 0 : i32
      %dma_start3A_689 = tpu.memref_slice %arg5[%dma_start3A_680, %dma_start3A_681, %dma_start3A_688] : memref<4x2x128xi32, #tpu.memory_space<vmem>> -> memref<1x1x128xi32, #tpu.memory_space<vmem>>
      %dma_start3A_690 = tpu.memref_squeeze %dma_start3A_689 : memref<1x1x128xi32, #tpu.memory_space<vmem>> -> memref<128xi32, #tpu.memory_space<vmem>>
      %dma_start3A_691 = arith.constant 0 : i32
      %dma_start3A_692 = arith.constant 0 : i32
      %dma_start3A_693 = tpu.memref_slice %arg3[%dma_start3A_691, %dma_start3A_692] : memref<1000000x64xf32, #tpu.memory_space<hbm>> -> memref<1000000x64xf32, #tpu.memory_space<hbm>>
      tpu.enqueue_indirect_dma source(%dma_start3A_693 : memref<1000000x64xf32, #tpu.memory_space<hbm>>) target(%dma_start3A_687 : memref<128x64xf32, #tpu.memory_space<vmem>>) offsets(%dma_start3A_690 : memref<128xi32, #tpu.memory_space<vmem>>) semaphore(%arg9 : memref<!tpu.dma_semaphore, #tpu.memory_space<semaphore_mem>>)
      %dma_start3A_694 = arith.constant 2 : i32
      %dma_start3A_695 = arith.constant 1 : i32
      %dma_start3A_696 = arith.constant 2 : i32
      %dma_start3A_697 = arith.constant 1 : i32
      %dma_start3A_698 = arith.constant 0 : i32
      %dma_start3A_699 = arith.constant 0 : i32
      %dma_start3A_700 = tpu.memref_slice %arg6[%dma_start3A_696, %dma_start3A_697, %dma_start3A_698, %dma_start3A_699] : memref<4x2x128x64xf32, #tpu.memory_space<vmem>> -> memref<1x1x128x64xf32, #tpu.memory_space<vmem>>
      %dma_start3A_701 = tpu.memref_squeeze %dma_start3A_700 : memref<1x1x128x64xf32, #tpu.memory_space<vmem>> -> memref<128x64xf32, #tpu.memory_space<vmem>>
      %dma_start3A_702 = arith.constant 0 : i32
      %dma_start3A_703 = tpu.memref_slice %arg5[%dma_start3A_694, %dma_start3A_695, %dma_start3A_702] : memref<4x2x128xi32, #tpu.memory_space<vmem>> -> memref<1x1x128xi32, #tpu.memory_space<vmem>>
      %dma_start3A_704 = tpu.memref_squeeze %dma_start3A_703 : memref<1x1x128xi32, #tpu.memory_space<vmem>> -> memref<128xi32, #tpu.memory_space<vmem>>
      %dma_start3A_705 = arith.constant 0 : i32
      %dma_start3A_706 = arith.constant 0 : i32
      %dma_start3A_707 = tpu.memref_slice %arg3[%dma_start3A_705, %dma_start3A_706] : memref<1000000x64xf32, #tpu.memory_space<hbm>> -> memref<1000000x64xf32, #tpu.memory_space<hbm>>
      tpu.enqueue_indirect_dma source(%dma_start3A_707 : memref<1000000x64xf32, #tpu.memory_space<hbm>>) target(%dma_start3A_701 : memref<128x64xf32, #tpu.memory_space<vmem>>) offsets(%dma_start3A_704 : memref<128xi32, #tpu.memory_space<vmem>>) semaphore(%arg9 : memref<!tpu.dma_semaphore, #tpu.memory_space<semaphore_mem>>)
      %add3A_708 = arith.constant 3 : i32
      %add3A_709 = arith.addi %mul3A_395, %add3A_708 : i32
      %dma_wait3A_710 = arith.constant 3 : i32
      %dma_wait3A_711 = arith.constant 0 : i32
      %dma_wait3A_712 = arith.constant 3 : i32
      %dma_wait3A_713 = arith.constant 0 : i32
      %dma_wait3A_714 = arith.constant 0 : i32
      %dma_wait3A_715 = arith.constant 0 : i32
      %dma_wait3A_716 = tpu.memref_slice %arg6[%dma_wait3A_712, %dma_wait3A_713, %dma_wait3A_714, %dma_wait3A_715] : memref<4x2x128x64xf32, #tpu.memory_space<vmem>> -> memref<1x1x128x64xf32, #tpu.memory_space<vmem>>
      %dma_wait3A_717 = tpu.memref_squeeze %dma_wait3A_716 : memref<1x1x128x64xf32, #tpu.memory_space<vmem>> -> memref<128x64xf32, #tpu.memory_space<vmem>>
      %dma_wait3A_718 = arith.constant 0 : i32
      %dma_wait3A_719 = tpu.memref_slice %arg5[%dma_wait3A_710, %dma_wait3A_711, %dma_wait3A_718] : memref<4x2x128xi32, #tpu.memory_space<vmem>> -> memref<1x1x128xi32, #tpu.memory_space<vmem>>
      %dma_wait3A_720 = tpu.memref_squeeze %dma_wait3A_719 : memref<1x1x128xi32, #tpu.memory_space<vmem>> -> memref<128xi32, #tpu.memory_space<vmem>>
      %dma_wait3A_721 = arith.constant 0 : i32
      %dma_wait3A_722 = arith.constant 0 : i32
      %dma_wait3A_723 = tpu.memref_slice %arg3[%dma_wait3A_721, %dma_wait3A_722] : memref<1000000x64xf32, #tpu.memory_space<hbm>> -> memref<1000000x64xf32, #tpu.memory_space<hbm>>
      tpu.wait_indirect_dma semaphore(%arg10 : memref<!tpu.dma_semaphore, #tpu.memory_space<semaphore_mem>>) src(%dma_wait3A_723 : memref<1000000x64xf32, #tpu.memory_space<hbm>>) dst(%dma_wait3A_717 : memref<128x64xf32, #tpu.memory_space<vmem>>)
      %dma_wait3A_724 = arith.constant 3 : i32
      %dma_wait3A_725 = arith.constant 1 : i32
      %dma_wait3A_726 = arith.constant 3 : i32
      %dma_wait3A_727 = arith.constant 1 : i32
      %dma_wait3A_728 = arith.constant 0 : i32
      %dma_wait3A_729 = arith.constant 0 : i32
      %dma_wait3A_730 = tpu.memref_slice %arg6[%dma_wait3A_726, %dma_wait3A_727, %dma_wait3A_728, %dma_wait3A_729] : memref<4x2x128x64xf32, #tpu.memory_space<vmem>> -> memref<1x1x128x64xf32, #tpu.memory_space<vmem>>
      %dma_wait3A_731 = tpu.memref_squeeze %dma_wait3A_730 : memref<1x1x128x64xf32, #tpu.memory_space<vmem>> -> memref<128x64xf32, #tpu.memory_space<vmem>>
      %dma_wait3A_732 = arith.constant 0 : i32
      %dma_wait3A_733 = tpu.memref_slice %arg5[%dma_wait3A_724, %dma_wait3A_725, %dma_wait3A_732] : memref<4x2x128xi32, #tpu.memory_space<vmem>> -> memref<1x1x128xi32, #tpu.memory_space<vmem>>
      %dma_wait3A_734 = tpu.memref_squeeze %dma_wait3A_733 : memref<1x1x128xi32, #tpu.memory_space<vmem>> -> memref<128xi32, #tpu.memory_space<vmem>>
      %dma_wait3A_735 = arith.constant 0 : i32
      %dma_wait3A_736 = arith.constant 0 : i32
      %dma_wait3A_737 = tpu.memref_slice %arg3[%dma_wait3A_735, %dma_wait3A_736] : memref<1000000x64xf32, #tpu.memory_space<hbm>> -> memref<1000000x64xf32, #tpu.memory_space<hbm>>
      tpu.wait_indirect_dma semaphore(%arg10 : memref<!tpu.dma_semaphore, #tpu.memory_space<semaphore_mem>>) src(%dma_wait3A_737 : memref<1000000x64xf32, #tpu.memory_space<hbm>>) dst(%dma_wait3A_731 : memref<128x64xf32, #tpu.memory_space<vmem>>)
      %mul3A_738 = arith.constant 2 : i32
      %mul3A_739 = arith.muli %add3A_709, %mul3A_738 : i32
      %add3A_740 = arith.addi %mul3A_2, %mul3A_739 : i32
      %dma_start3A_741 = arith.constant 3 : i32
      %dma_start3A_742 = arith.constant 0 : i32
      %dma_start3A_743 = arith.constant 0 : i32
      %dma_start3A_744 = arith.constant 0 : i32
      %dma_start3A_745 = tpu.memref_slice %arg6[%dma_start3A_741, %dma_start3A_742, %dma_start3A_743, %dma_start3A_744] : memref<4x2x128x64xf32, #tpu.memory_space<vmem>> -> memref<1x2x128x64xf32, #tpu.memory_space<vmem>>
      %dma_start3A_746 = tpu.memref_squeeze %dma_start3A_745 : memref<1x2x128x64xf32, #tpu.memory_space<vmem>> -> memref<2x128x64xf32, #tpu.memory_space<vmem>>
      %dma_start3A_747 = arith.constant 0 : i32
      %dma_start3A_748 = arith.constant 0 : i32
      %dma_start3A_749 = tpu.memref_slice %arg4[%add3A_740, %dma_start3A_747, %dma_start3A_748] : memref<6400x128x128xf32, #tpu.memory_space<hbm>> -> memref<2x128x64xf32, #tpu.memory_space<hbm>>
      %dma_start3A_750 = arith.constant 0 : i32
      %dma_start3A_751 = arith.constant 0 : i32
      %dma_start3A_752 = tpu.memref_slice %arg4[%add3A_740, %dma_start3A_750, %dma_start3A_751] : memref<6400x128x128xf32, #tpu.memory_space<hbm>> -> memref<2x128x64xf32, #tpu.memory_space<hbm>>
      %dma_start3A_753 = arith.constant 0 : i32
      %dma_start3A_754 = arith.constant 0 : i32
      %dma_start3A_755 = arith.constant 0 : i32
      %dma_start3A_756 = tpu.memref_slice %arg6[%dma_start3A_741, %dma_start3A_753, %dma_start3A_754, %dma_start3A_755] : memref<4x2x128x64xf32, #tpu.memory_space<vmem>> -> memref<1x2x128x64xf32, #tpu.memory_space<vmem>>
      %dma_start3A_757 = tpu.memref_squeeze %dma_start3A_756 : memref<1x2x128x64xf32, #tpu.memory_space<vmem>> -> memref<2x128x64xf32, #tpu.memory_space<vmem>>
      tpu.enqueue_dma source(%dma_start3A_757 : memref<2x128x64xf32, #tpu.memory_space<vmem>>) target(%dma_start3A_752 : memref<2x128x64xf32, #tpu.memory_space<hbm>>) target_semaphore(%arg14 : memref<!tpu.dma_semaphore, #tpu.memory_space<semaphore_mem>>)
      %mul3A_758 = arith.constant 2 : i32
      %mul3A_759 = arith.muli %add3A_709, %mul3A_758 : i32
      %add3A_760 = arith.addi %mul3A_2, %mul3A_759 : i32
      %dma_wait3A_761 = arith.constant 3 : i32
      %dma_wait3A_762 = arith.constant 0 : i32
      %dma_wait3A_763 = arith.constant 0 : i32
      %dma_wait3A_764 = arith.constant 0 : i32
      %dma_wait3A_765 = tpu.memref_slice %arg6[%dma_wait3A_761, %dma_wait3A_762, %dma_wait3A_763, %dma_wait3A_764] : memref<4x2x128x64xf32, #tpu.memory_space<vmem>> -> memref<1x2x128x64xf32, #tpu.memory_space<vmem>>
      %dma_wait3A_766 = tpu.memref_squeeze %dma_wait3A_765 : memref<1x2x128x64xf32, #tpu.memory_space<vmem>> -> memref<2x128x64xf32, #tpu.memory_space<vmem>>
      %dma_wait3A_767 = arith.constant 0 : i32
      %dma_wait3A_768 = arith.constant 0 : i32
      %dma_wait3A_769 = tpu.memref_slice %arg4[%add3A_760, %dma_wait3A_767, %dma_wait3A_768] : memref<6400x128x128xf32, #tpu.memory_space<hbm>> -> memref<2x128x64xf32, #tpu.memory_space<hbm>>
      %dma_wait3A_770 = arith.constant 0 : i32
      %dma_wait3A_771 = arith.constant 0 : i32
      %dma_wait3A_772 = tpu.memref_slice %arg4[%add3A_760, %dma_wait3A_770, %dma_wait3A_771] : memref<6400x128x128xf32, #tpu.memory_space<hbm>> -> memref<2x128x64xf32, #tpu.memory_space<hbm>>
      %dma_wait3A_773 = arith.constant 0 : i32
      %dma_wait3A_774 = arith.constant 0 : i32
      %dma_wait3A_775 = arith.constant 0 : i32
      %dma_wait3A_776 = tpu.memref_slice %arg6[%dma_wait3A_761, %dma_wait3A_773, %dma_wait3A_774, %dma_wait3A_775] : memref<4x2x128x64xf32, #tpu.memory_space<vmem>> -> memref<1x2x128x64xf32, #tpu.memory_space<vmem>>
      %dma_wait3A_777 = tpu.memref_squeeze %dma_wait3A_776 : memref<1x2x128x64xf32, #tpu.memory_space<vmem>> -> memref<2x128x64xf32, #tpu.memory_space<vmem>>
      tpu.wait_dma2 semaphore(%arg14 : memref<!tpu.dma_semaphore, #tpu.memory_space<semaphore_mem>>) src(%dma_wait3A_777 : memref<2x128x64xf32, #tpu.memory_space<vmem>>) dst(%dma_wait3A_772 : memref<2x128x64xf32, #tpu.memory_space<hbm>>)
      %add3A_778 = arith.constant 4 : i32
      %add3A_779 = arith.addi %add3A_709, %add3A_778 : i32
      %mul3A_780 = arith.constant 2 : i32
      %mul3A_781 = arith.muli %add3A_779, %mul3A_780 : i32
      %add3A_782 = arith.addi %mul3A_2, %mul3A_781 : i32
      %run_scoped3A_783 = arith.constant 3 : i32
      "tpu.region"() ({
        %run_scoped3A_812 = tpu.sem_alloc : memref<!tpu.dma_semaphore, #tpu.memory_space<semaphore_mem>>
        %dma_start3A_813 = arith.constant 0 : i32
        %dma_start3A_814 = arith.constant 0 : i32
        %dma_start3A_815 = tpu.memref_slice %arg5[%run_scoped3A_783, %dma_start3A_813, %dma_start3A_814] : memref<4x2x128xi32, #tpu.memory_space<vmem>> -> memref<1x2x128xi32, #tpu.memory_space<vmem>>
        %dma_start3A_816 = tpu.memref_squeeze %dma_start3A_815 : memref<1x2x128xi32, #tpu.memory_space<vmem>> -> memref<2x128xi32, #tpu.memory_space<vmem>>
        %dma_start3A_817 = arith.constant 0 : i32
        %dma_start3A_818 = tpu.memref_slice %arg2[%add3A_782, %dma_start3A_817] : memref<6400x128xi32, #tpu.memory_space<hbm>> -> memref<2x128xi32, #tpu.memory_space<hbm>>
        %dma_start3A_819 = arith.constant 0 : i32
        %dma_start3A_820 = arith.constant 0 : i32
        %dma_start3A_821 = tpu.memref_slice %arg5[%run_scoped3A_783, %dma_start3A_819, %dma_start3A_820] : memref<4x2x128xi32, #tpu.memory_space<vmem>> -> memref<1x2x128xi32, #tpu.memory_space<vmem>>
        %dma_start3A_822 = tpu.memref_squeeze %dma_start3A_821 : memref<1x2x128xi32, #tpu.memory_space<vmem>> -> memref<2x128xi32, #tpu.memory_space<vmem>>
        %dma_start3A_823 = arith.constant 0 : i32
        %dma_start3A_824 = tpu.memref_slice %arg2[%add3A_782, %dma_start3A_823] : memref<6400x128xi32, #tpu.memory_space<hbm>> -> memref<2x128xi32, #tpu.memory_space<hbm>>
        tpu.enqueue_dma source(%dma_start3A_824 : memref<2x128xi32, #tpu.memory_space<hbm>>) target(%dma_start3A_822 : memref<2x128xi32, #tpu.memory_space<vmem>>) target_semaphore(%run_scoped3A_812 : memref<!tpu.dma_semaphore, #tpu.memory_space<semaphore_mem>>)
        %dma_wait3A_825 = arith.constant 0 : i32
        %dma_wait3A_826 = arith.constant 0 : i32
        %dma_wait3A_827 = tpu.memref_slice %arg5[%run_scoped3A_783, %dma_wait3A_825, %dma_wait3A_826] : memref<4x2x128xi32, #tpu.memory_space<vmem>> -> memref<1x2x128xi32, #tpu.memory_space<vmem>>
        %dma_wait3A_828 = tpu.memref_squeeze %dma_wait3A_827 : memref<1x2x128xi32, #tpu.memory_space<vmem>> -> memref<2x128xi32, #tpu.memory_space<vmem>>
        %dma_wait3A_829 = arith.constant 0 : i32
        %dma_wait3A_830 = tpu.memref_slice %arg2[%add3A_782, %dma_wait3A_829] : memref<6400x128xi32, #tpu.memory_space<hbm>> -> memref<2x128xi32, #tpu.memory_space<hbm>>
        %dma_wait3A_831 = arith.constant 0 : i32
        %dma_wait3A_832 = arith.constant 0 : i32
        %dma_wait3A_833 = tpu.memref_slice %arg5[%run_scoped3A_783, %dma_wait3A_831, %dma_wait3A_832] : memref<4x2x128xi32, #tpu.memory_space<vmem>> -> memref<1x2x128xi32, #tpu.memory_space<vmem>>
        %dma_wait3A_834 = tpu.memref_squeeze %dma_wait3A_833 : memref<1x2x128xi32, #tpu.memory_space<vmem>> -> memref<2x128xi32, #tpu.memory_space<vmem>>
        %dma_wait3A_835 = arith.constant 0 : i32
        %dma_wait3A_836 = tpu.memref_slice %arg2[%add3A_782, %dma_wait3A_835] : memref<6400x128xi32, #tpu.memory_space<hbm>> -> memref<2x128xi32, #tpu.memory_space<hbm>>
        tpu.wait_dma2 semaphore(%run_scoped3A_812 : memref<!tpu.dma_semaphore, #tpu.memory_space<semaphore_mem>>) src(%dma_wait3A_836 : memref<2x128xi32, #tpu.memory_space<hbm>>) dst(%dma_wait3A_834 : memref<2x128xi32, #tpu.memory_space<vmem>>)
        tpu.yield
      }) : () -> ()
      %dma_start3A_784 = arith.constant 3 : i32
      %dma_start3A_785 = arith.constant 0 : i32
      %dma_start3A_786 = arith.constant 3 : i32
      %dma_start3A_787 = arith.constant 0 : i32
      %dma_start3A_788 = arith.constant 0 : i32
      %dma_start3A_789 = arith.constant 0 : i32
      %dma_start3A_790 = tpu.memref_slice %arg6[%dma_start3A_786, %dma_start3A_787, %dma_start3A_788, %dma_start3A_789] : memref<4x2x128x64xf32, #tpu.memory_space<vmem>> -> memref<1x1x128x64xf32, #tpu.memory_space<vmem>>
      %dma_start3A_791 = tpu.memref_squeeze %dma_start3A_790 : memref<1x1x128x64xf32, #tpu.memory_space<vmem>> -> memref<128x64xf32, #tpu.memory_space<vmem>>
      %dma_start3A_792 = arith.constant 0 : i32
      %dma_start3A_793 = tpu.memref_slice %arg5[%dma_start3A_784, %dma_start3A_785, %dma_start3A_792] : memref<4x2x128xi32, #tpu.memory_space<vmem>> -> memref<1x1x128xi32, #tpu.memory_space<vmem>>
      %dma_start3A_794 = tpu.memref_squeeze %dma_start3A_793 : memref<1x1x128xi32, #tpu.memory_space<vmem>> -> memref<128xi32, #tpu.memory_space<vmem>>
      %dma_start3A_795 = arith.constant 0 : i32
      %dma_start3A_796 = arith.constant 0 : i32
      %dma_start3A_797 = tpu.memref_slice %arg3[%dma_start3A_795, %dma_start3A_796] : memref<1000000x64xf32, #tpu.memory_space<hbm>> -> memref<1000000x64xf32, #tpu.memory_space<hbm>>
      tpu.enqueue_indirect_dma source(%dma_start3A_797 : memref<1000000x64xf32, #tpu.memory_space<hbm>>) target(%dma_start3A_791 : memref<128x64xf32, #tpu.memory_space<vmem>>) offsets(%dma_start3A_794 : memref<128xi32, #tpu.memory_space<vmem>>) semaphore(%arg10 : memref<!tpu.dma_semaphore, #tpu.memory_space<semaphore_mem>>)
      %dma_start3A_798 = arith.constant 3 : i32
      %dma_start3A_799 = arith.constant 1 : i32
      %dma_start3A_800 = arith.constant 3 : i32
      %dma_start3A_801 = arith.constant 1 : i32
      %dma_start3A_802 = arith.constant 0 : i32
      %dma_start3A_803 = arith.constant 0 : i32
      %dma_start3A_804 = tpu.memref_slice %arg6[%dma_start3A_800, %dma_start3A_801, %dma_start3A_802, %dma_start3A_803] : memref<4x2x128x64xf32, #tpu.memory_space<vmem>> -> memref<1x1x128x64xf32, #tpu.memory_space<vmem>>
      %dma_start3A_805 = tpu.memref_squeeze %dma_start3A_804 : memref<1x1x128x64xf32, #tpu.memory_space<vmem>> -> memref<128x64xf32, #tpu.memory_space<vmem>>
      %dma_start3A_806 = arith.constant 0 : i32
      %dma_start3A_807 = tpu.memref_slice %arg5[%dma_start3A_798, %dma_start3A_799, %dma_start3A_806] : memref<4x2x128xi32, #tpu.memory_space<vmem>> -> memref<1x1x128xi32, #tpu.memory_space<vmem>>
      %dma_start3A_808 = tpu.memref_squeeze %dma_start3A_807 : memref<1x1x128xi32, #tpu.memory_space<vmem>> -> memref<128xi32, #tpu.memory_space<vmem>>
      %dma_start3A_809 = arith.constant 0 : i32
      %dma_start3A_810 = arith.constant 0 : i32
      %dma_start3A_811 = tpu.memref_slice %arg3[%dma_start3A_809, %dma_start3A_810] : memref<1000000x64xf32, #tpu.memory_space<hbm>> -> memref<1000000x64xf32, #tpu.memory_space<hbm>>
      tpu.enqueue_indirect_dma source(%dma_start3A_811 : memref<1000000x64xf32, #tpu.memory_space<hbm>>) target(%dma_start3A_805 : memref<128x64xf32, #tpu.memory_space<vmem>>) offsets(%dma_start3A_808 : memref<128xi32, #tpu.memory_space<vmem>>) semaphore(%arg10 : memref<!tpu.dma_semaphore, #tpu.memory_space<semaphore_mem>>)
    }
    %scan3A_129 = arith.constant 24 : i32
    %dma_wait3A = arith.constant 0 : i32
    %dma_wait3A_130 = arith.constant 0 : i32
    %dma_wait3A_131 = arith.constant 0 : i32
    %dma_wait3A_132 = arith.constant 0 : i32
    %dma_wait3A_133 = arith.constant 0 : i32
    %dma_wait3A_134 = arith.constant 0 : i32
    %dma_wait3A_135 = tpu.memref_slice %arg6[%dma_wait3A_131, %dma_wait3A_132, %dma_wait3A_133, %dma_wait3A_134] : memref<4x2x128x64xf32, #tpu.memory_space<vmem>> -> memref<1x1x128x64xf32, #tpu.memory_space<vmem>>
    %dma_wait3A_136 = tpu.memref_squeeze %dma_wait3A_135 : memref<1x1x128x64xf32, #tpu.memory_space<vmem>> -> memref<128x64xf32, #tpu.memory_space<vmem>>
    %dma_wait3A_137 = arith.constant 0 : i32
    %dma_wait3A_138 = tpu.memref_slice %arg5[%dma_wait3A, %dma_wait3A_130, %dma_wait3A_137] : memref<4x2x128xi32, #tpu.memory_space<vmem>> -> memref<1x1x128xi32, #tpu.memory_space<vmem>>
    %dma_wait3A_139 = tpu.memref_squeeze %dma_wait3A_138 : memref<1x1x128xi32, #tpu.memory_space<vmem>> -> memref<128xi32, #tpu.memory_space<vmem>>
    %dma_wait3A_140 = arith.constant 0 : i32
    %dma_wait3A_141 = arith.constant 0 : i32
    %dma_wait3A_142 = tpu.memref_slice %arg3[%dma_wait3A_140, %dma_wait3A_141] : memref<1000000x64xf32, #tpu.memory_space<hbm>> -> memref<1000000x64xf32, #tpu.memory_space<hbm>>
    tpu.wait_indirect_dma semaphore(%arg7 : memref<!tpu.dma_semaphore, #tpu.memory_space<semaphore_mem>>) src(%dma_wait3A_142 : memref<1000000x64xf32, #tpu.memory_space<hbm>>) dst(%dma_wait3A_136 : memref<128x64xf32, #tpu.memory_space<vmem>>)
    %dma_wait3A_143 = arith.constant 0 : i32
    %dma_wait3A_144 = arith.constant 1 : i32
    %dma_wait3A_145 = arith.constant 0 : i32
    %dma_wait3A_146 = arith.constant 1 : i32
    %dma_wait3A_147 = arith.constant 0 : i32
    %dma_wait3A_148 = arith.constant 0 : i32
    %dma_wait3A_149 = tpu.memref_slice %arg6[%dma_wait3A_145, %dma_wait3A_146, %dma_wait3A_147, %dma_wait3A_148] : memref<4x2x128x64xf32, #tpu.memory_space<vmem>> -> memref<1x1x128x64xf32, #tpu.memory_space<vmem>>
    %dma_wait3A_150 = tpu.memref_squeeze %dma_wait3A_149 : memref<1x1x128x64xf32, #tpu.memory_space<vmem>> -> memref<128x64xf32, #tpu.memory_space<vmem>>
    %dma_wait3A_151 = arith.constant 0 : i32
    %dma_wait3A_152 = tpu.memref_slice %arg5[%dma_wait3A_143, %dma_wait3A_144, %dma_wait3A_151] : memref<4x2x128xi32, #tpu.memory_space<vmem>> -> memref<1x1x128xi32, #tpu.memory_space<vmem>>
    %dma_wait3A_153 = tpu.memref_squeeze %dma_wait3A_152 : memref<1x1x128xi32, #tpu.memory_space<vmem>> -> memref<128xi32, #tpu.memory_space<vmem>>
    %dma_wait3A_154 = arith.constant 0 : i32
    %dma_wait3A_155 = arith.constant 0 : i32
    %dma_wait3A_156 = tpu.memref_slice %arg3[%dma_wait3A_154, %dma_wait3A_155] : memref<1000000x64xf32, #tpu.memory_space<hbm>> -> memref<1000000x64xf32, #tpu.memory_space<hbm>>
    tpu.wait_indirect_dma semaphore(%arg7 : memref<!tpu.dma_semaphore, #tpu.memory_space<semaphore_mem>>) src(%dma_wait3A_156 : memref<1000000x64xf32, #tpu.memory_space<hbm>>) dst(%dma_wait3A_150 : memref<128x64xf32, #tpu.memory_space<vmem>>)
    %add3A_157 = arith.constant 192 : i32
    %add3A_158 = arith.addi %mul3A_2, %add3A_157 : i32
    %dma_start3A_159 = arith.constant 0 : i32
    %dma_start3A_160 = arith.constant 0 : i32
    %dma_start3A_161 = arith.constant 0 : i32
    %dma_start3A_162 = arith.constant 0 : i32
    %dma_start3A_163 = tpu.memref_slice %arg6[%dma_start3A_159, %dma_start3A_160, %dma_start3A_161, %dma_start3A_162] : memref<4x2x128x64xf32, #tpu.memory_space<vmem>> -> memref<1x2x128x64xf32, #tpu.memory_space<vmem>>
    %dma_start3A_164 = tpu.memref_squeeze %dma_start3A_163 : memref<1x2x128x64xf32, #tpu.memory_space<vmem>> -> memref<2x128x64xf32, #tpu.memory_space<vmem>>
    %dma_start3A_165 = arith.constant 0 : i32
    %dma_start3A_166 = arith.constant 0 : i32
    %dma_start3A_167 = tpu.memref_slice %arg4[%add3A_158, %dma_start3A_165, %dma_start3A_166] : memref<6400x128x128xf32, #tpu.memory_space<hbm>> -> memref<2x128x64xf32, #tpu.memory_space<hbm>>
    %dma_start3A_168 = arith.constant 0 : i32
    %dma_start3A_169 = arith.constant 0 : i32
    %dma_start3A_170 = tpu.memref_slice %arg4[%add3A_158, %dma_start3A_168, %dma_start3A_169] : memref<6400x128x128xf32, #tpu.memory_space<hbm>> -> memref<2x128x64xf32, #tpu.memory_space<hbm>>
    %dma_start3A_171 = arith.constant 0 : i32
    %dma_start3A_172 = arith.constant 0 : i32
    %dma_start3A_173 = arith.constant 0 : i32
    %dma_start3A_174 = tpu.memref_slice %arg6[%dma_start3A_159, %dma_start3A_171, %dma_start3A_172, %dma_start3A_173] : memref<4x2x128x64xf32, #tpu.memory_space<vmem>> -> memref<1x2x128x64xf32, #tpu.memory_space<vmem>>
    %dma_start3A_175 = tpu.memref_squeeze %dma_start3A_174 : memref<1x2x128x64xf32, #tpu.memory_space<vmem>> -> memref<2x128x64xf32, #tpu.memory_space<vmem>>
    tpu.enqueue_dma source(%dma_start3A_175 : memref<2x128x64xf32, #tpu.memory_space<vmem>>) target(%dma_start3A_170 : memref<2x128x64xf32, #tpu.memory_space<hbm>>) target_semaphore(%arg11 : memref<!tpu.dma_semaphore, #tpu.memory_space<semaphore_mem>>)
    %add3A_176 = arith.constant 192 : i32
    %add3A_177 = arith.addi %mul3A_2, %add3A_176 : i32
    %dma_wait3A_178 = arith.constant 0 : i32
    %dma_wait3A_179 = arith.constant 0 : i32
    %dma_wait3A_180 = arith.constant 0 : i32
    %dma_wait3A_181 = arith.constant 0 : i32
    %dma_wait3A_182 = tpu.memref_slice %arg6[%dma_wait3A_178, %dma_wait3A_179, %dma_wait3A_180, %dma_wait3A_181] : memref<4x2x128x64xf32, #tpu.memory_space<vmem>> -> memref<1x2x128x64xf32, #tpu.memory_space<vmem>>
    %dma_wait3A_183 = tpu.memref_squeeze %dma_wait3A_182 : memref<1x2x128x64xf32, #tpu.memory_space<vmem>> -> memref<2x128x64xf32, #tpu.memory_space<vmem>>
    %dma_wait3A_184 = arith.constant 0 : i32
    %dma_wait3A_185 = arith.constant 0 : i32
    %dma_wait3A_186 = tpu.memref_slice %arg4[%add3A_177, %dma_wait3A_184, %dma_wait3A_185] : memref<6400x128x128xf32, #tpu.memory_space<hbm>> -> memref<2x128x64xf32, #tpu.memory_space<hbm>>
    %dma_wait3A_187 = arith.constant 0 : i32
    %dma_wait3A_188 = arith.constant 0 : i32
    %dma_wait3A_189 = tpu.memref_slice %arg4[%add3A_177, %dma_wait3A_187, %dma_wait3A_188] : memref<6400x128x128xf32, #tpu.memory_space<hbm>> -> memref<2x128x64xf32, #tpu.memory_space<hbm>>
    %dma_wait3A_190 = arith.constant 0 : i32
    %dma_wait3A_191 = arith.constant 0 : i32
    %dma_wait3A_192 = arith.constant 0 : i32
    %dma_wait3A_193 = tpu.memref_slice %arg6[%dma_wait3A_178, %dma_wait3A_190, %dma_wait3A_191, %dma_wait3A_192] : memref<4x2x128x64xf32, #tpu.memory_space<vmem>> -> memref<1x2x128x64xf32, #tpu.memory_space<vmem>>
    %dma_wait3A_194 = tpu.memref_squeeze %dma_wait3A_193 : memref<1x2x128x64xf32, #tpu.memory_space<vmem>> -> memref<2x128x64xf32, #tpu.memory_space<vmem>>
    tpu.wait_dma2 semaphore(%arg11 : memref<!tpu.dma_semaphore, #tpu.memory_space<semaphore_mem>>) src(%dma_wait3A_194 : memref<2x128x64xf32, #tpu.memory_space<vmem>>) dst(%dma_wait3A_189 : memref<2x128x64xf32, #tpu.memory_space<hbm>>)
    %dma_wait3A_195 = arith.constant 1 : i32
    %dma_wait3A_196 = arith.constant 0 : i32
    %dma_wait3A_197 = arith.constant 1 : i32
    %dma_wait3A_198 = arith.constant 0 : i32
    %dma_wait3A_199 = arith.constant 0 : i32
    %dma_wait3A_200 = arith.constant 0 : i32
    %dma_wait3A_201 = tpu.memref_slice %arg6[%dma_wait3A_197, %dma_wait3A_198, %dma_wait3A_199, %dma_wait3A_200] : memref<4x2x128x64xf32, #tpu.memory_space<vmem>> -> memref<1x1x128x64xf32, #tpu.memory_space<vmem>>
    %dma_wait3A_202 = tpu.memref_squeeze %dma_wait3A_201 : memref<1x1x128x64xf32, #tpu.memory_space<vmem>> -> memref<128x64xf32, #tpu.memory_space<vmem>>
    %dma_wait3A_203 = arith.constant 0 : i32
    %dma_wait3A_204 = tpu.memref_slice %arg5[%dma_wait3A_195, %dma_wait3A_196, %dma_wait3A_203] : memref<4x2x128xi32, #tpu.memory_space<vmem>> -> memref<1x1x128xi32, #tpu.memory_space<vmem>>
    %dma_wait3A_205 = tpu.memref_squeeze %dma_wait3A_204 : memref<1x1x128xi32, #tpu.memory_space<vmem>> -> memref<128xi32, #tpu.memory_space<vmem>>
    %dma_wait3A_206 = arith.constant 0 : i32
    %dma_wait3A_207 = arith.constant 0 : i32
    %dma_wait3A_208 = tpu.memref_slice %arg3[%dma_wait3A_206, %dma_wait3A_207] : memref<1000000x64xf32, #tpu.memory_space<hbm>> -> memref<1000000x64xf32, #tpu.memory_space<hbm>>
    tpu.wait_indirect_dma semaphore(%arg8 : memref<!tpu.dma_semaphore, #tpu.memory_space<semaphore_mem>>) src(%dma_wait3A_208 : memref<1000000x64xf32, #tpu.memory_space<hbm>>) dst(%dma_wait3A_202 : memref<128x64xf32, #tpu.memory_space<vmem>>)
    %dma_wait3A_209 = arith.constant 1 : i32
    %dma_wait3A_210 = arith.constant 1 : i32
    %dma_wait3A_211 = arith.constant 1 : i32
    %dma_wait3A_212 = arith.constant 1 : i32
    %dma_wait3A_213 = arith.constant 0 : i32
    %dma_wait3A_214 = arith.constant 0 : i32
    %dma_wait3A_215 = tpu.memref_slice %arg6[%dma_wait3A_211, %dma_wait3A_212, %dma_wait3A_213, %dma_wait3A_214] : memref<4x2x128x64xf32, #tpu.memory_space<vmem>> -> memref<1x1x128x64xf32, #tpu.memory_space<vmem>>
    %dma_wait3A_216 = tpu.memref_squeeze %dma_wait3A_215 : memref<1x1x128x64xf32, #tpu.memory_space<vmem>> -> memref<128x64xf32, #tpu.memory_space<vmem>>
    %dma_wait3A_217 = arith.constant 0 : i32
    %dma_wait3A_218 = tpu.memref_slice %arg5[%dma_wait3A_209, %dma_wait3A_210, %dma_wait3A_217] : memref<4x2x128xi32, #tpu.memory_space<vmem>> -> memref<1x1x128xi32, #tpu.memory_space<vmem>>
    %dma_wait3A_219 = tpu.memref_squeeze %dma_wait3A_218 : memref<1x1x128xi32, #tpu.memory_space<vmem>> -> memref<128xi32, #tpu.memory_space<vmem>>
    %dma_wait3A_220 = arith.constant 0 : i32
    %dma_wait3A_221 = arith.constant 0 : i32
    %dma_wait3A_222 = tpu.memref_slice %arg3[%dma_wait3A_220, %dma_wait3A_221] : memref<1000000x64xf32, #tpu.memory_space<hbm>> -> memref<1000000x64xf32, #tpu.memory_space<hbm>>
    tpu.wait_indirect_dma semaphore(%arg8 : memref<!tpu.dma_semaphore, #tpu.memory_space<semaphore_mem>>) src(%dma_wait3A_222 : memref<1000000x64xf32, #tpu.memory_space<hbm>>) dst(%dma_wait3A_216 : memref<128x64xf32, #tpu.memory_space<vmem>>)
    %add3A_223 = arith.constant 194 : i32
    %add3A_224 = arith.addi %mul3A_2, %add3A_223 : i32
    %dma_start3A_225 = arith.constant 1 : i32
    %dma_start3A_226 = arith.constant 0 : i32
    %dma_start3A_227 = arith.constant 0 : i32
    %dma_start3A_228 = arith.constant 0 : i32
    %dma_start3A_229 = tpu.memref_slice %arg6[%dma_start3A_225, %dma_start3A_226, %dma_start3A_227, %dma_start3A_228] : memref<4x2x128x64xf32, #tpu.memory_space<vmem>> -> memref<1x2x128x64xf32, #tpu.memory_space<vmem>>
    %dma_start3A_230 = tpu.memref_squeeze %dma_start3A_229 : memref<1x2x128x64xf32, #tpu.memory_space<vmem>> -> memref<2x128x64xf32, #tpu.memory_space<vmem>>
    %dma_start3A_231 = arith.constant 0 : i32
    %dma_start3A_232 = arith.constant 0 : i32
    %dma_start3A_233 = tpu.memref_slice %arg4[%add3A_224, %dma_start3A_231, %dma_start3A_232] : memref<6400x128x128xf32, #tpu.memory_space<hbm>> -> memref<2x128x64xf32, #tpu.memory_space<hbm>>
    %dma_start3A_234 = arith.constant 0 : i32
    %dma_start3A_235 = arith.constant 0 : i32
    %dma_start3A_236 = tpu.memref_slice %arg4[%add3A_224, %dma_start3A_234, %dma_start3A_235] : memref<6400x128x128xf32, #tpu.memory_space<hbm>> -> memref<2x128x64xf32, #tpu.memory_space<hbm>>
    %dma_start3A_237 = arith.constant 0 : i32
    %dma_start3A_238 = arith.constant 0 : i32
    %dma_start3A_239 = arith.constant 0 : i32
    %dma_start3A_240 = tpu.memref_slice %arg6[%dma_start3A_225, %dma_start3A_237, %dma_start3A_238, %dma_start3A_239] : memref<4x2x128x64xf32, #tpu.memory_space<vmem>> -> memref<1x2x128x64xf32, #tpu.memory_space<vmem>>
    %dma_start3A_241 = tpu.memref_squeeze %dma_start3A_240 : memref<1x2x128x64xf32, #tpu.memory_space<vmem>> -> memref<2x128x64xf32, #tpu.memory_space<vmem>>
    tpu.enqueue_dma source(%dma_start3A_241 : memref<2x128x64xf32, #tpu.memory_space<vmem>>) target(%dma_start3A_236 : memref<2x128x64xf32, #tpu.memory_space<hbm>>) target_semaphore(%arg12 : memref<!tpu.dma_semaphore, #tpu.memory_space<semaphore_mem>>)
    %add3A_242 = arith.constant 194 : i32
    %add3A_243 = arith.addi %mul3A_2, %add3A_242 : i32
    %dma_wait3A_244 = arith.constant 1 : i32
    %dma_wait3A_245 = arith.constant 0 : i32
    %dma_wait3A_246 = arith.constant 0 : i32
    %dma_wait3A_247 = arith.constant 0 : i32
    %dma_wait3A_248 = tpu.memref_slice %arg6[%dma_wait3A_244, %dma_wait3A_245, %dma_wait3A_246, %dma_wait3A_247] : memref<4x2x128x64xf32, #tpu.memory_space<vmem>> -> memref<1x2x128x64xf32, #tpu.memory_space<vmem>>
    %dma_wait3A_249 = tpu.memref_squeeze %dma_wait3A_248 : memref<1x2x128x64xf32, #tpu.memory_space<vmem>> -> memref<2x128x64xf32, #tpu.memory_space<vmem>>
    %dma_wait3A_250 = arith.constant 0 : i32
    %dma_wait3A_251 = arith.constant 0 : i32
    %dma_wait3A_252 = tpu.memref_slice %arg4[%add3A_243, %dma_wait3A_250, %dma_wait3A_251] : memref<6400x128x128xf32, #tpu.memory_space<hbm>> -> memref<2x128x64xf32, #tpu.memory_space<hbm>>
    %dma_wait3A_253 = arith.constant 0 : i32
    %dma_wait3A_254 = arith.constant 0 : i32
    %dma_wait3A_255 = tpu.memref_slice %arg4[%add3A_243, %dma_wait3A_253, %dma_wait3A_254] : memref<6400x128x128xf32, #tpu.memory_space<hbm>> -> memref<2x128x64xf32, #tpu.memory_space<hbm>>
    %dma_wait3A_256 = arith.constant 0 : i32
    %dma_wait3A_257 = arith.constant 0 : i32
    %dma_wait3A_258 = arith.constant 0 : i32
    %dma_wait3A_259 = tpu.memref_slice %arg6[%dma_wait3A_244, %dma_wait3A_256, %dma_wait3A_257, %dma_wait3A_258] : memref<4x2x128x64xf32, #tpu.memory_space<vmem>> -> memref<1x2x128x64xf32, #tpu.memory_space<vmem>>
    %dma_wait3A_260 = tpu.memref_squeeze %dma_wait3A_259 : memref<1x2x128x64xf32, #tpu.memory_space<vmem>> -> memref<2x128x64xf32, #tpu.memory_space<vmem>>
    tpu.wait_dma2 semaphore(%arg12 : memref<!tpu.dma_semaphore, #tpu.memory_space<semaphore_mem>>) src(%dma_wait3A_260 : memref<2x128x64xf32, #tpu.memory_space<vmem>>) dst(%dma_wait3A_255 : memref<2x128x64xf32, #tpu.memory_space<hbm>>)
    %dma_wait3A_261 = arith.constant 2 : i32
    %dma_wait3A_262 = arith.constant 0 : i32
    %dma_wait3A_263 = arith.constant 2 : i32
    %dma_wait3A_264 = arith.constant 0 : i32
    %dma_wait3A_265 = arith.constant 0 : i32
    %dma_wait3A_266 = arith.constant 0 : i32
    %dma_wait3A_267 = tpu.memref_slice %arg6[%dma_wait3A_263, %dma_wait3A_264, %dma_wait3A_265, %dma_wait3A_266] : memref<4x2x128x64xf32, #tpu.memory_space<vmem>> -> memref<1x1x128x64xf32, #tpu.memory_space<vmem>>
    %dma_wait3A_268 = tpu.memref_squeeze %dma_wait3A_267 : memref<1x1x128x64xf32, #tpu.memory_space<vmem>> -> memref<128x64xf32, #tpu.memory_space<vmem>>
    %dma_wait3A_269 = arith.constant 0 : i32
    %dma_wait3A_270 = tpu.memref_slice %arg5[%dma_wait3A_261, %dma_wait3A_262, %dma_wait3A_269] : memref<4x2x128xi32, #tpu.memory_space<vmem>> -> memref<1x1x128xi32, #tpu.memory_space<vmem>>
    %dma_wait3A_271 = tpu.memref_squeeze %dma_wait3A_270 : memref<1x1x128xi32, #tpu.memory_space<vmem>> -> memref<128xi32, #tpu.memory_space<vmem>>
    %dma_wait3A_272 = arith.constant 0 : i32
    %dma_wait3A_273 = arith.constant 0 : i32
    %dma_wait3A_274 = tpu.memref_slice %arg3[%dma_wait3A_272, %dma_wait3A_273] : memref<1000000x64xf32, #tpu.memory_space<hbm>> -> memref<1000000x64xf32, #tpu.memory_space<hbm>>
    tpu.wait_indirect_dma semaphore(%arg9 : memref<!tpu.dma_semaphore, #tpu.memory_space<semaphore_mem>>) src(%dma_wait3A_274 : memref<1000000x64xf32, #tpu.memory_space<hbm>>) dst(%dma_wait3A_268 : memref<128x64xf32, #tpu.memory_space<vmem>>)
    %dma_wait3A_275 = arith.constant 2 : i32
    %dma_wait3A_276 = arith.constant 1 : i32
    %dma_wait3A_277 = arith.constant 2 : i32
    %dma_wait3A_278 = arith.constant 1 : i32
    %dma_wait3A_279 = arith.constant 0 : i32
    %dma_wait3A_280 = arith.constant 0 : i32
    %dma_wait3A_281 = tpu.memref_slice %arg6[%dma_wait3A_277, %dma_wait3A_278, %dma_wait3A_279, %dma_wait3A_280] : memref<4x2x128x64xf32, #tpu.memory_space<vmem>> -> memref<1x1x128x64xf32, #tpu.memory_space<vmem>>
    %dma_wait3A_282 = tpu.memref_squeeze %dma_wait3A_281 : memref<1x1x128x64xf32, #tpu.memory_space<vmem>> -> memref<128x64xf32, #tpu.memory_space<vmem>>
    %dma_wait3A_283 = arith.constant 0 : i32
    %dma_wait3A_284 = tpu.memref_slice %arg5[%dma_wait3A_275, %dma_wait3A_276, %dma_wait3A_283] : memref<4x2x128xi32, #tpu.memory_space<vmem>> -> memref<1x1x128xi32, #tpu.memory_space<vmem>>
    %dma_wait3A_285 = tpu.memref_squeeze %dma_wait3A_284 : memref<1x1x128xi32, #tpu.memory_space<vmem>> -> memref<128xi32, #tpu.memory_space<vmem>>
    %dma_wait3A_286 = arith.constant 0 : i32
    %dma_wait3A_287 = arith.constant 0 : i32
    %dma_wait3A_288 = tpu.memref_slice %arg3[%dma_wait3A_286, %dma_wait3A_287] : memref<1000000x64xf32, #tpu.memory_space<hbm>> -> memref<1000000x64xf32, #tpu.memory_space<hbm>>
    tpu.wait_indirect_dma semaphore(%arg9 : memref<!tpu.dma_semaphore, #tpu.memory_space<semaphore_mem>>) src(%dma_wait3A_288 : memref<1000000x64xf32, #tpu.memory_space<hbm>>) dst(%dma_wait3A_282 : memref<128x64xf32, #tpu.memory_space<vmem>>)
    %add3A_289 = arith.constant 196 : i32
    %add3A_290 = arith.addi %mul3A_2, %add3A_289 : i32
    %dma_start3A_291 = arith.constant 2 : i32
    %dma_start3A_292 = arith.constant 0 : i32
    %dma_start3A_293 = arith.constant 0 : i32
    %dma_start3A_294 = arith.constant 0 : i32
    %dma_start3A_295 = tpu.memref_slice %arg6[%dma_start3A_291, %dma_start3A_292, %dma_start3A_293, %dma_start3A_294] : memref<4x2x128x64xf32, #tpu.memory_space<vmem>> -> memref<1x2x128x64xf32, #tpu.memory_space<vmem>>
    %dma_start3A_296 = tpu.memref_squeeze %dma_start3A_295 : memref<1x2x128x64xf32, #tpu.memory_space<vmem>> -> memref<2x128x64xf32, #tpu.memory_space<vmem>>
    %dma_start3A_297 = arith.constant 0 : i32
    %dma_start3A_298 = arith.constant 0 : i32
    %dma_start3A_299 = tpu.memref_slice %arg4[%add3A_290, %dma_start3A_297, %dma_start3A_298] : memref<6400x128x128xf32, #tpu.memory_space<hbm>> -> memref<2x128x64xf32, #tpu.memory_space<hbm>>
    %dma_start3A_300 = arith.constant 0 : i32
    %dma_start3A_301 = arith.constant 0 : i32
    %dma_start3A_302 = tpu.memref_slice %arg4[%add3A_290, %dma_start3A_300, %dma_start3A_301] : memref<6400x128x128xf32, #tpu.memory_space<hbm>> -> memref<2x128x64xf32, #tpu.memory_space<hbm>>
    %dma_start3A_303 = arith.constant 0 : i32
    %dma_start3A_304 = arith.constant 0 : i32
    %dma_start3A_305 = arith.constant 0 : i32
    %dma_start3A_306 = tpu.memref_slice %arg6[%dma_start3A_291, %dma_start3A_303, %dma_start3A_304, %dma_start3A_305] : memref<4x2x128x64xf32, #tpu.memory_space<vmem>> -> memref<1x2x128x64xf32, #tpu.memory_space<vmem>>
    %dma_start3A_307 = tpu.memref_squeeze %dma_start3A_306 : memref<1x2x128x64xf32, #tpu.memory_space<vmem>> -> memref<2x128x64xf32, #tpu.memory_space<vmem>>
    tpu.enqueue_dma source(%dma_start3A_307 : memref<2x128x64xf32, #tpu.memory_space<vmem>>) target(%dma_start3A_302 : memref<2x128x64xf32, #tpu.memory_space<hbm>>) target_semaphore(%arg13 : memref<!tpu.dma_semaphore, #tpu.memory_space<semaphore_mem>>)
    %add3A_308 = arith.constant 196 : i32
    %add3A_309 = arith.addi %mul3A_2, %add3A_308 : i32
    %dma_wait3A_310 = arith.constant 2 : i32
    %dma_wait3A_311 = arith.constant 0 : i32
    %dma_wait3A_312 = arith.constant 0 : i32
    %dma_wait3A_313 = arith.constant 0 : i32
    %dma_wait3A_314 = tpu.memref_slice %arg6[%dma_wait3A_310, %dma_wait3A_311, %dma_wait3A_312, %dma_wait3A_313] : memref<4x2x128x64xf32, #tpu.memory_space<vmem>> -> memref<1x2x128x64xf32, #tpu.memory_space<vmem>>
    %dma_wait3A_315 = tpu.memref_squeeze %dma_wait3A_314 : memref<1x2x128x64xf32, #tpu.memory_space<vmem>> -> memref<2x128x64xf32, #tpu.memory_space<vmem>>
    %dma_wait3A_316 = arith.constant 0 : i32
    %dma_wait3A_317 = arith.constant 0 : i32
    %dma_wait3A_318 = tpu.memref_slice %arg4[%add3A_309, %dma_wait3A_316, %dma_wait3A_317] : memref<6400x128x128xf32, #tpu.memory_space<hbm>> -> memref<2x128x64xf32, #tpu.memory_space<hbm>>
    %dma_wait3A_319 = arith.constant 0 : i32
    %dma_wait3A_320 = arith.constant 0 : i32
    %dma_wait3A_321 = tpu.memref_slice %arg4[%add3A_309, %dma_wait3A_319, %dma_wait3A_320] : memref<6400x128x128xf32, #tpu.memory_space<hbm>> -> memref<2x128x64xf32, #tpu.memory_space<hbm>>
    %dma_wait3A_322 = arith.constant 0 : i32
    %dma_wait3A_323 = arith.constant 0 : i32
    %dma_wait3A_324 = arith.constant 0 : i32
    %dma_wait3A_325 = tpu.memref_slice %arg6[%dma_wait3A_310, %dma_wait3A_322, %dma_wait3A_323, %dma_wait3A_324] : memref<4x2x128x64xf32, #tpu.memory_space<vmem>> -> memref<1x2x128x64xf32, #tpu.memory_space<vmem>>
    %dma_wait3A_326 = tpu.memref_squeeze %dma_wait3A_325 : memref<1x2x128x64xf32, #tpu.memory_space<vmem>> -> memref<2x128x64xf32, #tpu.memory_space<vmem>>
    tpu.wait_dma2 semaphore(%arg13 : memref<!tpu.dma_semaphore, #tpu.memory_space<semaphore_mem>>) src(%dma_wait3A_326 : memref<2x128x64xf32, #tpu.memory_space<vmem>>) dst(%dma_wait3A_321 : memref<2x128x64xf32, #tpu.memory_space<hbm>>)
    %dma_wait3A_327 = arith.constant 3 : i32
    %dma_wait3A_328 = arith.constant 0 : i32
    %dma_wait3A_329 = arith.constant 3 : i32
    %dma_wait3A_330 = arith.constant 0 : i32
    %dma_wait3A_331 = arith.constant 0 : i32
    %dma_wait3A_332 = arith.constant 0 : i32
    %dma_wait3A_333 = tpu.memref_slice %arg6[%dma_wait3A_329, %dma_wait3A_330, %dma_wait3A_331, %dma_wait3A_332] : memref<4x2x128x64xf32, #tpu.memory_space<vmem>> -> memref<1x1x128x64xf32, #tpu.memory_space<vmem>>
    %dma_wait3A_334 = tpu.memref_squeeze %dma_wait3A_333 : memref<1x1x128x64xf32, #tpu.memory_space<vmem>> -> memref<128x64xf32, #tpu.memory_space<vmem>>
    %dma_wait3A_335 = arith.constant 0 : i32
    %dma_wait3A_336 = tpu.memref_slice %arg5[%dma_wait3A_327, %dma_wait3A_328, %dma_wait3A_335] : memref<4x2x128xi32, #tpu.memory_space<vmem>> -> memref<1x1x128xi32, #tpu.memory_space<vmem>>
    %dma_wait3A_337 = tpu.memref_squeeze %dma_wait3A_336 : memref<1x1x128xi32, #tpu.memory_space<vmem>> -> memref<128xi32, #tpu.memory_space<vmem>>
    %dma_wait3A_338 = arith.constant 0 : i32
    %dma_wait3A_339 = arith.constant 0 : i32
    %dma_wait3A_340 = tpu.memref_slice %arg3[%dma_wait3A_338, %dma_wait3A_339] : memref<1000000x64xf32, #tpu.memory_space<hbm>> -> memref<1000000x64xf32, #tpu.memory_space<hbm>>
    tpu.wait_indirect_dma semaphore(%arg10 : memref<!tpu.dma_semaphore, #tpu.memory_space<semaphore_mem>>) src(%dma_wait3A_340 : memref<1000000x64xf32, #tpu.memory_space<hbm>>) dst(%dma_wait3A_334 : memref<128x64xf32, #tpu.memory_space<vmem>>)
    %dma_wait3A_341 = arith.constant 3 : i32
    %dma_wait3A_342 = arith.constant 1 : i32
    %dma_wait3A_343 = arith.constant 3 : i32
    %dma_wait3A_344 = arith.constant 1 : i32
    %dma_wait3A_345 = arith.constant 0 : i32
    %dma_wait3A_346 = arith.constant 0 : i32
    %dma_wait3A_347 = tpu.memref_slice %arg6[%dma_wait3A_343, %dma_wait3A_344, %dma_wait3A_345, %dma_wait3A_346] : memref<4x2x128x64xf32, #tpu.memory_space<vmem>> -> memref<1x1x128x64xf32, #tpu.memory_space<vmem>>
    %dma_wait3A_348 = tpu.memref_squeeze %dma_wait3A_347 : memref<1x1x128x64xf32, #tpu.memory_space<vmem>> -> memref<128x64xf32, #tpu.memory_space<vmem>>
    %dma_wait3A_349 = arith.constant 0 : i32
    %dma_wait3A_350 = tpu.memref_slice %arg5[%dma_wait3A_341, %dma_wait3A_342, %dma_wait3A_349] : memref<4x2x128xi32, #tpu.memory_space<vmem>> -> memref<1x1x128xi32, #tpu.memory_space<vmem>>
    %dma_wait3A_351 = tpu.memref_squeeze %dma_wait3A_350 : memref<1x1x128xi32, #tpu.memory_space<vmem>> -> memref<128xi32, #tpu.memory_space<vmem>>
    %dma_wait3A_352 = arith.constant 0 : i32
    %dma_wait3A_353 = arith.constant 0 : i32
    %dma_wait3A_354 = tpu.memref_slice %arg3[%dma_wait3A_352, %dma_wait3A_353] : memref<1000000x64xf32, #tpu.memory_space<hbm>> -> memref<1000000x64xf32, #tpu.memory_space<hbm>>
    tpu.wait_indirect_dma semaphore(%arg10 : memref<!tpu.dma_semaphore, #tpu.memory_space<semaphore_mem>>) src(%dma_wait3A_354 : memref<1000000x64xf32, #tpu.memory_space<hbm>>) dst(%dma_wait3A_348 : memref<128x64xf32, #tpu.memory_space<vmem>>)
    %add3A_355 = arith.constant 198 : i32
    %add3A_356 = arith.addi %mul3A_2, %add3A_355 : i32
    %dma_start3A_357 = arith.constant 3 : i32
    %dma_start3A_358 = arith.constant 0 : i32
    %dma_start3A_359 = arith.constant 0 : i32
    %dma_start3A_360 = arith.constant 0 : i32
    %dma_start3A_361 = tpu.memref_slice %arg6[%dma_start3A_357, %dma_start3A_358, %dma_start3A_359, %dma_start3A_360] : memref<4x2x128x64xf32, #tpu.memory_space<vmem>> -> memref<1x2x128x64xf32, #tpu.memory_space<vmem>>
    %dma_start3A_362 = tpu.memref_squeeze %dma_start3A_361 : memref<1x2x128x64xf32, #tpu.memory_space<vmem>> -> memref<2x128x64xf32, #tpu.memory_space<vmem>>
    %dma_start3A_363 = arith.constant 0 : i32
    %dma_start3A_364 = arith.constant 0 : i32
    %dma_start3A_365 = tpu.memref_slice %arg4[%add3A_356, %dma_start3A_363, %dma_start3A_364] : memref<6400x128x128xf32, #tpu.memory_space<hbm>> -> memref<2x128x64xf32, #tpu.memory_space<hbm>>
    %dma_start3A_366 = arith.constant 0 : i32
    %dma_start3A_367 = arith.constant 0 : i32
    %dma_start3A_368 = tpu.memref_slice %arg4[%add3A_356, %dma_start3A_366, %dma_start3A_367] : memref<6400x128x128xf32, #tpu.memory_space<hbm>> -> memref<2x128x64xf32, #tpu.memory_space<hbm>>
    %dma_start3A_369 = arith.constant 0 : i32
    %dma_start3A_370 = arith.constant 0 : i32
    %dma_start3A_371 = arith.constant 0 : i32
    %dma_start3A_372 = tpu.memref_slice %arg6[%dma_start3A_357, %dma_start3A_369, %dma_start3A_370, %dma_start3A_371] : memref<4x2x128x64xf32, #tpu.memory_space<vmem>> -> memref<1x2x128x64xf32, #tpu.memory_space<vmem>>
    %dma_start3A_373 = tpu.memref_squeeze %dma_start3A_372 : memref<1x2x128x64xf32, #tpu.memory_space<vmem>> -> memref<2x128x64xf32, #tpu.memory_space<vmem>>
    tpu.enqueue_dma source(%dma_start3A_373 : memref<2x128x64xf32, #tpu.memory_space<vmem>>) target(%dma_start3A_368 : memref<2x128x64xf32, #tpu.memory_space<hbm>>) target_semaphore(%arg14 : memref<!tpu.dma_semaphore, #tpu.memory_space<semaphore_mem>>)
    %add3A_374 = arith.constant 198 : i32
    %add3A_375 = arith.addi %mul3A_2, %add3A_374 : i32
    %dma_wait3A_376 = arith.constant 3 : i32
    %dma_wait3A_377 = arith.constant 0 : i32
    %dma_wait3A_378 = arith.constant 0 : i32
    %dma_wait3A_379 = arith.constant 0 : i32
    %dma_wait3A_380 = tpu.memref_slice %arg6[%dma_wait3A_376, %dma_wait3A_377, %dma_wait3A_378, %dma_wait3A_379] : memref<4x2x128x64xf32, #tpu.memory_space<vmem>> -> memref<1x2x128x64xf32, #tpu.memory_space<vmem>>
    %dma_wait3A_381 = tpu.memref_squeeze %dma_wait3A_380 : memref<1x2x128x64xf32, #tpu.memory_space<vmem>> -> memref<2x128x64xf32, #tpu.memory_space<vmem>>
    %dma_wait3A_382 = arith.constant 0 : i32
    %dma_wait3A_383 = arith.constant 0 : i32
    %dma_wait3A_384 = tpu.memref_slice %arg4[%add3A_375, %dma_wait3A_382, %dma_wait3A_383] : memref<6400x128x128xf32, #tpu.memory_space<hbm>> -> memref<2x128x64xf32, #tpu.memory_space<hbm>>
    %dma_wait3A_385 = arith.constant 0 : i32
    %dma_wait3A_386 = arith.constant 0 : i32
    %dma_wait3A_387 = tpu.memref_slice %arg4[%add3A_375, %dma_wait3A_385, %dma_wait3A_386] : memref<6400x128x128xf32, #tpu.memory_space<hbm>> -> memref<2x128x64xf32, #tpu.memory_space<hbm>>
    %dma_wait3A_388 = arith.constant 0 : i32
    %dma_wait3A_389 = arith.constant 0 : i32
    %dma_wait3A_390 = arith.constant 0 : i32
    %dma_wait3A_391 = tpu.memref_slice %arg6[%dma_wait3A_376, %dma_wait3A_388, %dma_wait3A_389, %dma_wait3A_390] : memref<4x2x128x64xf32, #tpu.memory_space<vmem>> -> memref<1x2x128x64xf32, #tpu.memory_space<vmem>>
    %dma_wait3A_392 = tpu.memref_squeeze %dma_wait3A_391 : memref<1x2x128x64xf32, #tpu.memory_space<vmem>> -> memref<2x128x64xf32, #tpu.memory_space<vmem>>
    tpu.wait_dma2 semaphore(%arg14 : memref<!tpu.dma_semaphore, #tpu.memory_space<semaphore_mem>>) src(%dma_wait3A_392 : memref<2x128x64xf32, #tpu.memory_space<vmem>>) dst(%dma_wait3A_387 : memref<2x128x64xf32, #tpu.memory_space<hbm>>)
    return
  }
}

</mosaic_0001>

<sc_bundles>
// kernel: kernel.4.cloned.1.call-start
scs
__scs_entry_jumppad:
0x0: {  	(pc) =	sbr.rel $0x88, $3  }
0x1: {  	(tag) =	ssettag $0x0;
	lr =	simm.s32 $0x1  }
0x2: {  	[smem:$0x3F9F] =	sst lr;
	_ =	strace $0xD0000000  }
0x3: {  	_ = 	snop  }
0x4: {  	_ = 	snop  }
0x5: {  	_ = 	snop  }
0x6: {  	_ = 	snop  }
0x7: {  	_ = 	snop  }
__scs_overlays_trampoline_lowered:
0x8: {  	[smem:$0x3FAE] =	sst s0  }
0x9: {  	[smem:$0x3FAF] =	sst s1  }
0xa: {  	[smem:$0x3FB0] =	sst s2  }
0xb: {  	[smem:$0x3FB1] =	sst s3  }
0xc: {  	[smem:$0x3FB2] =	sst s4  }
0xd: {  	[smem:$0x3FB3] =	sst s5  }
0xe: {  	[smem:$0x3FB4] =	sst s6  }
0xf: {  	[smem:$0x3FB5] =	sst s7  }
0x10: {  	[smem:$0x3FB6] =	sst s8  }
0x11: {  	[smem:$0x3FB7] =	sst s9;
	s0 =	simm.s32 @!p0 $0x0  }
0x12: {  	s1 =	sld [smem:$0x3F9D];
	s0 =	simm.s32 @p0 $0x1  }
0x13: {  	[smem:$0x3FB8] =	sst s0;
	s0 =	simm.s32 @!p1 $0x0  }
0x14: {  	s2 =	sld [smem:$0x3F9C];
	s0 =	simm.s32 @p1 $0x1  }
0x15: {  	[smem:$0x3FB9] =	sst s0;
	s0 =	simm.s32 @!p2 $0x0  }
0x16: {  	s3 =	sld [smem:$0x3FDB];
	s0 =	simm.s32 @p2 $0x1  }
0x17: {  	s4 =	simm.s32 $0x1BF5;
	[smem:$0x3FBB] =	sst s0  }
0x18: {  	s0 =	sld [smem:$0x3F9E];
	_ =	swait.ge [sflag:s4], $0x0  }
0x19: {  	s7 =	sld [smem:$0x3F9F]  }
0x1a: {  	s8 =	sadd.s32 $0xFFFFE003, lr  }
0x1b: {  	s9 =	sadd.s32 $0xFFFFFEF7, lr;
	s5 =	simm.s32 $0xFFFFFFFF;
	p2 =	slt.u32 s8, $0xFFFFF086  }
0x1c: {  	p1 =	slt.u32 s9, $0xF7A;
	s5 =	simm.s32 @!p2 $0x0  }
0x1d: {  	s5 =	simm.s32 @p1 $0x1;
	p0 =	seq.s32 s7, s2  }
0x1e: {  	s7 =	smul.u32 @!p0 $0xF7A, s2;
	p2 =	seq.s32 @!p0 s5, $0x0  }
0x1f: {  	s9 =	smul.u32 $0xF7A, s1;
	s8 =	simm.s32 @!p0 $0x1BF5;
	p2 =	por !p2, p0  }
0x20: {  	[sflag:s8] =	ssyncset.s32 @!p0 $0xFFFFF086;
	s6 =	sadd.s32 @!p0 s3, s7;
	s7 =	simm.s32 @!p0 $0x108  }
0x21: {  	s3 =	sadd.s32 s3, s9;
	s6 =	sadd.s32 @!p0 $0x88, s6;
	s7 =	simm.s32 @p2 $0x1082  }
0x22: {  	[simem:s7], [sflag:s8] =	dma.local @!p0 [hbm:s6], $0xF7A  }
0x23: {  	s9 =	sor.u32 $0xD0000000, s2;
	s6 =	simm.s32 $0x108;
	_ =	swait.ge @!p0 [sflag:s8], $0x0  }
0x24: {  	s3 =	sadd.s32 $0x88, s3;
	s6 =	simm.s32 @!p1 $0x1082;
	[sflag:s4] =	ssyncset.s32 $0xFFFFF086  }
0x25: {  	[simem:s6], [sflag:s4] =	dma.local [hbm:s3], $0xF7A  }
0x26: {  	[smem:$0x3F9F] =	sst s1;
	(tag) =	ssettag s2;
	_ =	strace s9  }
0x27: {  	s1 =	sld [smem:$0x3FAF]  }
0x28: {  	s2 =	sld [smem:$0x3FB0]  }
0x29: {  	s4 =	sld [smem:$0x3FB2]  }
0x2a: {  	p0 =	seq.s32 s5, $0x0;
	s5 =	sld [smem:$0x3FB3]  }
0x2b: {  	s6 =	sld [smem:$0x3FB4]  }
0x2c: {  	s7 =	sld [smem:$0x3FB5]  }
0x2d: {  	s3 =	simm.s32 $0x108;
	s8 =	sld [smem:$0x3FB6]  }
0x2e: {  	s3 =	simm.s32 @!p0 $0x1082;
	s9 =	sld [smem:$0x3FB7]  }
0x2f: {  	lr =	sadd.s32 s0, s3;
	s0 =	sld [smem:$0x3FAE]  }
0x30: {  	s3 =	sld [smem:$0x3FB1]  }
0x31: {  	[smem:$0x3FBA] =	sst s10  }
0x32: {  	s10 =	sld [smem:$0x3FB8];
	_ =	sdelay $0x3  }
0x33: {  	p0 =	seq.s32 s10, $0x1;
	s10 =	sld [smem:$0x3FBA];
	_ =	sdelay $0x3  }
0x34: {  	[smem:$0x3FBA] =	sst s10  }
0x35: {  	s10 =	sld [smem:$0x3FB9];
	_ =	sdelay $0x3  }
0x36: {  	p1 =	seq.s32 s10, $0x1;
	s10 =	sld [smem:$0x3FBA];
	_ =	sdelay $0x3  }
0x37: {  	[smem:$0x3FBA] =	sst s10  }
0x38: {  	s10 =	sld [smem:$0x3FBB]  }
0x39: {  	_ = 	snop;
	(pc) =	sbr.ind lr, $3  }
0x3a: {  	_ = 	snop  }
0x3b: {  	_ = 	snop  }
0x3c: {  	p2 =	seq.s32 s10, $0x1;
	s10 =	sld [smem:$0x3FBA]  }
0x3d: {  	_ =	shalt  }
0x3e: {  	_ =	shalt  }
0x3f: {  	_ =	shalt  }
0x40: {  	_ =	shalt  }
0x41: {  	_ =	shalt  }
0x42: {  	_ =	shalt  }
0x43: {  	_ =	shalt  }
0x44: {  	_ =	shalt  }
0x45: {  	_ =	shalt  }
0x46: {  	_ =	shalt  }
0x47: {  	_ =	shalt  }
0x48: {  	_ =	shalt  }
0x49: {  	_ =	shalt  }
0x4a: {  	_ =	shalt  }
0x4b: {  	_ =	shalt  }
0x4c: {  	_ =	shalt  }
0x4d: {  	_ =	shalt  }
0x4e: {  	_ =	shalt  }
0x4f: {  	_ =	shalt  }
0x50: {  	_ =	shalt  }
0x51: {  	_ =	shalt  }
0x52: {  	_ =	shalt  }
0x53: {  	_ =	shalt  }
0x54: {  	_ =	shalt  }
0x55: {  	_ =	shalt  }
0x56: {  	_ =	shalt  }
0x57: {  	_ =	shalt  }
0x58: {  	_ =	shalt  }
0x59: {  	_ =	shalt  }
0x5a: {  	_ =	shalt  }
0x5b: {  	_ =	shalt  }
0x5c: {  	_ =	shalt  }
0x5d: {  	_ =	shalt  }
0x5e: {  	_ =	shalt  }
0x5f: {  	_ =	shalt  }
0x60: {  	_ =	shalt  }
0x61: {  	_ =	shalt  }
0x62: {  	_ =	shalt  }
0x63: {  	_ =	shalt  }
0x64: {  	_ =	shalt  }
0x65: {  	_ =	shalt  }
0x66: {  	_ =	shalt  }
0x67: {  	_ =	shalt  }
0x68: {  	_ =	shalt  }
0x69: {  	_ =	shalt  }
0x6a: {  	_ =	shalt  }
0x6b: {  	_ =	shalt  }
0x6c: {  	_ =	shalt  }
0x6d: {  	_ =	shalt  }
0x6e: {  	_ =	shalt  }
0x6f: {  	_ =	shalt  }
0x70: {  	_ =	shalt  }
0x71: {  	_ =	shalt  }
0x72: {  	_ =	shalt  }
0x73: {  	_ =	shalt  }
0x74: {  	_ =	shalt  }
0x75: {  	_ =	shalt  }
0x76: {  	_ =	shalt  }
0x77: {  	_ =	shalt  }
0x78: {  	_ =	shalt  }
0x79: {  	_ =	shalt  }
0x7a: {  	_ =	shalt  }
0x7b: {  	_ =	shalt  }
0x7c: {  	_ =	shalt  }
0x7d: {  	_ =	shalt  }
0x7e: {  	_ =	shalt  }
0x7f: {  	_ =	shalt  }
0x80: {  	_ =	shalt  }
0x81: {  	_ =	shalt  }
0x82: {  	_ =	shalt  }
0x83: {  	_ =	shalt  }
0x84: {  	_ =	shalt  }
0x85: {  	_ =	shalt  }
0x86: {  	_ =	shalt  }
0x87: {  	_ =	shalt  }
.Lfunc_end0:
.L_simem_size_0:
called_computation.1_lowered:
.L_overlay_start_0:
0x88: {  	s2 =	sld [smem:$0x3FD9]  }
0x89: {  	s3 =	sld [smem:$0x3FFE];
	_ =	sdelay $0x1  }
0x8a: {  	s1 =	srdreg.scid  }
0x8b: {  	s0 =	sand.u32 $0x1, s1  }
0x8c: {  	s17 =	sshll.u32 s0, $0xA;
	s2 =	sadd.s32 s3, s2  }
0x8d: {  	s2 =	sadd.s32 s2, s17  }
0x8e: {  	[smem:$0x3FC6] =	sst s2  }
0x8f: {  	_ = 	snop  }
0x90: {  	s2 =	sld [smem:$0x3FC8];
	(tm) =	ssettm $0x1  }
0x91: {  	s18 =	sld [smem:$0x3FFB];
	_ =	sdelay $0x3  }
0x92: {  	_ =	strace s18  }
0x93: {  	s3 =	sld [smem:$0x3FFC];
	_ =	sdelay $0x3  }
0x94: {  	_ =	strace s3  }
0x95: {  	s3 =	sld [smem:$0x3FFD];
	_ =	sdelay $0x3  }
0x96: {  	_ =	strace s3  }
0x97: {  	_ =	strace $0x8FFFFFFF  }
0x98: {  	s19 =	sld [smem:$0x3FDB];
	_ =	sdelay $0x1  }
0x99: {  	s4 =	simm.s32 $_scs_section_size  }
0x9a: {  	s5 =	simm.s32 $_size__tile_overlayer_lowered;
	s6 =	simm.s32 $_tile_overlayer_lowered  }
0x9b: {  	s22 =	simm.s32 $0x1BFF;
	s21 =	sshll.u32 s6, $0x1;
	s3 =	sadd.s32 s4, s19  }
0x9c: {  	s7 =	simm.s32 $0x0;
	s20 =	sshll.u32 s5, $0x1;
	s5 =	sadd.s32 s21, s3  }
0x9d: {  	[timem:s7], [sflag:s22] =	dma.local [hbm:s5], s20  }
0x9e: {  	_ =	swait.ge [sflag:s22], s20  }
0x9f: {  	s4 =	ssub.s32 $0x0, s20;
	[sflag:s22] =	ssyncset.done $0x0  }
0xa0: {  	[sflag:s22] =	ssyncadd.s32 s4;
	_ =	sdelay $0x1  }
0xa1: {  	s23 =	simm.s32 $0x1B8B  }
0xa2: {  	_ =	swait.ge [sflag:s23], $0x1  }
0xa3: {  	[sflag:s23] =	ssyncset.done $0x0  }
0xa4: {  	s25 =	simm.s32 $0x1B8E;
	s24 =	sld [smem:$0x3FFE];
	[sflag:s23] =	ssyncadd.s32 $0xFFFFFFFF  }
0xa5: {  	s26 =	simm.s32 $execute0_lowered;
	[smem:$0x3FD2] =	sst s25  }
0xa6: {  	s5 =	sshll.u32 s26, $0x1;
	_ =	strace $0x80000046;
	[dreg:$0x1] =	wrdreg $0xFFFFFFFF  }
0xa7: {  	s28 =	simm.s32 $_size_execute0_lowered;
	s3 =	sadd.s32 s3, s5;
	[dreg:$0x0] =	wrdreg $0x0  }
0xa8: {  	s5 =	sshll.u32 s28, $0x1;
	[dreg:$0x2] =	wrdreg s3  }
0xa9: {  	[dreg:$0x3] =	wrdreg s5  }
0xaa: {  	[dreg:$0x4] =	wrdreg $0xC0  }
0xab: {  	_ =	task [dreg:s7], $0x5FFFF  }
0xac: {  	[dreg:$0x1] =	wrdreg $0xFFFFFFFF  }
0xad: {  	[dreg:$0x0] =	wrdreg $0x60  }
0xae: {  	[dreg:$0x2] =	wrdreg s2  }
0xaf: {  	[dreg:$0x3] =	wrdreg s24  }
0xb0: {  	[dreg:$0x4] =	wrdreg $0x9  }
0xb1: {  	_ =	task.clear_ibuf [dreg:s7], $0x5FFFF;
	_ =	strace $0x90000046  }
0xb2: {  	s29 =	simm.s32 $0x9;
	_ =	strace $0x80000048  }
0xb3: {  	_ =	swait.ge [sflag:s29], $0x1  }
0xb4: {  	[sflag:s29] =	ssyncadd.s32 $0xFFFFFFFF  }
0xb5: {  	_ =	strace $0x90000048  }
0xb6: {  	_ =	sfence  }
0xb7: {  	s30 =	sld [smem:$0x0];
	_ =	sdelay $0x2  }
0xb8: {  	s31 =	sshll.u32 s1, $0xD;
	s1 =	sshrl.u32 s1, $0x2  }
0xb9: {  	s3 =	sand.u32 $0x4000, s31;
	s1 =	sadd.s32 s1, s30  }
0xba: {  	s0 =	sor.u32 s3, s0;
	s1 =	sshll.u32 s1, $0x11  }
0xbb: {  	s0 =	sor.u32 s1, s0  }
0xbc: {  	s0 =	sadd.s32 $0x8F2B, s0  }
0xbd: {  	[sflag:s0] =	ssyncadd.remote.s32 $0x1  }
0xbe: {  	_ =	sfence.sel $0xFFFF  }
0xbf: {  	[dreg:$0x0] =	wrdreg $0xFFFFFFFF;
	(pc) =	sbr.abs _section_cstart, $3  }
0xc0: {  	[dreg:$0x1] =	wrdreg $0xFFFFFFFF  }
0xc1: {  	_ =	task.clear_ibuf [dreg:s7], $0x2FFFF;
	_ =	strace $0x9FFFFFFF  }
0xc2: {  	(tm) =	ssettm $0x7FFFFFFF  }
0xc3: {  	_ =	shalt  }
tec
execute0_lowered:
.L_overlay_start_1:
0x0: {  	(tag) =	ssettag $0x1  }
0x1: {  	v0 =	vimm.s32 $0xC28140  }
0x2: {  	vm5 =	vcmask $0x300;
	v1 =	vimm.s32 $0x10F;
	vm7 =	vcmask $0x704  }
0x3: {  	vm0 =	vcmask $0xB00;
	vm8 =	vcmask $0xB08;
	vm9 =	vcmask $0xF0C  }
0x4: {  	vm10 =	vcmask $0x1310;
	vm6 =	vcmask $0x1714;
	vm4 =	vcmask $0x1B18  }
0x5: {  	vm3 =	vcmask $0x1F1C;
	vm2 =	vcmask $0x2320;
	v2 =	vimm.s32 $0x14F  }
0x6: {  	vm1 =	vcmask $0x2724;
	v3 =	vimm.s32 $0xBCE8D4C;
	vm11 =	vcmask $0x3B2C  }
0x7: {  	v4 =	vimm.s32 $0x18F;
	v5 =	vimm.s32 $0x4B0ACD8C;
	vm12 =	vcmask $0x3728  }
0x8: {  	v21 =	vimm.s32 $0x1CF;
	v22 =	vimm.s32 $0x8B4A09CC;
	vm13 =	vcmask $0x3324  }
0x9: {  	v36 =	vimm.s32 $0x20F;
	v37 =	vimm.s32 $0xCB8A4908;
	vm14 =	vcmask $0x2F20  }
0xa: {  	v40 =	vimm.s32 $0x7CA8948;
	v7 =	vimm.s32 $0x24F;
	v42 =	vimm.s32 $0x4706C988  }
0xb: {  	vm15 =	vcmask $0x2B1C;
	v8 =	vimm.s32 $0x4F;
	v45 =	vimm.s32 $0x8F  }
0xc: {  	v46 =	vimm.s32 $0x308;
	v9 =	vimm.s32 $0x28F;
	v10 =	vimm.s32 $0xCF8E4D0C  }
0xd: {  	v11 =	vimm.s32 $0x100;
	v12 =	vimm.s32 $0x874605C8;
	v13 =	vimm.s32 $0x2CF  }
0xe: {  	v48 =	vimm.s32 $0xC7864504;
	v14 =	vimm.s32 $0x30F;
	v15 =	vimm.s32 $0x3C68544  }
0xf: {  	v52 =	vimm.s32 $0x34F;
	v53 =	vimm.s32 $0x4302C584;
	v54 =	vimm.s32 $0x834201C4  }
0x10: {  	v16 =	vimm.s32 $0x38F;
	v57 =	vimm.s32 $0xFEDCBA9;
	v61 =	vimm.s32 $0x87654321  }
0x11: {  	v62 =	vimm.s32 $0x10FEDCBA;
	v17 =	vimm.s32 $0x98765432;
	v0 =	vunpack.c.0.s8.s32 v0  }
0x12: {  	v1 =	vsel vm5, $0x140, v1;
	v2 =	vsel vm5, $0x180, v2;
	v3 =	vunpack.c.0.s8.s32 v3  }
0x13: {  	v4 =	vsel vm5, $0x1C0, v4;
	v5 =	vunpack.c.0.s8.s32 v5;
	v7 =	vsel vm5, $0x280, v7  }
0x14: {  	v44 =	vsel vm5, $0x80, v8;
	v8 =	vsel vm7, $0x349, v46;
	v9 =	vsel vm5, $0x2C0, v9  }
0x15: {  	v10 =	vunpack.c.0.s8.s32 v10;
	v11 =	vsel vm7, $0x141, v11;
	v12 =	vunpack.c.0.s8.s32 v12  }
0x16: {  	v13 =	vsel vm5, $0x300, v13;
	v14 =	vsel vm5, $0x340, v14;
	v15 =	vunpack.c.0.s8.s32 v15  }
0x17: {  	v16 =	vsel vm5, $0x3C0, v16;
	v60 =	vunpack.c.l.s4.s8 v57;
	v17 =	vunpack.c.l.s4.s8 v17  }
0x18: {  	v46 =	vimm.s32 $0x76543210;
	v1 =	vsel vm7, $0x181, v1;
	v2 =	vsel vm7, $0x1C1, v2  }
0x19: {  	v4 =	vsel vm7, $0x201, v4;
	v41 =	vsel vm7, $0x2C1, v7;
	v7 =	vunpack.c.0.s8.s32 v42  }
0x1a: {  	v8 =	vsel vm8, $0x38A, v8;
	v9 =	vsel vm7, $0x301, v9;
	v11 =	vsel vm8, $0x182, v11  }
0x1b: {  	v47 =	vsel vm7, $0x341, v13;
	v13 =	vunpack.c.0.s8.s32 v48;
	v14 =	vsel vm7, $0x381, v14  }
0x1c: {  	v42 =	vimm.s32 $0xA9876543;
	v0 =	vand.u32 $0xFF, v0;
	v1 =	vsel vm8, $0x1C2, v1  }
0x1d: {  	v2 =	vsel vm8, $0x202, v2;
	v3 =	vand.u32 $0xFF, v3;
	v19 =	vsel vm8, $0x242, v4  }
0x1e: {  	v20 =	vand.u32 $0xFF, v5;
	v4 =	vsel vm5, $0x200, v21;
	v5 =	vunpack.c.0.s8.s32 v22  }
0x1f: {  	v9 =	vsel vm8, $0x342, v9;
	v11 =	vsel vm9, $0x1C3, v11;
	v12 =	vand.u32 $0xFF, v12  }
0x20: {  	v8 =	vsel vm9, $0x3CB, v8;
	v10 =	vand.u32 $0xFF, v10;
	v50 =	vsel vm8, $0x3C2, v14  }
0x21: {  	v51 =	vand.u32 $0xFF, v15;
	v14 =	vunpack.c.0.s8.s32 v53;
	v15 =	vunpack.c.0.s8.s32 v54  }
0x22: {  	v17 =	vunpack.c.0.s8.s32 v17;
	v53 =	vimm.s32 $0xDCBA9876;
	v0 =	vnsel vm0, $0xF, v0  }
0x23: {  	v1 =	vsel vm9, $0x203, v1;
	vm0 =	vcmask $0x2B28;
	v2 =	vsel vm9, $0x243, v2  }
0x24: {  	v6 =	vsel vm7, $0x241, v4;
	v43 =	vand.u32 $0xFF, v7;
	v7 =	vsel vm5, $0xC0, v45  }
0x25: {  	v9 =	vsel vm9, $0x383, v9;
	v11 =	vsel vm10, $0x204, v11;
	v13 =	vand.u32 $0xFF, v13  }
0x26: {  	v45 =	vimm.s32 $0xFEDCBA98;
	v1 =	vsel vm10, $0x244, v1;
	v2 =	vsel vm10, $0x284, v2  }
0x27: {  	v34 =	vsel vm8, $0x282, v6;
	v35 =	vand.u32 $0xFF, v5;
	v5 =	vsel vm5, $0x240, v36  }
0x28: {  	v6 =	vunpack.c.0.s8.s32 v37;
	v0 =	vsel vm9, $0x103, v0;
	v7 =	vsel vm7, $0x101, v7  }
0x29: {  	v9 =	vsel vm10, $0x3C4, v9;
	v14 =	vand.u32 $0xFF, v14;
	v15 =	vand.u32 $0xFF, v15  }
0x2a: {  	v11 =	vsel vm6, $0x245, v11;
	v1 =	vsel vm6, $0x285, v1;
	v2 =	vsel vm6, $0x2C5, v2  }
0x2b: {  	v5 =	vsel vm7, $0x281, v5;
	v0 =	vsel vm10, $0x144, v0;
	v7 =	vsel vm8, $0x142, v7  }
0x2c: {  	v11 =	vsel vm4, $0x286, v11;
	v1 =	vsel vm4, $0x2C6, v1;
	v2 =	vsel vm4, $0x306, v2  }
0x2d: {  	v38 =	vsel vm8, $0x2C2, v5;
	v39 =	vand.u32 $0xFF, v6;
	v6 =	vunpack.c.0.s8.s32 v40  }
0x2e: {  	v5 =	vsel vm8, $0x302, v41;
	v7 =	vsel vm9, $0x183, v7;
	v0 =	vsel vm6, $0x185, v0  }
0x2f: {  	v32 =	vsel vm3, $0x2C7, v11;
	v1 =	vsel vm3, $0x307, v1;
	v2 =	vsel vm3, $0x347, v2  }
0x30: {  	v5 =	vsel vm9, $0x343, v5;
	v7 =	vsel vm10, $0x1C4, v7;
	v0 =	vsel vm4, $0x1C6, v0  }
0x31: {  	v1 =	vsel vm2, $0x348, v1;
	v18 =	vsel vm2, $0x388, v2;
	v2 =	vsel vm9, $0x283, v19  }
0x32: {  	v6 =	vand.u32 $0xFF, v6;
	v5 =	vsel vm10, $0x384, v5;
	v7 =	vsel vm6, $0x205, v7  }
0x33: {  	v0 =	vsel vm3, $0x207, v0;
	v1 =	vsel vm1, $0x389, v1;
	v2 =	vsel vm10, $0x2C4, v2  }
0x34: {  	v5 =	vsel vm6, $0x3C5, v5;
	v7 =	vsel vm4, $0x246, v7;
	v0 =	vsel vm2, $0x248, v0  }
0x35: {  	v1 =	vsel vm0, $0x3CA, v1;
	v2 =	vsel vm6, $0x305, v2;
	v7 =	vsel vm3, $0x287, v7  }
0x36: {  	v0 =	vsel vm1, $0x289, v0;
	v1 =	vsel vm11, v3, v1;
	v2 =	vsel vm4, $0x346, v2  }
0x37: {  	v3 =	vsel vm9, $0x303, v38;
	vm11 =	vcmask $0x1304;
	v7 =	vsel vm2, $0x2C8, v7  }
0x38: {  	v0 =	vsel vm0, $0x2CA, v0;
	[tilespmem:$0x1FE90] =	vst v1;
	v1 =	vsel vm1, $0x3C9, v18;
	v33 =	vsel vm3, $0x387, v2  }
0x39: {  	v2 =	vsel vm9, $0x2C3, v34;
	v3 =	vsel vm10, $0x344, v3;
	v56 =	vsel vm11, v15, v16  }
0x3a: {  	v15 =	vunpack.c.l.s4.s8 v62;
	v7 =	vsel vm1, $0x309, v7;
	v18 =	vimm.s32 $0x210FEDCB  }
0x3b: {  	v23 =	vsel vm12, v20, v1;
	v1 =	vsel vm2, $0x3C8, v33;
	v2 =	vsel vm10, $0x304, v2  }
0x3c: {  	v3 =	vsel vm6, $0x385, v3;
	vm12 =	vcmask $0x2718;
	v7 =	vsel vm0, $0x34A, v7  }
0x3d: {  	v2 =	vsel vm6, $0x345, v2;
	v1 =	vsel vm13, v35, v1;
	v3 =	vsel vm4, $0x3C6, v3  }
0x3e: {  	v5 =	vsel vm12, v43, v5;
	vm13 =	vcmask $0x2314;
	v15 =	vunpack.c.0.s8.s32 v15  }
0x3f: {  	vm12 =	vcmask $0x2F2C;
	v43 =	vimm.s32 $0x3210FEDC;
	v2 =	vsel vm4, $0x386, v2  }
0x40: {  	v3 =	vsel vm15, v6, v3;
	v6 =	vsel vm7, $0xC1, v44;
	v9 =	vsel vm13, v12, v9  }
0x41: {  	v12 =	vsel vm8, $0x382, v47;
	vm15 =	vcmask $0x1B0C;
	v5 =	vsel vm0, $0x10A, v5  }
0x42: {  	v0 =	vsel vm12, $0x30B, v0;
	v7 =	vsel vm12, $0x38B, v7;
	vm13 =	vcmask $0x3330  }
0x43: {  	v44 =	vimm.s32 $0xBA987654;
	v47 =	vimm.s32 $0x43210FED;
	v2 =	vsel vm3, $0x3C7, v2  }
0x44: {  	v6 =	vsel vm8, $0x102, v6;
	v12 =	vsel vm9, $0x3C3, v12;
	v9 =	vsel vm1, $0x109, v9  }
0x45: {  	v3 =	vsel vm12, $0x10B, v3;
	v5 =	vsel vm12, $0x14B, v5;
	v0 =	vsel vm13, $0x34C, v0  }
0x46: {  	v7 =	vsel vm13, $0x3CC, v7;
	v41 =	vcombine.low v17, v15;
	v4 =	vunpack.c.l.s4.s8 v44  }
0x47: {  	v54 =	vcombine.low v15, v17;
	v2 =	vsel vm14, v39, v2;
	v6 =	vsel vm9, $0x143, v6  }
0x48: {  	vm14 =	vcmask $0x1F10;
	v9 =	vsel vm0, $0x14A, v9;
	v3 =	vsel vm13, $0x14C, v3  }
0x49: {  	v5 =	vsel vm13, $0x18C, v5;
	v39 =	vunpack.c.l.s4.s8 v18;
	v6 =	vsel vm10, $0x184, v6  }
0x4a: {  	v31 =	vsel vm14, v10, v8;
	v49 =	vsel vm14, v13, v12;
	v13 =	vsel vm5, $0x380, v52  }
0x4b: {  	vm10 =	vcmask $0x1708;
	v10 =	vsel vm15, v51, v50;
	v9 =	vsel vm12, $0x18B, v9  }
0x4c: {  	v2 =	vsel vm13, $0x10C, v2;
	vm14 =	vcmask $0x3734;
	vm15 =	vcmask $0x3B38  }
0x4d: {  	v4 =	vunpack.c.0.s8.s32 v4;
	v50 =	vimm.s32 $0xCBA98765;
	v51 =	vimm.s32 $0x543210FE  }
0x4e: {  	v24 =	vand.u32 $0xF, v54;
	v13 =	vsel vm7, $0x3C1, v13;
	v6 =	vsel vm6, $0x1C5, v6  }
0x4f: {  	v10 =	vsel vm3, $0x107, v10;
	v8 =	vsel vm2, $0x108, v49;
	v9 =	vsel vm13, $0x1CC, v9  }
0x50: {  	v0 =	vsel vm14, $0x38D, v0;
	v7 =	vsel vm14, $0xD, v7;
	v1 =	vsel vm14, $0x10D, v1  }
0x51: {  	v2 =	vsel vm14, $0x14D, v2;
	v3 =	vsel vm14, $0x18D, v3;
	v5 =	vsel vm14, $0x1CD, v5  }
0x52: {  	v20 =	vsel vm15, $0x10E, v23;
	v31 =	vcombine.low v32, v31;
	v55 =	vsel vm10, v14, v13  }
0x53: {  	v13 =	vsel vm6, $0x105, v56;
	v6 =	vsel vm4, $0x206, v6;
	v14 =	vunpack.c.l.s4.s8 v61  }
0x54: {  	v10 =	vsel vm2, $0x148, v10;
	v8 =	vsel vm1, $0x149, v8;
	v9 =	vsel vm14, $0x20D, v9  }
0x55: {  	v0 =	vsel vm15, $0x3CE, v0;
	v19 =	vsel vm15, $0x4E, v7;
	v21 =	vsel vm15, $0x14E, v1  }
0x56: {  	v22 =	vsel vm15, $0x18E, v2;
	v23 =	vsel vm15, $0x1CE, v3;
	v33 =	vsel vm15, $0x20E, v5  }
0x57: {  	v2 =	vunpack.c.l.s4.s8 v42;
	v3 =	vunpack.c.l.s4.s8 v43;
	v5 =	vunpack.c.l.s4.s8 v45  }
0x58: {  	v7 =	vunpack.c.l.s4.s8 v47;
	v56 =	vimm.s32 $0xEDCBA987;
	v1 =	vand.u32 $0xF, v41  }
0x59: {  	v12 =	vsel vm4, $0x106, v55;
	v13 =	vsel vm4, $0x146, v13;
	v6 =	vsel vm3, $0x247, v6  }
0x5a: {  	v10 =	vsel vm1, $0x189, v10;
	v8 =	vsel vm0, $0x18A, v8;
	[tilespmem:$0x1FEA0] =	vst v0;
	v34 =	vsel vm15, $0x24E, v9  }
0x5b: {  	[tilespmem:$0x1FEC0] =	vst v19;
	v19 =	vlaneseq.u32;
	v0 =	vunpack.c.0.s8.s32 v39;
	v55 =	vimm.s32 $0x6543210F  }
0x5c: {  	v58 =	vsel vm3, $0x147, v12;
	v59 =	vsel vm3, $0x187, v13;
	v6 =	vsel vm2, $0x288, v6  }
0x5d: {  	v13 =	vunpack.c.0.s8.s32 v60;
	v14 =	vunpack.c.0.s8.s32 v14;
	v10 =	vsel vm0, $0x1CA, v10  }
0x5e: {  	v8 =	vsel vm12, $0x1CB, v8;
	v2 =	vunpack.c.0.s8.s32 v2;
	v3 =	vunpack.c.0.s8.s32 v3  }
0x5f: {  	v5 =	vunpack.c.0.s8.s32 v5;
	v7 =	vunpack.c.0.s8.s32 v7;
	v30 =	vmul.u32 $0x41, v19  }
0x60: {  	v11 =	vsel vm2, $0x188, v58;
	v12 =	vsel vm2, $0x1C8, v59;
	v6 =	vsel vm1, $0x2C9, v6  }
0x61: {  	v10 =	vsel vm12, $0x20B, v10;
	v8 =	vsel vm13, $0x20C, v8;
	v11 =	vsel vm1, $0x1C9, v11  }
0x62: {  	[tilespmem:$0x1FED0] =	vst v20;
	v12 =	vsel vm1, $0x209, v12;
	v63 =	vcombine.low v14, v13;
	v6 =	vsel vm0, $0x30A, v6  }
0x63: {  	[tilespmem:$0x1FEE0] =	vst v21;
	v10 =	vsel vm13, $0x24C, v10;
	v8 =	vsel vm14, $0x24D, v8;
	v48 =	vcombine.low v2, v0  }
0x64: {  	[tilespmem:$0x1FEF0] =	vst v22;
	v5 =	vand.u32 $0xF, v5;
	v52 =	vcombine.low v13, v14;
	v6 =	vsel vm12, $0x34B, v6  }
0x65: {  	[tilespmem:$0x1FF00] =	vst v23;
	v0 =	vcombine.low v0, v2;
	v13 =	vunpack.c.l.s4.s8 v55;
	v6 =	vsel vm13, $0x38C, v6  }
0x66: {  	s0 =	rddreg [dreg:$0x0];
	[tilespmem:$0x1FF10] =	vst v33;
	v11 =	vsel vm0, $0x20A, v11;
	v12 =	vsel vm0, $0x24A, v12;
	v6 =	vsel vm14, $0x3CD, v6  }
0x67: {  	s1 =	rddreg [dreg:$0x1];
	s3 =	simm.s32 $0x0;
	s17 =	simm.s32 $0x400;
	[tilespmem:$0x1FF20] =	vst v34;
	v10 =	vsel vm14, $0x28D, v10;
	v35 =	vsel vm15, $0x28E, v8;
	v6 =	vsel vm15, $0xE, v6  }
0x68: {  	s2 =	srdreg.scid;
	s18 =	simm.s32 $0x7A1400;
	s19 =	simm.s32 $0x2000;
	v11 =	vsel vm12, $0x24B, v11;
	v12 =	vsel vm12, $0x28B, v12;
	[tilespmem:$0x1FEB0] =	vst v6;
	v6 =	vunpack.c.l.s4.s8 v46  }
0x69: {  	s9 =	stileid.u32;
	s20 =	simm.s32 $0x4000;
	s21 =	simm.s32 $0x6000;
	[tilespmem:$0x1FF30] =	vst v35;
	v36 =	vsel vm15, $0x2CE, v10;
	v40 =	vand.u32 $0xF, v63;
	v11 =	vsel vm13, $0x28C, v11  }
0x6a: {  	s22 =	simm.s32 $0x8000;
	s23 =	simm.s32 $0xA000;
	s24 =	simm.s32 $0xC000;
	v12 =	vsel vm13, $0x2CC, v12;
	[tilespmem:$0x1FF40] =	vst v36;
	v11 =	vsel vm14, $0x2CD, v11;
	v6 =	vunpack.c.0.s8.s32 v6  }
0x6b: {  	s25 =	simm.s32 $0xE000;
	s28 =	simm.s32 $0x9;
	s29 =	simm.s32 $0x0;
	v10 =	vunpack.c.l.s4.s8 v50;
	[tilespmem:$0x1FF70] =	vst v40;
	v12 =	vsel vm14, $0x30D, v12;
	v37 =	vsel vm15, $0x30E, v11  }
0x6c: {  	[smem:$0x7FF] =	sst s3;
	s2 =	sand.u32 $0x1, s2;
	s4 =	sshll.u32 s9, $0x1;
	v2 =	vunpack.c.l.s4.s8 v56;
	v38 =	vsel vm15, $0x34E, v12;
	[tilespmem:$0x1FF50] =	vst v37;
	v5 =	vcombine.low v5, v6  }
0x6d: {  	s5 =	sadd.s32 $0xE00, s1;
	s6 =	sadd.s32 $0x1200, s1;
	s1 =	sadd.s32 $0x7A2000, s1;
	v49 =	vcombine.low v4, v3;
	v13 =	vunpack.c.0.s8.s32 v13;
	v10 =	vunpack.c.0.s8.s32 v10;
	[tilespmem:$0x1FF60] =	vst v38  }
0x6e: {  	p0 =	sgt.u32 s9, $0x1;
	s4 =	sor.u32 s2, s4;
	s2 =	ssub.s32 $0x2, s2;
	v2 =	vunpack.c.0.s8.s32 v2;
	v11 =	vunpack.c.l.s4.s8 v53;
	[tilespmem:$0x1FF80] =	vst v5;
	v5 =	vunpack.c.l.s4.s8 v51  }
0x6f: {  	s26 =	sshll.u32 s4, $0x7;
	s8 =	sshrl.u32 s2, $0x1;
	v8 =	vand.u32 $0xF, v48;
	v9 =	vand.u32 $0xF, v49;
	v57 =	vcombine.low v10, v7;
	_ =	strace $0x80000047;
	[tilespmem:$0x1FF90] =	vst v1  }
0x70: {  	s11 =	sor.u32 $0x80, s4;
	s12 =	sor.u32 $0xA0, s4;
	s7 =	sadd.s32 s0, s26;
	v60 =	vcombine.low v2, v13;
	v11 =	vunpack.c.0.s8.s32 v11;
	[tilespmem:$0x1FFA0] =	vst v8;
	v5 =	vunpack.c.0.s8.s32 v5  }
.Ltmp0:
0x71: {  	s30 =	sadd.s32 $0x2000, s7;
	v32 =	vmul.u32 $0x80, v19;
	v3 =	vcombine.low v3, v4;
	v4 =	vand.u32 $0xF, v57;
	[dreg:$0x3] =	wrdreg s5;
	[tilespmem:$0x1FFB0] =	vst v9;
	(pc) =	sbr.rel .LBB2_1-.Ltmp0, $4  }
0x72: {  	s13 =	sor.u32 $0xC0, s4;
	s31 =	sadd.s32 $0x3000, s7;
	v2 =	vcombine.low v13, v2;
	v62 =	vand.u32 $0xF, v60;
	[dreg:$0x5] =	wrdreg s30;
	[tilespmem:$0x1FFC0] =	vst v4;
	v59 =	vcombine.low v11, v5  }
0x73: {  	s14 =	sor.u32 $0xE0, s4;
	p1 =	sne.s32 s4, $0x0;
	v63 =	vand.u32 $0xF, v52;
	v58 =	vcombine.low v7, v10;
	[dreg:$0x6] =	wrdreg s31;
	[tilespmem:$0x1FFE0] =	vst v62;
	v5 =	vcombine.low v5, v11  }
0x74: {  	s2 =	ssub.s32 s2, s8;
	v25 =	vand.u32 $0xF, v0;
	v26 =	vand.u32 $0xF, v3;
	s5 =	sadd.s32 $0x1000, s7;
	[dreg:$0x7] =	wrdreg s1;
	[tilespmem:$0x1FFF0] =	vst v63;
	v61 =	vand.u32 $0xF, v59  }
0x75: {  	s26 =	simm.s32 $0x10000;
	s16 =	smax.u32 s2, $0x1;
	v29 =	vand.u32 $0xF, v2;
	v27 =	vand.u32 $0xF, v58;
	[dreg:$0x4] =	wrdreg s5;
	v28 =	vand.u32 $0xF, v5;
	[tilespmem:$0x1FFD0] =	vst v61  }
.LBB2_25:
0x76: {  	s29 =	sadd.s32 $0x1, s29  }
0x77: {  	p2 =	sne.s32 s29, s16  }
.Ltmp1:
0x78: {  	_ = 	snop;
	(pc) =	sbr.rel @!p2 .LBB2_26-.Ltmp1, $1  }
0x79: {  	_ =	sdelay $0x3  }
.LBB2_1:
0x7a: {  	[tilespmem:s3], [sflag:$0x1] =	stream.strided.gather [hbm4b:s7+s17], $0x2000, s18, s17, $0x38;
	[tilespmem:$0x12000] =	vst v63  }
0x7b: {  	s1 =	rddreg [dreg:$0x4]  }
0x7c: {  	[tilespmem:s19], [sflag:$0x2] =	stream.strided.gather [hbm4b:s1+s17], $0x2000, s18, s17, $0x38;
	[tilespmem:$0x12000] =	vst v63  }
0x7d: {  	s15 =	rddreg [dreg:$0x5]  }
0x7e: {  	[tilespmem:s20], [sflag:$0x3] =	stream.strided.gather [hbm4b:s15+s17], $0x2000, s18, s17, $0x38;
	[tilespmem:$0x12000] =	vst v63  }
0x7f: {  	s31 =	rddreg [dreg:$0x6];
	s30 =	simm.s32 $0x0  }
0x80: {  	[tilespmem:s21], [sflag:$0x4] =	stream.strided.gather [hbm4b:s31+s17], $0x2000, s18, s17, $0x38;
	[tilespmem:$0x12000] =	vst v63  }
.LBB2_2:
0x81: {  	s31 =	sshll.u32 s30, $0x7  }
0x82: {  	s1 =	sor.u32 s4, s31  }
0x83: {  	p3 =	sgt.u32 s1, $0x1E83  }
0x84: {  	s2 =	simm.s32 @!p3 $0x1  }
0x85: {  	_ =	swait.ge @!p3 [sflag:s2], $0x2000  }
0x86: {  	p2 =	seq.s32 s30, $0x0;
	[sflag:s2] =	ssyncset.done @!p3 $0x0  }
0x87: {  	[sflag:s2] =	ssyncadd.s32 @!p3 $0xFFFFE000;
	s2 =	simm.s32 @!p2 $0x5  }
0x88: {  	_ =	swait.ge @!p2 [sflag:s2], $0x2000  }
0x89: {  	[sflag:s2] =	ssyncset.done @!p2 $0x0  }
0x8a: {  	s5 =	simm.s32 $0x0;
	[sflag:s2] =	ssyncadd.s32 @!p2 $0xFFFFE000;
	s2 =	simm.s32 $0x0  }
.LBB2_3:
0x8b: {  	v1 =	vld [tilespmem:$0x1FF70];
	_ =	sdelay $0x3  }
0x8c: {  	s8 =	sshll.u32 s5, $0x4  }
0x8d: {  	v33 =	vor.u32 s8, v1;
	v1 =	vld [tilespmem:$0x1FFB0]  }
0x8e: {  	v2 =	vld [tilespmem:$0x1FFD0];
	_ =	sdelay $0x1  }
0x8f: {  	v0 =	vmov s2  }
0x90: {  	v0 =	vshll.u32 v0, $0x7  }
0x91: {  	v0 =	vor.u32 v32, v0;
	v34 =	vor.u32 s8, v1  }
0x92: {  	v35 =	vor.u32 s8, v2;
	v2 =	vor.u32 v0, v34;
	_ =	sdelay $0x1  }
0x93: {  	v3 =	vld [tilespmem:$0x1FF80]  }
0x94: {  	v4 =	vld [tilespmem:$0x1FFA0];
	_ =	sdelay $0x1  }
0x95: {  	v1 =	vor.u32 v0, v33;
	v7 =	vld.idx.msk [tilespmem:v2+s3+$0x0], $0xffff  }
0x96: {  	v2 =	vld [tilespmem:$0x1FFC0]  }
0x97: {  	v36 =	vor.u32 s8, v3;
	v3 =	vor.u32 v0, v35  }
0x98: {  	v37 =	vor.u32 s8, v4;
	v4 =	vor.u32 v0, v36  }
0x99: {  	v39 =	vor.u32 s8, v29  }
0x9a: {  	v15 =	vld.idx.msk [tilespmem:v1+s3+$0x0], $0xffff;
	v1 =	vor.u32 v0, v39  }
0x9b: {  	v41 =	vor.u32 s8, v2  }
0x9c: {  	v6 =	vld.idx.msk [tilespmem:v3+s3+$0x0], $0xffff;
	v3 =	vor.u32 v0, v41  }
0x9d: {  	v14 =	vld.idx.msk [tilespmem:v4+s3+$0x0], $0xffff;
	v4 =	vlaneseq.u32  }
0x9e: {  	v43 =	vor.u32 s8, v4;
	v4 =	vld [tilespmem:$0x1FF90]  }
0x9f: {  	v38 =	vor.u32 s8, v25;
	v44 =	vld.idx.msk [tilespmem:v1+s3+$0x0], $0xffff  }
0xa0: {  	v8 =	vor.u32 v0, v38;
	v1 =	vld [tilespmem:$0x1FFF0]  }
0xa1: {  	v40 =	vor.u32 s8, v24;
	v5 =	vor.u32 v0, v37;
	v11 =	vld.idx.msk [tilespmem:v3+s3+$0x0], $0xffff  }
0xa2: {  	v2 =	vor.u32 v0, v40;
	v3 =	vld [tilespmem:$0x1FFE0];
	_ =	sdelay $0x1  }
0xa3: {  	v42 =	vor.u32 s8, v28  }
0xa4: {  	v46 =	vor.u32 s8, v27;
	v48 =	vor.u32 s8, v26;
	v10 =	vor.u32 v0, v42;
	v50 =	vld.idx.msk [tilespmem:v8+s3+$0x0], $0xffff  }
0xa5: {  	v13 =	vor.u32 v0, v48;
	v9 =	vld.idx.msk [tilespmem:v5+s3+$0x0], $0xffff;
	v5 =	vor.u32 v0, v43;
	v45 =	vor.u32 s8, v4  }
0xa6: {  	v8 =	vor.u32 v0, v45;
	v47 =	vor.u32 s8, v1;
	v4 =	vld.idx.msk [tilespmem:v2+s3+$0x0], $0xffff;
	v49 =	vor.u32 s8, v3  }
0xa7: {  	v1 =	vor.u32 v0, v46;
	v2 =	vor.u32 v0, v47;
	v16 =	vor.u32 v0, v49;
	v0 =	vld [tilespmem:$0x1FEA0];
	_ =	sdelay $0x3  }
0xa8: {  	s15 =	sshll.u32 s5, $0xA  }
0xa9: {  	v52 =	vor.u32 s15, v0;
	v0 =	vld [tilespmem:$0x1FEB0];
	_ =	sdelay $0x4  }
0xaa: {  	v53 =	vor.u32 s15, v0;
	v0 =	vld [tilespmem:$0x1FEC0]  }
0xab: {  	v54 =	vld.idx.msk [tilespmem:v10+s3+$0x0], $0xffff  }
0xac: {  	v10 =	vld.idx.msk [tilespmem:v13+s3+$0x0], $0xffff  }
0xad: {  	v13 =	vld [tilespmem:$0x1FF20];
	_ =	sdelay $0x1  }
0xae: {  	v55 =	vor.u32 s15, v0;
	v0 =	vld [tilespmem:$0x1FE90];
	_ =	sdelay $0x2  }
0xaf: {  	v63 =	vor.u32 s15, v13;
	v13 =	vld [tilespmem:$0x1FF30];
	_ =	sdelay $0x1  }
0xb0: {  	v59 =	vor.u32 s15, v0;
	v0 =	vld [tilespmem:$0x1FED0];
	_ =	sdelay $0x2  }
0xb1: {  	v60 =	vor.u32 s15, v13;
	v13 =	vld.idx.msk [tilespmem:v16+s3+$0x0], $0xffff  }
0xb2: {  	v16 =	vld [tilespmem:$0x1FF40]  }
0xb3: {  	v62 =	vor.u32 s15, v0;
	v0 =	vld [tilespmem:$0x1FEE0];
	_ =	sdelay $0x1  }
0xb4: {  	v5 =	vld.idx.msk [tilespmem:v5+s3+$0x0], $0xffff  }
0xb5: {  	v12 =	vld.idx.msk [tilespmem:v2+s3+$0x0], $0xffff  }
0xb6: {  	v61 =	vor.u32 s15, v16;
	v16 =	vld [tilespmem:$0x1FF50]  }
0xb7: {  	v51 =	vor.u32 s15, v30;
	v2 =	vor.u32 s15, v0;
	v0 =	vld [tilespmem:$0x1FEF0]  }
0xb8: {  	v17 =	vor.u32 s2, v51;
	v20 =	vld.idx.msk [tilespmem:v8+s3+$0x0], $0xffff  }
0xb9: {  	v8 =	vld.idx.msk [tilespmem:v1+s3+$0x0], $0xffff;
	v18 =	vor.u32 s2, v52  }
0xba: {  	v1 =	vld [tilespmem:$0x1FF10]  }
0xbb: {  	v58 =	vor.u32 s15, v16;
	v16 =	vld [tilespmem:$0x1FF60]  }
0xbc: {  	v21 =	vor.u32 s2, v53;
	v3 =	vor.u32 s15, v0;
	v0 =	vld [tilespmem:$0x1FF00]  }
0xbd: {  	v56 =	vor.u32 s15, v31;
	[tilespmem:v17+s22+$0x0] =	vst.idx.msk $0xffff, v5;
	v17 =	vor.u32 s2, v55  }
0xbe: {  	[tilespmem:v18+s22+$0x0] =	vst.idx.msk $0xffff, v15;
	v18 =	vor.u32 s2, v56  }
0xbf: {  	v19 =	vor.u32 s2, v59  }
0xc0: {  	v1 =	vor.u32 s15, v1;
	v57 =	vor.u32 s15, v16;
	v16 =	vor.u32 s2, v62  }
0xc1: {  	s8 =	simm.s32 $0x10;
	[tilespmem:v21+s22+$0x0] =	vst.idx.msk $0xffff, v20;
	v15 =	vor.u32 s2, v2;
	v5 =	vor.u32 s2, v3;
	v0 =	vor.u32 s15, v0;
	s15 =	simm.s32 $0x0  }
.LBB2_4:
0xc2: {  	v20 =	vor.u32 s8, v3;
	p4 =	sne.s32 s8, $0x30;
	[tilespmem:v17+s22+$0x0] =	vst.idx.msk $0xffff, v9;
	s9 =	smov.u32 s8;
	s8 =	sadd.s32 $0x10, s8  }
0xc3: {  	[tilespmem:v18+s22+$0x0] =	vst.idx.msk $0xffff, v7;
	v7 =	vor.u32 s15, v0  }
0xc4: {  	v9 =	vor.u32 s15, v1;
	[tilespmem:v19+s22+$0x0] =	vst.idx.msk $0xffff, v11  }
0xc5: {  	v11 =	vmov s9;
	[tilespmem:v16+s22+$0x0] =	vst.idx.msk $0xffff, v6;
	v6 =	vor.u32 s15, v63  }
0xc6: {  	v11 =	vshll.u32 v11, $0x7;
	[tilespmem:v15+s22+$0x0] =	vst.idx.msk $0xffff, v13;
	v13 =	vor.u32 s15, v60  }
0xc7: {  	v11 =	vor.u32 v32, v11;
	[tilespmem:v5+s22+$0x0] =	vst.idx.msk $0xffff, v14;
	v14 =	vor.u32 s15, v61;
	v5 =	vmov v20  }
0xc8: {  	v15 =	vor.u32 v11, v43;
	v16 =	vor.u32 v11, v33;
	[tilespmem:v7+s22+$0x0] =	vst.idx.msk $0xffff, v12;
	v7 =	vor.u32 s15, v58  }
0xc9: {  	v17 =	vor.u32 v11, v34;
	v12 =	vor.u32 v11, v37;
	[tilespmem:v9+s22+$0x0] =	vst.idx.msk $0xffff, v4;
	v4 =	vor.u32 s15, v57;
	s15 =	smov.u32 s9  }
0xca: {  	v18 =	vor.u32 v11, v49;
	v9 =	vor.u32 v11, v35;
	[tilespmem:v6+s22+$0x0] =	vst.idx.msk $0xffff, v50  }
0xcb: {  	v19 =	vor.u32 v11, v47;
	v20 =	vor.u32 v11, v40;
	[tilespmem:v13+s22+$0x0] =	vst.idx.msk $0xffff, v10  }
0xcc: {  	v10 =	vor.u32 v11, v48;
	v13 =	vor.u32 v11, v46;
	[tilespmem:v14+s22+$0x0] =	vst.idx.msk $0xffff, v8  }
0xcd: {  	v8 =	vor.u32 v11, v41;
	v14 =	vor.u32 v11, v36;
	[tilespmem:v7+s22+$0x0] =	vst.idx.msk $0xffff, v54  }
0xce: {  	v21 =	vor.u32 v11, v38;
	v54 =	vor.u32 v11, v39;
	[tilespmem:v4+s22+$0x0] =	vst.idx.msk $0xffff, v44  }
0xcf: {  	v22 =	vor.u32 v11, v45;
	v16 =	vld.idx.msk [tilespmem:v16+s3+$0x0], $0xffff  }
0xd0: {  	v7 =	vld.idx.msk [tilespmem:v17+s3+$0x0], $0xffff;
	v17 =	vor.u32 v11, v42  }
0xd1: {  	v6 =	vld.idx.msk [tilespmem:v9+s3+$0x0], $0xffff  }
0xd2: {  	v14 =	vld.idx.msk [tilespmem:v14+s3+$0x0], $0xffff  }
0xd3: {  	v9 =	vld.idx.msk [tilespmem:v12+s3+$0x0], $0xffff  }
0xd4: {  	v50 =	vld.idx.msk [tilespmem:v21+s3+$0x0], $0xffff  }
0xd5: {  	v44 =	vld.idx.msk [tilespmem:v54+s3+$0x0], $0xffff  }
0xd6: {  	v4 =	vld.idx.msk [tilespmem:v20+s3+$0x0], $0xffff  }
0xd7: {  	v11 =	vld.idx.msk [tilespmem:v8+s3+$0x0], $0xffff  }
0xd8: {  	v54 =	vld.idx.msk [tilespmem:v17+s3+$0x0], $0xffff  }
0xd9: {  	v15 =	vld.idx.msk [tilespmem:v15+s3+$0x0], $0xffff  }
0xda: {  	v21 =	vor.u32 s15, v51;
	v20 =	vld.idx.msk [tilespmem:v22+s3+$0x0], $0xffff  }
0xdb: {  	v22 =	vor.u32 s15, v52;
	v8 =	vld.idx.msk [tilespmem:v13+s3+$0x0], $0xffff  }
0xdc: {  	v23 =	vor.u32 s15, v53;
	v12 =	vld.idx.msk [tilespmem:v19+s3+$0x0], $0xffff  }
.Ltmp2:
0xdd: {  	v17 =	vor.u32 s15, v55;
	v10 =	vld.idx.msk [tilespmem:v10+s3+$0x0], $0xffff;
	(pc) =	sbr.rel @p4 .LBB2_4-.Ltmp2, $4  }
0xde: {  	v13 =	vld.idx.msk [tilespmem:v18+s3+$0x0], $0xffff;
	v18 =	vor.u32 s15, v56  }
0xdf: {  	v19 =	vor.u32 s15, v59;
	[tilespmem:v21+s22+$0x0] =	vst.idx.msk $0xffff, v15  }
0xe0: {  	[tilespmem:v22+s22+$0x0] =	vst.idx.msk $0xffff, v16;
	v16 =	vor.u32 s15, v62  }
0xe1: {  	v15 =	vor.u32 s15, v2;
	[tilespmem:v23+s22+$0x0] =	vst.idx.msk $0xffff, v20  }
0xe2: {  	_ =	sdelay $0x3  }
0xe3: {  	[tilespmem:v17+s22+$0x0] =	vst.idx.msk $0xffff, v9  }
0xe4: {  	v0 =	vor.u32 s15, v0;
	[tilespmem:v18+s22+$0x0] =	vst.idx.msk $0xffff, v7  }
0xe5: {  	v1 =	vor.u32 s15, v1;
	[tilespmem:v19+s22+$0x0] =	vst.idx.msk $0xffff, v11  }
0xe6: {  	v2 =	vor.u32 s15, v63;
	[tilespmem:v16+s22+$0x0] =	vst.idx.msk $0xffff, v6  }
0xe7: {  	v3 =	vor.u32 s15, v60;
	[tilespmem:v15+s22+$0x0] =	vst.idx.msk $0xffff, v13  }
0xe8: {  	v61 =	vor.u32 s15, v61;
	[tilespmem:v5+s22+$0x0] =	vst.idx.msk $0xffff, v14  }
0xe9: {  	v62 =	vor.u32 s15, v58;
	s5 =	sadd.s32 $0x1, s5;
	[tilespmem:v0+s22+$0x0] =	vst.idx.msk $0xffff, v12  }
0xea: {  	v63 =	vor.u32 s15, v57;
	p4 =	sne.s32 s5, $0x8;
	[tilespmem:v1+s22+$0x0] =	vst.idx.msk $0xffff, v4  }
.Ltmp3:
0xeb: {  	[tilespmem:v2+s22+$0x0] =	vst.idx.msk $0xffff, v50;
	(pc) =	sbr.rel @p4 .LBB2_3-.Ltmp3, $4  }
0xec: {  	[tilespmem:v3+s22+$0x0] =	vst.idx.msk $0xffff, v10  }
0xed: {  	[tilespmem:v61+s22+$0x0] =	vst.idx.msk $0xffff, v8  }
0xee: {  	[tilespmem:v62+s22+$0x0] =	vst.idx.msk $0xffff, v54  }
0xef: {  	[tilespmem:v63+s22+$0x0] =	vst.idx.msk $0xffff, v44  }
0xf0: {  	s2 =	sshll.u32 @!p3 s1, $0xA  }
0xf1: {  	s5 =	simm.s32 @!p3 $0x0;
	s8 =	simm.s32 @!p3 $0x8000;
	s2 =	sadd.s32 @!p3 s6, s2  }
0xf2: {  	[hbm4b:s2+s5] =	stream.linear.scatter @!p3 [tilespmem:s8], [sflag:$0x5], $0x2000, $0x38;
	[tilespmem:$0x12000] =	vst v63  }
0xf3: {  	s2 =	sadd.s32 s11, s31  }
0xf4: {  	p3 =	sgt.u32 s2, $0x1E83  }
0xf5: {  	s2 =	sshll.u32 @!p3 s2, $0x7;
	s5 =	simm.s32 @!p3 $0x400  }
0xf6: {  	s8 =	simm.s32 @!p3 $0x7A1400;
	s9 =	simm.s32 @!p3 $0x0;
	s2 =	sadd.s32 @!p3 s0, s2  }
0xf7: {  	[tilespmem:s9], [sflag:$0x1] =	stream.strided.gather @!p3 [hbm4b:s2+s5], $0x2000, s8, s5, $0x38;
	[tilespmem:$0x12000] =	vst v63  }
0xf8: {  	s2 =	sor.u32 $0x20, s1  }
0xf9: {  	p3 =	sgt.u32 s2, $0x1E83  }
0xfa: {  	s5 =	simm.s32 @!p3 $0x2  }
0xfb: {  	_ =	swait.ge @!p3 [sflag:s5], $0x2000  }
0xfc: {  	[sflag:s5] =	ssyncset.done @!p3 $0x0  }
0xfd: {  	[sflag:s5] =	ssyncadd.s32 @!p3 $0xFFFFE000;
	s5 =	simm.s32 @!p2 $0x6  }
0xfe: {  	_ =	swait.ge @!p2 [sflag:s5], $0x2000  }
0xff: {  	[sflag:s5] =	ssyncset.done @!p2 $0x0  }
0x100: {  	s15 =	simm.s32 $0x0;
	[sflag:s5] =	ssyncadd.s32 @!p2 $0xFFFFE000;
	s5 =	simm.s32 $0x0  }
.LBB2_7:
0x101: {  	v1 =	vld [tilespmem:$0x1FF70];
	_ =	sdelay $0x3  }
0x102: {  	s8 =	sshll.u32 s15, $0x4  }
0x103: {  	v33 =	vor.u32 s8, v1;
	v1 =	vld [tilespmem:$0x1FFB0]  }
0x104: {  	v2 =	vld [tilespmem:$0x1FFD0];
	_ =	sdelay $0x1  }
0x105: {  	v0 =	vmov s5  }
0x106: {  	v0 =	vshll.u32 v0, $0x7  }
0x107: {  	v0 =	vor.u32 v32, v0;
	v34 =	vor.u32 s8, v1  }
0x108: {  	v35 =	vor.u32 s8, v2;
	v2 =	vor.u32 v0, v34;
	_ =	sdelay $0x1  }
0x109: {  	v3 =	vld [tilespmem:$0x1FF80]  }
0x10a: {  	v4 =	vld [tilespmem:$0x1FFA0];
	_ =	sdelay $0x1  }
0x10b: {  	v1 =	vor.u32 v0, v33;
	v7 =	vld.idx.msk [tilespmem:v2+s19+$0x0], $0xffff  }
0x10c: {  	v2 =	vld [tilespmem:$0x1FFC0]  }
0x10d: {  	v36 =	vor.u32 s8, v3;
	v3 =	vor.u32 v0, v35  }
0x10e: {  	v37 =	vor.u32 s8, v4;
	v4 =	vor.u32 v0, v36  }
0x10f: {  	v39 =	vor.u32 s8, v29  }
0x110: {  	v15 =	vld.idx.msk [tilespmem:v1+s19+$0x0], $0xffff;
	v1 =	vor.u32 v0, v39  }
0x111: {  	v41 =	vor.u32 s8, v2  }
0x112: {  	v6 =	vld.idx.msk [tilespmem:v3+s19+$0x0], $0xffff;
	v3 =	vor.u32 v0, v41  }
0x113: {  	v14 =	vld.idx.msk [tilespmem:v4+s19+$0x0], $0xffff;
	v4 =	vlaneseq.u32  }
0x114: {  	v43 =	vor.u32 s8, v4;
	v4 =	vld [tilespmem:$0x1FF90]  }
0x115: {  	v38 =	vor.u32 s8, v25;
	v44 =	vld.idx.msk [tilespmem:v1+s19+$0x0], $0xffff  }
0x116: {  	v8 =	vor.u32 v0, v38;
	v1 =	vld [tilespmem:$0x1FFF0]  }
0x117: {  	v40 =	vor.u32 s8, v24;
	v5 =	vor.u32 v0, v37;
	v11 =	vld.idx.msk [tilespmem:v3+s19+$0x0], $0xffff  }
0x118: {  	v2 =	vor.u32 v0, v40;
	v3 =	vld [tilespmem:$0x1FFE0];
	_ =	sdelay $0x1  }
0x119: {  	v42 =	vor.u32 s8, v28  }
0x11a: {  	v46 =	vor.u32 s8, v27;
	v48 =	vor.u32 s8, v26;
	v10 =	vor.u32 v0, v42;
	v50 =	vld.idx.msk [tilespmem:v8+s19+$0x0], $0xffff  }
0x11b: {  	v13 =	vor.u32 v0, v48;
	v9 =	vld.idx.msk [tilespmem:v5+s19+$0x0], $0xffff;
	v5 =	vor.u32 v0, v43;
	v45 =	vor.u32 s8, v4  }
0x11c: {  	v8 =	vor.u32 v0, v45;
	v47 =	vor.u32 s8, v1;
	v4 =	vld.idx.msk [tilespmem:v2+s19+$0x0], $0xffff;
	v49 =	vor.u32 s8, v3  }
0x11d: {  	v1 =	vor.u32 v0, v46;
	v2 =	vor.u32 v0, v47;
	v16 =	vor.u32 v0, v49;
	v0 =	vld [tilespmem:$0x1FEA0];
	_ =	sdelay $0x3  }
0x11e: {  	s10 =	sshll.u32 s15, $0xA  }
0x11f: {  	v52 =	vor.u32 s10, v0;
	v0 =	vld [tilespmem:$0x1FEB0];
	_ =	sdelay $0x4  }
0x120: {  	v53 =	vor.u32 s10, v0;
	v0 =	vld [tilespmem:$0x1FEC0]  }
0x121: {  	v54 =	vld.idx.msk [tilespmem:v10+s19+$0x0], $0xffff  }
0x122: {  	v10 =	vld.idx.msk [tilespmem:v13+s19+$0x0], $0xffff  }
0x123: {  	v13 =	vld [tilespmem:$0x1FF20];
	_ =	sdelay $0x1  }
0x124: {  	v55 =	vor.u32 s10, v0;
	v0 =	vld [tilespmem:$0x1FE90];
	_ =	sdelay $0x2  }
0x125: {  	v63 =	vor.u32 s10, v13;
	v13 =	vld [tilespmem:$0x1FF30];
	_ =	sdelay $0x1  }
0x126: {  	v59 =	vor.u32 s10, v0;
	v0 =	vld [tilespmem:$0x1FED0];
	_ =	sdelay $0x2  }
0x127: {  	v60 =	vor.u32 s10, v13;
	v13 =	vld.idx.msk [tilespmem:v16+s19+$0x0], $0xffff  }
0x128: {  	v16 =	vld [tilespmem:$0x1FF40]  }
0x129: {  	v62 =	vor.u32 s10, v0;
	v0 =	vld [tilespmem:$0x1FEE0];
	_ =	sdelay $0x1  }
0x12a: {  	v5 =	vld.idx.msk [tilespmem:v5+s19+$0x0], $0xffff  }
0x12b: {  	v12 =	vld.idx.msk [tilespmem:v2+s19+$0x0], $0xffff  }
0x12c: {  	v61 =	vor.u32 s10, v16;
	v16 =	vld [tilespmem:$0x1FF50]  }
0x12d: {  	v51 =	vor.u32 s10, v30;
	v2 =	vor.u32 s10, v0;
	v0 =	vld [tilespmem:$0x1FEF0]  }
0x12e: {  	v17 =	vor.u32 s5, v51;
	v20 =	vld.idx.msk [tilespmem:v8+s19+$0x0], $0xffff  }
0x12f: {  	v8 =	vld.idx.msk [tilespmem:v1+s19+$0x0], $0xffff;
	v18 =	vor.u32 s5, v52  }
0x130: {  	v1 =	vld [tilespmem:$0x1FF10]  }
0x131: {  	v58 =	vor.u32 s10, v16;
	v16 =	vld [tilespmem:$0x1FF60]  }
0x132: {  	v21 =	vor.u32 s5, v53;
	v3 =	vor.u32 s10, v0;
	v0 =	vld [tilespmem:$0x1FF00]  }
0x133: {  	v56 =	vor.u32 s10, v31;
	[tilespmem:v17+s23+$0x0] =	vst.idx.msk $0xffff, v5;
	v17 =	vor.u32 s5, v55  }
0x134: {  	[tilespmem:v18+s23+$0x0] =	vst.idx.msk $0xffff, v15;
	v18 =	vor.u32 s5, v56  }
0x135: {  	v19 =	vor.u32 s5, v59  }
0x136: {  	v1 =	vor.u32 s10, v1;
	v57 =	vor.u32 s10, v16;
	v16 =	vor.u32 s5, v62  }
0x137: {  	s9 =	simm.s32 $0x10;
	s8 =	simm.s32 $0x0;
	[tilespmem:v21+s23+$0x0] =	vst.idx.msk $0xffff, v20;
	v15 =	vor.u32 s5, v2;
	v5 =	vor.u32 s5, v3;
	v0 =	vor.u32 s10, v0  }
.LBB2_8:
0x138: {  	v20 =	vor.u32 s9, v3;
	p4 =	sne.s32 s9, $0x30;
	[tilespmem:v17+s23+$0x0] =	vst.idx.msk $0xffff, v9;
	s10 =	smov.u32 s9;
	s9 =	sadd.s32 $0x10, s9  }
0x139: {  	[tilespmem:v18+s23+$0x0] =	vst.idx.msk $0xffff, v7;
	v7 =	vor.u32 s8, v0  }
0x13a: {  	v9 =	vor.u32 s8, v1;
	[tilespmem:v19+s23+$0x0] =	vst.idx.msk $0xffff, v11  }
0x13b: {  	v11 =	vmov s10;
	[tilespmem:v16+s23+$0x0] =	vst.idx.msk $0xffff, v6;
	v6 =	vor.u32 s8, v63  }
0x13c: {  	v11 =	vshll.u32 v11, $0x7;
	[tilespmem:v15+s23+$0x0] =	vst.idx.msk $0xffff, v13;
	v13 =	vor.u32 s8, v60  }
0x13d: {  	v11 =	vor.u32 v32, v11;
	[tilespmem:v5+s23+$0x0] =	vst.idx.msk $0xffff, v14;
	v14 =	vor.u32 s8, v61;
	v5 =	vmov v20  }
0x13e: {  	v15 =	vor.u32 v11, v43;
	v16 =	vor.u32 v11, v33;
	[tilespmem:v7+s23+$0x0] =	vst.idx.msk $0xffff, v12;
	v7 =	vor.u32 s8, v58  }
0x13f: {  	v17 =	vor.u32 v11, v34;
	v12 =	vor.u32 v11, v37;
	[tilespmem:v9+s23+$0x0] =	vst.idx.msk $0xffff, v4;
	v4 =	vor.u32 s8, v57;
	s8 =	smov.u32 s10  }
0x140: {  	v18 =	vor.u32 v11, v49;
	v9 =	vor.u32 v11, v35;
	[tilespmem:v6+s23+$0x0] =	vst.idx.msk $0xffff, v50  }
0x141: {  	v19 =	vor.u32 v11, v47;
	v20 =	vor.u32 v11, v40;
	[tilespmem:v13+s23+$0x0] =	vst.idx.msk $0xffff, v10  }
0x142: {  	v10 =	vor.u32 v11, v48;
	v13 =	vor.u32 v11, v46;
	[tilespmem:v14+s23+$0x0] =	vst.idx.msk $0xffff, v8  }
0x143: {  	v8 =	vor.u32 v11, v41;
	v14 =	vor.u32 v11, v36;
	[tilespmem:v7+s23+$0x0] =	vst.idx.msk $0xffff, v54  }
0x144: {  	v21 =	vor.u32 v11, v38;
	v22 =	vor.u32 v11, v39;
	[tilespmem:v4+s23+$0x0] =	vst.idx.msk $0xffff, v44  }
0x145: {  	v23 =	vor.u32 v11, v45;
	v16 =	vld.idx.msk [tilespmem:v16+s19+$0x0], $0xffff  }
0x146: {  	v7 =	vld.idx.msk [tilespmem:v17+s19+$0x0], $0xffff;
	v17 =	vor.u32 v11, v42  }
0x147: {  	v6 =	vld.idx.msk [tilespmem:v9+s19+$0x0], $0xffff  }
0x148: {  	v14 =	vld.idx.msk [tilespmem:v14+s19+$0x0], $0xffff  }
0x149: {  	v9 =	vld.idx.msk [tilespmem:v12+s19+$0x0], $0xffff  }
0x14a: {  	v50 =	vld.idx.msk [tilespmem:v21+s19+$0x0], $0xffff  }
0x14b: {  	v44 =	vld.idx.msk [tilespmem:v22+s19+$0x0], $0xffff  }
0x14c: {  	v4 =	vld.idx.msk [tilespmem:v20+s19+$0x0], $0xffff  }
0x14d: {  	v11 =	vld.idx.msk [tilespmem:v8+s19+$0x0], $0xffff  }
0x14e: {  	v54 =	vld.idx.msk [tilespmem:v17+s19+$0x0], $0xffff  }
0x14f: {  	v15 =	vld.idx.msk [tilespmem:v15+s19+$0x0], $0xffff  }
0x150: {  	v21 =	vor.u32 s8, v51;
	v20 =	vld.idx.msk [tilespmem:v23+s19+$0x0], $0xffff  }
0x151: {  	v22 =	vor.u32 s8, v52;
	v8 =	vld.idx.msk [tilespmem:v13+s19+$0x0], $0xffff  }
0x152: {  	v23 =	vor.u32 s8, v53;
	v12 =	vld.idx.msk [tilespmem:v19+s19+$0x0], $0xffff  }
.Ltmp4:
0x153: {  	v17 =	vor.u32 s8, v55;
	v10 =	vld.idx.msk [tilespmem:v10+s19+$0x0], $0xffff;
	(pc) =	sbr.rel @p4 .LBB2_8-.Ltmp4, $4  }
0x154: {  	v13 =	vld.idx.msk [tilespmem:v18+s19+$0x0], $0xffff;
	v18 =	vor.u32 s8, v56  }
0x155: {  	v19 =	vor.u32 s8, v59;
	[tilespmem:v21+s23+$0x0] =	vst.idx.msk $0xffff, v15  }
0x156: {  	[tilespmem:v22+s23+$0x0] =	vst.idx.msk $0xffff, v16;
	v16 =	vor.u32 s8, v62  }
0x157: {  	v15 =	vor.u32 s8, v2;
	[tilespmem:v23+s23+$0x0] =	vst.idx.msk $0xffff, v20  }
0x158: {  	_ =	sdelay $0x3  }
0x159: {  	[tilespmem:v17+s23+$0x0] =	vst.idx.msk $0xffff, v9  }
0x15a: {  	v0 =	vor.u32 s8, v0;
	[tilespmem:v18+s23+$0x0] =	vst.idx.msk $0xffff, v7  }
0x15b: {  	v1 =	vor.u32 s8, v1;
	[tilespmem:v19+s23+$0x0] =	vst.idx.msk $0xffff, v11  }
0x15c: {  	v2 =	vor.u32 s8, v63;
	[tilespmem:v16+s23+$0x0] =	vst.idx.msk $0xffff, v6  }
0x15d: {  	v3 =	vor.u32 s8, v60;
	[tilespmem:v15+s23+$0x0] =	vst.idx.msk $0xffff, v13  }
0x15e: {  	v61 =	vor.u32 s8, v61;
	[tilespmem:v5+s23+$0x0] =	vst.idx.msk $0xffff, v14  }
0x15f: {  	v62 =	vor.u32 s8, v58;
	s15 =	sadd.s32 $0x1, s15;
	[tilespmem:v0+s23+$0x0] =	vst.idx.msk $0xffff, v12  }
0x160: {  	v63 =	vor.u32 s8, v57;
	p4 =	sne.s32 s15, $0x8;
	[tilespmem:v1+s23+$0x0] =	vst.idx.msk $0xffff, v4  }
.Ltmp5:
0x161: {  	[tilespmem:v2+s23+$0x0] =	vst.idx.msk $0xffff, v50;
	(pc) =	sbr.rel @p4 .LBB2_7-.Ltmp5, $4  }
0x162: {  	[tilespmem:v3+s23+$0x0] =	vst.idx.msk $0xffff, v10  }
0x163: {  	[tilespmem:v61+s23+$0x0] =	vst.idx.msk $0xffff, v8  }
0x164: {  	[tilespmem:v62+s23+$0x0] =	vst.idx.msk $0xffff, v54  }
0x165: {  	[tilespmem:v63+s23+$0x0] =	vst.idx.msk $0xffff, v44  }
0x166: {  	s2 =	sshll.u32 @!p3 s2, $0xA  }
0x167: {  	s5 =	simm.s32 @!p3 $0x0;
	s8 =	simm.s32 @!p3 $0xA000;
	s2 =	sadd.s32 @!p3 s6, s2  }
0x168: {  	[hbm4b:s2+s5] =	stream.linear.scatter @!p3 [tilespmem:s8], [sflag:$0x6], $0x2000, $0x38;
	[tilespmem:$0x12000] =	vst v63  }
0x169: {  	s2 =	sadd.s32 s12, s31  }
0x16a: {  	p3 =	sgt.u32 s2, $0x1E83  }
0x16b: {  	s2 =	sshll.u32 @!p3 s2, $0x7;
	s5 =	simm.s32 @!p3 $0x400  }
0x16c: {  	s8 =	simm.s32 @!p3 $0x7A1400;
	s9 =	simm.s32 @!p3 $0x2000;
	s2 =	sadd.s32 @!p3 s0, s2  }
0x16d: {  	[tilespmem:s9], [sflag:$0x2] =	stream.strided.gather @!p3 [hbm4b:s2+s5], $0x2000, s8, s5, $0x38;
	[tilespmem:$0x12000] =	vst v63  }
0x16e: {  	s2 =	sor.u32 $0x40, s1  }
0x16f: {  	p3 =	sgt.u32 s2, $0x1E83  }
0x170: {  	s5 =	simm.s32 @!p3 $0x3  }
0x171: {  	_ =	swait.ge @!p3 [sflag:s5], $0x2000  }
0x172: {  	[sflag:s5] =	ssyncset.done @!p3 $0x0  }
0x173: {  	[sflag:s5] =	ssyncadd.s32 @!p3 $0xFFFFE000;
	s5 =	simm.s32 @!p2 $0x7  }
0x174: {  	_ =	swait.ge @!p2 [sflag:s5], $0x2000  }
0x175: {  	[sflag:s5] =	ssyncset.done @!p2 $0x0  }
0x176: {  	s15 =	simm.s32 $0x0;
	[sflag:s5] =	ssyncadd.s32 @!p2 $0xFFFFE000;
	s5 =	simm.s32 $0x0  }
.LBB2_11:
0x177: {  	v1 =	vld [tilespmem:$0x1FF70];
	_ =	sdelay $0x3  }
0x178: {  	s8 =	sshll.u32 s15, $0x4  }
0x179: {  	v33 =	vor.u32 s8, v1;
	v1 =	vld [tilespmem:$0x1FFB0]  }
0x17a: {  	v2 =	vld [tilespmem:$0x1FFD0];
	_ =	sdelay $0x1  }
0x17b: {  	v0 =	vmov s5  }
0x17c: {  	v0 =	vshll.u32 v0, $0x7  }
0x17d: {  	v0 =	vor.u32 v32, v0;
	v34 =	vor.u32 s8, v1  }
0x17e: {  	v35 =	vor.u32 s8, v2;
	v2 =	vor.u32 v0, v34;
	_ =	sdelay $0x1  }
0x17f: {  	v3 =	vld [tilespmem:$0x1FF80]  }
0x180: {  	v4 =	vld [tilespmem:$0x1FFA0];
	_ =	sdelay $0x1  }
0x181: {  	v1 =	vor.u32 v0, v33;
	v7 =	vld.idx.msk [tilespmem:v2+s20+$0x0], $0xffff  }
0x182: {  	v2 =	vld [tilespmem:$0x1FFC0]  }
0x183: {  	v36 =	vor.u32 s8, v3;
	v3 =	vor.u32 v0, v35  }
0x184: {  	v37 =	vor.u32 s8, v4;
	v4 =	vor.u32 v0, v36  }
0x185: {  	v39 =	vor.u32 s8, v29  }
0x186: {  	v15 =	vld.idx.msk [tilespmem:v1+s20+$0x0], $0xffff;
	v1 =	vor.u32 v0, v39  }
0x187: {  	v41 =	vor.u32 s8, v2  }
0x188: {  	v6 =	vld.idx.msk [tilespmem:v3+s20+$0x0], $0xffff;
	v3 =	vor.u32 v0, v41  }
0x189: {  	v14 =	vld.idx.msk [tilespmem:v4+s20+$0x0], $0xffff;
	v4 =	vlaneseq.u32  }
0x18a: {  	v43 =	vor.u32 s8, v4;
	v4 =	vld [tilespmem:$0x1FF90]  }
0x18b: {  	v38 =	vor.u32 s8, v25;
	v44 =	vld.idx.msk [tilespmem:v1+s20+$0x0], $0xffff  }
0x18c: {  	v8 =	vor.u32 v0, v38;
	v1 =	vld [tilespmem:$0x1FFF0]  }
0x18d: {  	v40 =	vor.u32 s8, v24;
	v5 =	vor.u32 v0, v37;
	v11 =	vld.idx.msk [tilespmem:v3+s20+$0x0], $0xffff  }
0x18e: {  	v2 =	vor.u32 v0, v40;
	v3 =	vld [tilespmem:$0x1FFE0];
	_ =	sdelay $0x1  }
0x18f: {  	v42 =	vor.u32 s8, v28  }
0x190: {  	v46 =	vor.u32 s8, v27;
	v48 =	vor.u32 s8, v26;
	v10 =	vor.u32 v0, v42;
	v50 =	vld.idx.msk [tilespmem:v8+s20+$0x0], $0xffff  }
0x191: {  	v13 =	vor.u32 v0, v48;
	v9 =	vld.idx.msk [tilespmem:v5+s20+$0x0], $0xffff;
	v5 =	vor.u32 v0, v43;
	v45 =	vor.u32 s8, v4  }
0x192: {  	v8 =	vor.u32 v0, v45;
	v47 =	vor.u32 s8, v1;
	v4 =	vld.idx.msk [tilespmem:v2+s20+$0x0], $0xffff;
	v49 =	vor.u32 s8, v3  }
0x193: {  	v1 =	vor.u32 v0, v46;
	v2 =	vor.u32 v0, v47;
	v16 =	vor.u32 v0, v49;
	v0 =	vld [tilespmem:$0x1FEA0];
	_ =	sdelay $0x3  }
0x194: {  	s10 =	sshll.u32 s15, $0xA  }
0x195: {  	v52 =	vor.u32 s10, v0;
	v0 =	vld [tilespmem:$0x1FEB0];
	_ =	sdelay $0x4  }
0x196: {  	v53 =	vor.u32 s10, v0;
	v0 =	vld [tilespmem:$0x1FEC0]  }
0x197: {  	v54 =	vld.idx.msk [tilespmem:v10+s20+$0x0], $0xffff  }
0x198: {  	v10 =	vld.idx.msk [tilespmem:v13+s20+$0x0], $0xffff  }
0x199: {  	v13 =	vld [tilespmem:$0x1FF20];
	_ =	sdelay $0x1  }
0x19a: {  	v55 =	vor.u32 s10, v0;
	v0 =	vld [tilespmem:$0x1FE90];
	_ =	sdelay $0x2  }
0x19b: {  	v63 =	vor.u32 s10, v13;
	v13 =	vld [tilespmem:$0x1FF30];
	_ =	sdelay $0x1  }
0x19c: {  	v59 =	vor.u32 s10, v0;
	v0 =	vld [tilespmem:$0x1FED0];
	_ =	sdelay $0x2  }
0x19d: {  	v60 =	vor.u32 s10, v13;
	v13 =	vld.idx.msk [tilespmem:v16+s20+$0x0], $0xffff  }
0x19e: {  	v16 =	vld [tilespmem:$0x1FF40]  }
0x19f: {  	v62 =	vor.u32 s10, v0;
	v0 =	vld [tilespmem:$0x1FEE0];
	_ =	sdelay $0x1  }
0x1a0: {  	v5 =	vld.idx.msk [tilespmem:v5+s20+$0x0], $0xffff  }
0x1a1: {  	v12 =	vld.idx.msk [tilespmem:v2+s20+$0x0], $0xffff  }
0x1a2: {  	v61 =	vor.u32 s10, v16;
	v16 =	vld [tilespmem:$0x1FF50]  }
0x1a3: {  	v51 =	vor.u32 s10, v30;
	v2 =	vor.u32 s10, v0;
	v0 =	vld [tilespmem:$0x1FEF0]  }
0x1a4: {  	v17 =	vor.u32 s5, v51;
	v20 =	vld.idx.msk [tilespmem:v8+s20+$0x0], $0xffff  }
0x1a5: {  	v8 =	vld.idx.msk [tilespmem:v1+s20+$0x0], $0xffff;
	v18 =	vor.u32 s5, v52  }
0x1a6: {  	v1 =	vld [tilespmem:$0x1FF10]  }
0x1a7: {  	v58 =	vor.u32 s10, v16;
	v16 =	vld [tilespmem:$0x1FF60]  }
0x1a8: {  	v21 =	vor.u32 s5, v53;
	v3 =	vor.u32 s10, v0;
	v0 =	vld [tilespmem:$0x1FF00]  }
0x1a9: {  	v56 =	vor.u32 s10, v31;
	[tilespmem:v17+s24+$0x0] =	vst.idx.msk $0xffff, v5;
	v17 =	vor.u32 s5, v55  }
0x1aa: {  	[tilespmem:v18+s24+$0x0] =	vst.idx.msk $0xffff, v15;
	v18 =	vor.u32 s5, v56  }
0x1ab: {  	v19 =	vor.u32 s5, v59  }
0x1ac: {  	v1 =	vor.u32 s10, v1;
	v57 =	vor.u32 s10, v16;
	v16 =	vor.u32 s5, v62  }
0x1ad: {  	s9 =	simm.s32 $0x10;
	s8 =	simm.s32 $0x0;
	[tilespmem:v21+s24+$0x0] =	vst.idx.msk $0xffff, v20;
	v15 =	vor.u32 s5, v2;
	v5 =	vor.u32 s5, v3;
	v0 =	vor.u32 s10, v0  }
.LBB2_12:
0x1ae: {  	v20 =	vor.u32 s9, v3;
	p4 =	sne.s32 s9, $0x30;
	[tilespmem:v17+s24+$0x0] =	vst.idx.msk $0xffff, v9;
	s10 =	smov.u32 s9;
	s9 =	sadd.s32 $0x10, s9  }
0x1af: {  	[tilespmem:v18+s24+$0x0] =	vst.idx.msk $0xffff, v7;
	v7 =	vor.u32 s8, v0  }
0x1b0: {  	v9 =	vor.u32 s8, v1;
	[tilespmem:v19+s24+$0x0] =	vst.idx.msk $0xffff, v11  }
0x1b1: {  	v11 =	vmov s10;
	[tilespmem:v16+s24+$0x0] =	vst.idx.msk $0xffff, v6;
	v6 =	vor.u32 s8, v63  }
0x1b2: {  	v11 =	vshll.u32 v11, $0x7;
	[tilespmem:v15+s24+$0x0] =	vst.idx.msk $0xffff, v13;
	v13 =	vor.u32 s8, v60  }
0x1b3: {  	v11 =	vor.u32 v32, v11;
	[tilespmem:v5+s24+$0x0] =	vst.idx.msk $0xffff, v14;
	v14 =	vor.u32 s8, v61;
	v5 =	vmov v20  }
0x1b4: {  	v15 =	vor.u32 v11, v43;
	v16 =	vor.u32 v11, v33;
	[tilespmem:v7+s24+$0x0] =	vst.idx.msk $0xffff, v12;
	v7 =	vor.u32 s8, v58  }
0x1b5: {  	v17 =	vor.u32 v11, v34;
	v12 =	vor.u32 v11, v37;
	[tilespmem:v9+s24+$0x0] =	vst.idx.msk $0xffff, v4;
	v4 =	vor.u32 s8, v57;
	s8 =	smov.u32 s10  }
0x1b6: {  	v18 =	vor.u32 v11, v49;
	v9 =	vor.u32 v11, v35;
	[tilespmem:v6+s24+$0x0] =	vst.idx.msk $0xffff, v50  }
0x1b7: {  	v19 =	vor.u32 v11, v47;
	v20 =	vor.u32 v11, v40;
	[tilespmem:v13+s24+$0x0] =	vst.idx.msk $0xffff, v10  }
0x1b8: {  	v10 =	vor.u32 v11, v48;
	v13 =	vor.u32 v11, v46;
	[tilespmem:v14+s24+$0x0] =	vst.idx.msk $0xffff, v8  }
0x1b9: {  	v8 =	vor.u32 v11, v41;
	v14 =	vor.u32 v11, v36;
	[tilespmem:v7+s24+$0x0] =	vst.idx.msk $0xffff, v54  }
0x1ba: {  	v21 =	vor.u32 v11, v38;
	v22 =	vor.u32 v11, v39;
	[tilespmem:v4+s24+$0x0] =	vst.idx.msk $0xffff, v44  }
0x1bb: {  	v23 =	vor.u32 v11, v45;
	v16 =	vld.idx.msk [tilespmem:v16+s20+$0x0], $0xffff  }
0x1bc: {  	v7 =	vld.idx.msk [tilespmem:v17+s20+$0x0], $0xffff;
	v17 =	vor.u32 v11, v42  }
0x1bd: {  	v6 =	vld.idx.msk [tilespmem:v9+s20+$0x0], $0xffff  }
0x1be: {  	v14 =	vld.idx.msk [tilespmem:v14+s20+$0x0], $0xffff  }
0x1bf: {  	v9 =	vld.idx.msk [tilespmem:v12+s20+$0x0], $0xffff  }
0x1c0: {  	v50 =	vld.idx.msk [tilespmem:v21+s20+$0x0], $0xffff  }
0x1c1: {  	v44 =	vld.idx.msk [tilespmem:v22+s20+$0x0], $0xffff  }
0x1c2: {  	v4 =	vld.idx.msk [tilespmem:v20+s20+$0x0], $0xffff  }
0x1c3: {  	v11 =	vld.idx.msk [tilespmem:v8+s20+$0x0], $0xffff  }
0x1c4: {  	v54 =	vld.idx.msk [tilespmem:v17+s20+$0x0], $0xffff  }
0x1c5: {  	v15 =	vld.idx.msk [tilespmem:v15+s20+$0x0], $0xffff  }
0x1c6: {  	v21 =	vor.u32 s8, v51;
	v20 =	vld.idx.msk [tilespmem:v23+s20+$0x0], $0xffff  }
0x1c7: {  	v22 =	vor.u32 s8, v52;
	v8 =	vld.idx.msk [tilespmem:v13+s20+$0x0], $0xffff  }
0x1c8: {  	v23 =	vor.u32 s8, v53;
	v12 =	vld.idx.msk [tilespmem:v19+s20+$0x0], $0xffff  }
.Ltmp6:
0x1c9: {  	v17 =	vor.u32 s8, v55;
	v10 =	vld.idx.msk [tilespmem:v10+s20+$0x0], $0xffff;
	(pc) =	sbr.rel @p4 .LBB2_12-.Ltmp6, $4  }
0x1ca: {  	v13 =	vld.idx.msk [tilespmem:v18+s20+$0x0], $0xffff;
	v18 =	vor.u32 s8, v56  }
0x1cb: {  	v19 =	vor.u32 s8, v59;
	[tilespmem:v21+s24+$0x0] =	vst.idx.msk $0xffff, v15  }
0x1cc: {  	[tilespmem:v22+s24+$0x0] =	vst.idx.msk $0xffff, v16;
	v16 =	vor.u32 s8, v62  }
0x1cd: {  	v15 =	vor.u32 s8, v2;
	[tilespmem:v23+s24+$0x0] =	vst.idx.msk $0xffff, v20  }
0x1ce: {  	_ =	sdelay $0x3  }
0x1cf: {  	[tilespmem:v17+s24+$0x0] =	vst.idx.msk $0xffff, v9  }
0x1d0: {  	v0 =	vor.u32 s8, v0;
	[tilespmem:v18+s24+$0x0] =	vst.idx.msk $0xffff, v7  }
0x1d1: {  	v1 =	vor.u32 s8, v1;
	[tilespmem:v19+s24+$0x0] =	vst.idx.msk $0xffff, v11  }
0x1d2: {  	v2 =	vor.u32 s8, v63;
	[tilespmem:v16+s24+$0x0] =	vst.idx.msk $0xffff, v6  }
0x1d3: {  	v3 =	vor.u32 s8, v60;
	[tilespmem:v15+s24+$0x0] =	vst.idx.msk $0xffff, v13  }
0x1d4: {  	v61 =	vor.u32 s8, v61;
	[tilespmem:v5+s24+$0x0] =	vst.idx.msk $0xffff, v14  }
0x1d5: {  	v62 =	vor.u32 s8, v58;
	s15 =	sadd.s32 $0x1, s15;
	[tilespmem:v0+s24+$0x0] =	vst.idx.msk $0xffff, v12  }
0x1d6: {  	v63 =	vor.u32 s8, v57;
	p4 =	sne.s32 s15, $0x8;
	[tilespmem:v1+s24+$0x0] =	vst.idx.msk $0xffff, v4  }
.Ltmp7:
0x1d7: {  	[tilespmem:v2+s24+$0x0] =	vst.idx.msk $0xffff, v50;
	(pc) =	sbr.rel @p4 .LBB2_11-.Ltmp7, $4  }
0x1d8: {  	[tilespmem:v3+s24+$0x0] =	vst.idx.msk $0xffff, v10  }
0x1d9: {  	[tilespmem:v61+s24+$0x0] =	vst.idx.msk $0xffff, v8  }
0x1da: {  	[tilespmem:v62+s24+$0x0] =	vst.idx.msk $0xffff, v54  }
0x1db: {  	[tilespmem:v63+s24+$0x0] =	vst.idx.msk $0xffff, v44  }
0x1dc: {  	s2 =	sshll.u32 @!p3 s2, $0xA  }
0x1dd: {  	s5 =	simm.s32 @!p3 $0x0;
	s8 =	simm.s32 @!p3 $0xC000;
	s2 =	sadd.s32 @!p3 s6, s2  }
0x1de: {  	[hbm4b:s2+s5] =	stream.linear.scatter @!p3 [tilespmem:s8], [sflag:$0x7], $0x2000, $0x38;
	[tilespmem:$0x12000] =	vst v63  }
0x1df: {  	s2 =	sadd.s32 s13, s31  }
0x1e0: {  	p3 =	sgt.u32 s2, $0x1E83  }
0x1e1: {  	s1 =	sor.u32 $0x60, s1;
	s2 =	sshll.u32 @!p3 s2, $0x7;
	s5 =	simm.s32 @!p3 $0x400  }
0x1e2: {  	s8 =	simm.s32 @!p3 $0x7A1400;
	s9 =	simm.s32 @!p3 $0x4000;
	s2 =	sadd.s32 @!p3 s0, s2  }
0x1e3: {  	[tilespmem:s9], [sflag:$0x3] =	stream.strided.gather @!p3 [hbm4b:s2+s5], $0x2000, s8, s5, $0x38;
	[tilespmem:$0x12000] =	vst v63  }
0x1e4: {  	p3 =	sgt.u32 s1, $0x1E83  }
0x1e5: {  	s2 =	simm.s32 @!p3 $0x4  }
0x1e6: {  	_ =	swait.ge @!p3 [sflag:s2], $0x2000  }
0x1e7: {  	[sflag:s2] =	ssyncset.done @!p3 $0x0  }
0x1e8: {  	[sflag:s2] =	ssyncadd.s32 @!p3 $0xFFFFE000;
	s2 =	simm.s32 @!p2 $0x8  }
0x1e9: {  	_ =	swait.ge @!p2 [sflag:s2], $0x2000  }
0x1ea: {  	[sflag:s2] =	ssyncset.done @!p2 $0x0  }
0x1eb: {  	s5 =	simm.s32 $0x0;
	[sflag:s2] =	ssyncadd.s32 @!p2 $0xFFFFE000;
	s2 =	simm.s32 $0x0  }
.LBB2_15:
0x1ec: {  	v1 =	vld [tilespmem:$0x1FF70];
	_ =	sdelay $0x3  }
0x1ed: {  	s8 =	sshll.u32 s5, $0x4  }
0x1ee: {  	v33 =	vor.u32 s8, v1;
	v1 =	vld [tilespmem:$0x1FFB0]  }
0x1ef: {  	v2 =	vld [tilespmem:$0x1FFD0];
	_ =	sdelay $0x1  }
0x1f0: {  	v0 =	vmov s2  }
0x1f1: {  	v0 =	vshll.u32 v0, $0x7  }
0x1f2: {  	v0 =	vor.u32 v32, v0;
	v34 =	vor.u32 s8, v1  }
0x1f3: {  	v35 =	vor.u32 s8, v2;
	v2 =	vor.u32 v0, v34;
	_ =	sdelay $0x1  }
0x1f4: {  	v3 =	vld [tilespmem:$0x1FF80]  }
0x1f5: {  	v4 =	vld [tilespmem:$0x1FFA0];
	_ =	sdelay $0x1  }
0x1f6: {  	v1 =	vor.u32 v0, v33;
	v7 =	vld.idx.msk [tilespmem:v2+s21+$0x0], $0xffff  }
0x1f7: {  	v2 =	vld [tilespmem:$0x1FFC0]  }
0x1f8: {  	v36 =	vor.u32 s8, v3;
	v3 =	vor.u32 v0, v35  }
0x1f9: {  	v37 =	vor.u32 s8, v4;
	v4 =	vor.u32 v0, v36  }
0x1fa: {  	v39 =	vor.u32 s8, v29  }
0x1fb: {  	v15 =	vld.idx.msk [tilespmem:v1+s21+$0x0], $0xffff;
	v1 =	vor.u32 v0, v39  }
0x1fc: {  	v41 =	vor.u32 s8, v2  }
0x1fd: {  	v6 =	vld.idx.msk [tilespmem:v3+s21+$0x0], $0xffff;
	v3 =	vor.u32 v0, v41  }
0x1fe: {  	v14 =	vld.idx.msk [tilespmem:v4+s21+$0x0], $0xffff;
	v4 =	vlaneseq.u32  }
0x1ff: {  	v43 =	vor.u32 s8, v4;
	v4 =	vld [tilespmem:$0x1FF90]  }
0x200: {  	v38 =	vor.u32 s8, v25;
	v44 =	vld.idx.msk [tilespmem:v1+s21+$0x0], $0xffff  }
0x201: {  	v8 =	vor.u32 v0, v38;
	v1 =	vld [tilespmem:$0x1FFF0]  }
0x202: {  	v40 =	vor.u32 s8, v24;
	v5 =	vor.u32 v0, v37;
	v11 =	vld.idx.msk [tilespmem:v3+s21+$0x0], $0xffff  }
0x203: {  	v2 =	vor.u32 v0, v40;
	v3 =	vld [tilespmem:$0x1FFE0];
	_ =	sdelay $0x1  }
0x204: {  	v42 =	vor.u32 s8, v28  }
0x205: {  	v46 =	vor.u32 s8, v27;
	v48 =	vor.u32 s8, v26;
	v10 =	vor.u32 v0, v42;
	v50 =	vld.idx.msk [tilespmem:v8+s21+$0x0], $0xffff  }
0x206: {  	v13 =	vor.u32 v0, v48;
	v9 =	vld.idx.msk [tilespmem:v5+s21+$0x0], $0xffff;
	v5 =	vor.u32 v0, v43;
	v45 =	vor.u32 s8, v4  }
0x207: {  	v8 =	vor.u32 v0, v45;
	v47 =	vor.u32 s8, v1;
	v4 =	vld.idx.msk [tilespmem:v2+s21+$0x0], $0xffff;
	v49 =	vor.u32 s8, v3  }
0x208: {  	v1 =	vor.u32 v0, v46;
	v2 =	vor.u32 v0, v47;
	v16 =	vor.u32 v0, v49;
	v0 =	vld [tilespmem:$0x1FEA0];
	_ =	sdelay $0x3  }
0x209: {  	s15 =	sshll.u32 s5, $0xA  }
0x20a: {  	v52 =	vor.u32 s15, v0;
	v0 =	vld [tilespmem:$0x1FEB0];
	_ =	sdelay $0x4  }
0x20b: {  	v53 =	vor.u32 s15, v0;
	v0 =	vld [tilespmem:$0x1FEC0]  }
0x20c: {  	v54 =	vld.idx.msk [tilespmem:v10+s21+$0x0], $0xffff  }
0x20d: {  	v10 =	vld.idx.msk [tilespmem:v13+s21+$0x0], $0xffff  }
0x20e: {  	v13 =	vld [tilespmem:$0x1FF20];
	_ =	sdelay $0x1  }
0x20f: {  	v55 =	vor.u32 s15, v0;
	v0 =	vld [tilespmem:$0x1FE90];
	_ =	sdelay $0x2  }
0x210: {  	v63 =	vor.u32 s15, v13;
	v13 =	vld [tilespmem:$0x1FF30];
	_ =	sdelay $0x1  }
0x211: {  	v59 =	vor.u32 s15, v0;
	v0 =	vld [tilespmem:$0x1FED0];
	_ =	sdelay $0x2  }
0x212: {  	v60 =	vor.u32 s15, v13;
	v13 =	vld.idx.msk [tilespmem:v16+s21+$0x0], $0xffff  }
0x213: {  	v16 =	vld [tilespmem:$0x1FF40]  }
0x214: {  	v62 =	vor.u32 s15, v0;
	v0 =	vld [tilespmem:$0x1FEE0];
	_ =	sdelay $0x1  }
0x215: {  	v5 =	vld.idx.msk [tilespmem:v5+s21+$0x0], $0xffff  }
0x216: {  	v12 =	vld.idx.msk [tilespmem:v2+s21+$0x0], $0xffff  }
0x217: {  	v61 =	vor.u32 s15, v16;
	v16 =	vld [tilespmem:$0x1FF50]  }
0x218: {  	v51 =	vor.u32 s15, v30;
	v2 =	vor.u32 s15, v0;
	v0 =	vld [tilespmem:$0x1FEF0]  }
0x219: {  	v17 =	vor.u32 s2, v51;
	v20 =	vld.idx.msk [tilespmem:v8+s21+$0x0], $0xffff  }
0x21a: {  	v8 =	vld.idx.msk [tilespmem:v1+s21+$0x0], $0xffff;
	v18 =	vor.u32 s2, v52  }
0x21b: {  	v1 =	vld [tilespmem:$0x1FF10]  }
0x21c: {  	v58 =	vor.u32 s15, v16;
	v16 =	vld [tilespmem:$0x1FF60]  }
0x21d: {  	v21 =	vor.u32 s2, v53;
	v3 =	vor.u32 s15, v0;
	v0 =	vld [tilespmem:$0x1FF00]  }
0x21e: {  	v56 =	vor.u32 s15, v31;
	[tilespmem:v17+s25+$0x0] =	vst.idx.msk $0xffff, v5;
	v17 =	vor.u32 s2, v55  }
0x21f: {  	[tilespmem:v18+s25+$0x0] =	vst.idx.msk $0xffff, v15;
	v18 =	vor.u32 s2, v56  }
0x220: {  	v19 =	vor.u32 s2, v59  }
0x221: {  	v1 =	vor.u32 s15, v1;
	v57 =	vor.u32 s15, v16;
	v16 =	vor.u32 s2, v62  }
0x222: {  	s9 =	simm.s32 $0x10;
	s8 =	simm.s32 $0x0;
	[tilespmem:v21+s25+$0x0] =	vst.idx.msk $0xffff, v20;
	v15 =	vor.u32 s2, v2;
	v5 =	vor.u32 s2, v3;
	v0 =	vor.u32 s15, v0  }
.LBB2_16:
0x223: {  	v20 =	vor.u32 s9, v3;
	p2 =	sne.s32 s9, $0x30;
	[tilespmem:v17+s25+$0x0] =	vst.idx.msk $0xffff, v9;
	s10 =	smov.u32 s9;
	s9 =	sadd.s32 $0x10, s9  }
0x224: {  	[tilespmem:v18+s25+$0x0] =	vst.idx.msk $0xffff, v7;
	v7 =	vor.u32 s8, v0  }
0x225: {  	v9 =	vor.u32 s8, v1;
	[tilespmem:v19+s25+$0x0] =	vst.idx.msk $0xffff, v11  }
0x226: {  	v11 =	vmov s10;
	[tilespmem:v16+s25+$0x0] =	vst.idx.msk $0xffff, v6;
	v6 =	vor.u32 s8, v63  }
0x227: {  	v11 =	vshll.u32 v11, $0x7;
	[tilespmem:v15+s25+$0x0] =	vst.idx.msk $0xffff, v13;
	v13 =	vor.u32 s8, v60  }
0x228: {  	v11 =	vor.u32 v32, v11;
	[tilespmem:v5+s25+$0x0] =	vst.idx.msk $0xffff, v14;
	v14 =	vor.u32 s8, v61;
	v5 =	vmov v20  }
0x229: {  	v15 =	vor.u32 v11, v43;
	v16 =	vor.u32 v11, v33;
	[tilespmem:v7+s25+$0x0] =	vst.idx.msk $0xffff, v12;
	v7 =	vor.u32 s8, v58  }
0x22a: {  	v17 =	vor.u32 v11, v34;
	v12 =	vor.u32 v11, v37;
	[tilespmem:v9+s25+$0x0] =	vst.idx.msk $0xffff, v4;
	v4 =	vor.u32 s8, v57;
	s8 =	smov.u32 s10  }
0x22b: {  	v18 =	vor.u32 v11, v49;
	v9 =	vor.u32 v11, v35;
	[tilespmem:v6+s25+$0x0] =	vst.idx.msk $0xffff, v50  }
0x22c: {  	v19 =	vor.u32 v11, v47;
	v20 =	vor.u32 v11, v40;
	[tilespmem:v13+s25+$0x0] =	vst.idx.msk $0xffff, v10  }
0x22d: {  	v10 =	vor.u32 v11, v48;
	v13 =	vor.u32 v11, v46;
	[tilespmem:v14+s25+$0x0] =	vst.idx.msk $0xffff, v8  }
0x22e: {  	v8 =	vor.u32 v11, v41;
	v14 =	vor.u32 v11, v36;
	[tilespmem:v7+s25+$0x0] =	vst.idx.msk $0xffff, v54  }
0x22f: {  	v21 =	vor.u32 v11, v38;
	v22 =	vor.u32 v11, v39;
	[tilespmem:v4+s25+$0x0] =	vst.idx.msk $0xffff, v44  }
0x230: {  	v23 =	vor.u32 v11, v45;
	v16 =	vld.idx.msk [tilespmem:v16+s21+$0x0], $0xffff  }
0x231: {  	v7 =	vld.idx.msk [tilespmem:v17+s21+$0x0], $0xffff;
	v17 =	vor.u32 v11, v42  }
0x232: {  	v6 =	vld.idx.msk [tilespmem:v9+s21+$0x0], $0xffff  }
0x233: {  	v14 =	vld.idx.msk [tilespmem:v14+s21+$0x0], $0xffff  }
0x234: {  	v9 =	vld.idx.msk [tilespmem:v12+s21+$0x0], $0xffff  }
0x235: {  	v50 =	vld.idx.msk [tilespmem:v21+s21+$0x0], $0xffff  }
0x236: {  	v44 =	vld.idx.msk [tilespmem:v22+s21+$0x0], $0xffff  }
0x237: {  	v4 =	vld.idx.msk [tilespmem:v20+s21+$0x0], $0xffff  }
0x238: {  	v11 =	vld.idx.msk [tilespmem:v8+s21+$0x0], $0xffff  }
0x239: {  	v54 =	vld.idx.msk [tilespmem:v17+s21+$0x0], $0xffff  }
0x23a: {  	v15 =	vld.idx.msk [tilespmem:v15+s21+$0x0], $0xffff  }
0x23b: {  	v21 =	vor.u32 s8, v51;
	v20 =	vld.idx.msk [tilespmem:v23+s21+$0x0], $0xffff  }
0x23c: {  	v22 =	vor.u32 s8, v52;
	v8 =	vld.idx.msk [tilespmem:v13+s21+$0x0], $0xffff  }
0x23d: {  	v23 =	vor.u32 s8, v53;
	v12 =	vld.idx.msk [tilespmem:v19+s21+$0x0], $0xffff  }
.Ltmp8:
0x23e: {  	v17 =	vor.u32 s8, v55;
	v10 =	vld.idx.msk [tilespmem:v10+s21+$0x0], $0xffff;
	(pc) =	sbr.rel @p2 .LBB2_16-.Ltmp8, $4  }
0x23f: {  	v13 =	vld.idx.msk [tilespmem:v18+s21+$0x0], $0xffff;
	v18 =	vor.u32 s8, v56  }
0x240: {  	v19 =	vor.u32 s8, v59;
	[tilespmem:v21+s25+$0x0] =	vst.idx.msk $0xffff, v15  }
0x241: {  	[tilespmem:v22+s25+$0x0] =	vst.idx.msk $0xffff, v16;
	v16 =	vor.u32 s8, v62  }
0x242: {  	v15 =	vor.u32 s8, v2;
	[tilespmem:v23+s25+$0x0] =	vst.idx.msk $0xffff, v20  }
0x243: {  	_ =	sdelay $0x3  }
0x244: {  	[tilespmem:v17+s25+$0x0] =	vst.idx.msk $0xffff, v9  }
0x245: {  	v0 =	vor.u32 s8, v0;
	[tilespmem:v18+s25+$0x0] =	vst.idx.msk $0xffff, v7  }
0x246: {  	v1 =	vor.u32 s8, v1;
	[tilespmem:v19+s25+$0x0] =	vst.idx.msk $0xffff, v11  }
0x247: {  	v2 =	vor.u32 s8, v63;
	[tilespmem:v16+s25+$0x0] =	vst.idx.msk $0xffff, v6  }
0x248: {  	v3 =	vor.u32 s8, v60;
	[tilespmem:v15+s25+$0x0] =	vst.idx.msk $0xffff, v13  }
0x249: {  	v61 =	vor.u32 s8, v61;
	[tilespmem:v5+s25+$0x0] =	vst.idx.msk $0xffff, v14  }
0x24a: {  	v62 =	vor.u32 s8, v58;
	s5 =	sadd.s32 $0x1, s5;
	[tilespmem:v0+s25+$0x0] =	vst.idx.msk $0xffff, v12  }
0x24b: {  	v63 =	vor.u32 s8, v57;
	p2 =	sne.s32 s5, $0x8;
	[tilespmem:v1+s25+$0x0] =	vst.idx.msk $0xffff, v4  }
.Ltmp9:
0x24c: {  	[tilespmem:v2+s25+$0x0] =	vst.idx.msk $0xffff, v50;
	(pc) =	sbr.rel @p2 .LBB2_15-.Ltmp9, $4  }
0x24d: {  	[tilespmem:v3+s25+$0x0] =	vst.idx.msk $0xffff, v10  }
0x24e: {  	[tilespmem:v61+s25+$0x0] =	vst.idx.msk $0xffff, v8  }
0x24f: {  	[tilespmem:v62+s25+$0x0] =	vst.idx.msk $0xffff, v54  }
0x250: {  	[tilespmem:v63+s25+$0x0] =	vst.idx.msk $0xffff, v44  }
0x251: {  	s1 =	sshll.u32 @!p3 s1, $0xA  }
0x252: {  	s2 =	simm.s32 @!p3 $0x0;
	s5 =	simm.s32 @!p3 $0xE000;
	s1 =	sadd.s32 @!p3 s6, s1  }
0x253: {  	[hbm4b:s1+s2] =	stream.linear.scatter @!p3 [tilespmem:s5], [sflag:$0x8], $0x2000, $0x38;
	[tilespmem:$0x12000] =	vst v63  }
0x254: {  	s1 =	sadd.s32 s14, s31  }
0x255: {  	p2 =	sgt.u32 s1, $0x1E83  }
0x256: {  	s30 =	sadd.s32 $0x1, s30;
	s1 =	sshll.u32 @!p2 s1, $0x7;
	s2 =	simm.s32 @!p2 $0x400  }
0x257: {  	s5 =	simm.s32 @!p2 $0x7A1400;
	s8 =	simm.s32 @!p2 $0x6000;
	s1 =	sadd.s32 @!p2 s0, s1  }
0x258: {  	[tilespmem:s8], [sflag:$0x4] =	stream.strided.gather @!p2 [hbm4b:s1+s2], $0x2000, s5, s2, $0x38;
	[tilespmem:$0x12000] =	vst v63  }
0x259: {  	p2 =	sne.s32 s30, $0x3E  }
.Ltmp10:
0x25a: {  	_ = 	snop;
	(pc) =	sbr.rel @p2 .LBB2_2-.Ltmp10, $1  }
0x25b: {  	_ =	sdelay $0x3  }
.Ltmp11:
0x25c: {  	(pc) =	sbr.rel @p1 .LBB2_25-.Ltmp11, $4  }
0x25d: {  	s1 =	simm.s32 @!p0 $0x5  }
0x25e: {  	_ =	swait.ge @!p0 [sflag:s1], $0x2000  }
0x25f: {  	[sflag:s1] =	ssyncset.done @!p0 $0x0  }
0x260: {  	[sflag:s1] =	ssyncadd.s32 @!p0 $0xFFFFE000  }
0x261: {  	s1 =	simm.s32 $0x0;
	s2 =	rddreg [dreg:$0x3]  }
0x262: {  	[tilespmem:s26], [sflag:$0x9] =	stream.linear.gather [hbm4b:s2+s1], $0x2000, $0x38;
	[tilespmem:$0x12000] =	vst v63  }
0x263: {  	_ =	swait.ge [sflag:s28], $0x2000  }
0x264: {  	[sflag:s28] =	ssyncset.done $0x0  }
0x265: {  	s2 =	simm.s32 $0x0;
	[sflag:s28] =	ssyncadd.s32 $0xFFFFE000  }
.LBB2_21:
0x266: {  	v1 =	vld [tilespmem:$0x1FF70];
	_ =	sdelay $0x3  }
0x267: {  	s5 =	sshll.u32 s2, $0x4  }
0x268: {  	v33 =	vor.u32 s5, v1;
	v1 =	vld [tilespmem:$0x1FFB0]  }
0x269: {  	v2 =	vld [tilespmem:$0x1FFD0];
	_ =	sdelay $0x1  }
0x26a: {  	v0 =	vmov s1  }
0x26b: {  	v0 =	vshll.u32 v0, $0x7  }
0x26c: {  	v0 =	vor.u32 v32, v0;
	v34 =	vor.u32 s5, v1  }
0x26d: {  	v35 =	vor.u32 s5, v2;
	v2 =	vor.u32 v0, v34;
	_ =	sdelay $0x1  }
0x26e: {  	v3 =	vld [tilespmem:$0x1FF80]  }
0x26f: {  	v4 =	vld [tilespmem:$0x1FFA0];
	_ =	sdelay $0x1  }
0x270: {  	v1 =	vor.u32 v0, v33;
	v7 =	vld.idx.msk [tilespmem:v2+s26+$0x0], $0xffff  }
0x271: {  	v2 =	vld [tilespmem:$0x1FFC0]  }
0x272: {  	v36 =	vor.u32 s5, v3;
	v3 =	vor.u32 v0, v35  }
0x273: {  	v37 =	vor.u32 s5, v4;
	v4 =	vor.u32 v0, v36  }
0x274: {  	v39 =	vor.u32 s5, v29  }
0x275: {  	v15 =	vld.idx.msk [tilespmem:v1+s26+$0x0], $0xffff;
	v1 =	vor.u32 v0, v39  }
0x276: {  	v41 =	vor.u32 s5, v2  }
0x277: {  	v6 =	vld.idx.msk [tilespmem:v3+s26+$0x0], $0xffff;
	v3 =	vor.u32 v0, v41  }
0x278: {  	v14 =	vld.idx.msk [tilespmem:v4+s26+$0x0], $0xffff;
	v4 =	vlaneseq.u32  }
0x279: {  	v43 =	vor.u32 s5, v4;
	v4 =	vld [tilespmem:$0x1FF90]  }
0x27a: {  	v38 =	vor.u32 s5, v25;
	v44 =	vld.idx.msk [tilespmem:v1+s26+$0x0], $0xffff  }
0x27b: {  	v8 =	vor.u32 v0, v38;
	v1 =	vld [tilespmem:$0x1FFF0]  }
0x27c: {  	v40 =	vor.u32 s5, v24;
	v5 =	vor.u32 v0, v37;
	v11 =	vld.idx.msk [tilespmem:v3+s26+$0x0], $0xffff  }
0x27d: {  	v2 =	vor.u32 v0, v40;
	v3 =	vld [tilespmem:$0x1FFE0];
	_ =	sdelay $0x1  }
0x27e: {  	v42 =	vor.u32 s5, v28  }
0x27f: {  	v46 =	vor.u32 s5, v27;
	v48 =	vor.u32 s5, v26;
	v10 =	vor.u32 v0, v42;
	v50 =	vld.idx.msk [tilespmem:v8+s26+$0x0], $0xffff  }
0x280: {  	v13 =	vor.u32 v0, v48;
	v9 =	vld.idx.msk [tilespmem:v5+s26+$0x0], $0xffff;
	v5 =	vor.u32 v0, v43;
	v45 =	vor.u32 s5, v4  }
0x281: {  	v8 =	vor.u32 v0, v45;
	v47 =	vor.u32 s5, v1;
	v4 =	vld.idx.msk [tilespmem:v2+s26+$0x0], $0xffff;
	v49 =	vor.u32 s5, v3  }
0x282: {  	v1 =	vor.u32 v0, v46;
	v2 =	vor.u32 v0, v47;
	v16 =	vor.u32 v0, v49;
	v0 =	vld [tilespmem:$0x1FEA0];
	_ =	sdelay $0x3  }
0x283: {  	s31 =	sshll.u32 s2, $0xA  }
0x284: {  	v52 =	vor.u32 s31, v0;
	v0 =	vld [tilespmem:$0x1FEB0];
	_ =	sdelay $0x4  }
0x285: {  	v53 =	vor.u32 s31, v0;
	v0 =	vld [tilespmem:$0x1FEC0]  }
0x286: {  	v54 =	vld.idx.msk [tilespmem:v10+s26+$0x0], $0xffff  }
0x287: {  	v10 =	vld.idx.msk [tilespmem:v13+s26+$0x0], $0xffff  }
0x288: {  	v13 =	vld [tilespmem:$0x1FF20];
	_ =	sdelay $0x1  }
0x289: {  	v55 =	vor.u32 s31, v0;
	v0 =	vld [tilespmem:$0x1FE90];
	_ =	sdelay $0x2  }
0x28a: {  	v63 =	vor.u32 s31, v13;
	v13 =	vld [tilespmem:$0x1FF30];
	_ =	sdelay $0x1  }
0x28b: {  	v59 =	vor.u32 s31, v0;
	v0 =	vld [tilespmem:$0x1FED0];
	_ =	sdelay $0x2  }
0x28c: {  	v60 =	vor.u32 s31, v13;
	v13 =	vld.idx.msk [tilespmem:v16+s26+$0x0], $0xffff  }
0x28d: {  	v16 =	vld [tilespmem:$0x1FF40]  }
0x28e: {  	v62 =	vor.u32 s31, v0;
	v0 =	vld [tilespmem:$0x1FEE0];
	_ =	sdelay $0x1  }
0x28f: {  	v5 =	vld.idx.msk [tilespmem:v5+s26+$0x0], $0xffff  }
0x290: {  	v12 =	vld.idx.msk [tilespmem:v2+s26+$0x0], $0xffff  }
0x291: {  	v61 =	vor.u32 s31, v16;
	v16 =	vld [tilespmem:$0x1FF50]  }
0x292: {  	v51 =	vor.u32 s31, v30;
	v2 =	vor.u32 s31, v0;
	v0 =	vld [tilespmem:$0x1FEF0]  }
0x293: {  	v17 =	vor.u32 s1, v51;
	v20 =	vld.idx.msk [tilespmem:v8+s26+$0x0], $0xffff  }
0x294: {  	v8 =	vld.idx.msk [tilespmem:v1+s26+$0x0], $0xffff;
	v18 =	vor.u32 s1, v52  }
0x295: {  	v1 =	vld [tilespmem:$0x1FF10]  }
0x296: {  	v58 =	vor.u32 s31, v16;
	v16 =	vld [tilespmem:$0x1FF60]  }
0x297: {  	v21 =	vor.u32 s1, v53;
	v3 =	vor.u32 s31, v0;
	v0 =	vld [tilespmem:$0x1FF00]  }
0x298: {  	v56 =	vor.u32 s31, v31;
	[tilespmem:v17+s22+$0x0] =	vst.idx.msk $0xffff, v5;
	v17 =	vor.u32 s1, v55  }
0x299: {  	[tilespmem:v18+s22+$0x0] =	vst.idx.msk $0xffff, v15;
	v18 =	vor.u32 s1, v56  }
0x29a: {  	v19 =	vor.u32 s1, v59  }
0x29b: {  	v1 =	vor.u32 s31, v1;
	v57 =	vor.u32 s31, v16;
	v16 =	vor.u32 s1, v62  }
0x29c: {  	s8 =	simm.s32 $0x10;
	s5 =	simm.s32 $0x0;
	[tilespmem:v21+s22+$0x0] =	vst.idx.msk $0xffff, v20;
	v15 =	vor.u32 s1, v2;
	v5 =	vor.u32 s1, v3;
	v0 =	vor.u32 s31, v0  }
.LBB2_22:
0x29d: {  	v20 =	vor.u32 s8, v3;
	p2 =	sne.s32 s8, $0x30;
	[tilespmem:v17+s22+$0x0] =	vst.idx.msk $0xffff, v9;
	s9 =	smov.u32 s8;
	s8 =	sadd.s32 $0x10, s8  }
0x29e: {  	[tilespmem:v18+s22+$0x0] =	vst.idx.msk $0xffff, v7;
	v7 =	vor.u32 s5, v0  }
0x29f: {  	v9 =	vor.u32 s5, v1;
	[tilespmem:v19+s22+$0x0] =	vst.idx.msk $0xffff, v11  }
0x2a0: {  	v11 =	vmov s9;
	[tilespmem:v16+s22+$0x0] =	vst.idx.msk $0xffff, v6;
	v6 =	vor.u32 s5, v63  }
0x2a1: {  	v11 =	vshll.u32 v11, $0x7;
	[tilespmem:v15+s22+$0x0] =	vst.idx.msk $0xffff, v13;
	v13 =	vor.u32 s5, v60  }
0x2a2: {  	v11 =	vor.u32 v32, v11;
	[tilespmem:v5+s22+$0x0] =	vst.idx.msk $0xffff, v14;
	v14 =	vor.u32 s5, v61;
	v5 =	vmov v20  }
0x2a3: {  	v15 =	vor.u32 v11, v43;
	v16 =	vor.u32 v11, v33;
	[tilespmem:v7+s22+$0x0] =	vst.idx.msk $0xffff, v12;
	v7 =	vor.u32 s5, v58  }
0x2a4: {  	v17 =	vor.u32 v11, v34;
	v12 =	vor.u32 v11, v37;
	[tilespmem:v9+s22+$0x0] =	vst.idx.msk $0xffff, v4;
	v4 =	vor.u32 s5, v57;
	s5 =	smov.u32 s9  }
0x2a5: {  	v18 =	vor.u32 v11, v49;
	v9 =	vor.u32 v11, v35;
	[tilespmem:v6+s22+$0x0] =	vst.idx.msk $0xffff, v50  }
0x2a6: {  	v19 =	vor.u32 v11, v47;
	v20 =	vor.u32 v11, v40;
	[tilespmem:v13+s22+$0x0] =	vst.idx.msk $0xffff, v10  }
0x2a7: {  	v10 =	vor.u32 v11, v48;
	v13 =	vor.u32 v11, v46;
	[tilespmem:v14+s22+$0x0] =	vst.idx.msk $0xffff, v8  }
0x2a8: {  	v8 =	vor.u32 v11, v41;
	v14 =	vor.u32 v11, v36;
	[tilespmem:v7+s22+$0x0] =	vst.idx.msk $0xffff, v54  }
0x2a9: {  	v21 =	vor.u32 v11, v38;
	v22 =	vor.u32 v11, v39;
	[tilespmem:v4+s22+$0x0] =	vst.idx.msk $0xffff, v44  }
0x2aa: {  	v23 =	vor.u32 v11, v45;
	v16 =	vld.idx.msk [tilespmem:v16+s26+$0x0], $0xffff  }
0x2ab: {  	v7 =	vld.idx.msk [tilespmem:v17+s26+$0x0], $0xffff;
	v17 =	vor.u32 v11, v42  }
0x2ac: {  	v6 =	vld.idx.msk [tilespmem:v9+s26+$0x0], $0xffff  }
0x2ad: {  	v14 =	vld.idx.msk [tilespmem:v14+s26+$0x0], $0xffff  }
0x2ae: {  	v9 =	vld.idx.msk [tilespmem:v12+s26+$0x0], $0xffff  }
0x2af: {  	v50 =	vld.idx.msk [tilespmem:v21+s26+$0x0], $0xffff  }
0x2b0: {  	v44 =	vld.idx.msk [tilespmem:v22+s26+$0x0], $0xffff  }
0x2b1: {  	v4 =	vld.idx.msk [tilespmem:v20+s26+$0x0], $0xffff  }
0x2b2: {  	v11 =	vld.idx.msk [tilespmem:v8+s26+$0x0], $0xffff  }
0x2b3: {  	v54 =	vld.idx.msk [tilespmem:v17+s26+$0x0], $0xffff  }
0x2b4: {  	v15 =	vld.idx.msk [tilespmem:v15+s26+$0x0], $0xffff  }
0x2b5: {  	v21 =	vor.u32 s5, v51;
	v20 =	vld.idx.msk [tilespmem:v23+s26+$0x0], $0xffff  }
0x2b6: {  	v22 =	vor.u32 s5, v52;
	v8 =	vld.idx.msk [tilespmem:v13+s26+$0x0], $0xffff  }
0x2b7: {  	v23 =	vor.u32 s5, v53;
	v12 =	vld.idx.msk [tilespmem:v19+s26+$0x0], $0xffff  }
.Ltmp12:
0x2b8: {  	v17 =	vor.u32 s5, v55;
	v10 =	vld.idx.msk [tilespmem:v10+s26+$0x0], $0xffff;
	(pc) =	sbr.rel @p2 .LBB2_22-.Ltmp12, $4  }
0x2b9: {  	v13 =	vld.idx.msk [tilespmem:v18+s26+$0x0], $0xffff;
	v18 =	vor.u32 s5, v56  }
0x2ba: {  	v19 =	vor.u32 s5, v59;
	[tilespmem:v21+s22+$0x0] =	vst.idx.msk $0xffff, v15  }
0x2bb: {  	[tilespmem:v22+s22+$0x0] =	vst.idx.msk $0xffff, v16;
	v16 =	vor.u32 s5, v62  }
0x2bc: {  	v15 =	vor.u32 s5, v2;
	[tilespmem:v23+s22+$0x0] =	vst.idx.msk $0xffff, v20  }
0x2bd: {  	_ =	sdelay $0x3  }
0x2be: {  	[tilespmem:v17+s22+$0x0] =	vst.idx.msk $0xffff, v9  }
0x2bf: {  	v0 =	vor.u32 s5, v0;
	[tilespmem:v18+s22+$0x0] =	vst.idx.msk $0xffff, v7  }
0x2c0: {  	v1 =	vor.u32 s5, v1;
	[tilespmem:v19+s22+$0x0] =	vst.idx.msk $0xffff, v11  }
0x2c1: {  	v2 =	vor.u32 s5, v63;
	[tilespmem:v16+s22+$0x0] =	vst.idx.msk $0xffff, v6  }
0x2c2: {  	v3 =	vor.u32 s5, v60;
	[tilespmem:v15+s22+$0x0] =	vst.idx.msk $0xffff, v13  }
0x2c3: {  	v61 =	vor.u32 s5, v61;
	[tilespmem:v5+s22+$0x0] =	vst.idx.msk $0xffff, v14  }
0x2c4: {  	v62 =	vor.u32 s5, v58;
	s2 =	sadd.s32 $0x1, s2;
	[tilespmem:v0+s22+$0x0] =	vst.idx.msk $0xffff, v12  }
0x2c5: {  	v63 =	vor.u32 s5, v57;
	p2 =	sne.s32 s2, $0x8;
	[tilespmem:v1+s22+$0x0] =	vst.idx.msk $0xffff, v4  }
.Ltmp13:
0x2c6: {  	[tilespmem:v2+s22+$0x0] =	vst.idx.msk $0xffff, v50;
	(pc) =	sbr.rel @p2 .LBB2_21-.Ltmp13, $4  }
0x2c7: {  	[tilespmem:v3+s22+$0x0] =	vst.idx.msk $0xffff, v10  }
0x2c8: {  	[tilespmem:v61+s22+$0x0] =	vst.idx.msk $0xffff, v8  }
0x2c9: {  	[tilespmem:v62+s22+$0x0] =	vst.idx.msk $0xffff, v54  }
0x2ca: {  	[tilespmem:v63+s22+$0x0] =	vst.idx.msk $0xffff, v44  }
.Ltmp14:
0x2cb: {  	s1 =	rddreg [dreg:$0x7];
	(pc) =	sbr.rel .LBB2_25-.Ltmp14, $4  }
0x2cc: {  	[hbm4b:s1+s3] =	stream.linear.scatter [tilespmem:s22], [sflag:$0x9], $0x2000, $0x38;
	[tilespmem:$0x12000] =	vst v63  }
0x2cd: {  	_ =	swait.ge [sflag:s28], $0x2000  }
0x2ce: {  	[sflag:s28] =	ssyncset.done $0x0  }
0x2cf: {  	[sflag:s28] =	ssyncadd.s32 $0xFFFFE000  }
.LBB2_26:
0x2d0: {  	_ =	sfence.sel $0x180000  }
0x2d1: {  	[bflag:$0x0] =	sbarrier.arrive $0xFFFF  }
0x2d2: {  	_ =	strace $0x90000047  }
0x2d3: {  	s0 =	stileid.u32;
	[bflag:$0x2] =	sbarrier.arrive $0xFFFF  }
0x2d4: {  	p0 =	sne.s32 s0, $0x0;
	s0 =	rddreg [dreg:$0x2]  }
0x2d5: {  	s0 =	sadd.s32 @!p0 $0x100000, s0  }
0x2d6: {  	[sflag:s0] =	ssyncadd.tile.s32 @!p0 $0x1;
	_ =	shalt  }
.Lfunc_end2:
_tile_overlayer_lowered:
.L_overlay_start_2:
0x2d7: {  	(tag) =	ssettag $0x2  }
0x2d8: {  	s0 =	rddreg [dreg:$0x0];
	s2 =	stileid.u32  }
0x2d9: {  	s1 =	rddreg [dreg:$0x1];
	p0 =	sne.s32 s2, $0x0  }
0x2da: {  	s3 =	rddreg [dreg:$0x2];
	[bflag:$0x3] =	sbarrier.arrive $0xFFFF;
	s2 =	simm.s32 @!p0 $0x1C09  }
0x2db: {  	[timem:s3], [sflag:s2] =	dma.local @!p0 [hbm:s0], s1  }
0x2dc: {  	s0 =	simm.s32 @!p0 $0x9  }
0x2dd: {  	_ =	swait.ge @!p0 [sflag:s0], s1  }
0x2de: {  	s1 =	ssub.s32 @!p0 $0x0, s1;
	[sflag:s0] =	ssyncset.done @!p0 $0x0  }
0x2df: {  	[sflag:s0] =	ssyncadd.s32 @!p0 s1  }
0x2e0: {  	[bflag:$0x3] =	sbarrier.arrive $0xFFFF  }
0x2e1: {  	_ =	shalt  }

// kernel: kernel.7.cloned.1.call-start
scs
__scs_entry_jumppad:
0x0: {  	(pc) =	sbr.rel $0x88, $3  }
0x1: {  	(tag) =	ssettag $0x0;
	lr =	simm.s32 $0x1  }
0x2: {  	[smem:$0x3F9F] =	sst lr;
	_ =	strace $0xD0000000  }
0x3: {  	_ = 	snop  }
0x4: {  	_ = 	snop  }
0x5: {  	_ = 	snop  }
0x6: {  	_ = 	snop  }
0x7: {  	_ = 	snop  }
__scs_overlays_trampoline_lowered:
0x8: {  	[smem:$0x3FAE] =	sst s0  }
0x9: {  	[smem:$0x3FAF] =	sst s1  }
0xa: {  	[smem:$0x3FB0] =	sst s2  }
0xb: {  	[smem:$0x3FB1] =	sst s3  }
0xc: {  	[smem:$0x3FB2] =	sst s4  }
0xd: {  	[smem:$0x3FB3] =	sst s5  }
0xe: {  	[smem:$0x3FB4] =	sst s6  }
0xf: {  	[smem:$0x3FB5] =	sst s7  }
0x10: {  	[smem:$0x3FB6] =	sst s8  }
0x11: {  	[smem:$0x3FB7] =	sst s9;
	s0 =	simm.s32 @!p0 $0x0  }
0x12: {  	s1 =	sld [smem:$0x3F9D];
	s0 =	simm.s32 @p0 $0x1  }
0x13: {  	[smem:$0x3FB8] =	sst s0;
	s0 =	simm.s32 @!p1 $0x0  }
0x14: {  	s2 =	sld [smem:$0x3F9C];
	s0 =	simm.s32 @p1 $0x1  }
0x15: {  	[smem:$0x3FB9] =	sst s0;
	s0 =	simm.s32 @!p2 $0x0  }
0x16: {  	s3 =	sld [smem:$0x3FDB];
	s0 =	simm.s32 @p2 $0x1  }
0x17: {  	s4 =	simm.s32 $0x1BF5;
	[smem:$0x3FBB] =	sst s0  }
0x18: {  	s0 =	sld [smem:$0x3F9E];
	_ =	swait.ge [sflag:s4], $0x0  }
0x19: {  	s7 =	sld [smem:$0x3F9F]  }
0x1a: {  	s8 =	sadd.s32 $0xFFFFE003, lr  }
0x1b: {  	s9 =	sadd.s32 $0xFFFFFEF7, lr;
	s5 =	simm.s32 $0xFFFFFFFF;
	p2 =	slt.u32 s8, $0xFFFFF086  }
0x1c: {  	p1 =	slt.u32 s9, $0xF7A;
	s5 =	simm.s32 @!p2 $0x0  }
0x1d: {  	s5 =	simm.s32 @p1 $0x1;
	p0 =	seq.s32 s7, s2  }
0x1e: {  	s7 =	smul.u32 @!p0 $0xF7A, s2;
	p2 =	seq.s32 @!p0 s5, $0x0  }
0x1f: {  	s9 =	smul.u32 $0xF7A, s1;
	s8 =	simm.s32 @!p0 $0x1BF5;
	p2 =	por !p2, p0  }
0x20: {  	[sflag:s8] =	ssyncset.s32 @!p0 $0xFFFFF086;
	s6 =	sadd.s32 @!p0 s3, s7;
	s7 =	simm.s32 @!p0 $0x108  }
0x21: {  	s3 =	sadd.s32 s3, s9;
	s6 =	sadd.s32 @!p0 $0x88, s6;
	s7 =	simm.s32 @p2 $0x1082  }
0x22: {  	[simem:s7], [sflag:s8] =	dma.local @!p0 [hbm:s6], $0xF7A  }
0x23: {  	s9 =	sor.u32 $0xD0000000, s2;
	s6 =	simm.s32 $0x108;
	_ =	swait.ge @!p0 [sflag:s8], $0x0  }
0x24: {  	s3 =	sadd.s32 $0x88, s3;
	s6 =	simm.s32 @!p1 $0x1082;
	[sflag:s4] =	ssyncset.s32 $0xFFFFF086  }
0x25: {  	[simem:s6], [sflag:s4] =	dma.local [hbm:s3], $0xF7A  }
0x26: {  	[smem:$0x3F9F] =	sst s1;
	(tag) =	ssettag s2;
	_ =	strace s9  }
0x27: {  	s1 =	sld [smem:$0x3FAF]  }
0x28: {  	s2 =	sld [smem:$0x3FB0]  }
0x29: {  	s4 =	sld [smem:$0x3FB2]  }
0x2a: {  	p0 =	seq.s32 s5, $0x0;
	s5 =	sld [smem:$0x3FB3]  }
0x2b: {  	s6 =	sld [smem:$0x3FB4]  }
0x2c: {  	s7 =	sld [smem:$0x3FB5]  }
0x2d: {  	s3 =	simm.s32 $0x108;
	s8 =	sld [smem:$0x3FB6]  }
0x2e: {  	s3 =	simm.s32 @!p0 $0x1082;
	s9 =	sld [smem:$0x3FB7]  }
0x2f: {  	lr =	sadd.s32 s0, s3;
	s0 =	sld [smem:$0x3FAE]  }
0x30: {  	s3 =	sld [smem:$0x3FB1]  }
0x31: {  	[smem:$0x3FBA] =	sst s10  }
0x32: {  	s10 =	sld [smem:$0x3FB8];
	_ =	sdelay $0x3  }
0x33: {  	p0 =	seq.s32 s10, $0x1;
	s10 =	sld [smem:$0x3FBA];
	_ =	sdelay $0x3  }
0x34: {  	[smem:$0x3FBA] =	sst s10  }
0x35: {  	s10 =	sld [smem:$0x3FB9];
	_ =	sdelay $0x3  }
0x36: {  	p1 =	seq.s32 s10, $0x1;
	s10 =	sld [smem:$0x3FBA];
	_ =	sdelay $0x3  }
0x37: {  	[smem:$0x3FBA] =	sst s10  }
0x38: {  	s10 =	sld [smem:$0x3FBB]  }
0x39: {  	_ = 	snop;
	(pc) =	sbr.ind lr, $3  }
0x3a: {  	_ = 	snop  }
0x3b: {  	_ = 	snop  }
0x3c: {  	p2 =	seq.s32 s10, $0x1;
	s10 =	sld [smem:$0x3FBA]  }
0x3d: {  	_ =	shalt  }
0x3e: {  	_ =	shalt  }
0x3f: {  	_ =	shalt  }
0x40: {  	_ =	shalt  }
0x41: {  	_ =	shalt  }
0x42: {  	_ =	shalt  }
0x43: {  	_ =	shalt  }
0x44: {  	_ =	shalt  }
0x45: {  	_ =	shalt  }
0x46: {  	_ =	shalt  }
0x47: {  	_ =	shalt  }
0x48: {  	_ =	shalt  }
0x49: {  	_ =	shalt  }
0x4a: {  	_ =	shalt  }
0x4b: {  	_ =	shalt  }
0x4c: {  	_ =	shalt  }
0x4d: {  	_ =	shalt  }
0x4e: {  	_ =	shalt  }
0x4f: {  	_ =	shalt  }
0x50: {  	_ =	shalt  }
0x51: {  	_ =	shalt  }
0x52: {  	_ =	shalt  }
0x53: {  	_ =	shalt  }
0x54: {  	_ =	shalt  }
0x55: {  	_ =	shalt  }
0x56: {  	_ =	shalt  }
0x57: {  	_ =	shalt  }
0x58: {  	_ =	shalt  }
0x59: {  	_ =	shalt  }
0x5a: {  	_ =	shalt  }
0x5b: {  	_ =	shalt  }
0x5c: {  	_ =	shalt  }
0x5d: {  	_ =	shalt  }
0x5e: {  	_ =	shalt  }
0x5f: {  	_ =	shalt  }
0x60: {  	_ =	shalt  }
0x61: {  	_ =	shalt  }
0x62: {  	_ =	shalt  }
0x63: {  	_ =	shalt  }
0x64: {  	_ =	shalt  }
0x65: {  	_ =	shalt  }
0x66: {  	_ =	shalt  }
0x67: {  	_ =	shalt  }
0x68: {  	_ =	shalt  }
0x69: {  	_ =	shalt  }
0x6a: {  	_ =	shalt  }
0x6b: {  	_ =	shalt  }
0x6c: {  	_ =	shalt  }
0x6d: {  	_ =	shalt  }
0x6e: {  	_ =	shalt  }
0x6f: {  	_ =	shalt  }
0x70: {  	_ =	shalt  }
0x71: {  	_ =	shalt  }
0x72: {  	_ =	shalt  }
0x73: {  	_ =	shalt  }
0x74: {  	_ =	shalt  }
0x75: {  	_ =	shalt  }
0x76: {  	_ =	shalt  }
0x77: {  	_ =	shalt  }
0x78: {  	_ =	shalt  }
0x79: {  	_ =	shalt  }
0x7a: {  	_ =	shalt  }
0x7b: {  	_ =	shalt  }
0x7c: {  	_ =	shalt  }
0x7d: {  	_ =	shalt  }
0x7e: {  	_ =	shalt  }
0x7f: {  	_ =	shalt  }
0x80: {  	_ =	shalt  }
0x81: {  	_ =	shalt  }
0x82: {  	_ =	shalt  }
0x83: {  	_ =	shalt  }
0x84: {  	_ =	shalt  }
0x85: {  	_ =	shalt  }
0x86: {  	_ =	shalt  }
0x87: {  	_ =	shalt  }
.Lfunc_end0:
.L_simem_size_0:
called_computation.2_lowered:
.L_overlay_start_0:
0x88: {  	s2 =	sld [smem:$0x3FD9]  }
0x89: {  	s3 =	sld [smem:$0x3FFE];
	_ =	sdelay $0x1  }
0x8a: {  	s1 =	srdreg.scid  }
0x8b: {  	s0 =	sand.u32 $0x1, s1  }
0x8c: {  	s17 =	sshll.u32 s0, $0xA;
	s2 =	sadd.s32 s3, s2  }
0x8d: {  	s2 =	sadd.s32 s2, s17  }
0x8e: {  	[smem:$0x3FC6] =	sst s2  }
0x8f: {  	_ = 	snop  }
0x90: {  	s2 =	sld [smem:$0x3FD0];
	(tm) =	ssettm $0x1  }
0x91: {  	s18 =	sld [smem:$0x3FFB];
	_ =	sdelay $0x3  }
0x92: {  	_ =	strace s18  }
0x93: {  	s3 =	sld [smem:$0x3FFC];
	_ =	sdelay $0x3  }
0x94: {  	_ =	strace s3  }
0x95: {  	s3 =	sld [smem:$0x3FFD];
	_ =	sdelay $0x3  }
0x96: {  	_ =	strace s3  }
0x97: {  	_ =	strace $0x8FFFFFFF  }
0x98: {  	s19 =	sld [smem:$0x3FDB];
	_ =	sdelay $0x1  }
0x99: {  	s4 =	simm.s32 $_scs_section_size  }
0x9a: {  	s5 =	simm.s32 $_size__tile_overlayer_lowered;
	s6 =	simm.s32 $_tile_overlayer_lowered  }
0x9b: {  	s22 =	simm.s32 $0x1BFF;
	s21 =	sshll.u32 s6, $0x1;
	s3 =	sadd.s32 s4, s19  }
0x9c: {  	s7 =	simm.s32 $0x0;
	s20 =	sshll.u32 s5, $0x1;
	s5 =	sadd.s32 s21, s3  }
0x9d: {  	[timem:s7], [sflag:s22] =	dma.local [hbm:s5], s20  }
0x9e: {  	_ =	swait.ge [sflag:s22], s20  }
0x9f: {  	s4 =	ssub.s32 $0x0, s20;
	[sflag:s22] =	ssyncset.done $0x0  }
0xa0: {  	[sflag:s22] =	ssyncadd.s32 s4;
	_ =	sdelay $0x1  }
0xa1: {  	s23 =	simm.s32 $0x1B8B  }
0xa2: {  	_ =	swait.ge [sflag:s23], $0x1  }
0xa3: {  	[sflag:s23] =	ssyncset.done $0x0  }
0xa4: {  	s25 =	simm.s32 $0x1B8E;
	s24 =	sld [smem:$0x3FFE];
	[sflag:s23] =	ssyncadd.s32 $0xFFFFFFFF  }
0xa5: {  	s26 =	simm.s32 $execute0_lowered;
	[smem:$0x3FD2] =	sst s25  }
0xa6: {  	s5 =	sshll.u32 s26, $0x1;
	_ =	strace $0x80000049;
	[dreg:$0x1] =	wrdreg $0xFFFFFFFF  }
0xa7: {  	s28 =	simm.s32 $_size_execute0_lowered;
	s3 =	sadd.s32 s3, s5;
	[dreg:$0x0] =	wrdreg $0x0  }
0xa8: {  	s5 =	sshll.u32 s28, $0x1;
	[dreg:$0x2] =	wrdreg s3  }
0xa9: {  	[dreg:$0x3] =	wrdreg s5  }
0xaa: {  	[dreg:$0x4] =	wrdreg $0xC0  }
0xab: {  	_ =	task [dreg:s7], $0x5FFFF  }
0xac: {  	[dreg:$0x1] =	wrdreg $0xFFFFFFFF  }
0xad: {  	[dreg:$0x0] =	wrdreg $0x60  }
0xae: {  	[dreg:$0x2] =	wrdreg s2  }
0xaf: {  	[dreg:$0x3] =	wrdreg s24  }
0xb0: {  	[dreg:$0x4] =	wrdreg $0x9  }
0xb1: {  	_ =	task.clear_ibuf [dreg:s7], $0x5FFFF;
	_ =	strace $0x90000049  }
0xb2: {  	s29 =	simm.s32 $0x9;
	_ =	strace $0x8000004B  }
0xb3: {  	_ =	swait.ge [sflag:s29], $0x1  }
0xb4: {  	[sflag:s29] =	ssyncadd.s32 $0xFFFFFFFF  }
0xb5: {  	_ =	strace $0x9000004B  }
0xb6: {  	_ =	sfence  }
0xb7: {  	s30 =	sld [smem:$0x0];
	_ =	sdelay $0x2  }
0xb8: {  	s31 =	sshll.u32 s1, $0xD;
	s1 =	sshrl.u32 s1, $0x2  }
0xb9: {  	s3 =	sand.u32 $0x4000, s31;
	s1 =	sadd.s32 s1, s30  }
0xba: {  	s0 =	sor.u32 s3, s0;
	s1 =	sshll.u32 s1, $0x11  }
0xbb: {  	s0 =	sor.u32 s1, s0  }
0xbc: {  	s0 =	sadd.s32 $0x8F2B, s0  }
0xbd: {  	[sflag:s0] =	ssyncadd.remote.s32 $0x1  }
0xbe: {  	_ =	sfence.sel $0xFFFF  }
0xbf: {  	[dreg:$0x0] =	wrdreg $0xFFFFFFFF;
	(pc) =	sbr.abs _section_cstart, $3  }
0xc0: {  	[dreg:$0x1] =	wrdreg $0xFFFFFFFF  }
0xc1: {  	_ =	task.clear_ibuf [dreg:s7], $0x2FFFF;
	_ =	strace $0x9FFFFFFF  }
0xc2: {  	(tm) =	ssettm $0x7FFFFFFF  }
0xc3: {  	_ =	shalt  }
tec
execute0_lowered:
.L_overlay_start_1:
0x0: {  	(tag) =	ssettag $0x1  }
0x1: {  	s0 =	rddreg [dreg:$0x0]  }
0x2: {  	s1 =	rddreg [dreg:$0x1];
	s3 =	srdreg.scid  }
0x3: {  	s10 =	stileid.u32;
	s2 =	simm.s32 $0x0;
	s30 =	simm.s32 $0x300  }
0x4: {  	s31 =	simm.s32 $0xC400;
	s28 =	simm.s32 $0x2400;
	s29 =	simm.s32 $0x180  }
0x5: {  	s4 =	sand.u32 $0x1, s3;
	s11 =	sshll.u32 s10, $0x1;
	s9 =	smul.u32 $0x640000, s10  }
0x6: {  	[smem:$0x7FF] =	sst s2;
	s3 =	sadd.s32 $0x1200, s1;
	s14 =	smul.u32 $0x190, s10  }
0x7: {  	s1 =	sadd.s32 $0x7A2400, s1;
	s10 =	simm.s32 $0x3;
	s12 =	smul.u32 $0x320000, s4  }
0x8: {  	s5 =	sor.u32 s4, s11;
	s7 =	ssub.s32 $0x2, s4;
	s4 =	smul.u32 $0xC8, s4  }
0x9: {  	_ =	strace $0x8000004A;
	s6 =	smul.u32 $0xC80, s5;
	s8 =	sshrl.u32 s7, $0x1  }
0xa: {  	s5 =	smul.u32 $0x320000, s5;
	s7 =	ssub.s32 s7, s8;
	s4 =	sadd.s32 s4, s14  }
0xb: {  	s14 =	simm.s32 $0x2400;
	s8 =	simm.s32 $0x2;
	s11 =	sadd.s32 s0, s6  }
0xc: {  	s5 =	sshrl.u32 s5, $0x3;
	s6 =	sadd.s32 s12, s9;
	s21 =	sshll.u32 s4, $0xB  }
0xd: {  	s7 =	smax.u32 s7, $0x1;
	s4 =	sshll.u32 s4, $0x4;
	[dreg:$0x7] =	wrdreg s11  }
0xe: {  	s9 =	simm.s32 $0x6;
	s13 =	sadd.s32 $0x20, s11;
	[dreg:$0xf] =	wrdreg s7  }
0xf: {  	s12 =	simm.s32 $0x4;
	s15 =	sadd.s32 $0x40, s11;
	[dreg:$0x8] =	wrdreg s13  }
0x10: {  	s5 =	sadd.s32 s1, s5;
	s16 =	sadd.s32 $0x60, s11;
	[dreg:$0x9] =	wrdreg s15  }
0x11: {  	s20 =	sshrl.u32 s6, $0x3;
	[dreg:$0xa] =	wrdreg s16;
	s17 =	sadd.s32 $0x60000, s5  }
0x12: {  	s0 =	sadd.s32 s0, s4;
	s18 =	sadd.s32 $0x61000, s5;
	[dreg:$0xb] =	wrdreg s17  }
0x13: {  	s6 =	simm.s32 $0x40;
	s19 =	sadd.s32 $0x62000, s5;
	[dreg:$0xc] =	wrdreg s18  }
0x14: {  	s7 =	simm.s32 $0x5;
	s5 =	sadd.s32 $0x63000, s5;
	[dreg:$0xd] =	wrdreg s19  }
0x15: {  	s11 =	simm.s32 $0x7;
	s24 =	sadd.s32 $0xE0, s0;
	[dreg:$0xe] =	wrdreg s5  }
0x16: {  	s4 =	simm.s32 $0x8;
	s25 =	sadd.s32 $0xC0, s0;
	[dreg:$0x10] =	wrdreg s24  }
0x17: {  	s26 =	sadd.s32 $0xA0, s0;
	s0 =	sadd.s32 $0x80, s0;
	[dreg:$0x11] =	wrdreg s25  }
0x18: {  	s16 =	simm.s32 $0x180;
	s15 =	simm.s32 $0x0;
	[dreg:$0x12] =	wrdreg s26  }
0x19: {  	s5 =	sadd.s32 s20, s1;
	s1 =	sadd.s32 s21, s1;
	[dreg:$0x13] =	wrdreg s0  }
0x1a: {  	s17 =	simm.s32 $0x9;
	s18 =	simm.s32 $0x80;
	s19 =	simm.s32 $0x400  }
0x1b: {  	s21 =	simm.s32 $0x100;
	s0 =	simm.s32 $0x6400;
	s25 =	simm.s32 $0x200  }
0x1c: {  	s26 =	simm.s32 $0x8400;
	[dreg:$0x3] =	wrdreg s5;
	s22 =	sadd.s32 $0x3000, s1  }
0x1d: {  	s24 =	simm.s32 $0xA400;
	s23 =	sadd.s32 $0x2000, s1;
	[dreg:$0x4] =	wrdreg s22  }
0x1e: {  	s1 =	sadd.s32 $0x1000, s1;
	s5 =	simm.s32 $0x1;
	[dreg:$0x5] =	wrdreg s23  }
0x1f: {  	[dreg:$0x6] =	wrdreg s1;
	s22 =	simm.s32 $0x4400;
	s1 =	simm.s32 $0x280  }
.LBB2_1:
0x20: {  	[dreg:$0x14] =	wrdreg s15  }
0x21: {  	s13 =	rddreg [dreg:$0x7]  }
0x22: {  	[tilespmem:s2], [sflag:$0x9] =	stream.linear.gather [hbm4b:s13+s2], $0x100, $0x38;
	[tilespmem:$0x10400] =	vst v63  }
0x23: {  	_ =	swait.ge [sflag:s17], $0x100  }
0x24: {  	[sflag:s17] =	ssyncset.done $0x0  }
0x25: {  	[sflag:s17] =	ssyncadd.s32 $0xFFFFFF00  }
0x26: {  	[tilespmem:s19], [sflag:$0x1] =	stream.indirect.gather [hbm4b:s3+s18], $0x40, s2, s18, $0xb8;
	[tilespmem:$0x10400] =	vst v63  }
0x27: {  	_ = 	snop  }
0x28: {  	[tilespmem:s14], [sflag:$0x1] =	stream.indirect.gather [hbm4b:s3+s18], $0x40, s18, s18, $0xb8;
	[tilespmem:$0x10400] =	vst v63  }
0x29: {  	s20 =	rddreg [dreg:$0x8]  }
0x2a: {  	[tilespmem:s21], [sflag:$0x9] =	stream.linear.gather [hbm4b:s20+s2], $0x100, $0x38;
	[tilespmem:$0x10400] =	vst v63  }
0x2b: {  	_ =	swait.ge [sflag:s17], $0x100  }
0x2c: {  	[sflag:s17] =	ssyncset.done $0x0  }
0x2d: {  	[sflag:s17] =	ssyncadd.s32 $0xFFFFFF00  }
0x2e: {  	[tilespmem:s22], [sflag:$0x2] =	stream.indirect.gather [hbm4b:s3+s18], $0x40, s21, s18, $0xb8;
	[tilespmem:$0x10400] =	vst v63  }
0x2f: {  	_ = 	snop  }
0x30: {  	[tilespmem:s0], [sflag:$0x2] =	stream.indirect.gather [hbm4b:s3+s18], $0x40, s16, s18, $0xb8;
	[tilespmem:$0x10400] =	vst v63  }
0x31: {  	s23 =	rddreg [dreg:$0x9]  }
0x32: {  	[tilespmem:s25], [sflag:$0x9] =	stream.linear.gather [hbm4b:s23+s2], $0x100, $0x38;
	[tilespmem:$0x10400] =	vst v63  }
0x33: {  	_ =	swait.ge [sflag:s17], $0x100  }
0x34: {  	[sflag:s17] =	ssyncset.done $0x0  }
0x35: {  	[sflag:s17] =	ssyncadd.s32 $0xFFFFFF00  }
0x36: {  	[tilespmem:s26], [sflag:$0x3] =	stream.indirect.gather [hbm4b:s3+s18], $0x40, s25, s18, $0xb8;
	[tilespmem:$0x10400] =	vst v63  }
0x37: {  	_ = 	snop  }
0x38: {  	[tilespmem:s24], [sflag:$0x3] =	stream.indirect.gather [hbm4b:s3+s18], $0x40, s1, s18, $0xb8;
	[tilespmem:$0x10400] =	vst v63  }
0x39: {  	s15 =	rddreg [dreg:$0xa]  }
0x3a: {  	[tilespmem:s30], [sflag:$0x9] =	stream.linear.gather [hbm4b:s15+s2], $0x100, $0x38;
	[tilespmem:$0x10400] =	vst v63  }
0x3b: {  	_ =	swait.ge [sflag:s17], $0x100  }
0x3c: {  	[sflag:s17] =	ssyncset.done $0x0  }
0x3d: {  	[sflag:s17] =	ssyncadd.s32 $0xFFFFFF00  }
0x3e: {  	[tilespmem:s31], [sflag:$0x4] =	stream.indirect.gather [hbm4b:s3+s18], $0x40, s30, s18, $0xb8;
	[tilespmem:$0x10400] =	vst v63  }
0x3f: {  	s20 =	simm.s32 $0x380;
	s23 =	simm.s32 $0xE400  }
0x40: {  	[tilespmem:s23], [sflag:$0x4] =	stream.indirect.gather [hbm4b:s3+s18], $0x40, s20, s18, $0xb8;
	[tilespmem:$0x10400] =	vst v63  }
0x41: {  	_ =	swait.ge [sflag:s5], $0x2000  }
0x42: {  	[sflag:s5] =	ssyncset.done $0x0  }
0x43: {  	[sflag:s5] =	ssyncadd.s32 $0xFFFFE000  }
0x44: {  	_ =	swait.ge [sflag:s5], $0x2000  }
0x45: {  	s20 =	rddreg [dreg:$0x3];
	[sflag:s5] =	ssyncset.done $0x0  }
0x46: {  	[sflag:s5] =	ssyncadd.s32 $0xFFFFE000;
	s13 =	sadd.s32 $0x0, s20  }
0x47: {  	[hbm4b:s13+s6] =	stream.strided.scatter [tilespmem:s19], [sflag:$0x5], $0x4000, s18, s6, $0x38;
	[tilespmem:$0x10400] =	vst v63  }
0x48: {  	_ =	swait.ge [sflag:s7], $0x4000  }
0x49: {  	[sflag:s7] =	ssyncset.done $0x0  }
0x4a: {  	s15 =	rddreg [dreg:$0x13];
	[sflag:s7] =	ssyncadd.s32 $0xFFFFC000  }
0x4b: {  	[tilespmem:s2], [sflag:$0x9] =	stream.linear.gather [hbm4b:s15+s2], $0x100, $0x38;
	[tilespmem:$0x10400] =	vst v63  }
0x4c: {  	_ =	swait.ge [sflag:s17], $0x100  }
0x4d: {  	[sflag:s17] =	ssyncset.done $0x0  }
0x4e: {  	[sflag:s17] =	ssyncadd.s32 $0xFFFFFF00  }
0x4f: {  	[tilespmem:s19], [sflag:$0x1] =	stream.indirect.gather [hbm4b:s3+s18], $0x40, s2, s18, $0xb8;
	[tilespmem:$0x10400] =	vst v63  }
0x50: {  	_ = 	snop  }
0x51: {  	[tilespmem:s14], [sflag:$0x1] =	stream.indirect.gather [hbm4b:s3+s18], $0x40, s18, s18, $0xb8;
	[tilespmem:$0x10400] =	vst v63  }
0x52: {  	_ =	swait.ge [sflag:s8], $0x2000  }
0x53: {  	[sflag:s8] =	ssyncset.done $0x0  }
0x54: {  	[sflag:s8] =	ssyncadd.s32 $0xFFFFE000  }
0x55: {  	_ =	swait.ge [sflag:s8], $0x2000  }
0x56: {  	s23 =	rddreg [dreg:$0x6];
	[sflag:s8] =	ssyncset.done $0x0  }
0x57: {  	[sflag:s8] =	ssyncadd.s32 $0xFFFFE000;
	s13 =	sadd.s32 $0x0, s23  }
0x58: {  	[hbm4b:s13+s6] =	stream.strided.scatter [tilespmem:s22], [sflag:$0x6], $0x4000, s18, s6, $0x38;
	[tilespmem:$0x10400] =	vst v63  }
0x59: {  	_ =	swait.ge [sflag:s9], $0x4000  }
0x5a: {  	[sflag:s9] =	ssyncset.done $0x0  }
0x5b: {  	s23 =	rddreg [dreg:$0x12];
	[sflag:s9] =	ssyncadd.s32 $0xFFFFC000  }
0x5c: {  	[tilespmem:s21], [sflag:$0x9] =	stream.linear.gather [hbm4b:s23+s2], $0x100, $0x38;
	[tilespmem:$0x10400] =	vst v63  }
0x5d: {  	_ =	swait.ge [sflag:s17], $0x100  }
0x5e: {  	[sflag:s17] =	ssyncset.done $0x0  }
0x5f: {  	[sflag:s17] =	ssyncadd.s32 $0xFFFFFF00  }
0x60: {  	[tilespmem:s22], [sflag:$0x2] =	stream.indirect.gather [hbm4b:s3+s18], $0x40, s21, s18, $0xb8;
	[tilespmem:$0x10400] =	vst v63  }
0x61: {  	_ = 	snop  }
0x62: {  	[tilespmem:s0], [sflag:$0x2] =	stream.indirect.gather [hbm4b:s3+s18], $0x40, s16, s18, $0xb8;
	[tilespmem:$0x10400] =	vst v63  }
0x63: {  	_ =	swait.ge [sflag:s10], $0x2000  }
0x64: {  	[sflag:s10] =	ssyncset.done $0x0  }
0x65: {  	[sflag:s10] =	ssyncadd.s32 $0xFFFFE000  }
0x66: {  	_ =	swait.ge [sflag:s10], $0x2000  }
0x67: {  	s14 =	rddreg [dreg:$0x5];
	[sflag:s10] =	ssyncset.done $0x0  }
0x68: {  	[sflag:s10] =	ssyncadd.s32 $0xFFFFE000;
	s13 =	sadd.s32 $0x0, s14  }
0x69: {  	[hbm4b:s13+s6] =	stream.strided.scatter [tilespmem:s26], [sflag:$0x7], $0x4000, s18, s6, $0x38;
	[tilespmem:$0x10400] =	vst v63  }
0x6a: {  	_ =	swait.ge [sflag:s11], $0x4000  }
0x6b: {  	[sflag:s11] =	ssyncset.done $0x0  }
0x6c: {  	s20 =	rddreg [dreg:$0x11];
	[sflag:s11] =	ssyncadd.s32 $0xFFFFC000  }
0x6d: {  	[tilespmem:s25], [sflag:$0x9] =	stream.linear.gather [hbm4b:s20+s2], $0x100, $0x38;
	[tilespmem:$0x10400] =	vst v63  }
0x6e: {  	_ =	swait.ge [sflag:s17], $0x100  }
0x6f: {  	[sflag:s17] =	ssyncset.done $0x0  }
0x70: {  	[sflag:s17] =	ssyncadd.s32 $0xFFFFFF00  }
0x71: {  	[tilespmem:s26], [sflag:$0x3] =	stream.indirect.gather [hbm4b:s3+s18], $0x40, s25, s18, $0xb8;
	[tilespmem:$0x10400] =	vst v63  }
0x72: {  	_ = 	snop  }
0x73: {  	[tilespmem:s24], [sflag:$0x3] =	stream.indirect.gather [hbm4b:s3+s18], $0x40, s1, s18, $0xb8;
	[tilespmem:$0x10400] =	vst v63  }
0x74: {  	_ =	swait.ge [sflag:s12], $0x2000  }
0x75: {  	[sflag:s12] =	ssyncset.done $0x0  }
0x76: {  	[sflag:s12] =	ssyncadd.s32 $0xFFFFE000  }
0x77: {  	_ =	swait.ge [sflag:s12], $0x2000  }
0x78: {  	s16 =	rddreg [dreg:$0x4];
	[sflag:s12] =	ssyncset.done $0x0  }
0x79: {  	[sflag:s12] =	ssyncadd.s32 $0xFFFFE000;
	s13 =	sadd.s32 $0x0, s16  }
0x7a: {  	[hbm4b:s13+s6] =	stream.strided.scatter [tilespmem:s31], [sflag:$0x8], $0x4000, s18, s6, $0x38;
	[tilespmem:$0x10400] =	vst v63  }
0x7b: {  	_ =	swait.ge [sflag:s4], $0x4000  }
0x7c: {  	[sflag:s4] =	ssyncset.done $0x0  }
0x7d: {  	s15 =	sadd.s32 $0x80, s15;
	s24 =	rddreg [dreg:$0x10];
	[sflag:s4] =	ssyncadd.s32 $0xFFFFC000  }
0x7e: {  	[tilespmem:s30], [sflag:$0x9] =	stream.linear.gather [hbm4b:s24+s2], $0x100, $0x38;
	[tilespmem:$0x10400] =	vst v63  }
0x7f: {  	s0 =	simm.s32 $0xA400;
	s14 =	simm.s32 $0x4000;
	_ =	swait.ge [sflag:s17], $0x100  }
0x80: {  	s1 =	simm.s32 $0x280;
	s13 =	sadd.s32 $0x80, s20;
	[sflag:s17] =	ssyncset.done $0x0  }
0x81: {  	s20 =	sadd.s32 $0x80, s23;
	s16 =	sadd.s32 $0x80, s24;
	[sflag:s17] =	ssyncadd.s32 $0xFFFFFF00  }
0x82: {  	[tilespmem:s31], [sflag:$0x4] =	stream.indirect.gather [hbm4b:s3+s18], $0x40, s30, s18, $0xb8;
	[tilespmem:$0x10400] =	vst v63  }
.LBB2_2:
0x83: {  	s23 =	simm.s32 $0x380;
	s24 =	simm.s32 $0xE400  }
0x84: {  	[tilespmem:s24], [sflag:$0x4] =	stream.indirect.gather [hbm4b:s3+s18], $0x40, s23, s18, $0xb8;
	[tilespmem:$0x10400] =	vst v63  }
0x85: {  	_ =	swait.ge [sflag:s5], $0x2000  }
0x86: {  	[sflag:s5] =	ssyncset.done $0x0  }
0x87: {  	[sflag:s5] =	ssyncadd.s32 $0xFFFFE000  }
0x88: {  	_ =	swait.ge [sflag:s5], $0x2000  }
0x89: {  	s23 =	smov.u32 s14;
	s24 =	rddreg [dreg:$0x3];
	[sflag:s5] =	ssyncset.done $0x0  }
0x8a: {  	[sflag:s5] =	ssyncadd.s32 $0xFFFFE000;
	s24 =	sadd.s32 s23, s24  }
0x8b: {  	[hbm4b:s24+s6] =	stream.strided.scatter [tilespmem:s19], [sflag:$0x5], $0x4000, s18, s6, $0x38;
	[tilespmem:$0x10400] =	vst v63  }
0x8c: {  	_ =	swait.ge [sflag:s7], $0x4000  }
0x8d: {  	[sflag:s7] =	ssyncset.done $0x0  }
0x8e: {  	[sflag:s7] =	ssyncadd.s32 $0xFFFFC000  }
0x8f: {  	[tilespmem:s2], [sflag:$0x9] =	stream.linear.gather [hbm4b:s15+s2], $0x100, $0x38;
	[tilespmem:$0x10400] =	vst v63  }
0x90: {  	_ =	swait.ge [sflag:s17], $0x100  }
0x91: {  	[sflag:s17] =	ssyncset.done $0x0  }
0x92: {  	[sflag:s17] =	ssyncadd.s32 $0xFFFFFF00  }
0x93: {  	[tilespmem:s19], [sflag:$0x1] =	stream.indirect.gather [hbm4b:s3+s18], $0x40, s2, s18, $0xb8;
	[tilespmem:$0x10400] =	vst v63  }
0x94: {  	_ = 	snop  }
0x95: {  	[tilespmem:s28], [sflag:$0x1] =	stream.indirect.gather [hbm4b:s3+s18], $0x40, s18, s18, $0xb8;
	[tilespmem:$0x10400] =	vst v63  }
0x96: {  	_ =	swait.ge [sflag:s8], $0x2000  }
0x97: {  	[sflag:s8] =	ssyncset.done $0x0  }
0x98: {  	[sflag:s8] =	ssyncadd.s32 $0xFFFFE000  }
0x99: {  	_ =	swait.ge [sflag:s8], $0x2000  }
0x9a: {  	s24 =	rddreg [dreg:$0x6];
	[sflag:s8] =	ssyncset.done $0x0  }
0x9b: {  	[sflag:s8] =	ssyncadd.s32 $0xFFFFE000;
	s24 =	sadd.s32 s23, s24  }
0x9c: {  	[hbm4b:s24+s6] =	stream.strided.scatter [tilespmem:s22], [sflag:$0x6], $0x4000, s18, s6, $0x38;
	[tilespmem:$0x10400] =	vst v63  }
0x9d: {  	_ =	swait.ge [sflag:s9], $0x4000  }
0x9e: {  	[sflag:s9] =	ssyncset.done $0x0  }
0x9f: {  	[sflag:s9] =	ssyncadd.s32 $0xFFFFC000  }
0xa0: {  	[tilespmem:s21], [sflag:$0x9] =	stream.linear.gather [hbm4b:s20+s2], $0x100, $0x38;
	[tilespmem:$0x10400] =	vst v63  }
0xa1: {  	_ =	swait.ge [sflag:s17], $0x100  }
0xa2: {  	[sflag:s17] =	ssyncset.done $0x0  }
0xa3: {  	[sflag:s17] =	ssyncadd.s32 $0xFFFFFF00  }
0xa4: {  	[tilespmem:s22], [sflag:$0x2] =	stream.indirect.gather [hbm4b:s3+s18], $0x40, s21, s18, $0xb8;
	[tilespmem:$0x10400] =	vst v63  }
0xa5: {  	s24 =	simm.s32 $0x6400  }
0xa6: {  	[tilespmem:s24], [sflag:$0x2] =	stream.indirect.gather [hbm4b:s3+s18], $0x40, s29, s18, $0xb8;
	[tilespmem:$0x10400] =	vst v63  }
0xa7: {  	_ =	swait.ge [sflag:s10], $0x2000  }
0xa8: {  	[sflag:s10] =	ssyncset.done $0x0  }
0xa9: {  	[sflag:s10] =	ssyncadd.s32 $0xFFFFE000  }
0xaa: {  	_ =	swait.ge [sflag:s10], $0x2000  }
0xab: {  	s24 =	rddreg [dreg:$0x5];
	[sflag:s10] =	ssyncset.done $0x0  }
0xac: {  	[sflag:s10] =	ssyncadd.s32 $0xFFFFE000;
	s24 =	sadd.s32 s23, s24  }
0xad: {  	[hbm4b:s24+s6] =	stream.strided.scatter [tilespmem:s26], [sflag:$0x7], $0x4000, s18, s6, $0x38;
	[tilespmem:$0x10400] =	vst v63  }
0xae: {  	_ =	swait.ge [sflag:s11], $0x4000  }
0xaf: {  	[sflag:s11] =	ssyncset.done $0x0  }
0xb0: {  	[sflag:s11] =	ssyncadd.s32 $0xFFFFC000  }
0xb1: {  	[tilespmem:s25], [sflag:$0x9] =	stream.linear.gather [hbm4b:s13+s2], $0x100, $0x38;
	[tilespmem:$0x10400] =	vst v63  }
0xb2: {  	_ =	swait.ge [sflag:s17], $0x100  }
0xb3: {  	[sflag:s17] =	ssyncset.done $0x0  }
0xb4: {  	[sflag:s17] =	ssyncadd.s32 $0xFFFFFF00  }
0xb5: {  	[tilespmem:s26], [sflag:$0x3] =	stream.indirect.gather [hbm4b:s3+s18], $0x40, s25, s18, $0xb8;
	[tilespmem:$0x10400] =	vst v63  }
0xb6: {  	_ = 	snop  }
0xb7: {  	[tilespmem:s0], [sflag:$0x3] =	stream.indirect.gather [hbm4b:s3+s18], $0x40, s1, s18, $0xb8;
	[tilespmem:$0x10400] =	vst v63  }
0xb8: {  	_ =	swait.ge [sflag:s12], $0x2000  }
0xb9: {  	[sflag:s12] =	ssyncset.done $0x0  }
0xba: {  	[sflag:s12] =	ssyncadd.s32 $0xFFFFE000  }
0xbb: {  	_ =	swait.ge [sflag:s12], $0x2000  }
0xbc: {  	s24 =	rddreg [dreg:$0x4];
	[sflag:s12] =	ssyncset.done $0x0  }
0xbd: {  	[sflag:s12] =	ssyncadd.s32 $0xFFFFE000;
	s23 =	sadd.s32 s23, s24  }
0xbe: {  	[hbm4b:s23+s6] =	stream.strided.scatter [tilespmem:s31], [sflag:$0x8], $0x4000, s18, s6, $0x38;
	[tilespmem:$0x10400] =	vst v63  }
0xbf: {  	_ =	swait.ge [sflag:s4], $0x4000  }
0xc0: {  	[sflag:s4] =	ssyncset.done $0x0  }
0xc1: {  	p0 =	sne.s32 s14, $0x5C000;
	[sflag:s4] =	ssyncadd.s32 $0xFFFFC000  }
0xc2: {  	[tilespmem:s30], [sflag:$0x9] =	stream.linear.gather [hbm4b:s16+s2], $0x100, $0x38;
	[tilespmem:$0x10400] =	vst v63  }
.Ltmp0:
0xc3: {  	_ = 	snop;
	(pc) =	sbr.rel @p0 .LBB2_2-.Ltmp0, $4  }
0xc4: {  	s14 =	sadd.s32 $0x4000, s14;
	_ =	swait.ge [sflag:s17], $0x100  }
0xc5: {  	s15 =	sadd.s32 $0x80, s15;
	s20 =	sadd.s32 $0x80, s20;
	[sflag:s17] =	ssyncset.done $0x0  }
0xc6: {  	s13 =	sadd.s32 $0x80, s13;
	s16 =	sadd.s32 $0x80, s16;
	[sflag:s17] =	ssyncadd.s32 $0xFFFFFF00  }
0xc7: {  	[tilespmem:s31], [sflag:$0x4] =	stream.indirect.gather [hbm4b:s3+s18], $0x40, s30, s18, $0xb8;
	[tilespmem:$0x10400] =	vst v63  }
0xc8: {  	s0 =	simm.s32 $0x380;
	s1 =	simm.s32 $0xE400  }
0xc9: {  	[tilespmem:s1], [sflag:$0x4] =	stream.indirect.gather [hbm4b:s3+s18], $0x40, s0, s18, $0xb8;
	[tilespmem:$0x10400] =	vst v63  }
0xca: {  	_ =	swait.ge [sflag:s5], $0x2000  }
0xcb: {  	[sflag:s5] =	ssyncset.done $0x0  }
0xcc: {  	[sflag:s5] =	ssyncadd.s32 $0xFFFFE000  }
0xcd: {  	_ =	swait.ge [sflag:s5], $0x2000  }
0xce: {  	[sflag:s5] =	ssyncset.done $0x0  }
0xcf: {  	s13 =	rddreg [dreg:$0xb];
	[sflag:s5] =	ssyncadd.s32 $0xFFFFE000  }
0xd0: {  	[hbm4b:s13+s6] =	stream.strided.scatter [tilespmem:s19], [sflag:$0x5], $0x4000, s18, s6, $0x38;
	[tilespmem:$0x10400] =	vst v63  }
0xd1: {  	_ =	swait.ge [sflag:s7], $0x4000  }
0xd2: {  	[sflag:s7] =	ssyncset.done $0x0  }
0xd3: {  	[sflag:s7] =	ssyncadd.s32 $0xFFFFC000  }
0xd4: {  	_ =	swait.ge [sflag:s8], $0x2000  }
0xd5: {  	[sflag:s8] =	ssyncset.done $0x0  }
0xd6: {  	[sflag:s8] =	ssyncadd.s32 $0xFFFFE000  }
0xd7: {  	_ =	swait.ge [sflag:s8], $0x2000  }
0xd8: {  	[sflag:s8] =	ssyncset.done $0x0  }
0xd9: {  	s16 =	rddreg [dreg:$0xc];
	[sflag:s8] =	ssyncadd.s32 $0xFFFFE000  }
0xda: {  	[hbm4b:s16+s6] =	stream.strided.scatter [tilespmem:s22], [sflag:$0x6], $0x4000, s18, s6, $0x38;
	[tilespmem:$0x10400] =	vst v63  }
0xdb: {  	_ =	swait.ge [sflag:s9], $0x4000  }
0xdc: {  	[sflag:s9] =	ssyncset.done $0x0  }
0xdd: {  	[sflag:s9] =	ssyncadd.s32 $0xFFFFC000  }
0xde: {  	_ =	swait.ge [sflag:s10], $0x2000  }
0xdf: {  	[sflag:s10] =	ssyncset.done $0x0  }
0xe0: {  	[sflag:s10] =	ssyncadd.s32 $0xFFFFE000  }
0xe1: {  	_ =	swait.ge [sflag:s10], $0x2000  }
0xe2: {  	[sflag:s10] =	ssyncset.done $0x0  }
0xe3: {  	s20 =	rddreg [dreg:$0xd];
	[sflag:s10] =	ssyncadd.s32 $0xFFFFE000  }
0xe4: {  	[hbm4b:s20+s6] =	stream.strided.scatter [tilespmem:s26], [sflag:$0x7], $0x4000, s18, s6, $0x38;
	[tilespmem:$0x10400] =	vst v63  }
0xe5: {  	_ =	swait.ge [sflag:s11], $0x4000  }
0xe6: {  	[sflag:s11] =	ssyncset.done $0x0  }
0xe7: {  	[sflag:s11] =	ssyncadd.s32 $0xFFFFC000  }
0xe8: {  	_ =	swait.ge [sflag:s12], $0x2000  }
0xe9: {  	[sflag:s12] =	ssyncset.done $0x0  }
0xea: {  	[sflag:s12] =	ssyncadd.s32 $0xFFFFE000  }
0xeb: {  	_ =	swait.ge [sflag:s12], $0x2000  }
0xec: {  	[sflag:s12] =	ssyncset.done $0x0  }
0xed: {  	s23 =	rddreg [dreg:$0xe];
	[sflag:s12] =	ssyncadd.s32 $0xFFFFE000  }
0xee: {  	[hbm4b:s23+s6] =	stream.strided.scatter [tilespmem:s31], [sflag:$0x8], $0x4000, s18, s6, $0x38;
	[tilespmem:$0x10400] =	vst v63  }
0xef: {  	_ =	swait.ge [sflag:s4], $0x4000  }
0xf0: {  	s15 =	rddreg [dreg:$0x14]  }
0xf1: {  	s24 =	rddreg [dreg:$0xf];
	s15 =	sadd.s32 $0x1, s15  }
0xf2: {  	p0 =	sne.s32 s15, s24  }
.Ltmp1:
0xf3: {  	_ = 	snop;
	(pc) =	sbr.rel @p0 .LBB2_1-.Ltmp1, $4  }
0xf4: {  	_ = 	snop  }
0xf5: {  	s14 =	simm.s32 $0x2400  }
0xf6: {  	s0 =	simm.s32 $0x6400;
	s1 =	simm.s32 $0x280;
	[sflag:s4] =	ssyncset.done $0x0  }
0xf7: {  	s16 =	simm.s32 $0x180;
	[sflag:s4] =	ssyncadd.s32 $0xFFFFC000;
	s24 =	simm.s32 $0xA400  }
0xf8: {  	_ =	sfence.sel $0x180000  }
0xf9: {  	[bflag:$0x0] =	sbarrier.arrive $0xFFFF  }
0xfa: {  	_ =	strace $0x9000004A  }
0xfb: {  	s0 =	stileid.u32;
	[bflag:$0x2] =	sbarrier.arrive $0xFFFF  }
0xfc: {  	p0 =	sne.s32 s0, $0x0;
	s0 =	rddreg [dreg:$0x2]  }
0xfd: {  	s0 =	sadd.s32 @!p0 $0x100000, s0  }
0xfe: {  	[sflag:s0] =	ssyncadd.tile.s32 @!p0 $0x1;
	_ =	shalt  }
.Lfunc_end2:
_tile_overlayer_lowered:
.L_overlay_start_2:
0xff: {  	(tag) =	ssettag $0x2  }
0x100: {  	s0 =	rddreg [dreg:$0x0];
	s2 =	stileid.u32  }
0x101: {  	s1 =	rddreg [dreg:$0x1];
	p0 =	sne.s32 s2, $0x0  }
0x102: {  	s3 =	rddreg [dreg:$0x2];
	[bflag:$0x3] =	sbarrier.arrive $0xFFFF;
	s2 =	simm.s32 @!p0 $0x1C09  }
0x103: {  	[timem:s3], [sflag:s2] =	dma.local @!p0 [hbm:s0], s1  }
0x104: {  	s0 =	simm.s32 @!p0 $0x9  }
0x105: {  	_ =	swait.ge @!p0 [sflag:s0], s1  }
0x106: {  	s1 =	ssub.s32 @!p0 $0x0, s1;
	[sflag:s0] =	ssyncset.done @!p0 $0x0  }
0x107: {  	[sflag:s0] =	ssyncadd.s32 @!p0 s1  }
0x108: {  	[bflag:$0x3] =	sbarrier.arrive $0xFFFF  }
0x109: {  	_ =	shalt  }

// kernel: sparse-core-data-format-call.cloned.1.call-start
scs
called_computation_lowered:
.L_overlay_start_0:
0x0: {  	s2 =	sld [smem:$0x3FD9]  }
0x1: {  	s3 =	sld [smem:$0x3FFE];
	_ =	sdelay $0x1  }
0x2: {  	s1 =	srdreg.scid  }
0x3: {  	s0 =	sand.u32 $0x1, s1  }
0x4: {  	s18 =	sshll.u32 s0, $0xA;
	s2 =	sadd.s32 s3, s2  }
0x5: {  	s2 =	sadd.s32 s2, s18  }
0x6: {  	[smem:$0x3FC6] =	sst s2  }
0x7: {  	_ = 	snop  }
0x8: {  	s2 =	sld [smem:$0x3FD0];
	(tm) =	ssettm $0x1  }
0x9: {  	s19 =	sld [smem:$0x3FFB];
	_ =	sdelay $0x3  }
0xa: {  	_ =	strace s19  }
0xb: {  	s3 =	sld [smem:$0x3FFC];
	_ =	sdelay $0x3  }
0xc: {  	_ =	strace s3  }
0xd: {  	s3 =	sld [smem:$0x3FFD];
	_ =	sdelay $0x3  }
0xe: {  	_ =	strace s3  }
0xf: {  	_ =	strace $0x8FFFFFFF  }
0x10: {  	s20 =	sld [smem:$0x3FDB];
	_ =	sdelay $0x1  }
0x11: {  	s4 =	simm.s32 $_scs_section_size  }
0x12: {  	s5 =	simm.s32 $_size__tile_overlayer_lowered;
	s6 =	simm.s32 $_tile_overlayer_lowered  }
0x13: {  	s23 =	simm.s32 $0x1BFF;
	s22 =	sshll.u32 s6, $0x1;
	s3 =	sadd.s32 s4, s20  }
0x14: {  	s7 =	simm.s32 $0x0;
	s21 =	sshll.u32 s5, $0x1;
	s5 =	sadd.s32 s22, s3  }
0x15: {  	[timem:s7], [sflag:s23] =	dma.local [hbm:s5], s21  }
0x16: {  	_ =	swait.ge [sflag:s23], s21  }
0x17: {  	s4 =	ssub.s32 $0x0, s21;
	[sflag:s23] =	ssyncset.done $0x0  }
0x18: {  	[sflag:s23] =	ssyncadd.s32 s4;
	_ =	sdelay $0x1  }
0x19: {  	s24 =	simm.s32 $0x1B8B  }
0x1a: {  	_ =	swait.ge [sflag:s24], $0x1  }
0x1b: {  	[sflag:s24] =	ssyncset.done $0x0  }
0x1c: {  	s26 =	simm.s32 $0x1B8E;
	s25 =	sld [smem:$0x3FFE];
	[sflag:s24] =	ssyncadd.s32 $0xFFFFFFFF  }
0x1d: {  	s27 =	simm.s32 $execute0_lowered;
	[smem:$0x3FD2] =	sst s26  }
0x1e: {  	s5 =	sshll.u32 s27, $0x1;
	_ =	strace $0x8000004C;
	[dreg:$0x1] =	wrdreg $0xFFFFFFFF  }
0x1f: {  	s28 =	simm.s32 $_size_execute0_lowered;
	s3 =	sadd.s32 s3, s5;
	[dreg:$0x0] =	wrdreg $0x0  }
0x20: {  	s5 =	sshll.u32 s28, $0x1;
	[dreg:$0x2] =	wrdreg s3  }
0x21: {  	[dreg:$0x3] =	wrdreg s5  }
0x22: {  	[dreg:$0x4] =	wrdreg $0xC0  }
0x23: {  	_ =	task [dreg:s7], $0x5FFFF  }
0x24: {  	[dreg:$0x1] =	wrdreg $0xFFFFFFFF  }
0x25: {  	[dreg:$0x0] =	wrdreg $0x60  }
0x26: {  	[dreg:$0x2] =	wrdreg s25  }
0x27: {  	[dreg:$0x3] =	wrdreg s2  }
0x28: {  	[dreg:$0x4] =	wrdreg $0x9  }
0x29: {  	_ =	task.clear_ibuf [dreg:s7], $0x5FFFF;
	_ =	strace $0x9000004C  }
0x2a: {  	s29 =	simm.s32 $0x9;
	_ =	strace $0x8000004E  }
0x2b: {  	_ =	swait.ge [sflag:s29], $0x1  }
0x2c: {  	[sflag:s29] =	ssyncadd.s32 $0xFFFFFFFF  }
0x2d: {  	_ =	strace $0x9000004E  }
0x2e: {  	_ =	sfence  }
0x2f: {  	s30 =	sld [smem:$0x0];
	_ =	sdelay $0x2  }
0x30: {  	s31 =	sshll.u32 s1, $0xD;
	s1 =	sshrl.u32 s1, $0x2  }
0x31: {  	s3 =	sand.u32 $0x4000, s31;
	s1 =	sadd.s32 s1, s30  }
0x32: {  	s0 =	sor.u32 s3, s0;
	s1 =	sshll.u32 s1, $0x11  }
0x33: {  	s0 =	sor.u32 s1, s0  }
0x34: {  	s0 =	sadd.s32 $0x8F2B, s0  }
0x35: {  	[sflag:s0] =	ssyncadd.remote.s32 $0x1  }
0x36: {  	_ =	sfence.sel $0xFFFF  }
0x37: {  	[dreg:$0x0] =	wrdreg $0xFFFFFFFF;
	(pc) =	sbr.abs _section_cstart, $3  }
0x38: {  	[dreg:$0x1] =	wrdreg $0xFFFFFFFF  }
0x39: {  	_ =	task.clear_ibuf [dreg:s7], $0x2FFFF;
	_ =	strace $0x9FFFFFFF  }
0x3a: {  	(tm) =	ssettm $0x7FFFFFFF  }
0x3b: {  	_ =	shalt  }
tec
execute0_lowered:
.L_overlay_start_1:
0x0: {  	(tag) =	ssettag $0x1  }
0x1: {  	s0 =	srdreg.scid  }
0x2: {  	s1 =	sshll.u32 s0, $0x4  }
0x3: {  	s0 =	stileid.u32;
	s1 =	sand.u32 $0x10, s1  }
0x4: {  	s1 =	sor.u32 s0, s1  }
0x5: {  	s6 =	rddreg [dreg:$0x0];
	s4 =	simm.s32 $0x1;
	s2 =	sshll.u32 s1, $0x7  }
0x6: {  	s7 =	simm.s32 $0x2;
	s12 =	simm.s32 $0x0;
	s1 =	ssub.s32 $0x1000, s2  }
0x7: {  	s8 =	simm.s32 $0x8000;
	s13 =	simm.s32 $0x0;
	s3 =	sand.u32 $0xF80, s1  }
0x8: {  	s9 =	simm.s32 $0x0;
	s5 =	sshrl.u32 s1, $0xC;
	p0 =	sne.s32 s3, $0x0  }
.Ltmp0:
0x9: {  	s1 =	rddreg [dreg:$0x2];
	s4 =	simm.s32 @!p0 $0x0;
	(pc) =	sbr.rel .LBB1_1-.Ltmp0, $4  }
0xa: {  	s11 =	simm.s32 $0x0;
	s3 =	rddreg [dreg:$0x1];
	s5 =	sadd.s32 s4, s5  }
0xb: {  	_ =	strace $0x8000004D;
	s4 =	simm.s32 $0x1;
	s5 =	smul.u32 $0xC8, s5  }
0xc: {  	s6 =	sadd.s32 $0x7A2400, s6;
	s10 =	smov.u32 s2;
	[sflag:s4] =	ssyncpa.u1 $0x0  }
0xd: {  	p0 =	por $0x0, $0x0;
	[sflag:s7] =	ssyncpa.u1 $0x0;
	s7 =	sor.u32 $0x1, s5  }
.LBB1_4:
0xe: {  	s16 =	sshll.u32 s13, $0x3;
	s17 =	sand.u32 $0x78, s13  }
0xf: {  	s30 =	sand.u32 $0x7E00, s13;
	s12 =	sshll.u32 s12, $0xF;
	s16 =	sand.u32 $0xC00, s16  }
0x10: {  	[tilespmem:s15+$0x810 ss:$0x81] =	vst.msk $0xffff, v2;
	s31 =	sand.u32 $0x7, s13;
	s16 =	sor.u32 s17, s16;
	s17 =	sadd.s32 s3, s30  }
0x11: {  	[tilespmem:s15+$0x1020 ss:$0x81] =	vst.msk $0xffff, v0;
	s13 =	sshll.u32 s31, $0x12;
	s12 =	sadd.s32 s12, s17;
	s16 =	sshrl.u32 s16, $0x3  }
0x12: {  	[tilespmem:s15+$0x0 ss:$0x81] =	vst.msk $0xffff, v1;
	s13 =	sor.u32 $0x400, s13;
	s12 =	sadd.s32 s16, s12  }
0x13: {  	[hbm4b:s12+s13] =	stream.strided.scatter [tilespmem:s14], [sflag:$0x2], $0x2000, s8, s13, $0x20;
	[tilespmem:$0x8080] =	vst v63  }
.LBB1_5:
0x14: {  	s14 =	sadd.s32 $0x1, s9  }
0x15: {  	s12 =	sadd.s32 $0x1000, s10;
	s16 =	smov.u32 s10;
	p2 =	sgt.s32 s14, $0xC7  }
0x16: {  	s16 =	smov.u32 @p2 s12  }
0x17: {  	s14 =	simm.s32 @p2 $0x0;
	p2 =	sgt.s32 s16, $0xFFF  }
0x18: {  	s16 =	smov.u32 @p2 s2;
	p2 =	sne.s32 s11, s7  }
.Ltmp1:
0x19: {  	p1 =	slt.u32 s11, $0x2;
	(pc) =	sbr.rel @!p2 .LBB1_6-.Ltmp1, $4  }
0x1a: {  	s15 =	simm.s32 @!p1 $0x2  }
0x1b: {  	s13 =	smov.u32 s10;
	p0 =	por !p0, !p0;
	_ =	swait.ge @!p1 [sflag:s15], $0x2000  }
0x1c: {  	s12 =	smov.u32 s9;
	[sflag:s15] =	ssyncset.done @!p1 $0x0;
	s9 =	smov.u32 s14  }
0x1d: {  	s11 =	sadd.s32 $0x1, s11;
	[sflag:s15] =	ssyncadd.s32 @!p1 $0xFFFFE000;
	s10 =	smov.u32 s16  }
.LBB1_1:
0x1e: {  	p1 =	sge.u32 s11, s5  }
0x1f: {  	s14 =	sand.u32 @!p1 $0x1FFFFFF, s9  }
0x20: {  	s15 =	smulhi.u32 @!p1 $0x147AE15, s14;
	_ =	sdelay $0x1  }
0x21: {  	s15 =	smul.u32 @!p1 $0xC8, s15  }
0x22: {  	s16 =	sxor.u32 @!p1 $0xFFFFFFFF, s11;
	s17 =	smul.u32 @!p1 $0xC80, s10  }
0x23: {  	s31 =	sadd.s32 $0xFFFFFFFF, s11;
	s16 =	sshll.u32 @!p1 s16, $0xD;
	s14 =	ssub.s32 @!p1 s14, s15  }
0x24: {  	s15 =	sand.u32 @!p1 $0x2000, s16;
	s16 =	sadd.s32 @!p1 s6, s17;
	s14 =	sshll.u32 @!p1 s14, $0x4  }
0x25: {  	s17 =	simm.s32 @!p1 $0x6400;
	s14 =	sadd.s32 @!p1 s14, s16;
	s16 =	simm.s32 @!p1 $0x40  }
0x26: {  	[tilespmem:s15], [sflag:$0x1] =	stream.strided.gather @!p1 [hbm4b:s14+s16], $0x2000, s17, s16, $0x38;
	[tilespmem:$0x8080] =	vst v63  }
0x27: {  	p1 =	sge.u32 s31, s5  }
.Ltmp2:
0x28: {  	_ = 	snop;
	(pc) =	sbr.rel @p1 .LBB1_5-.Ltmp2, $1  }
0x29: {  	_ =	sdelay $0x3  }
0x2a: {  	s14 =	simm.s32 $0x1  }
0x2b: {  	_ =	swait.ge [sflag:s4], $0x2000;
	s14 =	simm.s32 @!p0 $0x0  }
0x2c: {  	[sflag:s4] =	ssyncset.done $0x0;
	s15 =	sshll.u32 s14, $0xD  }
0x2d: {  	[sflag:s4] =	ssyncadd.s32 $0xFFFFE000;
	s18 =	sor.u32 $0x20, s15  }
0x2e: {  	s14 =	smul.u32 $0x8100, s14;
	v3 =	vld [tilespmem:s18+$0x10]  }
0x2f: {  	s30 =	sand.u32 $0x1, s11;
	v2 =	vld [tilespmem:s18+$0xFFFFFFF0]  }
0x30: {  	s15 =	smul.u32 $0x8100, s30;
	s14 =	sshrl.u32 s14, $0x2;
	v0 =	vld [tilespmem:s18+$0x0]  }
0x31: {  	v1 =	vld [tilespmem:s18+$0xFFFFFFE0];
	s16 =	sor.u32 $0x4000, s14  }
0x32: {  	s31 =	sshrl.u32 s15, $0x2;
	s15 =	sadd.s32 $0x0, s16  }
0x33: {  	s17 =	simm.s32 $0x4;
	s18 =	sadd.s32 $0x40, s18;
	s14 =	sor.u32 $0x4000, s31;
	[tilespmem:s15+$0x1830 ss:$0x81] =	vst.msk $0xffff, v3  }
.LBB1_3:
0x34: {  	v3 =	vld [tilespmem:s18+$0x10];
	p1 =	sne.s32 s17, $0x1FC;
	[tilespmem:s15+$0x810 ss:$0x81] =	vst.msk $0xffff, v2;
	s19 =	smov.u32 s17;
	s17 =	sadd.s32 $0x4, s17  }
.Ltmp3:
0x35: {  	v2 =	vld [tilespmem:s18+$0xFFFFFFF0];
	[tilespmem:s15+$0x1020 ss:$0x81] =	vst.msk $0xffff, v0;
	(pc) =	sbr.rel @p1 .LBB1_3-.Ltmp3, $4  }
0x36: {  	v0 =	vld [tilespmem:s18+$0x0];
	[tilespmem:s15+$0x0 ss:$0x81] =	vst.msk $0xffff, v1  }
0x37: {  	s15 =	sshra.s32 s19, $0x2;
	v1 =	vld [tilespmem:s18+$0xFFFFFFE0]  }
0x38: {  	s15 =	sadd.s32 s15, s16  }
0x39: {  	s18 =	sadd.s32 $0x40, s18;
	[tilespmem:s15+$0x1830 ss:$0x81] =	vst.msk $0xffff, v3  }
.Ltmp4:
0x3a: {  	_ = 	snop;
	(pc) =	sbr.rel .LBB1_4-.Ltmp4, $1  }
0x3b: {  	_ =	sdelay $0x3  }
.LBB1_6:
0x3c: {  	_ =	sfence.sel $0x180000  }
0x3d: {  	s2 =	simm.s32 $0x1;
	[bflag:$0x0] =	sbarrier.arrive $0xFFFF  }
0x3e: {  	s31 =	simm.s32 $0x2;
	[sflag:s2] =	ssyncpa.u1 $0x1  }
0x3f: {  	[sflag:s31] =	ssyncpa.u1 $0x1  }
0x40: {  	p0 =	sne.s32 s0, $0x0;
	_ =	strace $0x9000004D  }
0x41: {  	s0 =	sadd.s32 @!p0 $0x100000, s1;
	[bflag:$0x2] =	sbarrier.arrive $0xFFFF  }
0x42: {  	[sflag:s0] =	ssyncadd.tile.s32 @!p0 $0x1;
	_ =	shalt  }
.Lfunc_end1:
_tile_overlayer_lowered:
.L_overlay_start_2:
0x43: {  	(tag) =	ssettag $0x2  }
0x44: {  	s0 =	rddreg [dreg:$0x0];
	s2 =	stileid.u32  }
0x45: {  	s1 =	rddreg [dreg:$0x1];
	p0 =	sne.s32 s2, $0x0  }
0x46: {  	s3 =	rddreg [dreg:$0x2];
	[bflag:$0x3] =	sbarrier.arrive $0xFFFF;
	s2 =	simm.s32 @!p0 $0x1C01  }
0x47: {  	[timem:s3], [sflag:s2] =	dma.local @!p0 [hbm:s0], s1  }
0x48: {  	s0 =	simm.s32 @!p0 $0x1  }
0x49: {  	_ =	swait.ge @!p0 [sflag:s0], s1  }
0x4a: {  	s1 =	ssub.s32 @!p0 $0x0, s1;
	[sflag:s0] =	ssyncset.done @!p0 $0x0  }
0x4b: {  	[sflag:s0] =	ssyncadd.s32 @!p0 s1  }
0x4c: {  	[bflag:$0x3] =	sbarrier.arrive $0xFFFF  }
0x4d: {  	_ =	shalt  }

</sc_bundles>
